<compile_context>
chip_gen: v7x
topology: tpu7x:2x2x1
jax: 0.10.2.dev20260603
libtpu: 0.0.44.dev20260713+nightly
codegen_flags: <defaults>
</compile_context>

<pallas_src>
import functools

import jax
import jax.numpy as jnp
from jax import lax
from jax.experimental import pallas as pl
from jax.experimental.pallas import tpu as pltpu
from jax.experimental.pallas import tpu_sc as plsc

N_LAYERS = 5
HID = 256
HH = 128
EPS = 1e-5
CK = 128
NC = 2
NS = 16
RB = 1000
F32 = jnp.float32


def _bdot(a, b):
    return jnp.dot(a.astype(jnp.bfloat16), b.astype(jnp.bfloat16),
                   preferred_element_type=F32)


def _xdot(a, b):
    return jnp.dot(a, b, preferred_element_type=F32,
                   precision=lax.Precision.HIGHEST)


def _make_sc_agg_kernel(N, n_chunks_total, W, feature_split):
    zrows = -(-(N + 16) // NS // 8) * 8
    NPAD = NS * zrows
    rrows = (N // NS) // 8 * 8
    rem_base = NS * rrows
    rem = N - rem_base
    per_sub = n_chunks_total // (NS if feature_split else NC * NS)
    mesh = plsc.VectorSubcoreMesh(core_axis_name="c", subcore_axis_name="s",
                                  num_cores=NC, num_subcores=NS)

    @functools.partial(
        pl.kernel, mesh=mesh,
        out_type=jax.ShapeDtypeStruct((NC * N, W), F32),
        scratch_types=[
            pltpu.VMEM((per_sub, CK), jnp.int32),
            pltpu.VMEM((per_sub, CK), jnp.int32),
            pltpu.VMEM((CK, W), F32),
            pltpu.VMEM_SHARED((NPAD, W), F32),
            pltpu.SemaphoreType.DMA,
        ],
    )
    def sc_agg(tab_hbm, src_hbm, dst_hbm, zeros_hbm, out_hbm,
               sv, dv, rows_v, acc, sem):
        cid = lax.axis_index("c")
        sid = lax.axis_index("s")
        pltpu.sync_copy(zeros_hbm.at[pl.ds(0, zrows)],
                        acc.at[pl.ds(sid * zrows, zrows)])
        plsc.subcore_barrier()

        if feature_split:
            base = sid * per_sub
        else:
            base = (cid * NS + sid) * per_sub
        pltpu.sync_copy(src_hbm.at[pl.ds(base, per_sub)], sv)
        pltpu.sync_copy(dst_hbm.at[pl.ds(base, per_sub)], dv)

        if feature_split:
            off = cid * N

            def add_off(j, _):
                for g in range(CK // 16):
                    sl = pl.ds(g * 16, 16)
                    sv[j, sl] = sv[j, sl] + off
                return _

            lax.fori_loop(0, per_sub, add_off, None)

        def chunk(j, _):
            pltpu.async_copy(tab_hbm.at[sv.at[j]], rows_v, sem).wait()
            pltpu.sync_copy(rows_v, acc.at[dv.at[j]], add=True)
            return _

        lax.fori_loop(0, per_sub, chunk, None)
        plsc.subcore_barrier()
        pltpu.sync_copy(acc.at[pl.ds(sid * rrows, rrows)],
                        out_hbm.at[pl.ds(cid * N + sid * rrows, rrows)])

        @pl.when(sid == NS - 1)
        def _():
            pltpu.sync_copy(acc.at[pl.ds(rem_base, rem)],
                            out_hbm.at[pl.ds(cid * N + rem_base, rem)])

    return sc_agg


def _init_h(x0, x1, emb1p, emb2p, N):
    nb = N // RB

    def body(x0_ref, x1_ref, e1_ref, e2_ref, out_ref):
        oh0 = (x0_ref[...] ==
               lax.broadcasted_iota(jnp.int32, (RB, 128), 1)).astype(F32)
        oh1 = (x1_ref[...] ==
               lax.broadcasted_iota(jnp.int32, (RB, 8), 1)).astype(F32)
        h = (jnp.dot(oh0, e1_ref[...], preferred_element_type=F32,
                   precision=lax.Precision.HIGHEST) +
             jnp.dot(oh1, e2_ref[...], preferred_element_type=F32,
                   precision=lax.Precision.HIGHEST))
        out_ref[0] = h[:, :HH]
        out_ref[1] = h[:, HH:]

    return pl.pallas_call(
        body,
        grid=(nb,),
        in_specs=[
            pl.BlockSpec((RB, 1), lambda i: (i, 0)),
            pl.BlockSpec((RB, 1), lambda i: (i, 0)),
            pl.BlockSpec((128, HID), lambda i: (0, 0)),
            pl.BlockSpec((8, HID), lambda i: (0, 0)),
        ],
        out_specs=pl.BlockSpec((2, RB, HH), lambda i: (0, i, 0)),
        out_shape=jax.ShapeDtypeStruct((2, N, HH), F32),
    )(x0, x1, emb1p, emb2p)


def _mlp_bn(agg, cnt, Ecat, W1, b1, W2, b2, gam, bet, N, relu_out):
    nb = N // RB

    def body(aggA, aggB, cntA, cntB, ecat, w1, b1_ref, w2, b2_ref,
             gm, bt, out_ref, zs, ssum, ssq, scale_s, shift_s):
        p = pl.program_id(0)
        i = pl.program_id(1)

        @pl.when(p == 0)
        def _pass0():
            agg_t = (jnp.concatenate([aggA[...], aggB[...]], axis=1) +
                     _xdot(cntA[...] + cntB[...], ecat[...]))
            mid = jnp.maximum(_bdot(agg_t, w1[...]) + b1_ref[...], 0.0)
            z = _bdot(mid, w2[...]) + b2_ref[...]
            zs[pl.ds(i * RB, RB), :] = z

            @pl.when(i == 0)
            def _():
                ssum[...] = jnp.zeros_like(ssum)
                ssq[...] = jnp.zeros_like(ssq)

            ssum[...] += jnp.sum(z, axis=0, keepdims=True)
            ssq[...] += jnp.sum(z * z, axis=0, keepdims=True)

        @pl.when(p == 1)
        def _pass1():
            @pl.when(i == 0)
            def _():
                mean = ssum[...] / N
                var = ssq[...] / N - mean * mean
                v = var + EPS
                r = lax.rsqrt(v)
                r = r * (1.5 - 0.5 * v * r * r)
                sc = gm[...] * r
                scale_s[...] = sc
                shift_s[...] = bt[...] - mean * sc

            z = zs[pl.ds(i * RB, RB), :]
            hn = z * scale_s[...] + shift_s[...]
            if relu_out:
                hn = jnp.maximum(hn, 0.0)
            out_ref[0] = hn[:, :HH]
            out_ref[1] = hn[:, HH:]

    return pl.pallas_call(
        body,
        grid=(2, nb),
        in_specs=[
            pl.BlockSpec((RB, HH), lambda p, i: (i, 0)),
            pl.BlockSpec((RB, HH), lambda p, i: (nb + i, 0)),
            pl.BlockSpec((RB, HH), lambda p, i: (i, 0)),
            pl.BlockSpec((RB, HH), lambda p, i: (nb + i, 0)),
            pl.BlockSpec((HH, HID), lambda p, i: (0, 0)),
            pl.BlockSpec((HID, 2 * HID), lambda p, i: (0, 0)),
            pl.BlockSpec((1, 2 * HID), lambda p, i: (0, 0)),
            pl.BlockSpec((2 * HID, HID), lambda p, i: (0, 0)),
            pl.BlockSpec((1, HID), lambda p, i: (0, 0)),
            pl.BlockSpec((1, HID), lambda p, i: (0, 0)),
            pl.BlockSpec((1, HID), lambda p, i: (0, 0)),
        ],
        out_specs=pl.BlockSpec((2, RB, HH), lambda p, i: (0, i, 0)),
        out_shape=jax.ShapeDtypeStruct((2, N, HH), F32),
        scratch_shapes=[
            pltpu.VMEM((N, HID), F32),
            pltpu.VMEM((1, HID), F32),
            pltpu.VMEM((1, HID), F32),
            pltpu.VMEM((1, HID), F32),
            pltpu.VMEM((1, HID), F32),
        ],
    )(agg, agg, cnt, cnt, Ecat, W1, b1, W2, b2, gam, bet)


def _pool_head(h2, batch2d, scale, shift, featW, featb, outW, outb, N, B):
    nb = N // RB

    def body(h_ref, b_ref, sc_ref, sh_ref, fw, fb, ow, ob, g_ref,
             pool_s, cnt_s):
        i = pl.program_id(0)

        @pl.when(i == 0)
        def _():
            pool_s[...] = jnp.zeros_like(pool_s)
            cnt_s[...] = jnp.zeros_like(cnt_s)

        h = jnp.concatenate([h_ref[0], h_ref[1]], axis=1)
        h = h * sc_ref[...] + sh_ref[...]
        S = (lax.broadcasted_iota(jnp.int32, (B, RB), 0) ==
             b_ref[0]).astype(F32)
        pool_s[...] += jnp.dot(S, h, preferred_element_type=F32,
                   precision=lax.Precision.HIGHEST)
        cnt_s[...] += jnp.sum(S, axis=1, keepdims=True)

        @pl.when(i == nb - 1)
        def _():
            pooled = pool_s[...] / jnp.maximum(cnt_s[...], 1.0)
            gg = _bdot(pooled, fw[...]) + fb[...]
            g_ref[...] = _bdot(gg, ow[...]) + ob[...]

    return pl.pallas_call(
        body,
        grid=(nb,),
        in_specs=[
            pl.BlockSpec((2, RB, HH), lambda i: (0, i, 0)),
            pl.BlockSpec((1, 1, RB), lambda i: (i, 0, 0)),
            pl.BlockSpec((1, HID), lambda i: (0, 0)),
            pl.BlockSpec((1, HID), lambda i: (0, 0)),
            pl.BlockSpec((HID, HID), lambda i: (0, 0)),
            pl.BlockSpec((1, HID), lambda i: (0, 0)),
            pl.BlockSpec((HID, 128), lambda i: (0, 0)),
            pl.BlockSpec((1, 128), lambda i: (0, 0)),
        ],
        out_specs=pl.BlockSpec((B, 128), lambda i: (0, 0)),
        out_shape=jax.ShapeDtypeStruct((B, 128), F32),
        scratch_shapes=[
            pltpu.VMEM((B, HID), F32),
            pltpu.VMEM((B, 1), F32),
        ],
    )(h2, batch2d, scale, shift, featW, featb, outW, outb)


def _text_head(text, W1, b1, W2, b2, B):
    def body(t_ref, w1, b1_ref, w2, b2_ref, out_ref):
        mid = jnp.maximum(_bdot(t_ref[...], w1[...]) + b1_ref[...], 0.0)
        out_ref[...] = _bdot(mid, w2[...]) + b2_ref[...]

    return pl.pallas_call(
        body,
        out_shape=jax.ShapeDtypeStruct((B, 128), F32),
    )(text, W1, b1, W2, b2)


def _mlp_last(agg, cnt, Ecat, W1, b1, W2, b2, N):
    nb = N // RB

    def body(aggA, aggB, cntA, cntB, ecat, w1, b1_ref, w2, b2_ref,
             z_ref, stat_ref):
        i = pl.program_id(0)
        agg_t = (jnp.concatenate([aggA[...], aggB[...]], axis=1) +
                 _xdot(cntA[...] + cntB[...], ecat[...]))
        mid = jnp.maximum(_bdot(agg_t, w1[...]) + b1_ref[...], 0.0)
        z = _bdot(mid, w2[...]) + b2_ref[...]
        z_ref[0] = z[:, :HH]
        z_ref[1] = z[:, HH:]

        @pl.when(i == 0)
        def _():
            stat_ref[...] = jnp.zeros_like(stat_ref)

        stat_ref[0, :] += jnp.sum(z, axis=0)
        stat_ref[1, :] += jnp.sum(z * z, axis=0)

    return pl.pallas_call(
        body,
        grid=(nb,),
        in_specs=[
            pl.BlockSpec((RB, HH), lambda i: (i, 0)),
            pl.BlockSpec((RB, HH), lambda i: (nb + i, 0)),
            pl.BlockSpec((RB, HH), lambda i: (i, 0)),
            pl.BlockSpec((RB, HH), lambda i: (nb + i, 0)),
            pl.BlockSpec((HH, HID), lambda i: (0, 0)),
            pl.BlockSpec((HID, 2 * HID), lambda i: (0, 0)),
            pl.BlockSpec((1, 2 * HID), lambda i: (0, 0)),
            pl.BlockSpec((2 * HID, HID), lambda i: (0, 0)),
            pl.BlockSpec((1, HID), lambda i: (0, 0)),
        ],
        out_specs=[
            pl.BlockSpec((2, RB, HH), lambda i: (0, i, 0)),
            pl.BlockSpec((2, HID), lambda i: (0, 0)),
        ],
        out_shape=[
            jax.ShapeDtypeStruct((2, N, HH), F32),
            jax.ShapeDtypeStruct((2, HID), F32),
        ],
    )(agg, agg, cnt, cnt, Ecat, W1, b1, W2, b2)


def kernel(x, edge_index, edge_attr, batch, text, atom_emb1, atom_emb2,
           edge_emb1, edge_emb2, mlp_W1, mlp_b1, mlp_W2, mlp_b2,
           bn_gamma, bn_beta, feat_W, feat_b, out_W, out_b,
           txt_W1, txt_b1, txt_W2, txt_b2, logit_scale):
    N = x.shape[0]
    E = edge_index.shape[1]
    B = text.shape[0]

    cpad = NC * NS * CK
    E_pad = ((E + cpad - 1) // cpad) * cpad
    pe = E_pad - E
    i32 = jnp.int32
    src_p = jnp.concatenate([edge_index[0], jnp.zeros((pe,), i32)])
    dst_p = jnp.concatenate([edge_index[1], jnp.full((pe,), N, i32)])
    ea0_p = jnp.concatenate([edge_attr[:, 0], jnp.zeros((pe,), i32)])
    ea1_p = jnp.concatenate([edge_attr[:, 1], jnp.zeros((pe,), i32)])
    src_p = src_p.reshape(-1, CK)
    dst_p = dst_p.reshape(-1, CK)
    ea0_p = ea0_p.reshape(-1, CK)
    ea1_p = ea1_p.reshape(-1, CK)
    n_chunks = E_pad // CK

    zr = -(-(N + 16) // NS // 8) * 8
    z128 = jnp.zeros((zr, HH), F32)

    emb1p = jnp.pad(atom_emb1, ((0, 128 - atom_emb1.shape[0]), (0, 0)))
    emb2p = jnp.pad(atom_emb2, ((0, 8 - atom_emb2.shape[0]), (0, 0)))
    x0 = x[:, 0:1].astype(i32)
    x1 = x[:, 1:2].astype(i32)

    e1p = jnp.pad(edge_emb1, ((0, 0), (0, 8 - edge_emb1.shape[1]), (0, 0)))
    e2p = jnp.pad(edge_emb2, ((0, 0), (0, 8 - edge_emb2.shape[1]), (0, 0)))
    e_cat = jnp.concatenate([e1p, e2p], axis=1)
    e_cat = jnp.pad(e_cat, ((0, 0), (0, HH - 16), (0, 0)))

    cnt_kernel = _make_sc_agg_kernel(N, n_chunks, HH, feature_split=False)
    spmv_kernel = _make_sc_agg_kernel(N, n_chunks, HH, feature_split=True)

    eye8 = jnp.eye(8, dtype=F32)
    pairs = jnp.arange(16)
    T = jnp.concatenate([eye8[jnp.minimum(pairs // 3, 7)],
                         eye8[pairs % 3]], axis=1)
    T = T.at[15].set(0.0)
    T = jnp.pad(T, ((0, 0), (0, HH - 16)))
    pair_p = ea0_p * 3 + ea1_p
    cnt = cnt_kernel(T, pair_p, dst_p, z128)
    h2 = _init_h(x0, x1, emb1p, emb2p, N)

    for l in range(N_LAYERS):
        h_flat = h2.reshape(2 * N, HH)
        agg = spmv_kernel(h_flat, src_p, dst_p, z128)
        b1 = mlp_b1[l].reshape(1, -1)
        b2 = mlp_b2[l].reshape(1, -1)
        if l < N_LAYERS - 1:
            h2 = _mlp_bn(agg, cnt, e_cat[l], mlp_W1[l], b1, mlp_W2[l], b2,
                         bn_gamma[l].reshape(1, -1), bn_beta[l].reshape(1, -1),
                         N, relu_out=True)
        else:
            z2, stats = _mlp_last(agg, cnt, e_cat[l], mlp_W1[l], b1,
                                  mlp_W2[l], b2, N)
            mean = stats[0] / N
            var = stats[1] / N - mean * mean
            scale = (bn_gamma[l] * lax.rsqrt(var + EPS)).reshape(1, -1)
            shift = (bn_beta[l] - mean * scale[0]).reshape(1, -1)
            h2 = z2

    g = _pool_head(h2, batch.astype(i32).reshape(N // RB, 1, RB), scale, shift,
                   feat_W, feat_b.reshape(1, -1), out_W, out_b.reshape(1, -1),
                   N, B)
    t = _text_head(text, txt_W1, txt_b1.reshape(1, -1), txt_W2,
                   txt_b2.reshape(1, -1), B)
    return (g, t, jnp.exp(logit_scale))

# --- scband reference (transcript-rebuilt; emitter-appended) ---
"""Pipeline reference for scband-graph-clip-56925496541314 (READ-ONLY COPY).

The authoritative reference and input builder live on the scoring server;
editing this copy changes nothing except your own understanding.
"""

import jax, jax.numpy as jnp
import numpy as np

N_LAYERS = 5
HID = 256

def setup_inputs(seed: int = 0):
    key = jax.random.key(seed)
    ks = jax.random.split(key, 16)
    N, E, B = 10000, 160000, 256
    s = 0.05
    x = jax.random.randint(ks[0], (N, 2), 0, 3)
    edge_index = jax.random.randint(ks[1], (2, E), 0, N)
    edge_attr = jax.random.randint(ks[2], (E, 2), 0, 3)
    batch = jnp.sort(jax.random.randint(ks[3], (N,), 0, B))
    text = jax.random.normal(ks[4], (B, 768), dtype=jnp.float32)
    return {
        'x': x, 'edge_index': edge_index, 'edge_attr': edge_attr, 'batch': batch, 'text': text,
        'atom_emb1': jax.random.normal(ks[5], (119, HID), dtype=jnp.float32) * s,
        'atom_emb2': jax.random.normal(ks[6], (3, HID), dtype=jnp.float32) * s,
        'edge_emb1': jax.random.normal(ks[7], (N_LAYERS, 5, HID), dtype=jnp.float32) * s,
        'edge_emb2': jax.random.normal(ks[8], (N_LAYERS, 3, HID), dtype=jnp.float32) * s,
        'mlp_W1': jax.random.normal(ks[9], (N_LAYERS, HID, 2 * HID), dtype=jnp.float32) * s,
        'mlp_b1': jnp.zeros((N_LAYERS, 2 * HID), dtype=jnp.float32),
        'mlp_W2': jax.random.normal(ks[10], (N_LAYERS, 2 * HID, HID), dtype=jnp.float32) * s,
        'mlp_b2': jnp.zeros((N_LAYERS, HID), dtype=jnp.float32),
        'bn_gamma': jnp.ones((N_LAYERS, HID), dtype=jnp.float32),
        'bn_beta': jnp.zeros((N_LAYERS, HID), dtype=jnp.float32),
        'feat_W': jax.random.normal(ks[11], (HID, 256), dtype=jnp.float32) * s,
        'feat_b': jnp.zeros((256,), dtype=jnp.float32),
        'out_W': jax.random.normal(ks[12], (256, 128), dtype=jnp.float32) * s,
        'out_b': jnp.zeros((128,), dtype=jnp.float32),
        'txt_W1': jax.random.normal(ks[13], (768, 256), dtype=jnp.float32) * s,
        'txt_b1': jnp.zeros((256,), dtype=jnp.float32),
        'txt_W2': jax.random.normal(ks[14], (256, 128), dtype=jnp.float32) * s,
        'txt_b2': jnp.zeros((128,), dtype=jnp.float32),
        'logit_scale': jnp.asarray(np.log(1.0 / 0.07), dtype=jnp.float32),
    }

def reference(x, edge_index, edge_attr, batch, text, atom_emb1, atom_emb2, edge_emb1, edge_emb2, mlp_W1, mlp_b1, mlp_W2, mlp_b2, bn_gamma, bn_beta, feat_W, feat_b, out_W, out_b, txt_W1, txt_b1, txt_W2, txt_b2, logit_scale):
    N = x.shape[0]
    B = text.shape[0]
    # GINet (MolCLR-style): atom-type + chirality embeddings
    h = atom_emb1[x[:, 0]] + atom_emb2[x[:, 1]]
    src, dst = edge_index[0], edge_index[1]
    for l in range(N_LAYERS):
        # GINEConv: message = x_j + edge_embedding, add-aggregate, then MLP
        e = edge_emb1[l][edge_attr[:, 0]] + edge_emb2[l][edge_attr[:, 1]]
        msg = h[src] + e
        agg = jax.ops.segment_sum(msg, dst, num_segments=N)
        h_new = jnp.maximum(agg @ mlp_W1[l] + mlp_b1[l], 0.0) @ mlp_W2[l] + mlp_b2[l]
        # BatchNorm (training-mode batch statistics; drop_ratio=0 so no dropout)
        mean = h_new.mean(axis=0)
        var = h_new.var(axis=0)
        h_new = (h_new - mean) / jnp.sqrt(var + 1e-5) * bn_gamma[l] + bn_beta[l]
        if l < N_LAYERS - 1:
            h_new = jnp.maximum(h_new, 0.0)
        h = h_new
    # global mean pool over graphs
    ones = jnp.ones((N,), dtype=h.dtype)
    counts = jax.ops.segment_sum(ones, batch, num_segments=B)
    pooled = jax.ops.segment_sum(h, batch, num_segments=B) / jnp.maximum(counts, 1.0)[:, None]
    # feat_lin -> out_lin (feat_dim=2*embed_dim=256, out=embed_dim=128)
    g = pooled @ feat_W + feat_b
    g = g @ out_W + out_b
    # text branch: MLP(768 -> 256 -> 128)
    t = jnp.maximum(text @ txt_W1 + txt_b1, 0.0) @ txt_W2 + txt_b2
    return (g, t, jnp.exp(logit_scale))

if __name__ == "__main__":
    import jax
    _d = setup_inputs()
    print(jax.jit(kernel)(*tuple(_d.values())))

</pallas_src>

<mosaic_0001>
#map = affine_map<(d0, d1) -> (0, 0)>
module attributes {stable_mosaic.version = 14 : i64} {
  func.func @sc_agg(%arg0: i32, %arg1: i32, %arg2: memref<20000x128xf32, #tpu.memory_space<hbm>>, %arg3: memref<1280x128xi32, #tpu.memory_space<hbm>>, %arg4: memref<1280x128xi32, #tpu.memory_space<hbm>>, %arg5: memref<632x128xf32, #tpu.memory_space<hbm>>, %arg6: memref<20000x128xf32, #tpu.memory_space<hbm>>, %arg7: memref<80x128xi32, #tpu.memory_space<vmem>>, %arg8: memref<80x128xi32, #tpu.memory_space<vmem>>, %arg9: memref<128x128xf32, #tpu.memory_space<vmem>>, %arg10: memref<10112x128xf32, #tpu.memory_space<vmem_shared>>, %arg11: memref<!tpu.dma_semaphore, #tpu.memory_space<semaphore_mem>>) attributes {dimension_semantics = [#tpu.dimension_semantics<core_parallel>, #tpu.dimension_semantics<subcore_parallel>], iteration_bounds = array<i64: 2, 16>, scalar_prefetch = 0 : i64, scratch_operands = 5 : i64, tpu.core_type = #tpu.core_type<sc_vector_subcore>, window_params = [{transform_indices = #map}, {transform_indices = #map}, {transform_indices = #map}, {transform_indices = #map}, {transform_indices = #map}]} {
    %mul3A = arith.constant 632 : i32
    %mul3A_0 = arith.muli %arg1, %mul3A : i32
    "tpu.region"() ({
      %run_scoped3A = tpu.sem_alloc : memref<!tpu.dma_semaphore, #tpu.memory_space<semaphore_mem>>
      %dma_start3A = arith.constant 0 : i32
      %dma_start3A_23 = tpu.memref_slice %arg10[%mul3A_0, %dma_start3A] : memref<10112x128xf32, #tpu.memory_space<vmem_shared>> -> memref<632x128xf32, #tpu.memory_space<vmem_shared>>
      %dma_start3A_24 = arith.constant 0 : i32
      %dma_start3A_25 = arith.constant 0 : i32
      %dma_start3A_26 = tpu.memref_slice %arg5[%dma_start3A_24, %dma_start3A_25] : memref<632x128xf32, #tpu.memory_space<hbm>> -> memref<632x128xf32, #tpu.memory_space<hbm>>
      tpu.enqueue_dma source(%dma_start3A_26 : memref<632x128xf32, #tpu.memory_space<hbm>>) target(%dma_start3A_23 : memref<632x128xf32, #tpu.memory_space<vmem_shared>>) target_semaphore(%run_scoped3A : memref<!tpu.dma_semaphore, #tpu.memory_space<semaphore_mem>>)
      %dma_wait3A = arith.constant 0 : i32
      %dma_wait3A_27 = tpu.memref_slice %arg10[%mul3A_0, %dma_wait3A] : memref<10112x128xf32, #tpu.memory_space<vmem_shared>> -> memref<632x128xf32, #tpu.memory_space<vmem_shared>>
      %dma_wait3A_28 = arith.constant 0 : i32
      %dma_wait3A_29 = arith.constant 0 : i32
      %dma_wait3A_30 = tpu.memref_slice %arg5[%dma_wait3A_28, %dma_wait3A_29] : memref<632x128xf32, #tpu.memory_space<hbm>> -> memref<632x128xf32, #tpu.memory_space<hbm>>
      tpu.wait_dma2 semaphore(%run_scoped3A : memref<!tpu.dma_semaphore, #tpu.memory_space<semaphore_mem>>) src(%dma_wait3A_30 : memref<632x128xf32, #tpu.memory_space<hbm>>) dst(%dma_wait3A_27 : memref<632x128xf32, #tpu.memory_space<vmem_shared>>)
      tpu.yield
    }) : () -> ()
    %barrier3A = arith.constant 0 : index
    tpu.barrier barrier_id(%barrier3A)
    %mul3A_1 = arith.constant 80 : i32
    %mul3A_2 = arith.muli %arg1, %mul3A_1 : i32
    "tpu.region"() ({
      %run_scoped3A = tpu.sem_alloc : memref<!tpu.dma_semaphore, #tpu.memory_space<semaphore_mem>>
      %dma_start3A = arith.constant 0 : i32
      %dma_start3A_23 = tpu.memref_slice %arg3[%mul3A_2, %dma_start3A] : memref<1280x128xi32, #tpu.memory_space<hbm>> -> memref<80x128xi32, #tpu.memory_space<hbm>>
      %dma_start3A_24 = arith.constant 0 : i32
      %dma_start3A_25 = tpu.memref_slice %arg3[%mul3A_2, %dma_start3A_24] : memref<1280x128xi32, #tpu.memory_space<hbm>> -> memref<80x128xi32, #tpu.memory_space<hbm>>
      tpu.enqueue_dma source(%dma_start3A_25 : memref<80x128xi32, #tpu.memory_space<hbm>>) target(%arg7 : memref<80x128xi32, #tpu.memory_space<vmem>>) target_semaphore(%run_scoped3A : memref<!tpu.dma_semaphore, #tpu.memory_space<semaphore_mem>>)
      %dma_wait3A = arith.constant 0 : i32
      %dma_wait3A_26 = tpu.memref_slice %arg3[%mul3A_2, %dma_wait3A] : memref<1280x128xi32, #tpu.memory_space<hbm>> -> memref<80x128xi32, #tpu.memory_space<hbm>>
      %dma_wait3A_27 = arith.constant 0 : i32
      %dma_wait3A_28 = tpu.memref_slice %arg3[%mul3A_2, %dma_wait3A_27] : memref<1280x128xi32, #tpu.memory_space<hbm>> -> memref<80x128xi32, #tpu.memory_space<hbm>>
      tpu.wait_dma2 semaphore(%run_scoped3A : memref<!tpu.dma_semaphore, #tpu.memory_space<semaphore_mem>>) src(%dma_wait3A_28 : memref<80x128xi32, #tpu.memory_space<hbm>>) dst(%arg7 : memref<80x128xi32, #tpu.memory_space<vmem>>)
      tpu.yield
    }) : () -> ()
    "tpu.region"() ({
      %run_scoped3A = tpu.sem_alloc : memref<!tpu.dma_semaphore, #tpu.memory_space<semaphore_mem>>
      %dma_start3A = arith.constant 0 : i32
      %dma_start3A_23 = tpu.memref_slice %arg4[%mul3A_2, %dma_start3A] : memref<1280x128xi32, #tpu.memory_space<hbm>> -> memref<80x128xi32, #tpu.memory_space<hbm>>
      %dma_start3A_24 = arith.constant 0 : i32
      %dma_start3A_25 = tpu.memref_slice %arg4[%mul3A_2, %dma_start3A_24] : memref<1280x128xi32, #tpu.memory_space<hbm>> -> memref<80x128xi32, #tpu.memory_space<hbm>>
      tpu.enqueue_dma source(%dma_start3A_25 : memref<80x128xi32, #tpu.memory_space<hbm>>) target(%arg8 : memref<80x128xi32, #tpu.memory_space<vmem>>) target_semaphore(%run_scoped3A : memref<!tpu.dma_semaphore, #tpu.memory_space<semaphore_mem>>)
      %dma_wait3A = arith.constant 0 : i32
      %dma_wait3A_26 = tpu.memref_slice %arg4[%mul3A_2, %dma_wait3A] : memref<1280x128xi32, #tpu.memory_space<hbm>> -> memref<80x128xi32, #tpu.memory_space<hbm>>
      %dma_wait3A_27 = arith.constant 0 : i32
      %dma_wait3A_28 = tpu.memref_slice %arg4[%mul3A_2, %dma_wait3A_27] : memref<1280x128xi32, #tpu.memory_space<hbm>> -> memref<80x128xi32, #tpu.memory_space<hbm>>
      tpu.wait_dma2 semaphore(%run_scoped3A : memref<!tpu.dma_semaphore, #tpu.memory_space<semaphore_mem>>) src(%dma_wait3A_28 : memref<80x128xi32, #tpu.memory_space<hbm>>) dst(%arg8 : memref<80x128xi32, #tpu.memory_space<vmem>>)
      tpu.yield
    }) : () -> ()
    %mul3A_3 = arith.constant 10000 : i32
    %mul3A_4 = arith.muli %arg0, %mul3A_3 : i32
    %scan3A = arith.constant 0 : i32
    %scan3A_5 = arith.constant 80 : i32
    %scan3A_6 = arith.addi %scan3A, %scan3A_5 : i32
    %scan3A_7 = arith.constant 1 : i32
    scf.for %scan3A_23 = %scan3A to %scan3A_6 step %scan3A_7  : i32 {
      %get3A = arith.index_cast %scan3A_23 : i32 to index
      %get3A_24 = arith.constant 0 : index
      %get3A_25 = tpu.vector_load %arg7[%get3A, %get3A_24] {strides = array<i32>} : memref<80x128xi32, #tpu.memory_space<vmem>>, vector<1x16xi32>,
      %get3A_26 = vector.shape_cast %get3A_25 : vector<1x16xi32> to vector<16xi32>
      %add3A_27 = vector.broadcast %mul3A_4 : i32 to vector<16xi32>
      %add3A_28 = arith.addi %get3A_26, %add3A_27 : vector<16xi32>
      %swap3A = arith.index_cast %scan3A_23 : i32 to index
      %swap3A_29 = arith.constant 0 : index
      %swap3A_30 = tpu.vector_load %arg7[%swap3A, %swap3A_29] {strides = array<i32>} : memref<80x128xi32, #tpu.memory_space<vmem>>, vector<1x16xi32>,
      %swap3A_31 = vector.shape_cast %swap3A_30 : vector<1x16xi32> to vector<16xi32>
      %swap3A_32 = vector.shape_cast %add3A_28 : vector<16xi32> to vector<1x16xi32>
      tpu.vector_store %arg7[%swap3A, %swap3A_29], %swap3A_32 {strides = array<i32>} : memref<80x128xi32, #tpu.memory_space<vmem>>, vector<1x16xi32>,
      %get3A_33 = arith.index_cast %scan3A_23 : i32 to index
      %get3A_34 = arith.constant 16 : index
      %get3A_35 = tpu.vector_load %arg7[%get3A_33, %get3A_34] {strides = array<i32>} : memref<80x128xi32, #tpu.memory_space<vmem>>, vector<1x16xi32>,
      %get3A_36 = vector.shape_cast %get3A_35 : vector<1x16xi32> to vector<16xi32>
      %add3A_37 = vector.broadcast %mul3A_4 : i32 to vector<16xi32>
      %add3A_38 = arith.addi %get3A_36, %add3A_37 : vector<16xi32>
      %swap3A_39 = arith.index_cast %scan3A_23 : i32 to index
      %swap3A_40 = arith.constant 16 : index
      %swap3A_41 = tpu.vector_load %arg7[%swap3A_39, %swap3A_40] {strides = array<i32>} : memref<80x128xi32, #tpu.memory_space<vmem>>, vector<1x16xi32>,
      %swap3A_42 = vector.shape_cast %swap3A_41 : vector<1x16xi32> to vector<16xi32>
      %swap3A_43 = vector.shape_cast %add3A_38 : vector<16xi32> to vector<1x16xi32>
      tpu.vector_store %arg7[%swap3A_39, %swap3A_40], %swap3A_43 {strides = array<i32>} : memref<80x128xi32, #tpu.memory_space<vmem>>, vector<1x16xi32>,
      %get3A_44 = arith.index_cast %scan3A_23 : i32 to index
      %get3A_45 = arith.constant 32 : index
      %get3A_46 = tpu.vector_load %arg7[%get3A_44, %get3A_45] {strides = array<i32>} : memref<80x128xi32, #tpu.memory_space<vmem>>, vector<1x16xi32>,
      %get3A_47 = vector.shape_cast %get3A_46 : vector<1x16xi32> to vector<16xi32>
      %add3A_48 = vector.broadcast %mul3A_4 : i32 to vector<16xi32>
      %add3A_49 = arith.addi %get3A_47, %add3A_48 : vector<16xi32>
      %swap3A_50 = arith.index_cast %scan3A_23 : i32 to index
      %swap3A_51 = arith.constant 32 : index
      %swap3A_52 = tpu.vector_load %arg7[%swap3A_50, %swap3A_51] {strides = array<i32>} : memref<80x128xi32, #tpu.memory_space<vmem>>, vector<1x16xi32>,
      %swap3A_53 = vector.shape_cast %swap3A_52 : vector<1x16xi32> to vector<16xi32>
      %swap3A_54 = vector.shape_cast %add3A_49 : vector<16xi32> to vector<1x16xi32>
      tpu.vector_store %arg7[%swap3A_50, %swap3A_51], %swap3A_54 {strides = array<i32>} : memref<80x128xi32, #tpu.memory_space<vmem>>, vector<1x16xi32>,
      %get3A_55 = arith.index_cast %scan3A_23 : i32 to index
      %get3A_56 = arith.constant 48 : index
      %get3A_57 = tpu.vector_load %arg7[%get3A_55, %get3A_56] {strides = array<i32>} : memref<80x128xi32, #tpu.memory_space<vmem>>, vector<1x16xi32>,
      %get3A_58 = vector.shape_cast %get3A_57 : vector<1x16xi32> to vector<16xi32>
      %add3A_59 = vector.broadcast %mul3A_4 : i32 to vector<16xi32>
      %add3A_60 = arith.addi %get3A_58, %add3A_59 : vector<16xi32>
      %swap3A_61 = arith.index_cast %scan3A_23 : i32 to index
      %swap3A_62 = arith.constant 48 : index
      %swap3A_63 = tpu.vector_load %arg7[%swap3A_61, %swap3A_62] {strides = array<i32>} : memref<80x128xi32, #tpu.memory_space<vmem>>, vector<1x16xi32>,
      %swap3A_64 = vector.shape_cast %swap3A_63 : vector<1x16xi32> to vector<16xi32>
      %swap3A_65 = vector.shape_cast %add3A_60 : vector<16xi32> to vector<1x16xi32>
      tpu.vector_store %arg7[%swap3A_61, %swap3A_62], %swap3A_65 {strides = array<i32>} : memref<80x128xi32, #tpu.memory_space<vmem>>, vector<1x16xi32>,
      %get3A_66 = arith.index_cast %scan3A_23 : i32 to index
      %get3A_67 = arith.constant 64 : index
      %get3A_68 = tpu.vector_load %arg7[%get3A_66, %get3A_67] {strides = array<i32>} : memref<80x128xi32, #tpu.memory_space<vmem>>, vector<1x16xi32>,
      %get3A_69 = vector.shape_cast %get3A_68 : vector<1x16xi32> to vector<16xi32>
      %add3A_70 = vector.broadcast %mul3A_4 : i32 to vector<16xi32>
      %add3A_71 = arith.addi %get3A_69, %add3A_70 : vector<16xi32>
      %swap3A_72 = arith.index_cast %scan3A_23 : i32 to index
      %swap3A_73 = arith.constant 64 : index
      %swap3A_74 = tpu.vector_load %arg7[%swap3A_72, %swap3A_73] {strides = array<i32>} : memref<80x128xi32, #tpu.memory_space<vmem>>, vector<1x16xi32>,
      %swap3A_75 = vector.shape_cast %swap3A_74 : vector<1x16xi32> to vector<16xi32>
      %swap3A_76 = vector.shape_cast %add3A_71 : vector<16xi32> to vector<1x16xi32>
      tpu.vector_store %arg7[%swap3A_72, %swap3A_73], %swap3A_76 {strides = array<i32>} : memref<80x128xi32, #tpu.memory_space<vmem>>, vector<1x16xi32>,
      %get3A_77 = arith.index_cast %scan3A_23 : i32 to index
      %get3A_78 = arith.constant 80 : index
      %get3A_79 = tpu.vector_load %arg7[%get3A_77, %get3A_78] {strides = array<i32>} : memref<80x128xi32, #tpu.memory_space<vmem>>, vector<1x16xi32>,
      %get3A_80 = vector.shape_cast %get3A_79 : vector<1x16xi32> to vector<16xi32>
      %add3A_81 = vector.broadcast %mul3A_4 : i32 to vector<16xi32>
      %add3A_82 = arith.addi %get3A_80, %add3A_81 : vector<16xi32>
      %swap3A_83 = arith.index_cast %scan3A_23 : i32 to index
      %swap3A_84 = arith.constant 80 : index
      %swap3A_85 = tpu.vector_load %arg7[%swap3A_83, %swap3A_84] {strides = array<i32>} : memref<80x128xi32, #tpu.memory_space<vmem>>, vector<1x16xi32>,
      %swap3A_86 = vector.shape_cast %swap3A_85 : vector<1x16xi32> to vector<16xi32>
      %swap3A_87 = vector.shape_cast %add3A_82 : vector<16xi32> to vector<1x16xi32>
      tpu.vector_store %arg7[%swap3A_83, %swap3A_84], %swap3A_87 {strides = array<i32>} : memref<80x128xi32, #tpu.memory_space<vmem>>, vector<1x16xi32>,
      %get3A_88 = arith.index_cast %scan3A_23 : i32 to index
      %get3A_89 = arith.constant 96 : index
      %get3A_90 = tpu.vector_load %arg7[%get3A_88, %get3A_89] {strides = array<i32>} : memref<80x128xi32, #tpu.memory_space<vmem>>, vector<1x16xi32>,
      %get3A_91 = vector.shape_cast %get3A_90 : vector<1x16xi32> to vector<16xi32>
      %add3A_92 = vector.broadcast %mul3A_4 : i32 to vector<16xi32>
      %add3A_93 = arith.addi %get3A_91, %add3A_92 : vector<16xi32>
      %swap3A_94 = arith.index_cast %scan3A_23 : i32 to index
      %swap3A_95 = arith.constant 96 : index
      %swap3A_96 = tpu.vector_load %arg7[%swap3A_94, %swap3A_95] {strides = array<i32>} : memref<80x128xi32, #tpu.memory_space<vmem>>, vector<1x16xi32>,
      %swap3A_97 = vector.shape_cast %swap3A_96 : vector<1x16xi32> to vector<16xi32>
      %swap3A_98 = vector.shape_cast %add3A_93 : vector<16xi32> to vector<1x16xi32>
      tpu.vector_store %arg7[%swap3A_94, %swap3A_95], %swap3A_98 {strides = array<i32>} : memref<80x128xi32, #tpu.memory_space<vmem>>, vector<1x16xi32>,
      %get3A_99 = arith.index_cast %scan3A_23 : i32 to index
      %get3A_100 = arith.constant 112 : index
      %get3A_101 = tpu.vector_load %arg7[%get3A_99, %get3A_100] {strides = array<i32>} : memref<80x128xi32, #tpu.memory_space<vmem>>, vector<1x16xi32>,
      %get3A_102 = vector.shape_cast %get3A_101 : vector<1x16xi32> to vector<16xi32>
      %add3A_103 = vector.broadcast %mul3A_4 : i32 to vector<16xi32>
      %add3A_104 = arith.addi %get3A_102, %add3A_103 : vector<16xi32>
      %swap3A_105 = arith.index_cast %scan3A_23 : i32 to index
      %swap3A_106 = arith.constant 112 : index
      %swap3A_107 = tpu.vector_load %arg7[%swap3A_105, %swap3A_106] {strides = array<i32>} : memref<80x128xi32, #tpu.memory_space<vmem>>, vector<1x16xi32>,
      %swap3A_108 = vector.shape_cast %swap3A_107 : vector<1x16xi32> to vector<16xi32>
      %swap3A_109 = vector.shape_cast %add3A_104 : vector<16xi32> to vector<1x16xi32>
      tpu.vector_store %arg7[%swap3A_105, %swap3A_106], %swap3A_109 {strides = array<i32>} : memref<80x128xi32, #tpu.memory_space<vmem>>, vector<1x16xi32>,
    }
    %scan3A_8 = arith.constant 80 : i32
    %scan3A_9 = arith.constant 0 : i32
    %scan3A_10 = arith.constant 80 : i32
    %scan3A_11 = arith.addi %scan3A_9, %scan3A_10 : i32
    %scan3A_12 = arith.constant 1 : i32
    scf.for %scan3A_23 = %scan3A_9 to %scan3A_11 step %scan3A_12  : i32 {
      %dma_start3A = arith.constant 0 : i32
      %dma_start3A_24 = tpu.memref_slice %arg7[%scan3A_23, %dma_start3A] : memref<80x128xi32, #tpu.memory_space<vmem>> -> memref<1x128xi32, #tpu.memory_space<vmem>>
      %dma_start3A_25 = tpu.memref_squeeze %dma_start3A_24 : memref<1x128xi32, #tpu.memory_space<vmem>> -> memref<128xi32, #tpu.memory_space<vmem>>
      %dma_start3A_26 = arith.constant 0 : i32
      %dma_start3A_27 = arith.constant 0 : i32
      %dma_start3A_28 = tpu.memref_slice %arg2[%dma_start3A_26, %dma_start3A_27] : memref<20000x128xf32, #tpu.memory_space<hbm>> -> memref<20000x128xf32, #tpu.memory_space<hbm>>
      tpu.enqueue_indirect_dma source(%dma_start3A_28 : memref<20000x128xf32, #tpu.memory_space<hbm>>) target(%arg9 : memref<128x128xf32, #tpu.memory_space<vmem>>) offsets(%dma_start3A_25 : memref<128xi32, #tpu.memory_space<vmem>>) semaphore(%arg11 : memref<!tpu.dma_semaphore, #tpu.memory_space<semaphore_mem>>)
      %dma_wait3A = arith.constant 0 : i32
      %dma_wait3A_29 = tpu.memref_slice %arg7[%scan3A_23, %dma_wait3A] : memref<80x128xi32, #tpu.memory_space<vmem>> -> memref<1x128xi32, #tpu.memory_space<vmem>>
      %dma_wait3A_30 = tpu.memref_squeeze %dma_wait3A_29 : memref<1x128xi32, #tpu.memory_space<vmem>> -> memref<128xi32, #tpu.memory_space<vmem>>
      %dma_wait3A_31 = arith.constant 0 : i32
      %dma_wait3A_32 = arith.constant 0 : i32
      %dma_wait3A_33 = tpu.memref_slice %arg2[%dma_wait3A_31, %dma_wait3A_32] : memref<20000x128xf32, #tpu.memory_space<hbm>> -> memref<20000x128xf32, #tpu.memory_space<hbm>>
      tpu.wait_indirect_dma semaphore(%arg11 : memref<!tpu.dma_semaphore, #tpu.memory_space<semaphore_mem>>) src(%dma_wait3A_33 : memref<20000x128xf32, #tpu.memory_space<hbm>>) dst(%arg9 : memref<128x128xf32, #tpu.memory_space<vmem>>)
      "tpu.region"() ({
        %run_scoped3A = tpu.sem_alloc : memref<!tpu.dma_semaphore, #tpu.memory_space<semaphore_mem>>
        %dma_start3A_34 = arith.constant 0 : i32
        %dma_start3A_35 = tpu.memref_slice %arg8[%scan3A_23, %dma_start3A_34] : memref<80x128xi32, #tpu.memory_space<vmem>> -> memref<1x128xi32, #tpu.memory_space<vmem>>
        %dma_start3A_36 = tpu.memref_squeeze %dma_start3A_35 : memref<1x128xi32, #tpu.memory_space<vmem>> -> memref<128xi32, #tpu.memory_space<vmem>>
        %dma_start3A_37 = arith.constant 0 : i32
        %dma_start3A_38 = arith.constant 0 : i32
        %dma_start3A_39 = tpu.memref_slice %arg10[%dma_start3A_37, %dma_start3A_38] : memref<10112x128xf32, #tpu.memory_space<vmem_shared>> -> memref<10112x128xf32, #tpu.memory_space<vmem_shared>>
        tpu.enqueue_indirect_dma source(%arg9 : memref<128x128xf32, #tpu.memory_space<vmem>>) target(%dma_start3A_39 : memref<10112x128xf32, #tpu.memory_space<vmem_shared>>) offsets(%dma_start3A_36 : memref<128xi32, #tpu.memory_space<vmem>>) semaphore(%run_scoped3A : memref<!tpu.dma_semaphore, #tpu.memory_space<semaphore_mem>>) {add = true}
        %dma_wait3A_40 = arith.constant 0 : i32
        %dma_wait3A_41 = tpu.memref_slice %arg8[%scan3A_23, %dma_wait3A_40] : memref<80x128xi32, #tpu.memory_space<vmem>> -> memref<1x128xi32, #tpu.memory_space<vmem>>
        %dma_wait3A_42 = tpu.memref_squeeze %dma_wait3A_41 : memref<1x128xi32, #tpu.memory_space<vmem>> -> memref<128xi32, #tpu.memory_space<vmem>>
        %dma_wait3A_43 = arith.constant 0 : i32
        %dma_wait3A_44 = arith.constant 0 : i32
        %dma_wait3A_45 = tpu.memref_slice %arg10[%dma_wait3A_43, %dma_wait3A_44] : memref<10112x128xf32, #tpu.memory_space<vmem_shared>> -> memref<10112x128xf32, #tpu.memory_space<vmem_shared>>
        tpu.wait_indirect_dma semaphore(%run_scoped3A : memref<!tpu.dma_semaphore, #tpu.memory_space<semaphore_mem>>) src(%arg9 : memref<128x128xf32, #tpu.memory_space<vmem>>) dst(%dma_wait3A_45 : memref<10112x128xf32, #tpu.memory_space<vmem_shared>>)
        tpu.yield
      }) : () -> ()
    }
    %scan3A_13 = arith.constant 80 : i32
    %barrier3A_14 = arith.constant 0 : index
    tpu.barrier barrier_id(%barrier3A_14)
    %mul3A_15 = arith.constant 624 : i32
    %mul3A_16 = arith.muli %arg1, %mul3A_15 : i32
    %mul3A_17 = arith.constant 10000 : i32
    %mul3A_18 = arith.muli %arg0, %mul3A_17 : i32
    %mul3A_19 = arith.constant 624 : i32
    %mul3A_20 = arith.muli %arg1, %mul3A_19 : i32
    %add3A = arith.addi %mul3A_18, %mul3A_20 : i32
    "tpu.region"() ({
      %run_scoped3A = tpu.sem_alloc : memref<!tpu.dma_semaphore, #tpu.memory_space<semaphore_mem>>
      %dma_start3A = arith.constant 0 : i32
      %dma_start3A_23 = tpu.memref_slice %arg6[%add3A, %dma_start3A] : memref<20000x128xf32, #tpu.memory_space<hbm>> -> memref<624x128xf32, #tpu.memory_space<hbm>>
      %dma_start3A_24 = arith.constant 0 : i32
      %dma_start3A_25 = tpu.memref_slice %arg10[%mul3A_16, %dma_start3A_24] : memref<10112x128xf32, #tpu.memory_space<vmem_shared>> -> memref<624x128xf32, #tpu.memory_space<vmem_shared>>
      tpu.enqueue_dma source(%dma_start3A_25 : memref<624x128xf32, #tpu.memory_space<vmem_shared>>) target(%dma_start3A_23 : memref<624x128xf32, #tpu.memory_space<hbm>>) target_semaphore(%run_scoped3A : memref<!tpu.dma_semaphore, #tpu.memory_space<semaphore_mem>>)
      %dma_wait3A = arith.constant 0 : i32
      %dma_wait3A_26 = tpu.memref_slice %arg6[%add3A, %dma_wait3A] : memref<20000x128xf32, #tpu.memory_space<hbm>> -> memref<624x128xf32, #tpu.memory_space<hbm>>
      %dma_wait3A_27 = arith.constant 0 : i32
      %dma_wait3A_28 = tpu.memref_slice %arg10[%mul3A_16, %dma_wait3A_27] : memref<10112x128xf32, #tpu.memory_space<vmem_shared>> -> memref<624x128xf32, #tpu.memory_space<vmem_shared>>
      tpu.wait_dma2 semaphore(%run_scoped3A : memref<!tpu.dma_semaphore, #tpu.memory_space<semaphore_mem>>) src(%dma_wait3A_28 : memref<624x128xf32, #tpu.memory_space<vmem_shared>>) dst(%dma_wait3A_26 : memref<624x128xf32, #tpu.memory_space<hbm>>)
      tpu.yield
    }) : () -> ()
    %eq3A = arith.constant 15 : i32
    %eq3A_21 = arith.cmpi eq, %arg1, %eq3A : i32
    %convert_element_type3A = arith.extui %eq3A_21 : i1 to i32
    %cond3A = arith.constant 0 : i32
    %cond3A_22 = arith.cmpi ne, %convert_element_type3A, %cond3A : i32
    scf.if %cond3A_22 {
      %mul3A_23 = arith.constant 10000 : i32
      %mul3A_24 = arith.muli %arg0, %mul3A_23 : i32
      %add3A_25 = arith.constant 9984 : i32
      %add3A_26 = arith.addi %mul3A_24, %add3A_25 : i32
      "tpu.region"() ({
        %run_scoped3A = tpu.sem_alloc : memref<!tpu.dma_semaphore, #tpu.memory_space<semaphore_mem>>
        %dma_start3A = arith.constant 0 : i32
        %dma_start3A_27 = tpu.memref_slice %arg6[%add3A_26, %dma_start3A] : memref<20000x128xf32, #tpu.memory_space<hbm>> -> memref<16x128xf32, #tpu.memory_space<hbm>>
        %dma_start3A_28 = arith.constant 9984 : i32
        %dma_start3A_29 = arith.constant 0 : i32
        %dma_start3A_30 = tpu.memref_slice %arg10[%dma_start3A_28, %dma_start3A_29] : memref<10112x128xf32, #tpu.memory_space<vmem_shared>> -> memref<16x128xf32, #tpu.memory_space<vmem_shared>>
        tpu.enqueue_dma source(%dma_start3A_30 : memref<16x128xf32, #tpu.memory_space<vmem_shared>>) target(%dma_start3A_27 : memref<16x128xf32, #tpu.memory_space<hbm>>) target_semaphore(%run_scoped3A : memref<!tpu.dma_semaphore, #tpu.memory_space<semaphore_mem>>)
        %dma_wait3A = arith.constant 0 : i32
        %dma_wait3A_31 = tpu.memref_slice %arg6[%add3A_26, %dma_wait3A] : memref<20000x128xf32, #tpu.memory_space<hbm>> -> memref<16x128xf32, #tpu.memory_space<hbm>>
        %dma_wait3A_32 = arith.constant 9984 : i32
        %dma_wait3A_33 = arith.constant 0 : i32
        %dma_wait3A_34 = tpu.memref_slice %arg10[%dma_wait3A_32, %dma_wait3A_33] : memref<10112x128xf32, #tpu.memory_space<vmem_shared>> -> memref<16x128xf32, #tpu.memory_space<vmem_shared>>
        tpu.wait_dma2 semaphore(%run_scoped3A : memref<!tpu.dma_semaphore, #tpu.memory_space<semaphore_mem>>) src(%dma_wait3A_34 : memref<16x128xf32, #tpu.memory_space<vmem_shared>>) dst(%dma_wait3A_31 : memref<16x128xf32, #tpu.memory_space<hbm>>)
        tpu.yield
      }) : () -> ()
    } else {
    }
    return
  }
}

#map = affine_map<(d0, d1) -> (0, 0)>
module attributes {stable_mosaic.version = 14 : i64} {
  func.func @sc_agg(%arg0: i32, %arg1: i32, %arg2: memref<20000x128xf32, #tpu.memory_space<hbm>>, %arg3: memref<1280x128xi32, #tpu.memory_space<hbm>>, %arg4: memref<1280x128xi32, #tpu.memory_space<hbm>>, %arg5: memref<632x128xf32, #tpu.memory_space<hbm>>, %arg6: memref<20000x128xf32, #tpu.memory_space<hbm>>, %arg7: memref<80x128xi32, #tpu.memory_space<vmem>>, %arg8: memref<80x128xi32, #tpu.memory_space<vmem>>, %arg9: memref<128x128xf32, #tpu.memory_space<vmem>>, %arg10: memref<10112x128xf32, #tpu.memory_space<vmem_shared>>, %arg11: memref<!tpu.dma_semaphore, #tpu.memory_space<semaphore_mem>>) attributes {dimension_semantics = [#tpu.dimension_semantics<core_parallel>, #tpu.dimension_semantics<subcore_parallel>], iteration_bounds = array<i64: 2, 16>, scalar_prefetch = 0 : i64, scratch_operands = 5 : i64, tpu.core_type = #tpu.core_type<sc_vector_subcore>, window_params = [{transform_indices = #map}, {transform_indices = #map}, {transform_indices = #map}, {transform_indices = #map}, {transform_indices = #map}]} {
    %mul3A = arith.constant 632 : i32
    %mul3A_0 = arith.muli %arg1, %mul3A : i32
    "tpu.region"() ({
      %run_scoped3A = tpu.sem_alloc : memref<!tpu.dma_semaphore, #tpu.memory_space<semaphore_mem>>
      %dma_start3A = arith.constant 0 : i32
      %dma_start3A_23 = tpu.memref_slice %arg10[%mul3A_0, %dma_start3A] : memref<10112x128xf32, #tpu.memory_space<vmem_shared>> -> memref<632x128xf32, #tpu.memory_space<vmem_shared>>
      %dma_start3A_24 = arith.constant 0 : i32
      %dma_start3A_25 = arith.constant 0 : i32
      %dma_start3A_26 = tpu.memref_slice %arg5[%dma_start3A_24, %dma_start3A_25] : memref<632x128xf32, #tpu.memory_space<hbm>> -> memref<632x128xf32, #tpu.memory_space<hbm>>
      tpu.enqueue_dma source(%dma_start3A_26 : memref<632x128xf32, #tpu.memory_space<hbm>>) target(%dma_start3A_23 : memref<632x128xf32, #tpu.memory_space<vmem_shared>>) target_semaphore(%run_scoped3A : memref<!tpu.dma_semaphore, #tpu.memory_space<semaphore_mem>>)
      %dma_wait3A = arith.constant 0 : i32
      %dma_wait3A_27 = tpu.memref_slice %arg10[%mul3A_0, %dma_wait3A] : memref<10112x128xf32, #tpu.memory_space<vmem_shared>> -> memref<632x128xf32, #tpu.memory_space<vmem_shared>>
      %dma_wait3A_28 = arith.constant 0 : i32
      %dma_wait3A_29 = arith.constant 0 : i32
      %dma_wait3A_30 = tpu.memref_slice %arg5[%dma_wait3A_28, %dma_wait3A_29] : memref<632x128xf32, #tpu.memory_space<hbm>> -> memref<632x128xf32, #tpu.memory_space<hbm>>
      tpu.wait_dma2 semaphore(%run_scoped3A : memref<!tpu.dma_semaphore, #tpu.memory_space<semaphore_mem>>) src(%dma_wait3A_30 : memref<632x128xf32, #tpu.memory_space<hbm>>) dst(%dma_wait3A_27 : memref<632x128xf32, #tpu.memory_space<vmem_shared>>)
      tpu.yield
    }) : () -> ()
    %barrier3A = arith.constant 0 : index
    tpu.barrier barrier_id(%barrier3A)
    %mul3A_1 = arith.constant 80 : i32
    %mul3A_2 = arith.muli %arg1, %mul3A_1 : i32
    "tpu.region"() ({
      %run_scoped3A = tpu.sem_alloc : memref<!tpu.dma_semaphore, #tpu.memory_space<semaphore_mem>>
      %dma_start3A = arith.constant 0 : i32
      %dma_start3A_23 = tpu.memref_slice %arg3[%mul3A_2, %dma_start3A] : memref<1280x128xi32, #tpu.memory_space<hbm>> -> memref<80x128xi32, #tpu.memory_space<hbm>>
      %dma_start3A_24 = arith.constant 0 : i32
      %dma_start3A_25 = tpu.memref_slice %arg3[%mul3A_2, %dma_start3A_24] : memref<1280x128xi32, #tpu.memory_space<hbm>> -> memref<80x128xi32, #tpu.memory_space<hbm>>
      tpu.enqueue_dma source(%dma_start3A_25 : memref<80x128xi32, #tpu.memory_space<hbm>>) target(%arg7 : memref<80x128xi32, #tpu.memory_space<vmem>>) target_semaphore(%run_scoped3A : memref<!tpu.dma_semaphore, #tpu.memory_space<semaphore_mem>>)
      %dma_wait3A = arith.constant 0 : i32
      %dma_wait3A_26 = tpu.memref_slice %arg3[%mul3A_2, %dma_wait3A] : memref<1280x128xi32, #tpu.memory_space<hbm>> -> memref<80x128xi32, #tpu.memory_space<hbm>>
      %dma_wait3A_27 = arith.constant 0 : i32
      %dma_wait3A_28 = tpu.memref_slice %arg3[%mul3A_2, %dma_wait3A_27] : memref<1280x128xi32, #tpu.memory_space<hbm>> -> memref<80x128xi32, #tpu.memory_space<hbm>>
      tpu.wait_dma2 semaphore(%run_scoped3A : memref<!tpu.dma_semaphore, #tpu.memory_space<semaphore_mem>>) src(%dma_wait3A_28 : memref<80x128xi32, #tpu.memory_space<hbm>>) dst(%arg7 : memref<80x128xi32, #tpu.memory_space<vmem>>)
      tpu.yield
    }) : () -> ()
    "tpu.region"() ({
      %run_scoped3A = tpu.sem_alloc : memref<!tpu.dma_semaphore, #tpu.memory_space<semaphore_mem>>
      %dma_start3A = arith.constant 0 : i32
      %dma_start3A_23 = tpu.memref_slice %arg4[%mul3A_2, %dma_start3A] : memref<1280x128xi32, #tpu.memory_space<hbm>> -> memref<80x128xi32, #tpu.memory_space<hbm>>
      %dma_start3A_24 = arith.constant 0 : i32
      %dma_start3A_25 = tpu.memref_slice %arg4[%mul3A_2, %dma_start3A_24] : memref<1280x128xi32, #tpu.memory_space<hbm>> -> memref<80x128xi32, #tpu.memory_space<hbm>>
      tpu.enqueue_dma source(%dma_start3A_25 : memref<80x128xi32, #tpu.memory_space<hbm>>) target(%arg8 : memref<80x128xi32, #tpu.memory_space<vmem>>) target_semaphore(%run_scoped3A : memref<!tpu.dma_semaphore, #tpu.memory_space<semaphore_mem>>)
      %dma_wait3A = arith.constant 0 : i32
      %dma_wait3A_26 = tpu.memref_slice %arg4[%mul3A_2, %dma_wait3A] : memref<1280x128xi32, #tpu.memory_space<hbm>> -> memref<80x128xi32, #tpu.memory_space<hbm>>
      %dma_wait3A_27 = arith.constant 0 : i32
      %dma_wait3A_28 = tpu.memref_slice %arg4[%mul3A_2, %dma_wait3A_27] : memref<1280x128xi32, #tpu.memory_space<hbm>> -> memref<80x128xi32, #tpu.memory_space<hbm>>
      tpu.wait_dma2 semaphore(%run_scoped3A : memref<!tpu.dma_semaphore, #tpu.memory_space<semaphore_mem>>) src(%dma_wait3A_28 : memref<80x128xi32, #tpu.memory_space<hbm>>) dst(%arg8 : memref<80x128xi32, #tpu.memory_space<vmem>>)
      tpu.yield
    }) : () -> ()
    %mul3A_3 = arith.constant 10000 : i32
    %mul3A_4 = arith.muli %arg0, %mul3A_3 : i32
    %scan3A = arith.constant 0 : i32
    %scan3A_5 = arith.constant 80 : i32
    %scan3A_6 = arith.addi %scan3A, %scan3A_5 : i32
    %scan3A_7 = arith.constant 1 : i32
    scf.for %scan3A_23 = %scan3A to %scan3A_6 step %scan3A_7  : i32 {
      %get3A = arith.index_cast %scan3A_23 : i32 to index
      %get3A_24 = arith.constant 0 : index
      %get3A_25 = tpu.vector_load %arg7[%get3A, %get3A_24] {strides = array<i32>} : memref<80x128xi32, #tpu.memory_space<vmem>>, vector<1x16xi32>,
      %get3A_26 = vector.shape_cast %get3A_25 : vector<1x16xi32> to vector<16xi32>
      %add3A_27 = vector.broadcast %mul3A_4 : i32 to vector<16xi32>
      %add3A_28 = arith.addi %get3A_26, %add3A_27 : vector<16xi32>
      %swap3A = arith.index_cast %scan3A_23 : i32 to index
      %swap3A_29 = arith.constant 0 : index
      %swap3A_30 = tpu.vector_load %arg7[%swap3A, %swap3A_29] {strides = array<i32>} : memref<80x128xi32, #tpu.memory_space<vmem>>, vector<1x16xi32>,
      %swap3A_31 = vector.shape_cast %swap3A_30 : vector<1x16xi32> to vector<16xi32>
      %swap3A_32 = vector.shape_cast %add3A_28 : vector<16xi32> to vector<1x16xi32>
      tpu.vector_store %arg7[%swap3A, %swap3A_29], %swap3A_32 {strides = array<i32>} : memref<80x128xi32, #tpu.memory_space<vmem>>, vector<1x16xi32>,
      %get3A_33 = arith.index_cast %scan3A_23 : i32 to index
      %get3A_34 = arith.constant 16 : index
      %get3A_35 = tpu.vector_load %arg7[%get3A_33, %get3A_34] {strides = array<i32>} : memref<80x128xi32, #tpu.memory_space<vmem>>, vector<1x16xi32>,
      %get3A_36 = vector.shape_cast %get3A_35 : vector<1x16xi32> to vector<16xi32>
      %add3A_37 = vector.broadcast %mul3A_4 : i32 to vector<16xi32>
      %add3A_38 = arith.addi %get3A_36, %add3A_37 : vector<16xi32>
      %swap3A_39 = arith.index_cast %scan3A_23 : i32 to index
      %swap3A_40 = arith.constant 16 : index
      %swap3A_41 = tpu.vector_load %arg7[%swap3A_39, %swap3A_40] {strides = array<i32>} : memref<80x128xi32, #tpu.memory_space<vmem>>, vector<1x16xi32>,
      %swap3A_42 = vector.shape_cast %swap3A_41 : vector<1x16xi32> to vector<16xi32>
      %swap3A_43 = vector.shape_cast %add3A_38 : vector<16xi32> to vector<1x16xi32>
      tpu.vector_store %arg7[%swap3A_39, %swap3A_40], %swap3A_43 {strides = array<i32>} : memref<80x128xi32, #tpu.memory_space<vmem>>, vector<1x16xi32>,
      %get3A_44 = arith.index_cast %scan3A_23 : i32 to index
      %get3A_45 = arith.constant 32 : index
      %get3A_46 = tpu.vector_load %arg7[%get3A_44, %get3A_45] {strides = array<i32>} : memref<80x128xi32, #tpu.memory_space<vmem>>, vector<1x16xi32>,
      %get3A_47 = vector.shape_cast %get3A_46 : vector<1x16xi32> to vector<16xi32>
      %add3A_48 = vector.broadcast %mul3A_4 : i32 to vector<16xi32>
      %add3A_49 = arith.addi %get3A_47, %add3A_48 : vector<16xi32>
      %swap3A_50 = arith.index_cast %scan3A_23 : i32 to index
      %swap3A_51 = arith.constant 32 : index
      %swap3A_52 = tpu.vector_load %arg7[%swap3A_50, %swap3A_51] {strides = array<i32>} : memref<80x128xi32, #tpu.memory_space<vmem>>, vector<1x16xi32>,
      %swap3A_53 = vector.shape_cast %swap3A_52 : vector<1x16xi32> to vector<16xi32>
      %swap3A_54 = vector.shape_cast %add3A_49 : vector<16xi32> to vector<1x16xi32>
      tpu.vector_store %arg7[%swap3A_50, %swap3A_51], %swap3A_54 {strides = array<i32>} : memref<80x128xi32, #tpu.memory_space<vmem>>, vector<1x16xi32>,
      %get3A_55 = arith.index_cast %scan3A_23 : i32 to index
      %get3A_56 = arith.constant 48 : index
      %get3A_57 = tpu.vector_load %arg7[%get3A_55, %get3A_56] {strides = array<i32>} : memref<80x128xi32, #tpu.memory_space<vmem>>, vector<1x16xi32>,
      %get3A_58 = vector.shape_cast %get3A_57 : vector<1x16xi32> to vector<16xi32>
      %add3A_59 = vector.broadcast %mul3A_4 : i32 to vector<16xi32>
      %add3A_60 = arith.addi %get3A_58, %add3A_59 : vector<16xi32>
      %swap3A_61 = arith.index_cast %scan3A_23 : i32 to index
      %swap3A_62 = arith.constant 48 : index
      %swap3A_63 = tpu.vector_load %arg7[%swap3A_61, %swap3A_62] {strides = array<i32>} : memref<80x128xi32, #tpu.memory_space<vmem>>, vector<1x16xi32>,
      %swap3A_64 = vector.shape_cast %swap3A_63 : vector<1x16xi32> to vector<16xi32>
      %swap3A_65 = vector.shape_cast %add3A_60 : vector<16xi32> to vector<1x16xi32>
      tpu.vector_store %arg7[%swap3A_61, %swap3A_62], %swap3A_65 {strides = array<i32>} : memref<80x128xi32, #tpu.memory_space<vmem>>, vector<1x16xi32>,
      %get3A_66 = arith.index_cast %scan3A_23 : i32 to index
      %get3A_67 = arith.constant 64 : index
      %get3A_68 = tpu.vector_load %arg7[%get3A_66, %get3A_67] {strides = array<i32>} : memref<80x128xi32, #tpu.memory_space<vmem>>, vector<1x16xi32>,
      %get3A_69 = vector.shape_cast %get3A_68 : vector<1x16xi32> to vector<16xi32>
      %add3A_70 = vector.broadcast %mul3A_4 : i32 to vector<16xi32>
      %add3A_71 = arith.addi %get3A_69, %add3A_70 : vector<16xi32>
      %swap3A_72 = arith.index_cast %scan3A_23 : i32 to index
      %swap3A_73 = arith.constant 64 : index
      %swap3A_74 = tpu.vector_load %arg7[%swap3A_72, %swap3A_73] {strides = array<i32>} : memref<80x128xi32, #tpu.memory_space<vmem>>, vector<1x16xi32>,
      %swap3A_75 = vector.shape_cast %swap3A_74 : vector<1x16xi32> to vector<16xi32>
      %swap3A_76 = vector.shape_cast %add3A_71 : vector<16xi32> to vector<1x16xi32>
      tpu.vector_store %arg7[%swap3A_72, %swap3A_73], %swap3A_76 {strides = array<i32>} : memref<80x128xi32, #tpu.memory_space<vmem>>, vector<1x16xi32>,
      %get3A_77 = arith.index_cast %scan3A_23 : i32 to index
      %get3A_78 = arith.constant 80 : index
      %get3A_79 = tpu.vector_load %arg7[%get3A_77, %get3A_78] {strides = array<i32>} : memref<80x128xi32, #tpu.memory_space<vmem>>, vector<1x16xi32>,
      %get3A_80 = vector.shape_cast %get3A_79 : vector<1x16xi32> to vector<16xi32>
      %add3A_81 = vector.broadcast %mul3A_4 : i32 to vector<16xi32>
      %add3A_82 = arith.addi %get3A_80, %add3A_81 : vector<16xi32>
      %swap3A_83 = arith.index_cast %scan3A_23 : i32 to index
      %swap3A_84 = arith.constant 80 : index
      %swap3A_85 = tpu.vector_load %arg7[%swap3A_83, %swap3A_84] {strides = array<i32>} : memref<80x128xi32, #tpu.memory_space<vmem>>, vector<1x16xi32>,
      %swap3A_86 = vector.shape_cast %swap3A_85 : vector<1x16xi32> to vector<16xi32>
      %swap3A_87 = vector.shape_cast %add3A_82 : vector<16xi32> to vector<1x16xi32>
      tpu.vector_store %arg7[%swap3A_83, %swap3A_84], %swap3A_87 {strides = array<i32>} : memref<80x128xi32, #tpu.memory_space<vmem>>, vector<1x16xi32>,
      %get3A_88 = arith.index_cast %scan3A_23 : i32 to index
      %get3A_89 = arith.constant 96 : index
      %get3A_90 = tpu.vector_load %arg7[%get3A_88, %get3A_89] {strides = array<i32>} : memref<80x128xi32, #tpu.memory_space<vmem>>, vector<1x16xi32>,
      %get3A_91 = vector.shape_cast %get3A_90 : vector<1x16xi32> to vector<16xi32>
      %add3A_92 = vector.broadcast %mul3A_4 : i32 to vector<16xi32>
      %add3A_93 = arith.addi %get3A_91, %add3A_92 : vector<16xi32>
      %swap3A_94 = arith.index_cast %scan3A_23 : i32 to index
      %swap3A_95 = arith.constant 96 : index
      %swap3A_96 = tpu.vector_load %arg7[%swap3A_94, %swap3A_95] {strides = array<i32>} : memref<80x128xi32, #tpu.memory_space<vmem>>, vector<1x16xi32>,
      %swap3A_97 = vector.shape_cast %swap3A_96 : vector<1x16xi32> to vector<16xi32>
      %swap3A_98 = vector.shape_cast %add3A_93 : vector<16xi32> to vector<1x16xi32>
      tpu.vector_store %arg7[%swap3A_94, %swap3A_95], %swap3A_98 {strides = array<i32>} : memref<80x128xi32, #tpu.memory_space<vmem>>, vector<1x16xi32>,
      %get3A_99 = arith.index_cast %scan3A_23 : i32 to index
      %get3A_100 = arith.constant 112 : index
      %get3A_101 = tpu.vector_load %arg7[%get3A_99, %get3A_100] {strides = array<i32>} : memref<80x128xi32, #tpu.memory_space<vmem>>, vector<1x16xi32>,
      %get3A_102 = vector.shape_cast %get3A_101 : vector<1x16xi32> to vector<16xi32>
      %add3A_103 = vector.broadcast %mul3A_4 : i32 to vector<16xi32>
      %add3A_104 = arith.addi %get3A_102, %add3A_103 : vector<16xi32>
      %swap3A_105 = arith.index_cast %scan3A_23 : i32 to index
      %swap3A_106 = arith.constant 112 : index
      %swap3A_107 = tpu.vector_load %arg7[%swap3A_105, %swap3A_106] {strides = array<i32>} : memref<80x128xi32, #tpu.memory_space<vmem>>, vector<1x16xi32>,
      %swap3A_108 = vector.shape_cast %swap3A_107 : vector<1x16xi32> to vector<16xi32>
      %swap3A_109 = vector.shape_cast %add3A_104 : vector<16xi32> to vector<1x16xi32>
      tpu.vector_store %arg7[%swap3A_105, %swap3A_106], %swap3A_109 {strides = array<i32>} : memref<80x128xi32, #tpu.memory_space<vmem>>, vector<1x16xi32>,
    }
    %scan3A_8 = arith.constant 80 : i32
    %scan3A_9 = arith.constant 0 : i32
    %scan3A_10 = arith.constant 80 : i32
    %scan3A_11 = arith.addi %scan3A_9, %scan3A_10 : i32
    %scan3A_12 = arith.constant 1 : i32
    scf.for %scan3A_23 = %scan3A_9 to %scan3A_11 step %scan3A_12  : i32 {
      %dma_start3A = arith.constant 0 : i32
      %dma_start3A_24 = tpu.memref_slice %arg7[%scan3A_23, %dma_start3A] : memref<80x128xi32, #tpu.memory_space<vmem>> -> memref<1x128xi32, #tpu.memory_space<vmem>>
      %dma_start3A_25 = tpu.memref_squeeze %dma_start3A_24 : memref<1x128xi32, #tpu.memory_space<vmem>> -> memref<128xi32, #tpu.memory_space<vmem>>
      %dma_start3A_26 = arith.constant 0 : i32
      %dma_start3A_27 = arith.constant 0 : i32
      %dma_start3A_28 = tpu.memref_slice %arg2[%dma_start3A_26, %dma_start3A_27] : memref<20000x128xf32, #tpu.memory_space<hbm>> -> memref<20000x128xf32, #tpu.memory_space<hbm>>
      tpu.enqueue_indirect_dma source(%dma_start3A_28 : memref<20000x128xf32, #tpu.memory_space<hbm>>) target(%arg9 : memref<128x128xf32, #tpu.memory_space<vmem>>) offsets(%dma_start3A_25 : memref<128xi32, #tpu.memory_space<vmem>>) semaphore(%arg11 : memref<!tpu.dma_semaphore, #tpu.memory_space<semaphore_mem>>)
      %dma_wait3A = arith.constant 0 : i32
      %dma_wait3A_29 = tpu.memref_slice %arg7[%scan3A_23, %dma_wait3A] : memref<80x128xi32, #tpu.memory_space<vmem>> -> memref<1x128xi32, #tpu.memory_space<vmem>>
      %dma_wait3A_30 = tpu.memref_squeeze %dma_wait3A_29 : memref<1x128xi32, #tpu.memory_space<vmem>> -> memref<128xi32, #tpu.memory_space<vmem>>
      %dma_wait3A_31 = arith.constant 0 : i32
      %dma_wait3A_32 = arith.constant 0 : i32
      %dma_wait3A_33 = tpu.memref_slice %arg2[%dma_wait3A_31, %dma_wait3A_32] : memref<20000x128xf32, #tpu.memory_space<hbm>> -> memref<20000x128xf32, #tpu.memory_space<hbm>>
      tpu.wait_indirect_dma semaphore(%arg11 : memref<!tpu.dma_semaphore, #tpu.memory_space<semaphore_mem>>) src(%dma_wait3A_33 : memref<20000x128xf32, #tpu.memory_space<hbm>>) dst(%arg9 : memref<128x128xf32, #tpu.memory_space<vmem>>)
      "tpu.region"() ({
        %run_scoped3A = tpu.sem_alloc : memref<!tpu.dma_semaphore, #tpu.memory_space<semaphore_mem>>
        %dma_start3A_34 = arith.constant 0 : i32
        %dma_start3A_35 = tpu.memref_slice %arg8[%scan3A_23, %dma_start3A_34] : memref<80x128xi32, #tpu.memory_space<vmem>> -> memref<1x128xi32, #tpu.memory_space<vmem>>
        %dma_start3A_36 = tpu.memref_squeeze %dma_start3A_35 : memref<1x128xi32, #tpu.memory_space<vmem>> -> memref<128xi32, #tpu.memory_space<vmem>>
        %dma_start3A_37 = arith.constant 0 : i32
        %dma_start3A_38 = arith.constant 0 : i32
        %dma_start3A_39 = tpu.memref_slice %arg10[%dma_start3A_37, %dma_start3A_38] : memref<10112x128xf32, #tpu.memory_space<vmem_shared>> -> memref<10112x128xf32, #tpu.memory_space<vmem_shared>>
        tpu.enqueue_indirect_dma source(%arg9 : memref<128x128xf32, #tpu.memory_space<vmem>>) target(%dma_start3A_39 : memref<10112x128xf32, #tpu.memory_space<vmem_shared>>) offsets(%dma_start3A_36 : memref<128xi32, #tpu.memory_space<vmem>>) semaphore(%run_scoped3A : memref<!tpu.dma_semaphore, #tpu.memory_space<semaphore_mem>>) {add = true}
        %dma_wait3A_40 = arith.constant 0 : i32
        %dma_wait3A_41 = tpu.memref_slice %arg8[%scan3A_23, %dma_wait3A_40] : memref<80x128xi32, #tpu.memory_space<vmem>> -> memref<1x128xi32, #tpu.memory_space<vmem>>
        %dma_wait3A_42 = tpu.memref_squeeze %dma_wait3A_41 : memref<1x128xi32, #tpu.memory_space<vmem>> -> memref<128xi32, #tpu.memory_space<vmem>>
        %dma_wait3A_43 = arith.constant 0 : i32
        %dma_wait3A_44 = arith.constant 0 : i32
        %dma_wait3A_45 = tpu.memref_slice %arg10[%dma_wait3A_43, %dma_wait3A_44] : memref<10112x128xf32, #tpu.memory_space<vmem_shared>> -> memref<10112x128xf32, #tpu.memory_space<vmem_shared>>
        tpu.wait_indirect_dma semaphore(%run_scoped3A : memref<!tpu.dma_semaphore, #tpu.memory_space<semaphore_mem>>) src(%arg9 : memref<128x128xf32, #tpu.memory_space<vmem>>) dst(%dma_wait3A_45 : memref<10112x128xf32, #tpu.memory_space<vmem_shared>>)
        tpu.yield
      }) : () -> ()
    }
    %scan3A_13 = arith.constant 80 : i32
    %barrier3A_14 = arith.constant 0 : index
    tpu.barrier barrier_id(%barrier3A_14)
    %mul3A_15 = arith.constant 624 : i32
    %mul3A_16 = arith.muli %arg1, %mul3A_15 : i32
    %mul3A_17 = arith.constant 10000 : i32
    %mul3A_18 = arith.muli %arg0, %mul3A_17 : i32
    %mul3A_19 = arith.constant 624 : i32
    %mul3A_20 = arith.muli %arg1, %mul3A_19 : i32
    %add3A = arith.addi %mul3A_18, %mul3A_20 : i32
    "tpu.region"() ({
      %run_scoped3A = tpu.sem_alloc : memref<!tpu.dma_semaphore, #tpu.memory_space<semaphore_mem>>
      %dma_start3A = arith.constant 0 : i32
      %dma_start3A_23 = tpu.memref_slice %arg6[%add3A, %dma_start3A] : memref<20000x128xf32, #tpu.memory_space<hbm>> -> memref<624x128xf32, #tpu.memory_space<hbm>>
      %dma_start3A_24 = arith.constant 0 : i32
      %dma_start3A_25 = tpu.memref_slice %arg10[%mul3A_16, %dma_start3A_24] : memref<10112x128xf32, #tpu.memory_space<vmem_shared>> -> memref<624x128xf32, #tpu.memory_space<vmem_shared>>
      tpu.enqueue_dma source(%dma_start3A_25 : memref<624x128xf32, #tpu.memory_space<vmem_shared>>) target(%dma_start3A_23 : memref<624x128xf32, #tpu.memory_space<hbm>>) target_semaphore(%run_scoped3A : memref<!tpu.dma_semaphore, #tpu.memory_space<semaphore_mem>>)
      %dma_wait3A = arith.constant 0 : i32
      %dma_wait3A_26 = tpu.memref_slice %arg6[%add3A, %dma_wait3A] : memref<20000x128xf32, #tpu.memory_space<hbm>> -> memref<624x128xf32, #tpu.memory_space<hbm>>
      %dma_wait3A_27 = arith.constant 0 : i32
      %dma_wait3A_28 = tpu.memref_slice %arg10[%mul3A_16, %dma_wait3A_27] : memref<10112x128xf32, #tpu.memory_space<vmem_shared>> -> memref<624x128xf32, #tpu.memory_space<vmem_shared>>
      tpu.wait_dma2 semaphore(%run_scoped3A : memref<!tpu.dma_semaphore, #tpu.memory_space<semaphore_mem>>) src(%dma_wait3A_28 : memref<624x128xf32, #tpu.memory_space<vmem_shared>>) dst(%dma_wait3A_26 : memref<624x128xf32, #tpu.memory_space<hbm>>)
      tpu.yield
    }) : () -> ()
    %eq3A = arith.constant 15 : i32
    %eq3A_21 = arith.cmpi eq, %arg1, %eq3A : i32
    %convert_element_type3A = arith.extui %eq3A_21 : i1 to i32
    %cond3A = arith.constant 0 : i32
    %cond3A_22 = arith.cmpi ne, %convert_element_type3A, %cond3A : i32
    scf.if %cond3A_22 {
      %mul3A_23 = arith.constant 10000 : i32
      %mul3A_24 = arith.muli %arg0, %mul3A_23 : i32
      %add3A_25 = arith.constant 9984 : i32
      %add3A_26 = arith.addi %mul3A_24, %add3A_25 : i32
      "tpu.region"() ({
        %run_scoped3A = tpu.sem_alloc : memref<!tpu.dma_semaphore, #tpu.memory_space<semaphore_mem>>
        %dma_start3A = arith.constant 0 : i32
        %dma_start3A_27 = tpu.memref_slice %arg6[%add3A_26, %dma_start3A] : memref<20000x128xf32, #tpu.memory_space<hbm>> -> memref<16x128xf32, #tpu.memory_space<hbm>>
        %dma_start3A_28 = arith.constant 9984 : i32
        %dma_start3A_29 = arith.constant 0 : i32
        %dma_start3A_30 = tpu.memref_slice %arg10[%dma_start3A_28, %dma_start3A_29] : memref<10112x128xf32, #tpu.memory_space<vmem_shared>> -> memref<16x128xf32, #tpu.memory_space<vmem_shared>>
        tpu.enqueue_dma source(%dma_start3A_30 : memref<16x128xf32, #tpu.memory_space<vmem_shared>>) target(%dma_start3A_27 : memref<16x128xf32, #tpu.memory_space<hbm>>) target_semaphore(%run_scoped3A : memref<!tpu.dma_semaphore, #tpu.memory_space<semaphore_mem>>)
        %dma_wait3A = arith.constant 0 : i32
        %dma_wait3A_31 = tpu.memref_slice %arg6[%add3A_26, %dma_wait3A] : memref<20000x128xf32, #tpu.memory_space<hbm>> -> memref<16x128xf32, #tpu.memory_space<hbm>>
        %dma_wait3A_32 = arith.constant 9984 : i32
        %dma_wait3A_33 = arith.constant 0 : i32
        %dma_wait3A_34 = tpu.memref_slice %arg10[%dma_wait3A_32, %dma_wait3A_33] : memref<10112x128xf32, #tpu.memory_space<vmem_shared>> -> memref<16x128xf32, #tpu.memory_space<vmem_shared>>
        tpu.wait_dma2 semaphore(%run_scoped3A : memref<!tpu.dma_semaphore, #tpu.memory_space<semaphore_mem>>) src(%dma_wait3A_34 : memref<16x128xf32, #tpu.memory_space<vmem_shared>>) dst(%dma_wait3A_31 : memref<16x128xf32, #tpu.memory_space<hbm>>)
        tpu.yield
      }) : () -> ()
    } else {
    }
    return
  }
}

#map = affine_map<(d0, d1) -> (0, 0)>
module attributes {stable_mosaic.version = 14 : i64} {
  func.func @sc_agg(%arg0: i32, %arg1: i32, %arg2: memref<16x128xf32, #tpu.memory_space<hbm>>, %arg3: memref<1280x128xi32, #tpu.memory_space<hbm>>, %arg4: memref<1280x128xi32, #tpu.memory_space<hbm>>, %arg5: memref<632x128xf32, #tpu.memory_space<hbm>>, %arg6: memref<20000x128xf32, #tpu.memory_space<hbm>>, %arg7: memref<40x128xi32, #tpu.memory_space<vmem>>, %arg8: memref<40x128xi32, #tpu.memory_space<vmem>>, %arg9: memref<128x128xf32, #tpu.memory_space<vmem>>, %arg10: memref<10112x128xf32, #tpu.memory_space<vmem_shared>>, %arg11: memref<!tpu.dma_semaphore, #tpu.memory_space<semaphore_mem>>) attributes {dimension_semantics = [#tpu.dimension_semantics<core_parallel>, #tpu.dimension_semantics<subcore_parallel>], iteration_bounds = array<i64: 2, 16>, scalar_prefetch = 0 : i64, scratch_operands = 5 : i64, tpu.core_type = #tpu.core_type<sc_vector_subcore>, window_params = [{transform_indices = #map}, {transform_indices = #map}, {transform_indices = #map}, {transform_indices = #map}, {transform_indices = #map}]} {
    %mul3A = arith.constant 632 : i32
    %mul3A_0 = arith.muli %arg1, %mul3A : i32
    "tpu.region"() ({
      %run_scoped3A = tpu.sem_alloc : memref<!tpu.dma_semaphore, #tpu.memory_space<semaphore_mem>>
      %dma_start3A = arith.constant 0 : i32
      %dma_start3A_19 = tpu.memref_slice %arg10[%mul3A_0, %dma_start3A] : memref<10112x128xf32, #tpu.memory_space<vmem_shared>> -> memref<632x128xf32, #tpu.memory_space<vmem_shared>>
      %dma_start3A_20 = arith.constant 0 : i32
      %dma_start3A_21 = arith.constant 0 : i32
      %dma_start3A_22 = tpu.memref_slice %arg5[%dma_start3A_20, %dma_start3A_21] : memref<632x128xf32, #tpu.memory_space<hbm>> -> memref<632x128xf32, #tpu.memory_space<hbm>>
      tpu.enqueue_dma source(%dma_start3A_22 : memref<632x128xf32, #tpu.memory_space<hbm>>) target(%dma_start3A_19 : memref<632x128xf32, #tpu.memory_space<vmem_shared>>) target_semaphore(%run_scoped3A : memref<!tpu.dma_semaphore, #tpu.memory_space<semaphore_mem>>)
      %dma_wait3A = arith.constant 0 : i32
      %dma_wait3A_23 = tpu.memref_slice %arg10[%mul3A_0, %dma_wait3A] : memref<10112x128xf32, #tpu.memory_space<vmem_shared>> -> memref<632x128xf32, #tpu.memory_space<vmem_shared>>
      %dma_wait3A_24 = arith.constant 0 : i32
      %dma_wait3A_25 = arith.constant 0 : i32
      %dma_wait3A_26 = tpu.memref_slice %arg5[%dma_wait3A_24, %dma_wait3A_25] : memref<632x128xf32, #tpu.memory_space<hbm>> -> memref<632x128xf32, #tpu.memory_space<hbm>>
      tpu.wait_dma2 semaphore(%run_scoped3A : memref<!tpu.dma_semaphore, #tpu.memory_space<semaphore_mem>>) src(%dma_wait3A_26 : memref<632x128xf32, #tpu.memory_space<hbm>>) dst(%dma_wait3A_23 : memref<632x128xf32, #tpu.memory_space<vmem_shared>>)
      tpu.yield
    }) : () -> ()
    %barrier3A = arith.constant 0 : index
    tpu.barrier barrier_id(%barrier3A)
    %mul3A_1 = arith.constant 16 : i32
    %mul3A_2 = arith.muli %arg0, %mul3A_1 : i32
    %add3A = arith.addi %mul3A_2, %arg1 : i32
    %mul3A_3 = arith.constant 40 : i32
    %mul3A_4 = arith.muli %add3A, %mul3A_3 : i32
    "tpu.region"() ({
      %run_scoped3A = tpu.sem_alloc : memref<!tpu.dma_semaphore, #tpu.memory_space<semaphore_mem>>
      %dma_start3A = arith.constant 0 : i32
      %dma_start3A_19 = tpu.memref_slice %arg3[%mul3A_4, %dma_start3A] : memref<1280x128xi32, #tpu.memory_space<hbm>> -> memref<40x128xi32, #tpu.memory_space<hbm>>
      %dma_start3A_20 = arith.constant 0 : i32
      %dma_start3A_21 = tpu.memref_slice %arg3[%mul3A_4, %dma_start3A_20] : memref<1280x128xi32, #tpu.memory_space<hbm>> -> memref<40x128xi32, #tpu.memory_space<hbm>>
      tpu.enqueue_dma source(%dma_start3A_21 : memref<40x128xi32, #tpu.memory_space<hbm>>) target(%arg7 : memref<40x128xi32, #tpu.memory_space<vmem>>) target_semaphore(%run_scoped3A : memref<!tpu.dma_semaphore, #tpu.memory_space<semaphore_mem>>)
      %dma_wait3A = arith.constant 0 : i32
      %dma_wait3A_22 = tpu.memref_slice %arg3[%mul3A_4, %dma_wait3A] : memref<1280x128xi32, #tpu.memory_space<hbm>> -> memref<40x128xi32, #tpu.memory_space<hbm>>
      %dma_wait3A_23 = arith.constant 0 : i32
      %dma_wait3A_24 = tpu.memref_slice %arg3[%mul3A_4, %dma_wait3A_23] : memref<1280x128xi32, #tpu.memory_space<hbm>> -> memref<40x128xi32, #tpu.memory_space<hbm>>
      tpu.wait_dma2 semaphore(%run_scoped3A : memref<!tpu.dma_semaphore, #tpu.memory_space<semaphore_mem>>) src(%dma_wait3A_24 : memref<40x128xi32, #tpu.memory_space<hbm>>) dst(%arg7 : memref<40x128xi32, #tpu.memory_space<vmem>>)
      tpu.yield
    }) : () -> ()
    "tpu.region"() ({
      %run_scoped3A = tpu.sem_alloc : memref<!tpu.dma_semaphore, #tpu.memory_space<semaphore_mem>>
      %dma_start3A = arith.constant 0 : i32
      %dma_start3A_19 = tpu.memref_slice %arg4[%mul3A_4, %dma_start3A] : memref<1280x128xi32, #tpu.memory_space<hbm>> -> memref<40x128xi32, #tpu.memory_space<hbm>>
      %dma_start3A_20 = arith.constant 0 : i32
      %dma_start3A_21 = tpu.memref_slice %arg4[%mul3A_4, %dma_start3A_20] : memref<1280x128xi32, #tpu.memory_space<hbm>> -> memref<40x128xi32, #tpu.memory_space<hbm>>
      tpu.enqueue_dma source(%dma_start3A_21 : memref<40x128xi32, #tpu.memory_space<hbm>>) target(%arg8 : memref<40x128xi32, #tpu.memory_space<vmem>>) target_semaphore(%run_scoped3A : memref<!tpu.dma_semaphore, #tpu.memory_space<semaphore_mem>>)
      %dma_wait3A = arith.constant 0 : i32
      %dma_wait3A_22 = tpu.memref_slice %arg4[%mul3A_4, %dma_wait3A] : memref<1280x128xi32, #tpu.memory_space<hbm>> -> memref<40x128xi32, #tpu.memory_space<hbm>>
      %dma_wait3A_23 = arith.constant 0 : i32
      %dma_wait3A_24 = tpu.memref_slice %arg4[%mul3A_4, %dma_wait3A_23] : memref<1280x128xi32, #tpu.memory_space<hbm>> -> memref<40x128xi32, #tpu.memory_space<hbm>>
      tpu.wait_dma2 semaphore(%run_scoped3A : memref<!tpu.dma_semaphore, #tpu.memory_space<semaphore_mem>>) src(%dma_wait3A_24 : memref<40x128xi32, #tpu.memory_space<hbm>>) dst(%arg8 : memref<40x128xi32, #tpu.memory_space<vmem>>)
      tpu.yield
    }) : () -> ()
    %scan3A = arith.constant 0 : i32
    %scan3A_5 = arith.constant 40 : i32
    %scan3A_6 = arith.addi %scan3A, %scan3A_5 : i32
    %scan3A_7 = arith.constant 1 : i32
    scf.for %scan3A_19 = %scan3A to %scan3A_6 step %scan3A_7  : i32 {
      %dma_start3A = arith.constant 0 : i32
      %dma_start3A_20 = tpu.memref_slice %arg7[%scan3A_19, %dma_start3A] : memref<40x128xi32, #tpu.memory_space<vmem>> -> memref<1x128xi32, #tpu.memory_space<vmem>>
      %dma_start3A_21 = tpu.memref_squeeze %dma_start3A_20 : memref<1x128xi32, #tpu.memory_space<vmem>> -> memref<128xi32, #tpu.memory_space<vmem>>
      %dma_start3A_22 = arith.constant 0 : i32
      %dma_start3A_23 = arith.constant 0 : i32
      %dma_start3A_24 = tpu.memref_slice %arg2[%dma_start3A_22, %dma_start3A_23] : memref<16x128xf32, #tpu.memory_space<hbm>> -> memref<16x128xf32, #tpu.memory_space<hbm>>
      tpu.enqueue_indirect_dma source(%dma_start3A_24 : memref<16x128xf32, #tpu.memory_space<hbm>>) target(%arg9 : memref<128x128xf32, #tpu.memory_space<vmem>>) offsets(%dma_start3A_21 : memref<128xi32, #tpu.memory_space<vmem>>) semaphore(%arg11 : memref<!tpu.dma_semaphore, #tpu.memory_space<semaphore_mem>>)
      %dma_wait3A = arith.constant 0 : i32
      %dma_wait3A_25 = tpu.memref_slice %arg7[%scan3A_19, %dma_wait3A] : memref<40x128xi32, #tpu.memory_space<vmem>> -> memref<1x128xi32, #tpu.memory_space<vmem>>
      %dma_wait3A_26 = tpu.memref_squeeze %dma_wait3A_25 : memref<1x128xi32, #tpu.memory_space<vmem>> -> memref<128xi32, #tpu.memory_space<vmem>>
      %dma_wait3A_27 = arith.constant 0 : i32
      %dma_wait3A_28 = arith.constant 0 : i32
      %dma_wait3A_29 = tpu.memref_slice %arg2[%dma_wait3A_27, %dma_wait3A_28] : memref<16x128xf32, #tpu.memory_space<hbm>> -> memref<16x128xf32, #tpu.memory_space<hbm>>
      tpu.wait_indirect_dma semaphore(%arg11 : memref<!tpu.dma_semaphore, #tpu.memory_space<semaphore_mem>>) src(%dma_wait3A_29 : memref<16x128xf32, #tpu.memory_space<hbm>>) dst(%arg9 : memref<128x128xf32, #tpu.memory_space<vmem>>)
      "tpu.region"() ({
        %run_scoped3A = tpu.sem_alloc : memref<!tpu.dma_semaphore, #tpu.memory_space<semaphore_mem>>
        %dma_start3A_30 = arith.constant 0 : i32
        %dma_start3A_31 = tpu.memref_slice %arg8[%scan3A_19, %dma_start3A_30] : memref<40x128xi32, #tpu.memory_space<vmem>> -> memref<1x128xi32, #tpu.memory_space<vmem>>
        %dma_start3A_32 = tpu.memref_squeeze %dma_start3A_31 : memref<1x128xi32, #tpu.memory_space<vmem>> -> memref<128xi32, #tpu.memory_space<vmem>>
        %dma_start3A_33 = arith.constant 0 : i32
        %dma_start3A_34 = arith.constant 0 : i32
        %dma_start3A_35 = tpu.memref_slice %arg10[%dma_start3A_33, %dma_start3A_34] : memref<10112x128xf32, #tpu.memory_space<vmem_shared>> -> memref<10112x128xf32, #tpu.memory_space<vmem_shared>>
        tpu.enqueue_indirect_dma source(%arg9 : memref<128x128xf32, #tpu.memory_space<vmem>>) target(%dma_start3A_35 : memref<10112x128xf32, #tpu.memory_space<vmem_shared>>) offsets(%dma_start3A_32 : memref<128xi32, #tpu.memory_space<vmem>>) semaphore(%run_scoped3A : memref<!tpu.dma_semaphore, #tpu.memory_space<semaphore_mem>>) {add = true}
        %dma_wait3A_36 = arith.constant 0 : i32
        %dma_wait3A_37 = tpu.memref_slice %arg8[%scan3A_19, %dma_wait3A_36] : memref<40x128xi32, #tpu.memory_space<vmem>> -> memref<1x128xi32, #tpu.memory_space<vmem>>
        %dma_wait3A_38 = tpu.memref_squeeze %dma_wait3A_37 : memref<1x128xi32, #tpu.memory_space<vmem>> -> memref<128xi32, #tpu.memory_space<vmem>>
        %dma_wait3A_39 = arith.constant 0 : i32
        %dma_wait3A_40 = arith.constant 0 : i32
        %dma_wait3A_41 = tpu.memref_slice %arg10[%dma_wait3A_39, %dma_wait3A_40] : memref<10112x128xf32, #tpu.memory_space<vmem_shared>> -> memref<10112x128xf32, #tpu.memory_space<vmem_shared>>
        tpu.wait_indirect_dma semaphore(%run_scoped3A : memref<!tpu.dma_semaphore, #tpu.memory_space<semaphore_mem>>) src(%arg9 : memref<128x128xf32, #tpu.memory_space<vmem>>) dst(%dma_wait3A_41 : memref<10112x128xf32, #tpu.memory_space<vmem_shared>>)
        tpu.yield
      }) : () -> ()
    }
    %scan3A_8 = arith.constant 40 : i32
    %barrier3A_9 = arith.constant 0 : index
    tpu.barrier barrier_id(%barrier3A_9)
    %mul3A_10 = arith.constant 624 : i32
    %mul3A_11 = arith.muli %arg1, %mul3A_10 : i32
    %mul3A_12 = arith.constant 10000 : i32
    %mul3A_13 = arith.muli %arg0, %mul3A_12 : i32
    %mul3A_14 = arith.constant 624 : i32
    %mul3A_15 = arith.muli %arg1, %mul3A_14 : i32
    %add3A_16 = arith.addi %mul3A_13, %mul3A_15 : i32
    "tpu.region"() ({
      %run_scoped3A = tpu.sem_alloc : memref<!tpu.dma_semaphore, #tpu.memory_space<semaphore_mem>>
      %dma_start3A = arith.constant 0 : i32
      %dma_start3A_19 = tpu.memref_slice %arg6[%add3A_16, %dma_start3A] : memref<20000x128xf32, #tpu.memory_space<hbm>> -> memref<624x128xf32, #tpu.memory_space<hbm>>
      %dma_start3A_20 = arith.constant 0 : i32
      %dma_start3A_21 = tpu.memref_slice %arg10[%mul3A_11, %dma_start3A_20] : memref<10112x128xf32, #tpu.memory_space<vmem_shared>> -> memref<624x128xf32, #tpu.memory_space<vmem_shared>>
      tpu.enqueue_dma source(%dma_start3A_21 : memref<624x128xf32, #tpu.memory_space<vmem_shared>>) target(%dma_start3A_19 : memref<624x128xf32, #tpu.memory_space<hbm>>) target_semaphore(%run_scoped3A : memref<!tpu.dma_semaphore, #tpu.memory_space<semaphore_mem>>)
      %dma_wait3A = arith.constant 0 : i32
      %dma_wait3A_22 = tpu.memref_slice %arg6[%add3A_16, %dma_wait3A] : memref<20000x128xf32, #tpu.memory_space<hbm>> -> memref<624x128xf32, #tpu.memory_space<hbm>>
      %dma_wait3A_23 = arith.constant 0 : i32
      %dma_wait3A_24 = tpu.memref_slice %arg10[%mul3A_11, %dma_wait3A_23] : memref<10112x128xf32, #tpu.memory_space<vmem_shared>> -> memref<624x128xf32, #tpu.memory_space<vmem_shared>>
      tpu.wait_dma2 semaphore(%run_scoped3A : memref<!tpu.dma_semaphore, #tpu.memory_space<semaphore_mem>>) src(%dma_wait3A_24 : memref<624x128xf32, #tpu.memory_space<vmem_shared>>) dst(%dma_wait3A_22 : memref<624x128xf32, #tpu.memory_space<hbm>>)
      tpu.yield
    }) : () -> ()
    %eq3A = arith.constant 15 : i32
    %eq3A_17 = arith.cmpi eq, %arg1, %eq3A : i32
    %convert_element_type3A = arith.extui %eq3A_17 : i1 to i32
    %cond3A = arith.constant 0 : i32
    %cond3A_18 = arith.cmpi ne, %convert_element_type3A, %cond3A : i32
    scf.if %cond3A_18 {
      %mul3A_19 = arith.constant 10000 : i32
      %mul3A_20 = arith.muli %arg0, %mul3A_19 : i32
      %add3A_21 = arith.constant 9984 : i32
      %add3A_22 = arith.addi %mul3A_20, %add3A_21 : i32
      "tpu.region"() ({
        %run_scoped3A = tpu.sem_alloc : memref<!tpu.dma_semaphore, #tpu.memory_space<semaphore_mem>>
        %dma_start3A = arith.constant 0 : i32
        %dma_start3A_23 = tpu.memref_slice %arg6[%add3A_22, %dma_start3A] : memref<20000x128xf32, #tpu.memory_space<hbm>> -> memref<16x128xf32, #tpu.memory_space<hbm>>
        %dma_start3A_24 = arith.constant 9984 : i32
        %dma_start3A_25 = arith.constant 0 : i32
        %dma_start3A_26 = tpu.memref_slice %arg10[%dma_start3A_24, %dma_start3A_25] : memref<10112x128xf32, #tpu.memory_space<vmem_shared>> -> memref<16x128xf32, #tpu.memory_space<vmem_shared>>
        tpu.enqueue_dma source(%dma_start3A_26 : memref<16x128xf32, #tpu.memory_space<vmem_shared>>) target(%dma_start3A_23 : memref<16x128xf32, #tpu.memory_space<hbm>>) target_semaphore(%run_scoped3A : memref<!tpu.dma_semaphore, #tpu.memory_space<semaphore_mem>>)
        %dma_wait3A = arith.constant 0 : i32
        %dma_wait3A_27 = tpu.memref_slice %arg6[%add3A_22, %dma_wait3A] : memref<20000x128xf32, #tpu.memory_space<hbm>> -> memref<16x128xf32, #tpu.memory_space<hbm>>
        %dma_wait3A_28 = arith.constant 9984 : i32
        %dma_wait3A_29 = arith.constant 0 : i32
        %dma_wait3A_30 = tpu.memref_slice %arg10[%dma_wait3A_28, %dma_wait3A_29] : memref<10112x128xf32, #tpu.memory_space<vmem_shared>> -> memref<16x128xf32, #tpu.memory_space<vmem_shared>>
        tpu.wait_dma2 semaphore(%run_scoped3A : memref<!tpu.dma_semaphore, #tpu.memory_space<semaphore_mem>>) src(%dma_wait3A_30 : memref<16x128xf32, #tpu.memory_space<vmem_shared>>) dst(%dma_wait3A_27 : memref<16x128xf32, #tpu.memory_space<hbm>>)
        tpu.yield
      }) : () -> ()
    } else {
    }
    return
  }
}

#map = affine_map<(d0, d1) -> (0, 0)>
module attributes {stable_mosaic.version = 14 : i64} {
  func.func @sc_agg(%arg0: i32, %arg1: i32, %arg2: memref<20000x128xf32, #tpu.memory_space<hbm>>, %arg3: memref<1280x128xi32, #tpu.memory_space<hbm>>, %arg4: memref<1280x128xi32, #tpu.memory_space<hbm>>, %arg5: memref<632x128xf32, #tpu.memory_space<hbm>>, %arg6: memref<20000x128xf32, #tpu.memory_space<hbm>>, %arg7: memref<80x128xi32, #tpu.memory_space<vmem>>, %arg8: memref<80x128xi32, #tpu.memory_space<vmem>>, %arg9: memref<128x128xf32, #tpu.memory_space<vmem>>, %arg10: memref<10112x128xf32, #tpu.memory_space<vmem_shared>>, %arg11: memref<!tpu.dma_semaphore, #tpu.memory_space<semaphore_mem>>) attributes {dimension_semantics = [#tpu.dimension_semantics<core_parallel>, #tpu.dimension_semantics<subcore_parallel>], iteration_bounds = array<i64: 2, 16>, scalar_prefetch = 0 : i64, scratch_operands = 5 : i64, tpu.core_type = #tpu.core_type<sc_vector_subcore>, window_params = [{transform_indices = #map}, {transform_indices = #map}, {transform_indices = #map}, {transform_indices = #map}, {transform_indices = #map}]} {
    %mul3A = arith.constant 632 : i32
    %mul3A_0 = arith.muli %arg1, %mul3A : i32
    "tpu.region"() ({
      %run_scoped3A = tpu.sem_alloc : memref<!tpu.dma_semaphore, #tpu.memory_space<semaphore_mem>>
      %dma_start3A = arith.constant 0 : i32
      %dma_start3A_23 = tpu.memref_slice %arg10[%mul3A_0, %dma_start3A] : memref<10112x128xf32, #tpu.memory_space<vmem_shared>> -> memref<632x128xf32, #tpu.memory_space<vmem_shared>>
      %dma_start3A_24 = arith.constant 0 : i32
      %dma_start3A_25 = arith.constant 0 : i32
      %dma_start3A_26 = tpu.memref_slice %arg5[%dma_start3A_24, %dma_start3A_25] : memref<632x128xf32, #tpu.memory_space<hbm>> -> memref<632x128xf32, #tpu.memory_space<hbm>>
      tpu.enqueue_dma source(%dma_start3A_26 : memref<632x128xf32, #tpu.memory_space<hbm>>) target(%dma_start3A_23 : memref<632x128xf32, #tpu.memory_space<vmem_shared>>) target_semaphore(%run_scoped3A : memref<!tpu.dma_semaphore, #tpu.memory_space<semaphore_mem>>)
      %dma_wait3A = arith.constant 0 : i32
      %dma_wait3A_27 = tpu.memref_slice %arg10[%mul3A_0, %dma_wait3A] : memref<10112x128xf32, #tpu.memory_space<vmem_shared>> -> memref<632x128xf32, #tpu.memory_space<vmem_shared>>
      %dma_wait3A_28 = arith.constant 0 : i32
      %dma_wait3A_29 = arith.constant 0 : i32
      %dma_wait3A_30 = tpu.memref_slice %arg5[%dma_wait3A_28, %dma_wait3A_29] : memref<632x128xf32, #tpu.memory_space<hbm>> -> memref<632x128xf32, #tpu.memory_space<hbm>>
      tpu.wait_dma2 semaphore(%run_scoped3A : memref<!tpu.dma_semaphore, #tpu.memory_space<semaphore_mem>>) src(%dma_wait3A_30 : memref<632x128xf32, #tpu.memory_space<hbm>>) dst(%dma_wait3A_27 : memref<632x128xf32, #tpu.memory_space<vmem_shared>>)
      tpu.yield
    }) : () -> ()
    %barrier3A = arith.constant 0 : index
    tpu.barrier barrier_id(%barrier3A)
    %mul3A_1 = arith.constant 80 : i32
    %mul3A_2 = arith.muli %arg1, %mul3A_1 : i32
    "tpu.region"() ({
      %run_scoped3A = tpu.sem_alloc : memref<!tpu.dma_semaphore, #tpu.memory_space<semaphore_mem>>
      %dma_start3A = arith.constant 0 : i32
      %dma_start3A_23 = tpu.memref_slice %arg3[%mul3A_2, %dma_start3A] : memref<1280x128xi32, #tpu.memory_space<hbm>> -> memref<80x128xi32, #tpu.memory_space<hbm>>
      %dma_start3A_24 = arith.constant 0 : i32
      %dma_start3A_25 = tpu.memref_slice %arg3[%mul3A_2, %dma_start3A_24] : memref<1280x128xi32, #tpu.memory_space<hbm>> -> memref<80x128xi32, #tpu.memory_space<hbm>>
      tpu.enqueue_dma source(%dma_start3A_25 : memref<80x128xi32, #tpu.memory_space<hbm>>) target(%arg7 : memref<80x128xi32, #tpu.memory_space<vmem>>) target_semaphore(%run_scoped3A : memref<!tpu.dma_semaphore, #tpu.memory_space<semaphore_mem>>)
      %dma_wait3A = arith.constant 0 : i32
      %dma_wait3A_26 = tpu.memref_slice %arg3[%mul3A_2, %dma_wait3A] : memref<1280x128xi32, #tpu.memory_space<hbm>> -> memref<80x128xi32, #tpu.memory_space<hbm>>
      %dma_wait3A_27 = arith.constant 0 : i32
      %dma_wait3A_28 = tpu.memref_slice %arg3[%mul3A_2, %dma_wait3A_27] : memref<1280x128xi32, #tpu.memory_space<hbm>> -> memref<80x128xi32, #tpu.memory_space<hbm>>
      tpu.wait_dma2 semaphore(%run_scoped3A : memref<!tpu.dma_semaphore, #tpu.memory_space<semaphore_mem>>) src(%dma_wait3A_28 : memref<80x128xi32, #tpu.memory_space<hbm>>) dst(%arg7 : memref<80x128xi32, #tpu.memory_space<vmem>>)
      tpu.yield
    }) : () -> ()
    "tpu.region"() ({
      %run_scoped3A = tpu.sem_alloc : memref<!tpu.dma_semaphore, #tpu.memory_space<semaphore_mem>>
      %dma_start3A = arith.constant 0 : i32
      %dma_start3A_23 = tpu.memref_slice %arg4[%mul3A_2, %dma_start3A] : memref<1280x128xi32, #tpu.memory_space<hbm>> -> memref<80x128xi32, #tpu.memory_space<hbm>>
      %dma_start3A_24 = arith.constant 0 : i32
      %dma_start3A_25 = tpu.memref_slice %arg4[%mul3A_2, %dma_start3A_24] : memref<1280x128xi32, #tpu.memory_space<hbm>> -> memref<80x128xi32, #tpu.memory_space<hbm>>
      tpu.enqueue_dma source(%dma_start3A_25 : memref<80x128xi32, #tpu.memory_space<hbm>>) target(%arg8 : memref<80x128xi32, #tpu.memory_space<vmem>>) target_semaphore(%run_scoped3A : memref<!tpu.dma_semaphore, #tpu.memory_space<semaphore_mem>>)
      %dma_wait3A = arith.constant 0 : i32
      %dma_wait3A_26 = tpu.memref_slice %arg4[%mul3A_2, %dma_wait3A] : memref<1280x128xi32, #tpu.memory_space<hbm>> -> memref<80x128xi32, #tpu.memory_space<hbm>>
      %dma_wait3A_27 = arith.constant 0 : i32
      %dma_wait3A_28 = tpu.memref_slice %arg4[%mul3A_2, %dma_wait3A_27] : memref<1280x128xi32, #tpu.memory_space<hbm>> -> memref<80x128xi32, #tpu.memory_space<hbm>>
      tpu.wait_dma2 semaphore(%run_scoped3A : memref<!tpu.dma_semaphore, #tpu.memory_space<semaphore_mem>>) src(%dma_wait3A_28 : memref<80x128xi32, #tpu.memory_space<hbm>>) dst(%arg8 : memref<80x128xi32, #tpu.memory_space<vmem>>)
      tpu.yield
    }) : () -> ()
    %mul3A_3 = arith.constant 10000 : i32
    %mul3A_4 = arith.muli %arg0, %mul3A_3 : i32
    %scan3A = arith.constant 0 : i32
    %scan3A_5 = arith.constant 80 : i32
    %scan3A_6 = arith.addi %scan3A, %scan3A_5 : i32
    %scan3A_7 = arith.constant 1 : i32
    scf.for %scan3A_23 = %scan3A to %scan3A_6 step %scan3A_7  : i32 {
      %get3A = arith.index_cast %scan3A_23 : i32 to index
      %get3A_24 = arith.constant 0 : index
      %get3A_25 = tpu.vector_load %arg7[%get3A, %get3A_24] {strides = array<i32>} : memref<80x128xi32, #tpu.memory_space<vmem>>, vector<1x16xi32>,
      %get3A_26 = vector.shape_cast %get3A_25 : vector<1x16xi32> to vector<16xi32>
      %add3A_27 = vector.broadcast %mul3A_4 : i32 to vector<16xi32>
      %add3A_28 = arith.addi %get3A_26, %add3A_27 : vector<16xi32>
      %swap3A = arith.index_cast %scan3A_23 : i32 to index
      %swap3A_29 = arith.constant 0 : index
      %swap3A_30 = tpu.vector_load %arg7[%swap3A, %swap3A_29] {strides = array<i32>} : memref<80x128xi32, #tpu.memory_space<vmem>>, vector<1x16xi32>,
      %swap3A_31 = vector.shape_cast %swap3A_30 : vector<1x16xi32> to vector<16xi32>
      %swap3A_32 = vector.shape_cast %add3A_28 : vector<16xi32> to vector<1x16xi32>
      tpu.vector_store %arg7[%swap3A, %swap3A_29], %swap3A_32 {strides = array<i32>} : memref<80x128xi32, #tpu.memory_space<vmem>>, vector<1x16xi32>,
      %get3A_33 = arith.index_cast %scan3A_23 : i32 to index
      %get3A_34 = arith.constant 16 : index
      %get3A_35 = tpu.vector_load %arg7[%get3A_33, %get3A_34] {strides = array<i32>} : memref<80x128xi32, #tpu.memory_space<vmem>>, vector<1x16xi32>,
      %get3A_36 = vector.shape_cast %get3A_35 : vector<1x16xi32> to vector<16xi32>
      %add3A_37 = vector.broadcast %mul3A_4 : i32 to vector<16xi32>
      %add3A_38 = arith.addi %get3A_36, %add3A_37 : vector<16xi32>
      %swap3A_39 = arith.index_cast %scan3A_23 : i32 to index
      %swap3A_40 = arith.constant 16 : index
      %swap3A_41 = tpu.vector_load %arg7[%swap3A_39, %swap3A_40] {strides = array<i32>} : memref<80x128xi32, #tpu.memory_space<vmem>>, vector<1x16xi32>,
      %swap3A_42 = vector.shape_cast %swap3A_41 : vector<1x16xi32> to vector<16xi32>
      %swap3A_43 = vector.shape_cast %add3A_38 : vector<16xi32> to vector<1x16xi32>
      tpu.vector_store %arg7[%swap3A_39, %swap3A_40], %swap3A_43 {strides = array<i32>} : memref<80x128xi32, #tpu.memory_space<vmem>>, vector<1x16xi32>,
      %get3A_44 = arith.index_cast %scan3A_23 : i32 to index
      %get3A_45 = arith.constant 32 : index
      %get3A_46 = tpu.vector_load %arg7[%get3A_44, %get3A_45] {strides = array<i32>} : memref<80x128xi32, #tpu.memory_space<vmem>>, vector<1x16xi32>,
      %get3A_47 = vector.shape_cast %get3A_46 : vector<1x16xi32> to vector<16xi32>
      %add3A_48 = vector.broadcast %mul3A_4 : i32 to vector<16xi32>
      %add3A_49 = arith.addi %get3A_47, %add3A_48 : vector<16xi32>
      %swap3A_50 = arith.index_cast %scan3A_23 : i32 to index
      %swap3A_51 = arith.constant 32 : index
      %swap3A_52 = tpu.vector_load %arg7[%swap3A_50, %swap3A_51] {strides = array<i32>} : memref<80x128xi32, #tpu.memory_space<vmem>>, vector<1x16xi32>,
      %swap3A_53 = vector.shape_cast %swap3A_52 : vector<1x16xi32> to vector<16xi32>
      %swap3A_54 = vector.shape_cast %add3A_49 : vector<16xi32> to vector<1x16xi32>
      tpu.vector_store %arg7[%swap3A_50, %swap3A_51], %swap3A_54 {strides = array<i32>} : memref<80x128xi32, #tpu.memory_space<vmem>>, vector<1x16xi32>,
      %get3A_55 = arith.index_cast %scan3A_23 : i32 to index
      %get3A_56 = arith.constant 48 : index
      %get3A_57 = tpu.vector_load %arg7[%get3A_55, %get3A_56] {strides = array<i32>} : memref<80x128xi32, #tpu.memory_space<vmem>>, vector<1x16xi32>,
      %get3A_58 = vector.shape_cast %get3A_57 : vector<1x16xi32> to vector<16xi32>
      %add3A_59 = vector.broadcast %mul3A_4 : i32 to vector<16xi32>
      %add3A_60 = arith.addi %get3A_58, %add3A_59 : vector<16xi32>
      %swap3A_61 = arith.index_cast %scan3A_23 : i32 to index
      %swap3A_62 = arith.constant 48 : index
      %swap3A_63 = tpu.vector_load %arg7[%swap3A_61, %swap3A_62] {strides = array<i32>} : memref<80x128xi32, #tpu.memory_space<vmem>>, vector<1x16xi32>,
      %swap3A_64 = vector.shape_cast %swap3A_63 : vector<1x16xi32> to vector<16xi32>
      %swap3A_65 = vector.shape_cast %add3A_60 : vector<16xi32> to vector<1x16xi32>
      tpu.vector_store %arg7[%swap3A_61, %swap3A_62], %swap3A_65 {strides = array<i32>} : memref<80x128xi32, #tpu.memory_space<vmem>>, vector<1x16xi32>,
      %get3A_66 = arith.index_cast %scan3A_23 : i32 to index
      %get3A_67 = arith.constant 64 : index
      %get3A_68 = tpu.vector_load %arg7[%get3A_66, %get3A_67] {strides = array<i32>} : memref<80x128xi32, #tpu.memory_space<vmem>>, vector<1x16xi32>,
      %get3A_69 = vector.shape_cast %get3A_68 : vector<1x16xi32> to vector<16xi32>
      %add3A_70 = vector.broadcast %mul3A_4 : i32 to vector<16xi32>
      %add3A_71 = arith.addi %get3A_69, %add3A_70 : vector<16xi32>
      %swap3A_72 = arith.index_cast %scan3A_23 : i32 to index
      %swap3A_73 = arith.constant 64 : index
      %swap3A_74 = tpu.vector_load %arg7[%swap3A_72, %swap3A_73] {strides = array<i32>} : memref<80x128xi32, #tpu.memory_space<vmem>>, vector<1x16xi32>,
      %swap3A_75 = vector.shape_cast %swap3A_74 : vector<1x16xi32> to vector<16xi32>
      %swap3A_76 = vector.shape_cast %add3A_71 : vector<16xi32> to vector<1x16xi32>
      tpu.vector_store %arg7[%swap3A_72, %swap3A_73], %swap3A_76 {strides = array<i32>} : memref<80x128xi32, #tpu.memory_space<vmem>>, vector<1x16xi32>,
      %get3A_77 = arith.index_cast %scan3A_23 : i32 to index
      %get3A_78 = arith.constant 80 : index
      %get3A_79 = tpu.vector_load %arg7[%get3A_77, %get3A_78] {strides = array<i32>} : memref<80x128xi32, #tpu.memory_space<vmem>>, vector<1x16xi32>,
      %get3A_80 = vector.shape_cast %get3A_79 : vector<1x16xi32> to vector<16xi32>
      %add3A_81 = vector.broadcast %mul3A_4 : i32 to vector<16xi32>
      %add3A_82 = arith.addi %get3A_80, %add3A_81 : vector<16xi32>
      %swap3A_83 = arith.index_cast %scan3A_23 : i32 to index
      %swap3A_84 = arith.constant 80 : index
      %swap3A_85 = tpu.vector_load %arg7[%swap3A_83, %swap3A_84] {strides = array<i32>} : memref<80x128xi32, #tpu.memory_space<vmem>>, vector<1x16xi32>,
      %swap3A_86 = vector.shape_cast %swap3A_85 : vector<1x16xi32> to vector<16xi32>
      %swap3A_87 = vector.shape_cast %add3A_82 : vector<16xi32> to vector<1x16xi32>
      tpu.vector_store %arg7[%swap3A_83, %swap3A_84], %swap3A_87 {strides = array<i32>} : memref<80x128xi32, #tpu.memory_space<vmem>>, vector<1x16xi32>,
      %get3A_88 = arith.index_cast %scan3A_23 : i32 to index
      %get3A_89 = arith.constant 96 : index
      %get3A_90 = tpu.vector_load %arg7[%get3A_88, %get3A_89] {strides = array<i32>} : memref<80x128xi32, #tpu.memory_space<vmem>>, vector<1x16xi32>,
      %get3A_91 = vector.shape_cast %get3A_90 : vector<1x16xi32> to vector<16xi32>
      %add3A_92 = vector.broadcast %mul3A_4 : i32 to vector<16xi32>
      %add3A_93 = arith.addi %get3A_91, %add3A_92 : vector<16xi32>
      %swap3A_94 = arith.index_cast %scan3A_23 : i32 to index
      %swap3A_95 = arith.constant 96 : index
      %swap3A_96 = tpu.vector_load %arg7[%swap3A_94, %swap3A_95] {strides = array<i32>} : memref<80x128xi32, #tpu.memory_space<vmem>>, vector<1x16xi32>,
      %swap3A_97 = vector.shape_cast %swap3A_96 : vector<1x16xi32> to vector<16xi32>
      %swap3A_98 = vector.shape_cast %add3A_93 : vector<16xi32> to vector<1x16xi32>
      tpu.vector_store %arg7[%swap3A_94, %swap3A_95], %swap3A_98 {strides = array<i32>} : memref<80x128xi32, #tpu.memory_space<vmem>>, vector<1x16xi32>,
      %get3A_99 = arith.index_cast %scan3A_23 : i32 to index
      %get3A_100 = arith.constant 112 : index
      %get3A_101 = tpu.vector_load %arg7[%get3A_99, %get3A_100] {strides = array<i32>} : memref<80x128xi32, #tpu.memory_space<vmem>>, vector<1x16xi32>,
      %get3A_102 = vector.shape_cast %get3A_101 : vector<1x16xi32> to vector<16xi32>
      %add3A_103 = vector.broadcast %mul3A_4 : i32 to vector<16xi32>
      %add3A_104 = arith.addi %get3A_102, %add3A_103 : vector<16xi32>
      %swap3A_105 = arith.index_cast %scan3A_23 : i32 to index
      %swap3A_106 = arith.constant 112 : index
      %swap3A_107 = tpu.vector_load %arg7[%swap3A_105, %swap3A_106] {strides = array<i32>} : memref<80x128xi32, #tpu.memory_space<vmem>>, vector<1x16xi32>,
      %swap3A_108 = vector.shape_cast %swap3A_107 : vector<1x16xi32> to vector<16xi32>
      %swap3A_109 = vector.shape_cast %add3A_104 : vector<16xi32> to vector<1x16xi32>
      tpu.vector_store %arg7[%swap3A_105, %swap3A_106], %swap3A_109 {strides = array<i32>} : memref<80x128xi32, #tpu.memory_space<vmem>>, vector<1x16xi32>,
    }
    %scan3A_8 = arith.constant 80 : i32
    %scan3A_9 = arith.constant 0 : i32
    %scan3A_10 = arith.constant 80 : i32
    %scan3A_11 = arith.addi %scan3A_9, %scan3A_10 : i32
    %scan3A_12 = arith.constant 1 : i32
    scf.for %scan3A_23 = %scan3A_9 to %scan3A_11 step %scan3A_12  : i32 {
      %dma_start3A = arith.constant 0 : i32
      %dma_start3A_24 = tpu.memref_slice %arg7[%scan3A_23, %dma_start3A] : memref<80x128xi32, #tpu.memory_space<vmem>> -> memref<1x128xi32, #tpu.memory_space<vmem>>
      %dma_start3A_25 = tpu.memref_squeeze %dma_start3A_24 : memref<1x128xi32, #tpu.memory_space<vmem>> -> memref<128xi32, #tpu.memory_space<vmem>>
      %dma_start3A_26 = arith.constant 0 : i32
      %dma_start3A_27 = arith.constant 0 : i32
      %dma_start3A_28 = tpu.memref_slice %arg2[%dma_start3A_26, %dma_start3A_27] : memref<20000x128xf32, #tpu.memory_space<hbm>> -> memref<20000x128xf32, #tpu.memory_space<hbm>>
      tpu.enqueue_indirect_dma source(%dma_start3A_28 : memref<20000x128xf32, #tpu.memory_space<hbm>>) target(%arg9 : memref<128x128xf32, #tpu.memory_space<vmem>>) offsets(%dma_start3A_25 : memref<128xi32, #tpu.memory_space<vmem>>) semaphore(%arg11 : memref<!tpu.dma_semaphore, #tpu.memory_space<semaphore_mem>>)
      %dma_wait3A = arith.constant 0 : i32
      %dma_wait3A_29 = tpu.memref_slice %arg7[%scan3A_23, %dma_wait3A] : memref<80x128xi32, #tpu.memory_space<vmem>> -> memref<1x128xi32, #tpu.memory_space<vmem>>
      %dma_wait3A_30 = tpu.memref_squeeze %dma_wait3A_29 : memref<1x128xi32, #tpu.memory_space<vmem>> -> memref<128xi32, #tpu.memory_space<vmem>>
      %dma_wait3A_31 = arith.constant 0 : i32
      %dma_wait3A_32 = arith.constant 0 : i32
      %dma_wait3A_33 = tpu.memref_slice %arg2[%dma_wait3A_31, %dma_wait3A_32] : memref<20000x128xf32, #tpu.memory_space<hbm>> -> memref<20000x128xf32, #tpu.memory_space<hbm>>
      tpu.wait_indirect_dma semaphore(%arg11 : memref<!tpu.dma_semaphore, #tpu.memory_space<semaphore_mem>>) src(%dma_wait3A_33 : memref<20000x128xf32, #tpu.memory_space<hbm>>) dst(%arg9 : memref<128x128xf32, #tpu.memory_space<vmem>>)
      "tpu.region"() ({
        %run_scoped3A = tpu.sem_alloc : memref<!tpu.dma_semaphore, #tpu.memory_space<semaphore_mem>>
        %dma_start3A_34 = arith.constant 0 : i32
        %dma_start3A_35 = tpu.memref_slice %arg8[%scan3A_23, %dma_start3A_34] : memref<80x128xi32, #tpu.memory_space<vmem>> -> memref<1x128xi32, #tpu.memory_space<vmem>>
        %dma_start3A_36 = tpu.memref_squeeze %dma_start3A_35 : memref<1x128xi32, #tpu.memory_space<vmem>> -> memref<128xi32, #tpu.memory_space<vmem>>
        %dma_start3A_37 = arith.constant 0 : i32
        %dma_start3A_38 = arith.constant 0 : i32
        %dma_start3A_39 = tpu.memref_slice %arg10[%dma_start3A_37, %dma_start3A_38] : memref<10112x128xf32, #tpu.memory_space<vmem_shared>> -> memref<10112x128xf32, #tpu.memory_space<vmem_shared>>
        tpu.enqueue_indirect_dma source(%arg9 : memref<128x128xf32, #tpu.memory_space<vmem>>) target(%dma_start3A_39 : memref<10112x128xf32, #tpu.memory_space<vmem_shared>>) offsets(%dma_start3A_36 : memref<128xi32, #tpu.memory_space<vmem>>) semaphore(%run_scoped3A : memref<!tpu.dma_semaphore, #tpu.memory_space<semaphore_mem>>) {add = true}
        %dma_wait3A_40 = arith.constant 0 : i32
        %dma_wait3A_41 = tpu.memref_slice %arg8[%scan3A_23, %dma_wait3A_40] : memref<80x128xi32, #tpu.memory_space<vmem>> -> memref<1x128xi32, #tpu.memory_space<vmem>>
        %dma_wait3A_42 = tpu.memref_squeeze %dma_wait3A_41 : memref<1x128xi32, #tpu.memory_space<vmem>> -> memref<128xi32, #tpu.memory_space<vmem>>
        %dma_wait3A_43 = arith.constant 0 : i32
        %dma_wait3A_44 = arith.constant 0 : i32
        %dma_wait3A_45 = tpu.memref_slice %arg10[%dma_wait3A_43, %dma_wait3A_44] : memref<10112x128xf32, #tpu.memory_space<vmem_shared>> -> memref<10112x128xf32, #tpu.memory_space<vmem_shared>>
        tpu.wait_indirect_dma semaphore(%run_scoped3A : memref<!tpu.dma_semaphore, #tpu.memory_space<semaphore_mem>>) src(%arg9 : memref<128x128xf32, #tpu.memory_space<vmem>>) dst(%dma_wait3A_45 : memref<10112x128xf32, #tpu.memory_space<vmem_shared>>)
        tpu.yield
      }) : () -> ()
    }
    %scan3A_13 = arith.constant 80 : i32
    %barrier3A_14 = arith.constant 0 : index
    tpu.barrier barrier_id(%barrier3A_14)
    %mul3A_15 = arith.constant 624 : i32
    %mul3A_16 = arith.muli %arg1, %mul3A_15 : i32
    %mul3A_17 = arith.constant 10000 : i32
    %mul3A_18 = arith.muli %arg0, %mul3A_17 : i32
    %mul3A_19 = arith.constant 624 : i32
    %mul3A_20 = arith.muli %arg1, %mul3A_19 : i32
    %add3A = arith.addi %mul3A_18, %mul3A_20 : i32
    "tpu.region"() ({
      %run_scoped3A = tpu.sem_alloc : memref<!tpu.dma_semaphore, #tpu.memory_space<semaphore_mem>>
      %dma_start3A = arith.constant 0 : i32
      %dma_start3A_23 = tpu.memref_slice %arg6[%add3A, %dma_start3A] : memref<20000x128xf32, #tpu.memory_space<hbm>> -> memref<624x128xf32, #tpu.memory_space<hbm>>
      %dma_start3A_24 = arith.constant 0 : i32
      %dma_start3A_25 = tpu.memref_slice %arg10[%mul3A_16, %dma_start3A_24] : memref<10112x128xf32, #tpu.memory_space<vmem_shared>> -> memref<624x128xf32, #tpu.memory_space<vmem_shared>>
      tpu.enqueue_dma source(%dma_start3A_25 : memref<624x128xf32, #tpu.memory_space<vmem_shared>>) target(%dma_start3A_23 : memref<624x128xf32, #tpu.memory_space<hbm>>) target_semaphore(%run_scoped3A : memref<!tpu.dma_semaphore, #tpu.memory_space<semaphore_mem>>)
      %dma_wait3A = arith.constant 0 : i32
      %dma_wait3A_26 = tpu.memref_slice %arg6[%add3A, %dma_wait3A] : memref<20000x128xf32, #tpu.memory_space<hbm>> -> memref<624x128xf32, #tpu.memory_space<hbm>>
      %dma_wait3A_27 = arith.constant 0 : i32
      %dma_wait3A_28 = tpu.memref_slice %arg10[%mul3A_16, %dma_wait3A_27] : memref<10112x128xf32, #tpu.memory_space<vmem_shared>> -> memref<624x128xf32, #tpu.memory_space<vmem_shared>>
      tpu.wait_dma2 semaphore(%run_scoped3A : memref<!tpu.dma_semaphore, #tpu.memory_space<semaphore_mem>>) src(%dma_wait3A_28 : memref<624x128xf32, #tpu.memory_space<vmem_shared>>) dst(%dma_wait3A_26 : memref<624x128xf32, #tpu.memory_space<hbm>>)
      tpu.yield
    }) : () -> ()
    %eq3A = arith.constant 15 : i32
    %eq3A_21 = arith.cmpi eq, %arg1, %eq3A : i32
    %convert_element_type3A = arith.extui %eq3A_21 : i1 to i32
    %cond3A = arith.constant 0 : i32
    %cond3A_22 = arith.cmpi ne, %convert_element_type3A, %cond3A : i32
    scf.if %cond3A_22 {
      %mul3A_23 = arith.constant 10000 : i32
      %mul3A_24 = arith.muli %arg0, %mul3A_23 : i32
      %add3A_25 = arith.constant 9984 : i32
      %add3A_26 = arith.addi %mul3A_24, %add3A_25 : i32
      "tpu.region"() ({
        %run_scoped3A = tpu.sem_alloc : memref<!tpu.dma_semaphore, #tpu.memory_space<semaphore_mem>>
        %dma_start3A = arith.constant 0 : i32
        %dma_start3A_27 = tpu.memref_slice %arg6[%add3A_26, %dma_start3A] : memref<20000x128xf32, #tpu.memory_space<hbm>> -> memref<16x128xf32, #tpu.memory_space<hbm>>
        %dma_start3A_28 = arith.constant 9984 : i32
        %dma_start3A_29 = arith.constant 0 : i32
        %dma_start3A_30 = tpu.memref_slice %arg10[%dma_start3A_28, %dma_start3A_29] : memref<10112x128xf32, #tpu.memory_space<vmem_shared>> -> memref<16x128xf32, #tpu.memory_space<vmem_shared>>
        tpu.enqueue_dma source(%dma_start3A_30 : memref<16x128xf32, #tpu.memory_space<vmem_shared>>) target(%dma_start3A_27 : memref<16x128xf32, #tpu.memory_space<hbm>>) target_semaphore(%run_scoped3A : memref<!tpu.dma_semaphore, #tpu.memory_space<semaphore_mem>>)
        %dma_wait3A = arith.constant 0 : i32
        %dma_wait3A_31 = tpu.memref_slice %arg6[%add3A_26, %dma_wait3A] : memref<20000x128xf32, #tpu.memory_space<hbm>> -> memref<16x128xf32, #tpu.memory_space<hbm>>
        %dma_wait3A_32 = arith.constant 9984 : i32
        %dma_wait3A_33 = arith.constant 0 : i32
        %dma_wait3A_34 = tpu.memref_slice %arg10[%dma_wait3A_32, %dma_wait3A_33] : memref<10112x128xf32, #tpu.memory_space<vmem_shared>> -> memref<16x128xf32, #tpu.memory_space<vmem_shared>>
        tpu.wait_dma2 semaphore(%run_scoped3A : memref<!tpu.dma_semaphore, #tpu.memory_space<semaphore_mem>>) src(%dma_wait3A_34 : memref<16x128xf32, #tpu.memory_space<vmem_shared>>) dst(%dma_wait3A_31 : memref<16x128xf32, #tpu.memory_space<hbm>>)
        tpu.yield
      }) : () -> ()
    } else {
    }
    return
  }
}

#map = affine_map<(d0, d1) -> (0, 0)>
module attributes {stable_mosaic.version = 14 : i64} {
  func.func @sc_agg(%arg0: i32, %arg1: i32, %arg2: memref<20000x128xf32, #tpu.memory_space<hbm>>, %arg3: memref<1280x128xi32, #tpu.memory_space<hbm>>, %arg4: memref<1280x128xi32, #tpu.memory_space<hbm>>, %arg5: memref<632x128xf32, #tpu.memory_space<hbm>>, %arg6: memref<20000x128xf32, #tpu.memory_space<hbm>>, %arg7: memref<80x128xi32, #tpu.memory_space<vmem>>, %arg8: memref<80x128xi32, #tpu.memory_space<vmem>>, %arg9: memref<128x128xf32, #tpu.memory_space<vmem>>, %arg10: memref<10112x128xf32, #tpu.memory_space<vmem_shared>>, %arg11: memref<!tpu.dma_semaphore, #tpu.memory_space<semaphore_mem>>) attributes {dimension_semantics = [#tpu.dimension_semantics<core_parallel>, #tpu.dimension_semantics<subcore_parallel>], iteration_bounds = array<i64: 2, 16>, scalar_prefetch = 0 : i64, scratch_operands = 5 : i64, tpu.core_type = #tpu.core_type<sc_vector_subcore>, window_params = [{transform_indices = #map}, {transform_indices = #map}, {transform_indices = #map}, {transform_indices = #map}, {transform_indices = #map}]} {
    %mul3A = arith.constant 632 : i32
    %mul3A_0 = arith.muli %arg1, %mul3A : i32
    "tpu.region"() ({
      %run_scoped3A = tpu.sem_alloc : memref<!tpu.dma_semaphore, #tpu.memory_space<semaphore_mem>>
      %dma_start3A = arith.constant 0 : i32
      %dma_start3A_23 = tpu.memref_slice %arg10[%mul3A_0, %dma_start3A] : memref<10112x128xf32, #tpu.memory_space<vmem_shared>> -> memref<632x128xf32, #tpu.memory_space<vmem_shared>>
      %dma_start3A_24 = arith.constant 0 : i32
      %dma_start3A_25 = arith.constant 0 : i32
      %dma_start3A_26 = tpu.memref_slice %arg5[%dma_start3A_24, %dma_start3A_25] : memref<632x128xf32, #tpu.memory_space<hbm>> -> memref<632x128xf32, #tpu.memory_space<hbm>>
      tpu.enqueue_dma source(%dma_start3A_26 : memref<632x128xf32, #tpu.memory_space<hbm>>) target(%dma_start3A_23 : memref<632x128xf32, #tpu.memory_space<vmem_shared>>) target_semaphore(%run_scoped3A : memref<!tpu.dma_semaphore, #tpu.memory_space<semaphore_mem>>)
      %dma_wait3A = arith.constant 0 : i32
      %dma_wait3A_27 = tpu.memref_slice %arg10[%mul3A_0, %dma_wait3A] : memref<10112x128xf32, #tpu.memory_space<vmem_shared>> -> memref<632x128xf32, #tpu.memory_space<vmem_shared>>
      %dma_wait3A_28 = arith.constant 0 : i32
      %dma_wait3A_29 = arith.constant 0 : i32
      %dma_wait3A_30 = tpu.memref_slice %arg5[%dma_wait3A_28, %dma_wait3A_29] : memref<632x128xf32, #tpu.memory_space<hbm>> -> memref<632x128xf32, #tpu.memory_space<hbm>>
      tpu.wait_dma2 semaphore(%run_scoped3A : memref<!tpu.dma_semaphore, #tpu.memory_space<semaphore_mem>>) src(%dma_wait3A_30 : memref<632x128xf32, #tpu.memory_space<hbm>>) dst(%dma_wait3A_27 : memref<632x128xf32, #tpu.memory_space<vmem_shared>>)
      tpu.yield
    }) : () -> ()
    %barrier3A = arith.constant 0 : index
    tpu.barrier barrier_id(%barrier3A)
    %mul3A_1 = arith.constant 80 : i32
    %mul3A_2 = arith.muli %arg1, %mul3A_1 : i32
    "tpu.region"() ({
      %run_scoped3A = tpu.sem_alloc : memref<!tpu.dma_semaphore, #tpu.memory_space<semaphore_mem>>
      %dma_start3A = arith.constant 0 : i32
      %dma_start3A_23 = tpu.memref_slice %arg3[%mul3A_2, %dma_start3A] : memref<1280x128xi32, #tpu.memory_space<hbm>> -> memref<80x128xi32, #tpu.memory_space<hbm>>
      %dma_start3A_24 = arith.constant 0 : i32
      %dma_start3A_25 = tpu.memref_slice %arg3[%mul3A_2, %dma_start3A_24] : memref<1280x128xi32, #tpu.memory_space<hbm>> -> memref<80x128xi32, #tpu.memory_space<hbm>>
      tpu.enqueue_dma source(%dma_start3A_25 : memref<80x128xi32, #tpu.memory_space<hbm>>) target(%arg7 : memref<80x128xi32, #tpu.memory_space<vmem>>) target_semaphore(%run_scoped3A : memref<!tpu.dma_semaphore, #tpu.memory_space<semaphore_mem>>)
      %dma_wait3A = arith.constant 0 : i32
      %dma_wait3A_26 = tpu.memref_slice %arg3[%mul3A_2, %dma_wait3A] : memref<1280x128xi32, #tpu.memory_space<hbm>> -> memref<80x128xi32, #tpu.memory_space<hbm>>
      %dma_wait3A_27 = arith.constant 0 : i32
      %dma_wait3A_28 = tpu.memref_slice %arg3[%mul3A_2, %dma_wait3A_27] : memref<1280x128xi32, #tpu.memory_space<hbm>> -> memref<80x128xi32, #tpu.memory_space<hbm>>
      tpu.wait_dma2 semaphore(%run_scoped3A : memref<!tpu.dma_semaphore, #tpu.memory_space<semaphore_mem>>) src(%dma_wait3A_28 : memref<80x128xi32, #tpu.memory_space<hbm>>) dst(%arg7 : memref<80x128xi32, #tpu.memory_space<vmem>>)
      tpu.yield
    }) : () -> ()
    "tpu.region"() ({
      %run_scoped3A = tpu.sem_alloc : memref<!tpu.dma_semaphore, #tpu.memory_space<semaphore_mem>>
      %dma_start3A = arith.constant 0 : i32
      %dma_start3A_23 = tpu.memref_slice %arg4[%mul3A_2, %dma_start3A] : memref<1280x128xi32, #tpu.memory_space<hbm>> -> memref<80x128xi32, #tpu.memory_space<hbm>>
      %dma_start3A_24 = arith.constant 0 : i32
      %dma_start3A_25 = tpu.memref_slice %arg4[%mul3A_2, %dma_start3A_24] : memref<1280x128xi32, #tpu.memory_space<hbm>> -> memref<80x128xi32, #tpu.memory_space<hbm>>
      tpu.enqueue_dma source(%dma_start3A_25 : memref<80x128xi32, #tpu.memory_space<hbm>>) target(%arg8 : memref<80x128xi32, #tpu.memory_space<vmem>>) target_semaphore(%run_scoped3A : memref<!tpu.dma_semaphore, #tpu.memory_space<semaphore_mem>>)
      %dma_wait3A = arith.constant 0 : i32
      %dma_wait3A_26 = tpu.memref_slice %arg4[%mul3A_2, %dma_wait3A] : memref<1280x128xi32, #tpu.memory_space<hbm>> -> memref<80x128xi32, #tpu.memory_space<hbm>>
      %dma_wait3A_27 = arith.constant 0 : i32
      %dma_wait3A_28 = tpu.memref_slice %arg4[%mul3A_2, %dma_wait3A_27] : memref<1280x128xi32, #tpu.memory_space<hbm>> -> memref<80x128xi32, #tpu.memory_space<hbm>>
      tpu.wait_dma2 semaphore(%run_scoped3A : memref<!tpu.dma_semaphore, #tpu.memory_space<semaphore_mem>>) src(%dma_wait3A_28 : memref<80x128xi32, #tpu.memory_space<hbm>>) dst(%arg8 : memref<80x128xi32, #tpu.memory_space<vmem>>)
      tpu.yield
    }) : () -> ()
    %mul3A_3 = arith.constant 10000 : i32
    %mul3A_4 = arith.muli %arg0, %mul3A_3 : i32
    %scan3A = arith.constant 0 : i32
    %scan3A_5 = arith.constant 80 : i32
    %scan3A_6 = arith.addi %scan3A, %scan3A_5 : i32
    %scan3A_7 = arith.constant 1 : i32
    scf.for %scan3A_23 = %scan3A to %scan3A_6 step %scan3A_7  : i32 {
      %get3A = arith.index_cast %scan3A_23 : i32 to index
      %get3A_24 = arith.constant 0 : index
      %get3A_25 = tpu.vector_load %arg7[%get3A, %get3A_24] {strides = array<i32>} : memref<80x128xi32, #tpu.memory_space<vmem>>, vector<1x16xi32>,
      %get3A_26 = vector.shape_cast %get3A_25 : vector<1x16xi32> to vector<16xi32>
      %add3A_27 = vector.broadcast %mul3A_4 : i32 to vector<16xi32>
      %add3A_28 = arith.addi %get3A_26, %add3A_27 : vector<16xi32>
      %swap3A = arith.index_cast %scan3A_23 : i32 to index
      %swap3A_29 = arith.constant 0 : index
      %swap3A_30 = tpu.vector_load %arg7[%swap3A, %swap3A_29] {strides = array<i32>} : memref<80x128xi32, #tpu.memory_space<vmem>>, vector<1x16xi32>,
      %swap3A_31 = vector.shape_cast %swap3A_30 : vector<1x16xi32> to vector<16xi32>
      %swap3A_32 = vector.shape_cast %add3A_28 : vector<16xi32> to vector<1x16xi32>
      tpu.vector_store %arg7[%swap3A, %swap3A_29], %swap3A_32 {strides = array<i32>} : memref<80x128xi32, #tpu.memory_space<vmem>>, vector<1x16xi32>,
      %get3A_33 = arith.index_cast %scan3A_23 : i32 to index
      %get3A_34 = arith.constant 16 : index
      %get3A_35 = tpu.vector_load %arg7[%get3A_33, %get3A_34] {strides = array<i32>} : memref<80x128xi32, #tpu.memory_space<vmem>>, vector<1x16xi32>,
      %get3A_36 = vector.shape_cast %get3A_35 : vector<1x16xi32> to vector<16xi32>
      %add3A_37 = vector.broadcast %mul3A_4 : i32 to vector<16xi32>
      %add3A_38 = arith.addi %get3A_36, %add3A_37 : vector<16xi32>
      %swap3A_39 = arith.index_cast %scan3A_23 : i32 to index
      %swap3A_40 = arith.constant 16 : index
      %swap3A_41 = tpu.vector_load %arg7[%swap3A_39, %swap3A_40] {strides = array<i32>} : memref<80x128xi32, #tpu.memory_space<vmem>>, vector<1x16xi32>,
      %swap3A_42 = vector.shape_cast %swap3A_41 : vector<1x16xi32> to vector<16xi32>
      %swap3A_43 = vector.shape_cast %add3A_38 : vector<16xi32> to vector<1x16xi32>
      tpu.vector_store %arg7[%swap3A_39, %swap3A_40], %swap3A_43 {strides = array<i32>} : memref<80x128xi32, #tpu.memory_space<vmem>>, vector<1x16xi32>,
      %get3A_44 = arith.index_cast %scan3A_23 : i32 to index
      %get3A_45 = arith.constant 32 : index
      %get3A_46 = tpu.vector_load %arg7[%get3A_44, %get3A_45] {strides = array<i32>} : memref<80x128xi32, #tpu.memory_space<vmem>>, vector<1x16xi32>,
      %get3A_47 = vector.shape_cast %get3A_46 : vector<1x16xi32> to vector<16xi32>
      %add3A_48 = vector.broadcast %mul3A_4 : i32 to vector<16xi32>
      %add3A_49 = arith.addi %get3A_47, %add3A_48 : vector<16xi32>
      %swap3A_50 = arith.index_cast %scan3A_23 : i32 to index
      %swap3A_51 = arith.constant 32 : index
      %swap3A_52 = tpu.vector_load %arg7[%swap3A_50, %swap3A_51] {strides = array<i32>} : memref<80x128xi32, #tpu.memory_space<vmem>>, vector<1x16xi32>,
      %swap3A_53 = vector.shape_cast %swap3A_52 : vector<1x16xi32> to vector<16xi32>
      %swap3A_54 = vector.shape_cast %add3A_49 : vector<16xi32> to vector<1x16xi32>
      tpu.vector_store %arg7[%swap3A_50, %swap3A_51], %swap3A_54 {strides = array<i32>} : memref<80x128xi32, #tpu.memory_space<vmem>>, vector<1x16xi32>,
      %get3A_55 = arith.index_cast %scan3A_23 : i32 to index
      %get3A_56 = arith.constant 48 : index
      %get3A_57 = tpu.vector_load %arg7[%get3A_55, %get3A_56] {strides = array<i32>} : memref<80x128xi32, #tpu.memory_space<vmem>>, vector<1x16xi32>,
      %get3A_58 = vector.shape_cast %get3A_57 : vector<1x16xi32> to vector<16xi32>
      %add3A_59 = vector.broadcast %mul3A_4 : i32 to vector<16xi32>
      %add3A_60 = arith.addi %get3A_58, %add3A_59 : vector<16xi32>
      %swap3A_61 = arith.index_cast %scan3A_23 : i32 to index
      %swap3A_62 = arith.constant 48 : index
      %swap3A_63 = tpu.vector_load %arg7[%swap3A_61, %swap3A_62] {strides = array<i32>} : memref<80x128xi32, #tpu.memory_space<vmem>>, vector<1x16xi32>,
      %swap3A_64 = vector.shape_cast %swap3A_63 : vector<1x16xi32> to vector<16xi32>
      %swap3A_65 = vector.shape_cast %add3A_60 : vector<16xi32> to vector<1x16xi32>
      tpu.vector_store %arg7[%swap3A_61, %swap3A_62], %swap3A_65 {strides = array<i32>} : memref<80x128xi32, #tpu.memory_space<vmem>>, vector<1x16xi32>,
      %get3A_66 = arith.index_cast %scan3A_23 : i32 to index
      %get3A_67 = arith.constant 64 : index
      %get3A_68 = tpu.vector_load %arg7[%get3A_66, %get3A_67] {strides = array<i32>} : memref<80x128xi32, #tpu.memory_space<vmem>>, vector<1x16xi32>,
      %get3A_69 = vector.shape_cast %get3A_68 : vector<1x16xi32> to vector<16xi32>
      %add3A_70 = vector.broadcast %mul3A_4 : i32 to vector<16xi32>
      %add3A_71 = arith.addi %get3A_69, %add3A_70 : vector<16xi32>
      %swap3A_72 = arith.index_cast %scan3A_23 : i32 to index
      %swap3A_73 = arith.constant 64 : index
      %swap3A_74 = tpu.vector_load %arg7[%swap3A_72, %swap3A_73] {strides = array<i32>} : memref<80x128xi32, #tpu.memory_space<vmem>>, vector<1x16xi32>,
      %swap3A_75 = vector.shape_cast %swap3A_74 : vector<1x16xi32> to vector<16xi32>
      %swap3A_76 = vector.shape_cast %add3A_71 : vector<16xi32> to vector<1x16xi32>
      tpu.vector_store %arg7[%swap3A_72, %swap3A_73], %swap3A_76 {strides = array<i32>} : memref<80x128xi32, #tpu.memory_space<vmem>>, vector<1x16xi32>,
      %get3A_77 = arith.index_cast %scan3A_23 : i32 to index
      %get3A_78 = arith.constant 80 : index
      %get3A_79 = tpu.vector_load %arg7[%get3A_77, %get3A_78] {strides = array<i32>} : memref<80x128xi32, #tpu.memory_space<vmem>>, vector<1x16xi32>,
      %get3A_80 = vector.shape_cast %get3A_79 : vector<1x16xi32> to vector<16xi32>
      %add3A_81 = vector.broadcast %mul3A_4 : i32 to vector<16xi32>
      %add3A_82 = arith.addi %get3A_80, %add3A_81 : vector<16xi32>
      %swap3A_83 = arith.index_cast %scan3A_23 : i32 to index
      %swap3A_84 = arith.constant 80 : index
      %swap3A_85 = tpu.vector_load %arg7[%swap3A_83, %swap3A_84] {strides = array<i32>} : memref<80x128xi32, #tpu.memory_space<vmem>>, vector<1x16xi32>,
      %swap3A_86 = vector.shape_cast %swap3A_85 : vector<1x16xi32> to vector<16xi32>
      %swap3A_87 = vector.shape_cast %add3A_82 : vector<16xi32> to vector<1x16xi32>
      tpu.vector_store %arg7[%swap3A_83, %swap3A_84], %swap3A_87 {strides = array<i32>} : memref<80x128xi32, #tpu.memory_space<vmem>>, vector<1x16xi32>,
      %get3A_88 = arith.index_cast %scan3A_23 : i32 to index
      %get3A_89 = arith.constant 96 : index
      %get3A_90 = tpu.vector_load %arg7[%get3A_88, %get3A_89] {strides = array<i32>} : memref<80x128xi32, #tpu.memory_space<vmem>>, vector<1x16xi32>,
      %get3A_91 = vector.shape_cast %get3A_90 : vector<1x16xi32> to vector<16xi32>
      %add3A_92 = vector.broadcast %mul3A_4 : i32 to vector<16xi32>
      %add3A_93 = arith.addi %get3A_91, %add3A_92 : vector<16xi32>
      %swap3A_94 = arith.index_cast %scan3A_23 : i32 to index
      %swap3A_95 = arith.constant 96 : index
      %swap3A_96 = tpu.vector_load %arg7[%swap3A_94, %swap3A_95] {strides = array<i32>} : memref<80x128xi32, #tpu.memory_space<vmem>>, vector<1x16xi32>,
      %swap3A_97 = vector.shape_cast %swap3A_96 : vector<1x16xi32> to vector<16xi32>
      %swap3A_98 = vector.shape_cast %add3A_93 : vector<16xi32> to vector<1x16xi32>
      tpu.vector_store %arg7[%swap3A_94, %swap3A_95], %swap3A_98 {strides = array<i32>} : memref<80x128xi32, #tpu.memory_space<vmem>>, vector<1x16xi32>,
      %get3A_99 = arith.index_cast %scan3A_23 : i32 to index
      %get3A_100 = arith.constant 112 : index
      %get3A_101 = tpu.vector_load %arg7[%get3A_99, %get3A_100] {strides = array<i32>} : memref<80x128xi32, #tpu.memory_space<vmem>>, vector<1x16xi32>,
      %get3A_102 = vector.shape_cast %get3A_101 : vector<1x16xi32> to vector<16xi32>
      %add3A_103 = vector.broadcast %mul3A_4 : i32 to vector<16xi32>
      %add3A_104 = arith.addi %get3A_102, %add3A_103 : vector<16xi32>
      %swap3A_105 = arith.index_cast %scan3A_23 : i32 to index
      %swap3A_106 = arith.constant 112 : index
      %swap3A_107 = tpu.vector_load %arg7[%swap3A_105, %swap3A_106] {strides = array<i32>} : memref<80x128xi32, #tpu.memory_space<vmem>>, vector<1x16xi32>,
      %swap3A_108 = vector.shape_cast %swap3A_107 : vector<1x16xi32> to vector<16xi32>
      %swap3A_109 = vector.shape_cast %add3A_104 : vector<16xi32> to vector<1x16xi32>
      tpu.vector_store %arg7[%swap3A_105, %swap3A_106], %swap3A_109 {strides = array<i32>} : memref<80x128xi32, #tpu.memory_space<vmem>>, vector<1x16xi32>,
    }
    %scan3A_8 = arith.constant 80 : i32
    %scan3A_9 = arith.constant 0 : i32
    %scan3A_10 = arith.constant 80 : i32
    %scan3A_11 = arith.addi %scan3A_9, %scan3A_10 : i32
    %scan3A_12 = arith.constant 1 : i32
    scf.for %scan3A_23 = %scan3A_9 to %scan3A_11 step %scan3A_12  : i32 {
      %dma_start3A = arith.constant 0 : i32
      %dma_start3A_24 = tpu.memref_slice %arg7[%scan3A_23, %dma_start3A] : memref<80x128xi32, #tpu.memory_space<vmem>> -> memref<1x128xi32, #tpu.memory_space<vmem>>
      %dma_start3A_25 = tpu.memref_squeeze %dma_start3A_24 : memref<1x128xi32, #tpu.memory_space<vmem>> -> memref<128xi32, #tpu.memory_space<vmem>>
      %dma_start3A_26 = arith.constant 0 : i32
      %dma_start3A_27 = arith.constant 0 : i32
      %dma_start3A_28 = tpu.memref_slice %arg2[%dma_start3A_26, %dma_start3A_27] : memref<20000x128xf32, #tpu.memory_space<hbm>> -> memref<20000x128xf32, #tpu.memory_space<hbm>>
      tpu.enqueue_indirect_dma source(%dma_start3A_28 : memref<20000x128xf32, #tpu.memory_space<hbm>>) target(%arg9 : memref<128x128xf32, #tpu.memory_space<vmem>>) offsets(%dma_start3A_25 : memref<128xi32, #tpu.memory_space<vmem>>) semaphore(%arg11 : memref<!tpu.dma_semaphore, #tpu.memory_space<semaphore_mem>>)
      %dma_wait3A = arith.constant 0 : i32
      %dma_wait3A_29 = tpu.memref_slice %arg7[%scan3A_23, %dma_wait3A] : memref<80x128xi32, #tpu.memory_space<vmem>> -> memref<1x128xi32, #tpu.memory_space<vmem>>
      %dma_wait3A_30 = tpu.memref_squeeze %dma_wait3A_29 : memref<1x128xi32, #tpu.memory_space<vmem>> -> memref<128xi32, #tpu.memory_space<vmem>>
      %dma_wait3A_31 = arith.constant 0 : i32
      %dma_wait3A_32 = arith.constant 0 : i32
      %dma_wait3A_33 = tpu.memref_slice %arg2[%dma_wait3A_31, %dma_wait3A_32] : memref<20000x128xf32, #tpu.memory_space<hbm>> -> memref<20000x128xf32, #tpu.memory_space<hbm>>
      tpu.wait_indirect_dma semaphore(%arg11 : memref<!tpu.dma_semaphore, #tpu.memory_space<semaphore_mem>>) src(%dma_wait3A_33 : memref<20000x128xf32, #tpu.memory_space<hbm>>) dst(%arg9 : memref<128x128xf32, #tpu.memory_space<vmem>>)
      "tpu.region"() ({
        %run_scoped3A = tpu.sem_alloc : memref<!tpu.dma_semaphore, #tpu.memory_space<semaphore_mem>>
        %dma_start3A_34 = arith.constant 0 : i32
        %dma_start3A_35 = tpu.memref_slice %arg8[%scan3A_23, %dma_start3A_34] : memref<80x128xi32, #tpu.memory_space<vmem>> -> memref<1x128xi32, #tpu.memory_space<vmem>>
        %dma_start3A_36 = tpu.memref_squeeze %dma_start3A_35 : memref<1x128xi32, #tpu.memory_space<vmem>> -> memref<128xi32, #tpu.memory_space<vmem>>
        %dma_start3A_37 = arith.constant 0 : i32
        %dma_start3A_38 = arith.constant 0 : i32
        %dma_start3A_39 = tpu.memref_slice %arg10[%dma_start3A_37, %dma_start3A_38] : memref<10112x128xf32, #tpu.memory_space<vmem_shared>> -> memref<10112x128xf32, #tpu.memory_space<vmem_shared>>
        tpu.enqueue_indirect_dma source(%arg9 : memref<128x128xf32, #tpu.memory_space<vmem>>) target(%dma_start3A_39 : memref<10112x128xf32, #tpu.memory_space<vmem_shared>>) offsets(%dma_start3A_36 : memref<128xi32, #tpu.memory_space<vmem>>) semaphore(%run_scoped3A : memref<!tpu.dma_semaphore, #tpu.memory_space<semaphore_mem>>) {add = true}
        %dma_wait3A_40 = arith.constant 0 : i32
        %dma_wait3A_41 = tpu.memref_slice %arg8[%scan3A_23, %dma_wait3A_40] : memref<80x128xi32, #tpu.memory_space<vmem>> -> memref<1x128xi32, #tpu.memory_space<vmem>>
        %dma_wait3A_42 = tpu.memref_squeeze %dma_wait3A_41 : memref<1x128xi32, #tpu.memory_space<vmem>> -> memref<128xi32, #tpu.memory_space<vmem>>
        %dma_wait3A_43 = arith.constant 0 : i32
        %dma_wait3A_44 = arith.constant 0 : i32
        %dma_wait3A_45 = tpu.memref_slice %arg10[%dma_wait3A_43, %dma_wait3A_44] : memref<10112x128xf32, #tpu.memory_space<vmem_shared>> -> memref<10112x128xf32, #tpu.memory_space<vmem_shared>>
        tpu.wait_indirect_dma semaphore(%run_scoped3A : memref<!tpu.dma_semaphore, #tpu.memory_space<semaphore_mem>>) src(%arg9 : memref<128x128xf32, #tpu.memory_space<vmem>>) dst(%dma_wait3A_45 : memref<10112x128xf32, #tpu.memory_space<vmem_shared>>)
        tpu.yield
      }) : () -> ()
    }
    %scan3A_13 = arith.constant 80 : i32
    %barrier3A_14 = arith.constant 0 : index
    tpu.barrier barrier_id(%barrier3A_14)
    %mul3A_15 = arith.constant 624 : i32
    %mul3A_16 = arith.muli %arg1, %mul3A_15 : i32
    %mul3A_17 = arith.constant 10000 : i32
    %mul3A_18 = arith.muli %arg0, %mul3A_17 : i32
    %mul3A_19 = arith.constant 624 : i32
    %mul3A_20 = arith.muli %arg1, %mul3A_19 : i32
    %add3A = arith.addi %mul3A_18, %mul3A_20 : i32
    "tpu.region"() ({
      %run_scoped3A = tpu.sem_alloc : memref<!tpu.dma_semaphore, #tpu.memory_space<semaphore_mem>>
      %dma_start3A = arith.constant 0 : i32
      %dma_start3A_23 = tpu.memref_slice %arg6[%add3A, %dma_start3A] : memref<20000x128xf32, #tpu.memory_space<hbm>> -> memref<624x128xf32, #tpu.memory_space<hbm>>
      %dma_start3A_24 = arith.constant 0 : i32
      %dma_start3A_25 = tpu.memref_slice %arg10[%mul3A_16, %dma_start3A_24] : memref<10112x128xf32, #tpu.memory_space<vmem_shared>> -> memref<624x128xf32, #tpu.memory_space<vmem_shared>>
      tpu.enqueue_dma source(%dma_start3A_25 : memref<624x128xf32, #tpu.memory_space<vmem_shared>>) target(%dma_start3A_23 : memref<624x128xf32, #tpu.memory_space<hbm>>) target_semaphore(%run_scoped3A : memref<!tpu.dma_semaphore, #tpu.memory_space<semaphore_mem>>)
      %dma_wait3A = arith.constant 0 : i32
      %dma_wait3A_26 = tpu.memref_slice %arg6[%add3A, %dma_wait3A] : memref<20000x128xf32, #tpu.memory_space<hbm>> -> memref<624x128xf32, #tpu.memory_space<hbm>>
      %dma_wait3A_27 = arith.constant 0 : i32
      %dma_wait3A_28 = tpu.memref_slice %arg10[%mul3A_16, %dma_wait3A_27] : memref<10112x128xf32, #tpu.memory_space<vmem_shared>> -> memref<624x128xf32, #tpu.memory_space<vmem_shared>>
      tpu.wait_dma2 semaphore(%run_scoped3A : memref<!tpu.dma_semaphore, #tpu.memory_space<semaphore_mem>>) src(%dma_wait3A_28 : memref<624x128xf32, #tpu.memory_space<vmem_shared>>) dst(%dma_wait3A_26 : memref<624x128xf32, #tpu.memory_space<hbm>>)
      tpu.yield
    }) : () -> ()
    %eq3A = arith.constant 15 : i32
    %eq3A_21 = arith.cmpi eq, %arg1, %eq3A : i32
    %convert_element_type3A = arith.extui %eq3A_21 : i1 to i32
    %cond3A = arith.constant 0 : i32
    %cond3A_22 = arith.cmpi ne, %convert_element_type3A, %cond3A : i32
    scf.if %cond3A_22 {
      %mul3A_23 = arith.constant 10000 : i32
      %mul3A_24 = arith.muli %arg0, %mul3A_23 : i32
      %add3A_25 = arith.constant 9984 : i32
      %add3A_26 = arith.addi %mul3A_24, %add3A_25 : i32
      "tpu.region"() ({
        %run_scoped3A = tpu.sem_alloc : memref<!tpu.dma_semaphore, #tpu.memory_space<semaphore_mem>>
        %dma_start3A = arith.constant 0 : i32
        %dma_start3A_27 = tpu.memref_slice %arg6[%add3A_26, %dma_start3A] : memref<20000x128xf32, #tpu.memory_space<hbm>> -> memref<16x128xf32, #tpu.memory_space<hbm>>
        %dma_start3A_28 = arith.constant 9984 : i32
        %dma_start3A_29 = arith.constant 0 : i32
        %dma_start3A_30 = tpu.memref_slice %arg10[%dma_start3A_28, %dma_start3A_29] : memref<10112x128xf32, #tpu.memory_space<vmem_shared>> -> memref<16x128xf32, #tpu.memory_space<vmem_shared>>
        tpu.enqueue_dma source(%dma_start3A_30 : memref<16x128xf32, #tpu.memory_space<vmem_shared>>) target(%dma_start3A_27 : memref<16x128xf32, #tpu.memory_space<hbm>>) target_semaphore(%run_scoped3A : memref<!tpu.dma_semaphore, #tpu.memory_space<semaphore_mem>>)
        %dma_wait3A = arith.constant 0 : i32
        %dma_wait3A_31 = tpu.memref_slice %arg6[%add3A_26, %dma_wait3A] : memref<20000x128xf32, #tpu.memory_space<hbm>> -> memref<16x128xf32, #tpu.memory_space<hbm>>
        %dma_wait3A_32 = arith.constant 9984 : i32
        %dma_wait3A_33 = arith.constant 0 : i32
        %dma_wait3A_34 = tpu.memref_slice %arg10[%dma_wait3A_32, %dma_wait3A_33] : memref<10112x128xf32, #tpu.memory_space<vmem_shared>> -> memref<16x128xf32, #tpu.memory_space<vmem_shared>>
        tpu.wait_dma2 semaphore(%run_scoped3A : memref<!tpu.dma_semaphore, #tpu.memory_space<semaphore_mem>>) src(%dma_wait3A_34 : memref<16x128xf32, #tpu.memory_space<vmem_shared>>) dst(%dma_wait3A_31 : memref<16x128xf32, #tpu.memory_space<hbm>>)
        tpu.yield
      }) : () -> ()
    } else {
    }
    return
  }
}

#map = affine_map<(d0, d1) -> (0, 0)>
module attributes {stable_mosaic.version = 14 : i64} {
  func.func @sc_agg(%arg0: i32, %arg1: i32, %arg2: memref<20000x128xf32, #tpu.memory_space<hbm>>, %arg3: memref<1280x128xi32, #tpu.memory_space<hbm>>, %arg4: memref<1280x128xi32, #tpu.memory_space<hbm>>, %arg5: memref<632x128xf32, #tpu.memory_space<hbm>>, %arg6: memref<20000x128xf32, #tpu.memory_space<hbm>>, %arg7: memref<80x128xi32, #tpu.memory_space<vmem>>, %arg8: memref<80x128xi32, #tpu.memory_space<vmem>>, %arg9: memref<128x128xf32, #tpu.memory_space<vmem>>, %arg10: memref<10112x128xf32, #tpu.memory_space<vmem_shared>>, %arg11: memref<!tpu.dma_semaphore, #tpu.memory_space<semaphore_mem>>) attributes {dimension_semantics = [#tpu.dimension_semantics<core_parallel>, #tpu.dimension_semantics<subcore_parallel>], iteration_bounds = array<i64: 2, 16>, scalar_prefetch = 0 : i64, scratch_operands = 5 : i64, tpu.core_type = #tpu.core_type<sc_vector_subcore>, window_params = [{transform_indices = #map}, {transform_indices = #map}, {transform_indices = #map}, {transform_indices = #map}, {transform_indices = #map}]} {
    %mul3A = arith.constant 632 : i32
    %mul3A_0 = arith.muli %arg1, %mul3A : i32
    "tpu.region"() ({
      %run_scoped3A = tpu.sem_alloc : memref<!tpu.dma_semaphore, #tpu.memory_space<semaphore_mem>>
      %dma_start3A = arith.constant 0 : i32
      %dma_start3A_23 = tpu.memref_slice %arg10[%mul3A_0, %dma_start3A] : memref<10112x128xf32, #tpu.memory_space<vmem_shared>> -> memref<632x128xf32, #tpu.memory_space<vmem_shared>>
      %dma_start3A_24 = arith.constant 0 : i32
      %dma_start3A_25 = arith.constant 0 : i32
      %dma_start3A_26 = tpu.memref_slice %arg5[%dma_start3A_24, %dma_start3A_25] : memref<632x128xf32, #tpu.memory_space<hbm>> -> memref<632x128xf32, #tpu.memory_space<hbm>>
      tpu.enqueue_dma source(%dma_start3A_26 : memref<632x128xf32, #tpu.memory_space<hbm>>) target(%dma_start3A_23 : memref<632x128xf32, #tpu.memory_space<vmem_shared>>) target_semaphore(%run_scoped3A : memref<!tpu.dma_semaphore, #tpu.memory_space<semaphore_mem>>)
      %dma_wait3A = arith.constant 0 : i32
      %dma_wait3A_27 = tpu.memref_slice %arg10[%mul3A_0, %dma_wait3A] : memref<10112x128xf32, #tpu.memory_space<vmem_shared>> -> memref<632x128xf32, #tpu.memory_space<vmem_shared>>
      %dma_wait3A_28 = arith.constant 0 : i32
      %dma_wait3A_29 = arith.constant 0 : i32
      %dma_wait3A_30 = tpu.memref_slice %arg5[%dma_wait3A_28, %dma_wait3A_29] : memref<632x128xf32, #tpu.memory_space<hbm>> -> memref<632x128xf32, #tpu.memory_space<hbm>>
      tpu.wait_dma2 semaphore(%run_scoped3A : memref<!tpu.dma_semaphore, #tpu.memory_space<semaphore_mem>>) src(%dma_wait3A_30 : memref<632x128xf32, #tpu.memory_space<hbm>>) dst(%dma_wait3A_27 : memref<632x128xf32, #tpu.memory_space<vmem_shared>>)
      tpu.yield
    }) : () -> ()
    %barrier3A = arith.constant 0 : index
    tpu.barrier barrier_id(%barrier3A)
    %mul3A_1 = arith.constant 80 : i32
    %mul3A_2 = arith.muli %arg1, %mul3A_1 : i32
    "tpu.region"() ({
      %run_scoped3A = tpu.sem_alloc : memref<!tpu.dma_semaphore, #tpu.memory_space<semaphore_mem>>
      %dma_start3A = arith.constant 0 : i32
      %dma_start3A_23 = tpu.memref_slice %arg3[%mul3A_2, %dma_start3A] : memref<1280x128xi32, #tpu.memory_space<hbm>> -> memref<80x128xi32, #tpu.memory_space<hbm>>
      %dma_start3A_24 = arith.constant 0 : i32
      %dma_start3A_25 = tpu.memref_slice %arg3[%mul3A_2, %dma_start3A_24] : memref<1280x128xi32, #tpu.memory_space<hbm>> -> memref<80x128xi32, #tpu.memory_space<hbm>>
      tpu.enqueue_dma source(%dma_start3A_25 : memref<80x128xi32, #tpu.memory_space<hbm>>) target(%arg7 : memref<80x128xi32, #tpu.memory_space<vmem>>) target_semaphore(%run_scoped3A : memref<!tpu.dma_semaphore, #tpu.memory_space<semaphore_mem>>)
      %dma_wait3A = arith.constant 0 : i32
      %dma_wait3A_26 = tpu.memref_slice %arg3[%mul3A_2, %dma_wait3A] : memref<1280x128xi32, #tpu.memory_space<hbm>> -> memref<80x128xi32, #tpu.memory_space<hbm>>
      %dma_wait3A_27 = arith.constant 0 : i32
      %dma_wait3A_28 = tpu.memref_slice %arg3[%mul3A_2, %dma_wait3A_27] : memref<1280x128xi32, #tpu.memory_space<hbm>> -> memref<80x128xi32, #tpu.memory_space<hbm>>
      tpu.wait_dma2 semaphore(%run_scoped3A : memref<!tpu.dma_semaphore, #tpu.memory_space<semaphore_mem>>) src(%dma_wait3A_28 : memref<80x128xi32, #tpu.memory_space<hbm>>) dst(%arg7 : memref<80x128xi32, #tpu.memory_space<vmem>>)
      tpu.yield
    }) : () -> ()
    "tpu.region"() ({
      %run_scoped3A = tpu.sem_alloc : memref<!tpu.dma_semaphore, #tpu.memory_space<semaphore_mem>>
      %dma_start3A = arith.constant 0 : i32
      %dma_start3A_23 = tpu.memref_slice %arg4[%mul3A_2, %dma_start3A] : memref<1280x128xi32, #tpu.memory_space<hbm>> -> memref<80x128xi32, #tpu.memory_space<hbm>>
      %dma_start3A_24 = arith.constant 0 : i32
      %dma_start3A_25 = tpu.memref_slice %arg4[%mul3A_2, %dma_start3A_24] : memref<1280x128xi32, #tpu.memory_space<hbm>> -> memref<80x128xi32, #tpu.memory_space<hbm>>
      tpu.enqueue_dma source(%dma_start3A_25 : memref<80x128xi32, #tpu.memory_space<hbm>>) target(%arg8 : memref<80x128xi32, #tpu.memory_space<vmem>>) target_semaphore(%run_scoped3A : memref<!tpu.dma_semaphore, #tpu.memory_space<semaphore_mem>>)
      %dma_wait3A = arith.constant 0 : i32
      %dma_wait3A_26 = tpu.memref_slice %arg4[%mul3A_2, %dma_wait3A] : memref<1280x128xi32, #tpu.memory_space<hbm>> -> memref<80x128xi32, #tpu.memory_space<hbm>>
      %dma_wait3A_27 = arith.constant 0 : i32
      %dma_wait3A_28 = tpu.memref_slice %arg4[%mul3A_2, %dma_wait3A_27] : memref<1280x128xi32, #tpu.memory_space<hbm>> -> memref<80x128xi32, #tpu.memory_space<hbm>>
      tpu.wait_dma2 semaphore(%run_scoped3A : memref<!tpu.dma_semaphore, #tpu.memory_space<semaphore_mem>>) src(%dma_wait3A_28 : memref<80x128xi32, #tpu.memory_space<hbm>>) dst(%arg8 : memref<80x128xi32, #tpu.memory_space<vmem>>)
      tpu.yield
    }) : () -> ()
    %mul3A_3 = arith.constant 10000 : i32
    %mul3A_4 = arith.muli %arg0, %mul3A_3 : i32
    %scan3A = arith.constant 0 : i32
    %scan3A_5 = arith.constant 80 : i32
    %scan3A_6 = arith.addi %scan3A, %scan3A_5 : i32
    %scan3A_7 = arith.constant 1 : i32
    scf.for %scan3A_23 = %scan3A to %scan3A_6 step %scan3A_7  : i32 {
      %get3A = arith.index_cast %scan3A_23 : i32 to index
      %get3A_24 = arith.constant 0 : index
      %get3A_25 = tpu.vector_load %arg7[%get3A, %get3A_24] {strides = array<i32>} : memref<80x128xi32, #tpu.memory_space<vmem>>, vector<1x16xi32>,
      %get3A_26 = vector.shape_cast %get3A_25 : vector<1x16xi32> to vector<16xi32>
      %add3A_27 = vector.broadcast %mul3A_4 : i32 to vector<16xi32>
      %add3A_28 = arith.addi %get3A_26, %add3A_27 : vector<16xi32>
      %swap3A = arith.index_cast %scan3A_23 : i32 to index
      %swap3A_29 = arith.constant 0 : index
      %swap3A_30 = tpu.vector_load %arg7[%swap3A, %swap3A_29] {strides = array<i32>} : memref<80x128xi32, #tpu.memory_space<vmem>>, vector<1x16xi32>,
      %swap3A_31 = vector.shape_cast %swap3A_30 : vector<1x16xi32> to vector<16xi32>
      %swap3A_32 = vector.shape_cast %add3A_28 : vector<16xi32> to vector<1x16xi32>
      tpu.vector_store %arg7[%swap3A, %swap3A_29], %swap3A_32 {strides = array<i32>} : memref<80x128xi32, #tpu.memory_space<vmem>>, vector<1x16xi32>,
      %get3A_33 = arith.index_cast %scan3A_23 : i32 to index
      %get3A_34 = arith.constant 16 : index
      %get3A_35 = tpu.vector_load %arg7[%get3A_33, %get3A_34] {strides = array<i32>} : memref<80x128xi32, #tpu.memory_space<vmem>>, vector<1x16xi32>,
      %get3A_36 = vector.shape_cast %get3A_35 : vector<1x16xi32> to vector<16xi32>
      %add3A_37 = vector.broadcast %mul3A_4 : i32 to vector<16xi32>
      %add3A_38 = arith.addi %get3A_36, %add3A_37 : vector<16xi32>
      %swap3A_39 = arith.index_cast %scan3A_23 : i32 to index
      %swap3A_40 = arith.constant 16 : index
      %swap3A_41 = tpu.vector_load %arg7[%swap3A_39, %swap3A_40] {strides = array<i32>} : memref<80x128xi32, #tpu.memory_space<vmem>>, vector<1x16xi32>,
      %swap3A_42 = vector.shape_cast %swap3A_41 : vector<1x16xi32> to vector<16xi32>
      %swap3A_43 = vector.shape_cast %add3A_38 : vector<16xi32> to vector<1x16xi32>
      tpu.vector_store %arg7[%swap3A_39, %swap3A_40], %swap3A_43 {strides = array<i32>} : memref<80x128xi32, #tpu.memory_space<vmem>>, vector<1x16xi32>,
      %get3A_44 = arith.index_cast %scan3A_23 : i32 to index
      %get3A_45 = arith.constant 32 : index
      %get3A_46 = tpu.vector_load %arg7[%get3A_44, %get3A_45] {strides = array<i32>} : memref<80x128xi32, #tpu.memory_space<vmem>>, vector<1x16xi32>,
      %get3A_47 = vector.shape_cast %get3A_46 : vector<1x16xi32> to vector<16xi32>
      %add3A_48 = vector.broadcast %mul3A_4 : i32 to vector<16xi32>
      %add3A_49 = arith.addi %get3A_47, %add3A_48 : vector<16xi32>
      %swap3A_50 = arith.index_cast %scan3A_23 : i32 to index
      %swap3A_51 = arith.constant 32 : index
      %swap3A_52 = tpu.vector_load %arg7[%swap3A_50, %swap3A_51] {strides = array<i32>} : memref<80x128xi32, #tpu.memory_space<vmem>>, vector<1x16xi32>,
      %swap3A_53 = vector.shape_cast %swap3A_52 : vector<1x16xi32> to vector<16xi32>
      %swap3A_54 = vector.shape_cast %add3A_49 : vector<16xi32> to vector<1x16xi32>
      tpu.vector_store %arg7[%swap3A_50, %swap3A_51], %swap3A_54 {strides = array<i32>} : memref<80x128xi32, #tpu.memory_space<vmem>>, vector<1x16xi32>,
      %get3A_55 = arith.index_cast %scan3A_23 : i32 to index
      %get3A_56 = arith.constant 48 : index
      %get3A_57 = tpu.vector_load %arg7[%get3A_55, %get3A_56] {strides = array<i32>} : memref<80x128xi32, #tpu.memory_space<vmem>>, vector<1x16xi32>,
      %get3A_58 = vector.shape_cast %get3A_57 : vector<1x16xi32> to vector<16xi32>
      %add3A_59 = vector.broadcast %mul3A_4 : i32 to vector<16xi32>
      %add3A_60 = arith.addi %get3A_58, %add3A_59 : vector<16xi32>
      %swap3A_61 = arith.index_cast %scan3A_23 : i32 to index
      %swap3A_62 = arith.constant 48 : index
      %swap3A_63 = tpu.vector_load %arg7[%swap3A_61, %swap3A_62] {strides = array<i32>} : memref<80x128xi32, #tpu.memory_space<vmem>>, vector<1x16xi32>,
      %swap3A_64 = vector.shape_cast %swap3A_63 : vector<1x16xi32> to vector<16xi32>
      %swap3A_65 = vector.shape_cast %add3A_60 : vector<16xi32> to vector<1x16xi32>
      tpu.vector_store %arg7[%swap3A_61, %swap3A_62], %swap3A_65 {strides = array<i32>} : memref<80x128xi32, #tpu.memory_space<vmem>>, vector<1x16xi32>,
      %get3A_66 = arith.index_cast %scan3A_23 : i32 to index
      %get3A_67 = arith.constant 64 : index
      %get3A_68 = tpu.vector_load %arg7[%get3A_66, %get3A_67] {strides = array<i32>} : memref<80x128xi32, #tpu.memory_space<vmem>>, vector<1x16xi32>,
      %get3A_69 = vector.shape_cast %get3A_68 : vector<1x16xi32> to vector<16xi32>
      %add3A_70 = vector.broadcast %mul3A_4 : i32 to vector<16xi32>
      %add3A_71 = arith.addi %get3A_69, %add3A_70 : vector<16xi32>
      %swap3A_72 = arith.index_cast %scan3A_23 : i32 to index
      %swap3A_73 = arith.constant 64 : index
      %swap3A_74 = tpu.vector_load %arg7[%swap3A_72, %swap3A_73] {strides = array<i32>} : memref<80x128xi32, #tpu.memory_space<vmem>>, vector<1x16xi32>,
      %swap3A_75 = vector.shape_cast %swap3A_74 : vector<1x16xi32> to vector<16xi32>
      %swap3A_76 = vector.shape_cast %add3A_71 : vector<16xi32> to vector<1x16xi32>
      tpu.vector_store %arg7[%swap3A_72, %swap3A_73], %swap3A_76 {strides = array<i32>} : memref<80x128xi32, #tpu.memory_space<vmem>>, vector<1x16xi32>,
      %get3A_77 = arith.index_cast %scan3A_23 : i32 to index
      %get3A_78 = arith.constant 80 : index
      %get3A_79 = tpu.vector_load %arg7[%get3A_77, %get3A_78] {strides = array<i32>} : memref<80x128xi32, #tpu.memory_space<vmem>>, vector<1x16xi32>,
      %get3A_80 = vector.shape_cast %get3A_79 : vector<1x16xi32> to vector<16xi32>
      %add3A_81 = vector.broadcast %mul3A_4 : i32 to vector<16xi32>
      %add3A_82 = arith.addi %get3A_80, %add3A_81 : vector<16xi32>
      %swap3A_83 = arith.index_cast %scan3A_23 : i32 to index
      %swap3A_84 = arith.constant 80 : index
      %swap3A_85 = tpu.vector_load %arg7[%swap3A_83, %swap3A_84] {strides = array<i32>} : memref<80x128xi32, #tpu.memory_space<vmem>>, vector<1x16xi32>,
      %swap3A_86 = vector.shape_cast %swap3A_85 : vector<1x16xi32> to vector<16xi32>
      %swap3A_87 = vector.shape_cast %add3A_82 : vector<16xi32> to vector<1x16xi32>
      tpu.vector_store %arg7[%swap3A_83, %swap3A_84], %swap3A_87 {strides = array<i32>} : memref<80x128xi32, #tpu.memory_space<vmem>>, vector<1x16xi32>,
      %get3A_88 = arith.index_cast %scan3A_23 : i32 to index
      %get3A_89 = arith.constant 96 : index
      %get3A_90 = tpu.vector_load %arg7[%get3A_88, %get3A_89] {strides = array<i32>} : memref<80x128xi32, #tpu.memory_space<vmem>>, vector<1x16xi32>,
      %get3A_91 = vector.shape_cast %get3A_90 : vector<1x16xi32> to vector<16xi32>
      %add3A_92 = vector.broadcast %mul3A_4 : i32 to vector<16xi32>
      %add3A_93 = arith.addi %get3A_91, %add3A_92 : vector<16xi32>
      %swap3A_94 = arith.index_cast %scan3A_23 : i32 to index
      %swap3A_95 = arith.constant 96 : index
      %swap3A_96 = tpu.vector_load %arg7[%swap3A_94, %swap3A_95] {strides = array<i32>} : memref<80x128xi32, #tpu.memory_space<vmem>>, vector<1x16xi32>,
      %swap3A_97 = vector.shape_cast %swap3A_96 : vector<1x16xi32> to vector<16xi32>
      %swap3A_98 = vector.shape_cast %add3A_93 : vector<16xi32> to vector<1x16xi32>
      tpu.vector_store %arg7[%swap3A_94, %swap3A_95], %swap3A_98 {strides = array<i32>} : memref<80x128xi32, #tpu.memory_space<vmem>>, vector<1x16xi32>,
      %get3A_99 = arith.index_cast %scan3A_23 : i32 to index
      %get3A_100 = arith.constant 112 : index
      %get3A_101 = tpu.vector_load %arg7[%get3A_99, %get3A_100] {strides = array<i32>} : memref<80x128xi32, #tpu.memory_space<vmem>>, vector<1x16xi32>,
      %get3A_102 = vector.shape_cast %get3A_101 : vector<1x16xi32> to vector<16xi32>
      %add3A_103 = vector.broadcast %mul3A_4 : i32 to vector<16xi32>
      %add3A_104 = arith.addi %get3A_102, %add3A_103 : vector<16xi32>
      %swap3A_105 = arith.index_cast %scan3A_23 : i32 to index
      %swap3A_106 = arith.constant 112 : index
      %swap3A_107 = tpu.vector_load %arg7[%swap3A_105, %swap3A_106] {strides = array<i32>} : memref<80x128xi32, #tpu.memory_space<vmem>>, vector<1x16xi32>,
      %swap3A_108 = vector.shape_cast %swap3A_107 : vector<1x16xi32> to vector<16xi32>
      %swap3A_109 = vector.shape_cast %add3A_104 : vector<16xi32> to vector<1x16xi32>
      tpu.vector_store %arg7[%swap3A_105, %swap3A_106], %swap3A_109 {strides = array<i32>} : memref<80x128xi32, #tpu.memory_space<vmem>>, vector<1x16xi32>,
    }
    %scan3A_8 = arith.constant 80 : i32
    %scan3A_9 = arith.constant 0 : i32
    %scan3A_10 = arith.constant 80 : i32
    %scan3A_11 = arith.addi %scan3A_9, %scan3A_10 : i32
    %scan3A_12 = arith.constant 1 : i32
    scf.for %scan3A_23 = %scan3A_9 to %scan3A_11 step %scan3A_12  : i32 {
      %dma_start3A = arith.constant 0 : i32
      %dma_start3A_24 = tpu.memref_slice %arg7[%scan3A_23, %dma_start3A] : memref<80x128xi32, #tpu.memory_space<vmem>> -> memref<1x128xi32, #tpu.memory_space<vmem>>
      %dma_start3A_25 = tpu.memref_squeeze %dma_start3A_24 : memref<1x128xi32, #tpu.memory_space<vmem>> -> memref<128xi32, #tpu.memory_space<vmem>>
      %dma_start3A_26 = arith.constant 0 : i32
      %dma_start3A_27 = arith.constant 0 : i32
      %dma_start3A_28 = tpu.memref_slice %arg2[%dma_start3A_26, %dma_start3A_27] : memref<20000x128xf32, #tpu.memory_space<hbm>> -> memref<20000x128xf32, #tpu.memory_space<hbm>>
      tpu.enqueue_indirect_dma source(%dma_start3A_28 : memref<20000x128xf32, #tpu.memory_space<hbm>>) target(%arg9 : memref<128x128xf32, #tpu.memory_space<vmem>>) offsets(%dma_start3A_25 : memref<128xi32, #tpu.memory_space<vmem>>) semaphore(%arg11 : memref<!tpu.dma_semaphore, #tpu.memory_space<semaphore_mem>>)
      %dma_wait3A = arith.constant 0 : i32
      %dma_wait3A_29 = tpu.memref_slice %arg7[%scan3A_23, %dma_wait3A] : memref<80x128xi32, #tpu.memory_space<vmem>> -> memref<1x128xi32, #tpu.memory_space<vmem>>
      %dma_wait3A_30 = tpu.memref_squeeze %dma_wait3A_29 : memref<1x128xi32, #tpu.memory_space<vmem>> -> memref<128xi32, #tpu.memory_space<vmem>>
      %dma_wait3A_31 = arith.constant 0 : i32
      %dma_wait3A_32 = arith.constant 0 : i32
      %dma_wait3A_33 = tpu.memref_slice %arg2[%dma_wait3A_31, %dma_wait3A_32] : memref<20000x128xf32, #tpu.memory_space<hbm>> -> memref<20000x128xf32, #tpu.memory_space<hbm>>
      tpu.wait_indirect_dma semaphore(%arg11 : memref<!tpu.dma_semaphore, #tpu.memory_space<semaphore_mem>>) src(%dma_wait3A_33 : memref<20000x128xf32, #tpu.memory_space<hbm>>) dst(%arg9 : memref<128x128xf32, #tpu.memory_space<vmem>>)
      "tpu.region"() ({
        %run_scoped3A = tpu.sem_alloc : memref<!tpu.dma_semaphore, #tpu.memory_space<semaphore_mem>>
        %dma_start3A_34 = arith.constant 0 : i32
        %dma_start3A_35 = tpu.memref_slice %arg8[%scan3A_23, %dma_start3A_34] : memref<80x128xi32, #tpu.memory_space<vmem>> -> memref<1x128xi32, #tpu.memory_space<vmem>>
        %dma_start3A_36 = tpu.memref_squeeze %dma_start3A_35 : memref<1x128xi32, #tpu.memory_space<vmem>> -> memref<128xi32, #tpu.memory_space<vmem>>
        %dma_start3A_37 = arith.constant 0 : i32
        %dma_start3A_38 = arith.constant 0 : i32
        %dma_start3A_39 = tpu.memref_slice %arg10[%dma_start3A_37, %dma_start3A_38] : memref<10112x128xf32, #tpu.memory_space<vmem_shared>> -> memref<10112x128xf32, #tpu.memory_space<vmem_shared>>
        tpu.enqueue_indirect_dma source(%arg9 : memref<128x128xf32, #tpu.memory_space<vmem>>) target(%dma_start3A_39 : memref<10112x128xf32, #tpu.memory_space<vmem_shared>>) offsets(%dma_start3A_36 : memref<128xi32, #tpu.memory_space<vmem>>) semaphore(%run_scoped3A : memref<!tpu.dma_semaphore, #tpu.memory_space<semaphore_mem>>) {add = true}
        %dma_wait3A_40 = arith.constant 0 : i32
        %dma_wait3A_41 = tpu.memref_slice %arg8[%scan3A_23, %dma_wait3A_40] : memref<80x128xi32, #tpu.memory_space<vmem>> -> memref<1x128xi32, #tpu.memory_space<vmem>>
        %dma_wait3A_42 = tpu.memref_squeeze %dma_wait3A_41 : memref<1x128xi32, #tpu.memory_space<vmem>> -> memref<128xi32, #tpu.memory_space<vmem>>
        %dma_wait3A_43 = arith.constant 0 : i32
        %dma_wait3A_44 = arith.constant 0 : i32
        %dma_wait3A_45 = tpu.memref_slice %arg10[%dma_wait3A_43, %dma_wait3A_44] : memref<10112x128xf32, #tpu.memory_space<vmem_shared>> -> memref<10112x128xf32, #tpu.memory_space<vmem_shared>>
        tpu.wait_indirect_dma semaphore(%run_scoped3A : memref<!tpu.dma_semaphore, #tpu.memory_space<semaphore_mem>>) src(%arg9 : memref<128x128xf32, #tpu.memory_space<vmem>>) dst(%dma_wait3A_45 : memref<10112x128xf32, #tpu.memory_space<vmem_shared>>)
        tpu.yield
      }) : () -> ()
    }
    %scan3A_13 = arith.constant 80 : i32
    %barrier3A_14 = arith.constant 0 : index
    tpu.barrier barrier_id(%barrier3A_14)
    %mul3A_15 = arith.constant 624 : i32
    %mul3A_16 = arith.muli %arg1, %mul3A_15 : i32
    %mul3A_17 = arith.constant 10000 : i32
    %mul3A_18 = arith.muli %arg0, %mul3A_17 : i32
    %mul3A_19 = arith.constant 624 : i32
    %mul3A_20 = arith.muli %arg1, %mul3A_19 : i32
    %add3A = arith.addi %mul3A_18, %mul3A_20 : i32
    "tpu.region"() ({
      %run_scoped3A = tpu.sem_alloc : memref<!tpu.dma_semaphore, #tpu.memory_space<semaphore_mem>>
      %dma_start3A = arith.constant 0 : i32
      %dma_start3A_23 = tpu.memref_slice %arg6[%add3A, %dma_start3A] : memref<20000x128xf32, #tpu.memory_space<hbm>> -> memref<624x128xf32, #tpu.memory_space<hbm>>
      %dma_start3A_24 = arith.constant 0 : i32
      %dma_start3A_25 = tpu.memref_slice %arg10[%mul3A_16, %dma_start3A_24] : memref<10112x128xf32, #tpu.memory_space<vmem_shared>> -> memref<624x128xf32, #tpu.memory_space<vmem_shared>>
      tpu.enqueue_dma source(%dma_start3A_25 : memref<624x128xf32, #tpu.memory_space<vmem_shared>>) target(%dma_start3A_23 : memref<624x128xf32, #tpu.memory_space<hbm>>) target_semaphore(%run_scoped3A : memref<!tpu.dma_semaphore, #tpu.memory_space<semaphore_mem>>)
      %dma_wait3A = arith.constant 0 : i32
      %dma_wait3A_26 = tpu.memref_slice %arg6[%add3A, %dma_wait3A] : memref<20000x128xf32, #tpu.memory_space<hbm>> -> memref<624x128xf32, #tpu.memory_space<hbm>>
      %dma_wait3A_27 = arith.constant 0 : i32
      %dma_wait3A_28 = tpu.memref_slice %arg10[%mul3A_16, %dma_wait3A_27] : memref<10112x128xf32, #tpu.memory_space<vmem_shared>> -> memref<624x128xf32, #tpu.memory_space<vmem_shared>>
      tpu.wait_dma2 semaphore(%run_scoped3A : memref<!tpu.dma_semaphore, #tpu.memory_space<semaphore_mem>>) src(%dma_wait3A_28 : memref<624x128xf32, #tpu.memory_space<vmem_shared>>) dst(%dma_wait3A_26 : memref<624x128xf32, #tpu.memory_space<hbm>>)
      tpu.yield
    }) : () -> ()
    %eq3A = arith.constant 15 : i32
    %eq3A_21 = arith.cmpi eq, %arg1, %eq3A : i32
    %convert_element_type3A = arith.extui %eq3A_21 : i1 to i32
    %cond3A = arith.constant 0 : i32
    %cond3A_22 = arith.cmpi ne, %convert_element_type3A, %cond3A : i32
    scf.if %cond3A_22 {
      %mul3A_23 = arith.constant 10000 : i32
      %mul3A_24 = arith.muli %arg0, %mul3A_23 : i32
      %add3A_25 = arith.constant 9984 : i32
      %add3A_26 = arith.addi %mul3A_24, %add3A_25 : i32
      "tpu.region"() ({
        %run_scoped3A = tpu.sem_alloc : memref<!tpu.dma_semaphore, #tpu.memory_space<semaphore_mem>>
        %dma_start3A = arith.constant 0 : i32
        %dma_start3A_27 = tpu.memref_slice %arg6[%add3A_26, %dma_start3A] : memref<20000x128xf32, #tpu.memory_space<hbm>> -> memref<16x128xf32, #tpu.memory_space<hbm>>
        %dma_start3A_28 = arith.constant 9984 : i32
        %dma_start3A_29 = arith.constant 0 : i32
        %dma_start3A_30 = tpu.memref_slice %arg10[%dma_start3A_28, %dma_start3A_29] : memref<10112x128xf32, #tpu.memory_space<vmem_shared>> -> memref<16x128xf32, #tpu.memory_space<vmem_shared>>
        tpu.enqueue_dma source(%dma_start3A_30 : memref<16x128xf32, #tpu.memory_space<vmem_shared>>) target(%dma_start3A_27 : memref<16x128xf32, #tpu.memory_space<hbm>>) target_semaphore(%run_scoped3A : memref<!tpu.dma_semaphore, #tpu.memory_space<semaphore_mem>>)
        %dma_wait3A = arith.constant 0 : i32
        %dma_wait3A_31 = tpu.memref_slice %arg6[%add3A_26, %dma_wait3A] : memref<20000x128xf32, #tpu.memory_space<hbm>> -> memref<16x128xf32, #tpu.memory_space<hbm>>
        %dma_wait3A_32 = arith.constant 9984 : i32
        %dma_wait3A_33 = arith.constant 0 : i32
        %dma_wait3A_34 = tpu.memref_slice %arg10[%dma_wait3A_32, %dma_wait3A_33] : memref<10112x128xf32, #tpu.memory_space<vmem_shared>> -> memref<16x128xf32, #tpu.memory_space<vmem_shared>>
        tpu.wait_dma2 semaphore(%run_scoped3A : memref<!tpu.dma_semaphore, #tpu.memory_space<semaphore_mem>>) src(%dma_wait3A_34 : memref<16x128xf32, #tpu.memory_space<vmem_shared>>) dst(%dma_wait3A_31 : memref<16x128xf32, #tpu.memory_space<hbm>>)
        tpu.yield
      }) : () -> ()
    } else {
    }
    return
  }
}

module attributes {stable_mosaic.version = 14 : i64} {
  func.func @body(%arg0: i32, %arg1: memref<1000x1xi32, #tpu.memory_space<vmem>>, %arg2: memref<1000x1xi32, #tpu.memory_space<vmem>>, %arg3: memref<128x256xf32, #tpu.memory_space<vmem>>, %arg4: memref<8x256xf32, #tpu.memory_space<vmem>>, %arg5: memref<2x1000x128xf32, #tpu.memory_space<vmem>>) attributes {dimension_semantics = [#tpu.dimension_semantics<arbitrary>], iteration_bounds = array<i64: 10>, scalar_prefetch = 0 : i64, scratch_operands = 0 : i64, tpu.core_type = #tpu.core_type<tc>, window_params = [{transform_indices = @transform_0, window_bounds = array<i64: 1000, 1>}, {transform_indices = @transform_1, window_bounds = array<i64: 1000, 1>}, {pipeline_mode = #tpu.pipeline_mode<synchronous>, transform_indices = @transform_2, window_bounds = array<i64: 128, 256>}, {pipeline_mode = #tpu.pipeline_mode<synchronous>, transform_indices = @transform_3, window_bounds = array<i64: 8, 256>}, {transform_indices = @transform_4, window_bounds = array<i64: 2, 1000, 128>}]} {
    %get3A = arith.constant 0 : index
    %get3A_0 = arith.constant 0 : index
    %get3A_1 = vector.load %arg1[%get3A, %get3A_0] : memref<1000x1xi32, #tpu.memory_space<vmem>>, vector<1000x1xi32>
    %iota3A = tpu.iota {dimensions = array<i32: 1>} : vector<1000x128xi32>
    %eq3A = vector.broadcast %get3A_1 : vector<1000x1xi32> to vector<1000x128xi32>
    %eq3A_2 = arith.cmpi eq, %eq3A, %iota3A : vector<1000x128xi32>
    %convert_element_type3A = arith.extui %eq3A_2 : vector<1000x128xi1> to vector<1000x128xi32>
    %convert_element_type3A_3 = arith.sitofp %convert_element_type3A : vector<1000x128xi32> to vector<1000x128xf32>
    %get3A_4 = arith.constant 0 : index
    %get3A_5 = arith.constant 0 : index
    %get3A_6 = vector.load %arg2[%get3A_4, %get3A_5] : memref<1000x1xi32, #tpu.memory_space<vmem>>, vector<1000x1xi32>
    %iota3A_7 = tpu.iota {dimensions = array<i32: 1>} : vector<1000x8xi32>
    %eq3A_8 = vector.broadcast %get3A_6 : vector<1000x1xi32> to vector<1000x8xi32>
    %eq3A_9 = arith.cmpi eq, %eq3A_8, %iota3A_7 : vector<1000x8xi32>
    %convert_element_type3A_10 = arith.extui %eq3A_9 : vector<1000x8xi1> to vector<1000x8xi32>
    %convert_element_type3A_11 = arith.sitofp %convert_element_type3A_10 : vector<1000x8xi32> to vector<1000x8xf32>
    %get3A_12 = arith.constant 0 : index
    %get3A_13 = arith.constant 0 : index
    %get3A_14 = vector.load %arg3[%get3A_12, %get3A_13] : memref<128x256xf32, #tpu.memory_space<vmem>>, vector<128x256xf32>
    %dot_general3A = arith.constant dense<0.000000e+00> : vector<1000x256xf32>
    %dot_general3A_15 = tpu.matmul %convert_element_type3A_3, %get3A_14, %dot_general3A {dimension_numbers = #tpu.dot_dimension_numbers<[1], [0], [0], [1], [0, 0, 1, 1], [], []>, precision = #tpu.contract_precision<fp32>, transpose_lhs_hint = false} : vector<1000x128xf32>, vector<128x256xf32>, vector<1000x256xf32> -> vector<1000x256xf32>
    %get3A_16 = arith.constant 0 : index
    %get3A_17 = arith.constant 0 : index
    %get3A_18 = vector.load %arg4[%get3A_16, %get3A_17] : memref<8x256xf32, #tpu.memory_space<vmem>>, vector<8x256xf32>
    %dot_general3A_19 = arith.constant dense<0.000000e+00> : vector<1000x256xf32>
    %dot_general3A_20 = tpu.matmul %convert_element_type3A_11, %get3A_18, %dot_general3A_19 {dimension_numbers = #tpu.dot_dimension_numbers<[1], [0], [0], [1], [0, 0, 1, 1], [], []>, precision = #tpu.contract_precision<fp32>, transpose_lhs_hint = false} : vector<1000x8xf32>, vector<8x256xf32>, vector<1000x256xf32> -> vector<1000x256xf32>
    %add3A = arith.addf %dot_general3A_15, %dot_general3A_20 : vector<1000x256xf32>
    %slice3A = vector.extract_strided_slice %add3A {offsets = [0, 0], sizes = [1000, 128], strides = [1, 1]} : vector<1000x256xf32> to vector<1000x128xf32>
    %swap3A = arith.constant 0 : index
    %swap3A_21 = arith.constant 0 : index
    %swap3A_22 = arith.constant 0 : index
    %swap3A_23 = vector.load %arg5[%swap3A, %swap3A_21, %swap3A_22] : memref<2x1000x128xf32, #tpu.memory_space<vmem>>, vector<1x1000x128xf32>
    %swap3A_24 = vector.shape_cast %swap3A_23 : vector<1x1000x128xf32> to vector<1000x128xf32>
    %swap3A_25 = vector.shape_cast %slice3A : vector<1000x128xf32> to vector<1x1000x128xf32>
    tpu.vector_store %arg5[%swap3A, %swap3A_21, %swap3A_22], %swap3A_25 {strides = array<i32>} : memref<2x1000x128xf32, #tpu.memory_space<vmem>>, vector<1x1000x128xf32>,
    %slice3A_26 = vector.extract_strided_slice %add3A {offsets = [0, 128], sizes = [1000, 128], strides = [1, 1]} : vector<1000x256xf32> to vector<1000x128xf32>
    %swap3A_27 = arith.constant 1 : index
    %swap3A_28 = arith.constant 0 : index
    %swap3A_29 = arith.constant 0 : index
    %swap3A_30 = vector.load %arg5[%swap3A_27, %swap3A_28, %swap3A_29] : memref<2x1000x128xf32, #tpu.memory_space<vmem>>, vector<1x1000x128xf32>
    %swap3A_31 = vector.shape_cast %swap3A_30 : vector<1x1000x128xf32> to vector<1000x128xf32>
    %swap3A_32 = vector.shape_cast %slice3A_26 : vector<1000x128xf32> to vector<1x1000x128xf32>
    tpu.vector_store %arg5[%swap3A_27, %swap3A_28, %swap3A_29], %swap3A_32 {strides = array<i32>} : memref<2x1000x128xf32, #tpu.memory_space<vmem>>, vector<1x1000x128xf32>,
    return
  }
  func.func @transform_0(%arg0: i32) -> (i32, i32) {
    %c0_i32 = arith.constant 0 : i32
    %c0_i32_0 = arith.constant 0 : i32
    return %arg0, %c0_i32 : i32, i32
  }
  func.func @transform_1(%arg0: i32) -> (i32, i32) {
    %c0_i32 = arith.constant 0 : i32
    %c0_i32_0 = arith.constant 0 : i32
    return %arg0, %c0_i32 : i32, i32
  }
  func.func @transform_2(%arg0: i32) -> (i32, i32) {
    %c0_i32 = arith.constant 0 : i32
    %c0_i32_0 = arith.constant 0 : i32
    %c0_i32_1 = arith.constant 0 : i32
    return %c0_i32, %c0_i32_0 : i32, i32
  }
  func.func @transform_3(%arg0: i32) -> (i32, i32) {
    %c0_i32 = arith.constant 0 : i32
    %c0_i32_0 = arith.constant 0 : i32
    %c0_i32_1 = arith.constant 0 : i32
    return %c0_i32, %c0_i32_0 : i32, i32
  }
  func.func @transform_4(%arg0: i32) -> (i32, i32, i32) {
    %c0_i32 = arith.constant 0 : i32
    %c0_i32_0 = arith.constant 0 : i32
    %c0_i32_1 = arith.constant 0 : i32
    return %c0_i32, %arg0, %c0_i32_0 : i32, i32, i32
  }
}

module attributes {stable_mosaic.version = 14 : i64} {
  func.func @body(%arg0: i32, %arg1: i32, %arg2: memref<1000x128xf32, #tpu.memory_space<vmem>>, %arg3: memref<1000x128xf32, #tpu.memory_space<vmem>>, %arg4: memref<1000x128xf32, #tpu.memory_space<vmem>>, %arg5: memref<1000x128xf32, #tpu.memory_space<vmem>>, %arg6: memref<128x256xf32, #tpu.memory_space<vmem>>, %arg7: memref<256x512xf32, #tpu.memory_space<vmem>>, %arg8: memref<1x512xf32, #tpu.memory_space<vmem>>, %arg9: memref<512x256xf32, #tpu.memory_space<vmem>>, %arg10: memref<1x256xf32, #tpu.memory_space<vmem>>, %arg11: memref<1x256xf32, #tpu.memory_space<vmem>>, %arg12: memref<1x256xf32, #tpu.memory_space<vmem>>, %arg13: memref<2x1000x128xf32, #tpu.memory_space<vmem>>, %arg14: memref<10000x256xf32, #tpu.memory_space<vmem>>, %arg15: memref<1x256xf32, #tpu.memory_space<vmem>>, %arg16: memref<1x256xf32, #tpu.memory_space<vmem>>, %arg17: memref<1x256xf32, #tpu.memory_space<vmem>>, %arg18: memref<1x256xf32, #tpu.memory_space<vmem>>) attributes {dimension_semantics = [#tpu.dimension_semantics<arbitrary>, #tpu.dimension_semantics<arbitrary>], iteration_bounds = array<i64: 2, 10>, scalar_prefetch = 0 : i64, scratch_operands = 5 : i64, tpu.core_type = #tpu.core_type<tc>, window_params = [{transform_indices = @transform_0, window_bounds = array<i64: 1000, 128>}, {transform_indices = @transform_1, window_bounds = array<i64: 1000, 128>}, {transform_indices = @transform_2, window_bounds = array<i64: 1000, 128>}, {transform_indices = @transform_3, window_bounds = array<i64: 1000, 128>}, {pipeline_mode = #tpu.pipeline_mode<synchronous>, transform_indices = @transform_4, window_bounds = array<i64: 128, 256>}, {pipeline_mode = #tpu.pipeline_mode<synchronous>, transform_indices = @transform_5, window_bounds = array<i64: 256, 512>}, {pipeline_mode = #tpu.pipeline_mode<synchronous>, transform_indices = @transform_6, window_bounds = array<i64: 1, 512>}, {pipeline_mode = #tpu.pipeline_mode<synchronous>, transform_indices = @transform_7, window_bounds = array<i64: 512, 256>}, {pipeline_mode = #tpu.pipeline_mode<synchronous>, transform_indices = @transform_8, window_bounds = array<i64: 1, 256>}, {pipeline_mode = #tpu.pipeline_mode<synchronous>, transform_indices = @transform_9, window_bounds = array<i64: 1, 256>}, {pipeline_mode = #tpu.pipeline_mode<synchronous>, transform_indices = @transform_10, window_bounds = array<i64: 1, 256>}, {transform_indices = @transform_11, window_bounds = array<i64: 2, 1000, 128>}]} {
    %eq3A = arith.constant 0 : i32
    %eq3A_0 = arith.cmpi eq, %arg0, %eq3A : i32
    %convert_element_type3A = arith.extui %eq3A_0 : i1 to i32
    %cond3A = arith.constant 0 : i32
    %cond3A_1 = arith.cmpi ne, %convert_element_type3A, %cond3A : i32
    scf.if %cond3A_1 {
      %get3A = arith.constant 0 : index
      %get3A_7 = arith.constant 0 : index
      %get3A_8 = vector.load %arg2[%get3A, %get3A_7] : memref<1000x128xf32, #tpu.memory_space<vmem>>, vector<1000x128xf32>
      %get3A_9 = arith.constant 0 : index
      %get3A_10 = arith.constant 0 : index
      %get3A_11 = vector.load %arg3[%get3A_9, %get3A_10] : memref<1000x128xf32, #tpu.memory_space<vmem>>, vector<1000x128xf32>
      %concatenate3A = tpu.concatenate %get3A_8, %get3A_11 in 1 : vector<1000x128xf32>, vector<1000x128xf32> -> vector<1000x256xf32>
      %get3A_12 = arith.constant 0 : index
      %get3A_13 = arith.constant 0 : index
      %get3A_14 = vector.load %arg4[%get3A_12, %get3A_13] : memref<1000x128xf32, #tpu.memory_space<vmem>>, vector<1000x128xf32>
      %get3A_15 = arith.constant 0 : index
      %get3A_16 = arith.constant 0 : index
      %get3A_17 = vector.load %arg5[%get3A_15, %get3A_16] : memref<1000x128xf32, #tpu.memory_space<vmem>>, vector<1000x128xf32>
      %add3A = arith.addf %get3A_14, %get3A_17 : vector<1000x128xf32>
      %get3A_18 = arith.constant 0 : index
      %get3A_19 = arith.constant 0 : index
      %get3A_20 = vector.load %arg6[%get3A_18, %get3A_19] : memref<128x256xf32, #tpu.memory_space<vmem>>, vector<128x256xf32>
      %dot_general3A = arith.constant dense<0.000000e+00> : vector<1000x256xf32>
      %dot_general3A_21 = tpu.matmul %add3A, %get3A_20, %dot_general3A {dimension_numbers = #tpu.dot_dimension_numbers<[1], [0], [0], [1], [0, 0, 1, 1], [], []>, precision = #tpu.contract_precision<fp32>, transpose_lhs_hint = false} : vector<1000x128xf32>, vector<128x256xf32>, vector<1000x256xf32> -> vector<1000x256xf32>
      %add3A_22 = arith.addf %concatenate3A, %dot_general3A_21 : vector<1000x256xf32>
      %get3A_23 = arith.constant 0 : index
      %get3A_24 = arith.constant 0 : index
      %get3A_25 = vector.load %arg7[%get3A_23, %get3A_24] : memref<256x512xf32, #tpu.memory_space<vmem>>, vector<256x512xf32>
      %convert_element_type3A_26 = arith.truncf %add3A_22 : vector<1000x256xf32> to vector<1000x256xbf16>
      %convert_element_type3A_27 = arith.truncf %get3A_25 : vector<256x512xf32> to vector<256x512xbf16>
      %dot_general3A_28 = arith.constant dense<0.000000e+00> : vector<1000x512xf32>
      %dot_general3A_29 = tpu.matmul %convert_element_type3A_26, %convert_element_type3A_27, %dot_general3A_28 {dimension_numbers = #tpu.dot_dimension_numbers<[1], [0], [0], [1], [0, 0, 1, 1], [], []>, transpose_lhs_hint = false} : vector<1000x256xbf16>, vector<256x512xbf16>, vector<1000x512xf32> -> vector<1000x512xf32>
      %get3A_30 = arith.constant 0 : index
      %get3A_31 = arith.constant 0 : index
      %get3A_32 = vector.load %arg8[%get3A_30, %get3A_31] : memref<1x512xf32, #tpu.memory_space<vmem>>, vector<1x512xf32>
      %add3A_33 = vector.broadcast %get3A_32 : vector<1x512xf32> to vector<1000x512xf32>
      %add3A_34 = arith.addf %dot_general3A_29, %add3A_33 : vector<1000x512xf32>
      %max3A = arith.constant 0.000000e+00 : f32
      %max3A_35 = vector.broadcast %max3A : f32 to vector<1000x512xf32>
      %max3A_36 = arith.maximumf %add3A_34, %max3A_35 : vector<1000x512xf32>
      %get3A_37 = arith.constant 0 : index
      %get3A_38 = arith.constant 0 : index
      %get3A_39 = vector.load %arg9[%get3A_37, %get3A_38] : memref<512x256xf32, #tpu.memory_space<vmem>>, vector<512x256xf32>
      %convert_element_type3A_40 = arith.truncf %max3A_36 : vector<1000x512xf32> to vector<1000x512xbf16>
      %convert_element_type3A_41 = arith.truncf %get3A_39 : vector<512x256xf32> to vector<512x256xbf16>
      %dot_general3A_42 = arith.constant dense<0.000000e+00> : vector<1000x256xf32>
      %dot_general3A_43 = tpu.matmul %convert_element_type3A_40, %convert_element_type3A_41, %dot_general3A_42 {dimension_numbers = #tpu.dot_dimension_numbers<[1], [0], [0], [1], [0, 0, 1, 1], [], []>, transpose_lhs_hint = false} : vector<1000x512xbf16>, vector<512x256xbf16>, vector<1000x256xf32> -> vector<1000x256xf32>
      %get3A_44 = arith.constant 0 : index
      %get3A_45 = arith.constant 0 : index
      %get3A_46 = vector.load %arg10[%get3A_44, %get3A_45] : memref<1x256xf32, #tpu.memory_space<vmem>>, vector<1x256xf32>
      %add3A_47 = vector.broadcast %get3A_46 : vector<1x256xf32> to vector<1000x256xf32>
      %add3A_48 = arith.addf %dot_general3A_43, %add3A_47 : vector<1000x256xf32>
      %mul3A = arith.constant 1000 : i32
      %mul3A_49 = arith.muli %arg1, %mul3A : i32
      %swap3A = arith.index_cast %mul3A_49 : i32 to index
      %swap3A_50 = arith.constant 0 : index
      %swap3A_51 = vector.load %arg14[%swap3A, %swap3A_50] : memref<10000x256xf32, #tpu.memory_space<vmem>>, vector<1000x256xf32>
      tpu.vector_store %arg14[%swap3A, %swap3A_50], %add3A_48 {strides = array<i32>} : memref<10000x256xf32, #tpu.memory_space<vmem>>, vector<1000x256xf32>,
      %eq3A_52 = arith.constant 0 : i32
      %eq3A_53 = arith.cmpi eq, %arg1, %eq3A_52 : i32
      %convert_element_type3A_54 = arith.extui %eq3A_53 : i1 to i32
      %cond3A_55 = arith.constant 0 : i32
      %cond3A_56 = arith.cmpi ne, %convert_element_type3A_54, %cond3A_55 : i32
      scf.if %cond3A_56 {
        %broadcast_in_dim3A_76 = arith.constant 0.000000e+00 : f32
        %broadcast_in_dim3A_77 = vector.broadcast %broadcast_in_dim3A_76 : f32 to vector<1x256xf32>
        %swap3A_78 = arith.constant 0 : index
        %swap3A_79 = arith.constant 0 : index
        %swap3A_80 = vector.load %arg15[%swap3A_78, %swap3A_79] : memref<1x256xf32, #tpu.memory_space<vmem>>, vector<1x256xf32>
        tpu.vector_store %arg15[%swap3A_78, %swap3A_79], %broadcast_in_dim3A_77 {strides = array<i32>} : memref<1x256xf32, #tpu.memory_space<vmem>>, vector<1x256xf32>,
        %broadcast_in_dim3A_81 = arith.constant 0.000000e+00 : f32
        %broadcast_in_dim3A_82 = vector.broadcast %broadcast_in_dim3A_81 : f32 to vector<1x256xf32>
        %swap3A_83 = arith.constant 0 : index
        %swap3A_84 = arith.constant 0 : index
        %swap3A_85 = vector.load %arg16[%swap3A_83, %swap3A_84] : memref<1x256xf32, #tpu.memory_space<vmem>>, vector<1x256xf32>
        tpu.vector_store %arg16[%swap3A_83, %swap3A_84], %broadcast_in_dim3A_82 {strides = array<i32>} : memref<1x256xf32, #tpu.memory_space<vmem>>, vector<1x256xf32>,
      } else {
      }
      %get3A_57 = arith.constant 0 : index
      %get3A_58 = arith.constant 0 : index
      %get3A_59 = vector.load %arg15[%get3A_57, %get3A_58] : memref<1x256xf32, #tpu.memory_space<vmem>>, vector<1x256xf32>
      %reduce_sum3A = arith.constant dense<0.000000e+00> : vector<256xf32>
      %reduce_sum3A_60 = vector.multi_reduction <add>, %add3A_48, %reduce_sum3A [0] : vector<1000x256xf32> to vector<256xf32>
      %broadcast_in_dim3A = vector.shape_cast %reduce_sum3A_60 : vector<256xf32> to vector<1x256xf32>
      %add3A_61 = arith.addf %get3A_59, %broadcast_in_dim3A : vector<1x256xf32>
      %swap3A_62 = arith.constant 0 : index
      %swap3A_63 = arith.constant 0 : index
      %swap3A_64 = vector.load %arg15[%swap3A_62, %swap3A_63] : memref<1x256xf32, #tpu.memory_space<vmem>>, vector<1x256xf32>
      tpu.vector_store %arg15[%swap3A_62, %swap3A_63], %add3A_61 {strides = array<i32>} : memref<1x256xf32, #tpu.memory_space<vmem>>, vector<1x256xf32>,
      %get3A_65 = arith.constant 0 : index
      %get3A_66 = arith.constant 0 : index
      %get3A_67 = vector.load %arg16[%get3A_65, %get3A_66] : memref<1x256xf32, #tpu.memory_space<vmem>>, vector<1x256xf32>
      %mul3A_68 = arith.mulf %add3A_48, %add3A_48 : vector<1000x256xf32>
      %reduce_sum3A_69 = arith.constant dense<0.000000e+00> : vector<256xf32>
      %reduce_sum3A_70 = vector.multi_reduction <add>, %mul3A_68, %reduce_sum3A_69 [0] : vector<1000x256xf32> to vector<256xf32>
      %broadcast_in_dim3A_71 = vector.shape_cast %reduce_sum3A_70 : vector<256xf32> to vector<1x256xf32>
      %add3A_72 = arith.addf %get3A_67, %broadcast_in_dim3A_71 : vector<1x256xf32>
      %swap3A_73 = arith.constant 0 : index
      %swap3A_74 = arith.constant 0 : index
      %swap3A_75 = vector.load %arg16[%swap3A_73, %swap3A_74] : memref<1x256xf32, #tpu.memory_space<vmem>>, vector<1x256xf32>
      tpu.vector_store %arg16[%swap3A_73, %swap3A_74], %add3A_72 {strides = array<i32>} : memref<1x256xf32, #tpu.memory_space<vmem>>, vector<1x256xf32>,
    } else {
    }
    %eq3A_2 = arith.constant 1 : i32
    %eq3A_3 = arith.cmpi eq, %arg0, %eq3A_2 : i32
    %convert_element_type3A_4 = arith.extui %eq3A_3 : i1 to i32
    %cond3A_5 = arith.constant 0 : i32
    %cond3A_6 = arith.cmpi ne, %convert_element_type3A_4, %cond3A_5 : i32
    scf.if %cond3A_6 {
      %eq3A_7 = arith.constant 0 : i32
      %eq3A_8 = arith.cmpi eq, %arg1, %eq3A_7 : i32
      %convert_element_type3A_9 = arith.extui %eq3A_8 : i1 to i32
      %cond3A_10 = arith.constant 0 : i32
      %cond3A_11 = arith.cmpi ne, %convert_element_type3A_9, %cond3A_10 : i32
      scf.if %cond3A_11 {
        %get3A_38 = arith.constant 0 : index
        %get3A_39 = arith.constant 0 : index
        %get3A_40 = vector.load %arg15[%get3A_38, %get3A_39] : memref<1x256xf32, #tpu.memory_space<vmem>>, vector<1x256xf32>
        %div3A = arith.constant 1.000000e+04 : f32
        %div3A_41 = vector.broadcast %div3A : f32 to vector<1x256xf32>
        %div3A_42 = arith.divf %get3A_40, %div3A_41 : vector<1x256xf32>
        %get3A_43 = arith.constant 0 : index
        %get3A_44 = arith.constant 0 : index
        %get3A_45 = vector.load %arg16[%get3A_43, %get3A_44] : memref<1x256xf32, #tpu.memory_space<vmem>>, vector<1x256xf32>
        %div3A_46 = arith.constant 1.000000e+04 : f32
        %div3A_47 = vector.broadcast %div3A_46 : f32 to vector<1x256xf32>
        %div3A_48 = arith.divf %get3A_45, %div3A_47 : vector<1x256xf32>
        %mul3A_49 = arith.mulf %div3A_42, %div3A_42 : vector<1x256xf32>
        %sub3A = arith.subf %div3A_48, %mul3A_49 : vector<1x256xf32>
        %add3A_50 = arith.constant 9.99999974E-6 : f32
        %add3A_51 = vector.broadcast %add3A_50 : f32 to vector<1x256xf32>
        %add3A_52 = arith.addf %sub3A, %add3A_51 : vector<1x256xf32>
        %rsqrt3A = math.rsqrt %add3A_52 : vector<1x256xf32>
        %mul3A_53 = arith.constant 5.000000e-01 : f32
        %mul3A_54 = vector.broadcast %mul3A_53 : f32 to vector<1x256xf32>
        %mul3A_55 = arith.mulf %mul3A_54, %add3A_52 : vector<1x256xf32>
        %mul3A_56 = arith.mulf %mul3A_55, %rsqrt3A : vector<1x256xf32>
        %mul3A_57 = arith.mulf %mul3A_56, %rsqrt3A : vector<1x256xf32>
        %sub3A_58 = arith.constant 1.500000e+00 : f32
        %sub3A_59 = vector.broadcast %sub3A_58 : f32 to vector<1x256xf32>
        %sub3A_60 = arith.subf %sub3A_59, %mul3A_57 : vector<1x256xf32>
        %mul3A_61 = arith.mulf %rsqrt3A, %sub3A_60 : vector<1x256xf32>
        %get3A_62 = arith.constant 0 : index
        %get3A_63 = arith.constant 0 : index
        %get3A_64 = vector.load %arg11[%get3A_62, %get3A_63] : memref<1x256xf32, #tpu.memory_space<vmem>>, vector<1x256xf32>
        %mul3A_65 = arith.mulf %get3A_64, %mul3A_61 : vector<1x256xf32>
        %swap3A_66 = arith.constant 0 : index
        %swap3A_67 = arith.constant 0 : index
        %swap3A_68 = vector.load %arg17[%swap3A_66, %swap3A_67] : memref<1x256xf32, #tpu.memory_space<vmem>>, vector<1x256xf32>
        tpu.vector_store %arg17[%swap3A_66, %swap3A_67], %mul3A_65 {strides = array<i32>} : memref<1x256xf32, #tpu.memory_space<vmem>>, vector<1x256xf32>,
        %get3A_69 = arith.constant 0 : index
        %get3A_70 = arith.constant 0 : index
        %get3A_71 = vector.load %arg12[%get3A_69, %get3A_70] : memref<1x256xf32, #tpu.memory_space<vmem>>, vector<1x256xf32>
        %mul3A_72 = arith.mulf %div3A_42, %mul3A_65 : vector<1x256xf32>
        %sub3A_73 = arith.subf %get3A_71, %mul3A_72 : vector<1x256xf32>
        %swap3A_74 = arith.constant 0 : index
        %swap3A_75 = arith.constant 0 : index
        %swap3A_76 = vector.load %arg18[%swap3A_74, %swap3A_75] : memref<1x256xf32, #tpu.memory_space<vmem>>, vector<1x256xf32>
        tpu.vector_store %arg18[%swap3A_74, %swap3A_75], %sub3A_73 {strides = array<i32>} : memref<1x256xf32, #tpu.memory_space<vmem>>, vector<1x256xf32>,
      } else {
      }
      %mul3A = arith.constant 1000 : i32
      %mul3A_12 = arith.muli %arg1, %mul3A : i32
      %get3A = arith.index_cast %mul3A_12 : i32 to index
      %get3A_13 = arith.constant 0 : index
      %get3A_14 = vector.load %arg14[%get3A, %get3A_13] : memref<10000x256xf32, #tpu.memory_space<vmem>>, vector<1000x256xf32>
      %get3A_15 = arith.constant 0 : index
      %get3A_16 = arith.constant 0 : index
      %get3A_17 = vector.load %arg17[%get3A_15, %get3A_16] : memref<1x256xf32, #tpu.memory_space<vmem>>, vector<1x256xf32>
      %mul3A_18 = vector.broadcast %get3A_17 : vector<1x256xf32> to vector<1000x256xf32>
      %mul3A_19 = arith.mulf %get3A_14, %mul3A_18 : vector<1000x256xf32>
      %get3A_20 = arith.constant 0 : index
      %get3A_21 = arith.constant 0 : index
      %get3A_22 = vector.load %arg18[%get3A_20, %get3A_21] : memref<1x256xf32, #tpu.memory_space<vmem>>, vector<1x256xf32>
      %add3A = vector.broadcast %get3A_22 : vector<1x256xf32> to vector<1000x256xf32>
      %add3A_23 = arith.addf %mul3A_19, %add3A : vector<1000x256xf32>
      %max3A = arith.constant 0.000000e+00 : f32
      %max3A_24 = vector.broadcast %max3A : f32 to vector<1000x256xf32>
      %max3A_25 = arith.maximumf %add3A_23, %max3A_24 : vector<1000x256xf32>
      %slice3A = vector.extract_strided_slice %max3A_25 {offsets = [0, 0], sizes = [1000, 128], strides = [1, 1]} : vector<1000x256xf32> to vector<1000x128xf32>
      %swap3A = arith.constant 0 : index
      %swap3A_26 = arith.constant 0 : index
      %swap3A_27 = arith.constant 0 : index
      %swap3A_28 = vector.load %arg13[%swap3A, %swap3A_26, %swap3A_27] : memref<2x1000x128xf32, #tpu.memory_space<vmem>>, vector<1x1000x128xf32>
      %swap3A_29 = vector.shape_cast %swap3A_28 : vector<1x1000x128xf32> to vector<1000x128xf32>
      %swap3A_30 = vector.shape_cast %slice3A : vector<1000x128xf32> to vector<1x1000x128xf32>
      tpu.vector_store %arg13[%swap3A, %swap3A_26, %swap3A_27], %swap3A_30 {strides = array<i32>} : memref<2x1000x128xf32, #tpu.memory_space<vmem>>, vector<1x1000x128xf32>,
      %slice3A_31 = vector.extract_strided_slice %max3A_25 {offsets = [0, 128], sizes = [1000, 128], strides = [1, 1]} : vector<1000x256xf32> to vector<1000x128xf32>
      %swap3A_32 = arith.constant 1 : index
      %swap3A_33 = arith.constant 0 : index
      %swap3A_34 = arith.constant 0 : index
      %swap3A_35 = vector.load %arg13[%swap3A_32, %swap3A_33, %swap3A_34] : memref<2x1000x128xf32, #tpu.memory_space<vmem>>, vector<1x1000x128xf32>
      %swap3A_36 = vector.shape_cast %swap3A_35 : vector<1x1000x128xf32> to vector<1000x128xf32>
      %swap3A_37 = vector.shape_cast %slice3A_31 : vector<1000x128xf32> to vector<1x1000x128xf32>
      tpu.vector_store %arg13[%swap3A_32, %swap3A_33, %swap3A_34], %swap3A_37 {strides = array<i32>} : memref<2x1000x128xf32, #tpu.memory_space<vmem>>, vector<1x1000x128xf32>,
    } else {
    }
    return
  }
  func.func @transform_0(%arg0: i32, %arg1: i32) -> (i32, i32) {
    %c0_i32 = arith.constant 0 : i32
    %c0_i32_0 = arith.constant 0 : i32
    return %arg1, %c0_i32 : i32, i32
  }
  func.func @transform_1(%arg0: i32, %arg1: i32) -> (i32, i32) {
    %add3A = arith.constant 10 : i32
    %add3A_0 = arith.addi %add3A, %arg1 : i32
    %c0_i32 = arith.constant 0 : i32
    %c0_i32_1 = arith.constant 0 : i32
    return %add3A_0, %c0_i32 : i32, i32
  }
  func.func @transform_2(%arg0: i32, %arg1: i32) -> (i32, i32) {
    %c0_i32 = arith.constant 0 : i32
    %c0_i32_0 = arith.constant 0 : i32
    return %arg1, %c0_i32 : i32, i32
  }
  func.func @transform_3(%arg0: i32, %arg1: i32) -> (i32, i32) {
    %add3A = arith.constant 10 : i32
    %add3A_0 = arith.addi %add3A, %arg1 : i32
    %c0_i32 = arith.constant 0 : i32
    %c0_i32_1 = arith.constant 0 : i32
    return %add3A_0, %c0_i32 : i32, i32
  }
  func.func @transform_4(%arg0: i32, %arg1: i32) -> (i32, i32) {
    %c0_i32 = arith.constant 0 : i32
    %c0_i32_0 = arith.constant 0 : i32
    %c0_i32_1 = arith.constant 0 : i32
    return %c0_i32, %c0_i32_0 : i32, i32
  }
  func.func @transform_5(%arg0: i32, %arg1: i32) -> (i32, i32) {
    %c0_i32 = arith.constant 0 : i32
    %c0_i32_0 = arith.constant 0 : i32
    %c0_i32_1 = arith.constant 0 : i32
    return %c0_i32, %c0_i32_0 : i32, i32
  }
  func.func @transform_6(%arg0: i32, %arg1: i32) -> (i32, i32) {
    %c0_i32 = arith.constant 0 : i32
    %c0_i32_0 = arith.constant 0 : i32
    %c0_i32_1 = arith.constant 0 : i32
    return %c0_i32, %c0_i32_0 : i32, i32
  }
  func.func @transform_7(%arg0: i32, %arg1: i32) -> (i32, i32) {
    %c0_i32 = arith.constant 0 : i32
    %c0_i32_0 = arith.constant 0 : i32
    %c0_i32_1 = arith.constant 0 : i32
    return %c0_i32, %c0_i32_0 : i32, i32
  }
  func.func @transform_8(%arg0: i32, %arg1: i32) -> (i32, i32) {
    %c0_i32 = arith.constant 0 : i32
    %c0_i32_0 = arith.constant 0 : i32
    %c0_i32_1 = arith.constant 0 : i32
    return %c0_i32, %c0_i32_0 : i32, i32
  }
  func.func @transform_9(%arg0: i32, %arg1: i32) -> (i32, i32) {
    %c0_i32 = arith.constant 0 : i32
    %c0_i32_0 = arith.constant 0 : i32
    %c0_i32_1 = arith.constant 0 : i32
    return %c0_i32, %c0_i32_0 : i32, i32
  }
  func.func @transform_10(%arg0: i32, %arg1: i32) -> (i32, i32) {
    %c0_i32 = arith.constant 0 : i32
    %c0_i32_0 = arith.constant 0 : i32
    %c0_i32_1 = arith.constant 0 : i32
    return %c0_i32, %c0_i32_0 : i32, i32
  }
  func.func @transform_11(%arg0: i32, %arg1: i32) -> (i32, i32, i32) {
    %c0_i32 = arith.constant 0 : i32
    %c0_i32_0 = arith.constant 0 : i32
    %c0_i32_1 = arith.constant 0 : i32
    return %c0_i32, %arg1, %c0_i32_0 : i32, i32, i32
  }
}

module attributes {stable_mosaic.version = 14 : i64} {
  func.func @body(%arg0: memref<256x768xf32, #tpu.memory_space<vmem>>, %arg1: memref<768x256xf32, #tpu.memory_space<vmem>>, %arg2: memref<1x256xf32, #tpu.memory_space<vmem>>, %arg3: memref<256x128xf32, #tpu.memory_space<vmem>>, %arg4: memref<1x128xf32, #tpu.memory_space<vmem>>, %arg5: memref<256x128xf32, #tpu.memory_space<vmem>>) attributes {dimension_semantics = [], scalar_prefetch = 0 : i64, scratch_operands = 0 : i64, tpu.core_type = #tpu.core_type<tc>} {
    %get3A = arith.constant 0 : index
    %get3A_0 = arith.constant 0 : index
    %get3A_1 = vector.load %arg0[%get3A, %get3A_0] : memref<256x768xf32, #tpu.memory_space<vmem>>, vector<256x768xf32>
    %get3A_2 = arith.constant 0 : index
    %get3A_3 = arith.constant 0 : index
    %get3A_4 = vector.load %arg1[%get3A_2, %get3A_3] : memref<768x256xf32, #tpu.memory_space<vmem>>, vector<768x256xf32>
    %convert_element_type3A = arith.truncf %get3A_1 : vector<256x768xf32> to vector<256x768xbf16>
    %convert_element_type3A_5 = arith.truncf %get3A_4 : vector<768x256xf32> to vector<768x256xbf16>
    %dot_general3A = arith.constant dense<0.000000e+00> : vector<256x256xf32>
    %dot_general3A_6 = tpu.matmul %convert_element_type3A, %convert_element_type3A_5, %dot_general3A {dimension_numbers = #tpu.dot_dimension_numbers<[1], [0], [0], [1], [0, 0, 1, 1], [], []>, transpose_lhs_hint = false} : vector<256x768xbf16>, vector<768x256xbf16>, vector<256x256xf32> -> vector<256x256xf32>
    %get3A_7 = arith.constant 0 : index
    %get3A_8 = arith.constant 0 : index
    %get3A_9 = vector.load %arg2[%get3A_7, %get3A_8] : memref<1x256xf32, #tpu.memory_space<vmem>>, vector<1x256xf32>
    %add3A = vector.broadcast %get3A_9 : vector<1x256xf32> to vector<256x256xf32>
    %add3A_10 = arith.addf %dot_general3A_6, %add3A : vector<256x256xf32>
    %max3A = arith.constant 0.000000e+00 : f32
    %max3A_11 = vector.broadcast %max3A : f32 to vector<256x256xf32>
    %max3A_12 = arith.maximumf %add3A_10, %max3A_11 : vector<256x256xf32>
    %get3A_13 = arith.constant 0 : index
    %get3A_14 = arith.constant 0 : index
    %get3A_15 = vector.load %arg3[%get3A_13, %get3A_14] : memref<256x128xf32, #tpu.memory_space<vmem>>, vector<256x128xf32>
    %convert_element_type3A_16 = arith.truncf %max3A_12 : vector<256x256xf32> to vector<256x256xbf16>
    %convert_element_type3A_17 = arith.truncf %get3A_15 : vector<256x128xf32> to vector<256x128xbf16>
    %dot_general3A_18 = arith.constant dense<0.000000e+00> : vector<256x128xf32>
    %dot_general3A_19 = tpu.matmul %convert_element_type3A_16, %convert_element_type3A_17, %dot_general3A_18 {dimension_numbers = #tpu.dot_dimension_numbers<[1], [0], [0], [1], [0, 0, 1, 1], [], []>, transpose_lhs_hint = false} : vector<256x256xbf16>, vector<256x128xbf16>, vector<256x128xf32> -> vector<256x128xf32>
    %get3A_20 = arith.constant 0 : index
    %get3A_21 = arith.constant 0 : index
    %get3A_22 = vector.load %arg4[%get3A_20, %get3A_21] : memref<1x128xf32, #tpu.memory_space<vmem>>, vector<1x128xf32>
    %add3A_23 = vector.broadcast %get3A_22 : vector<1x128xf32> to vector<256x128xf32>
    %add3A_24 = arith.addf %dot_general3A_19, %add3A_23 : vector<256x128xf32>
    %swap3A = arith.constant 0 : index
    %swap3A_25 = arith.constant 0 : index
    %swap3A_26 = vector.load %arg5[%swap3A, %swap3A_25] : memref<256x128xf32, #tpu.memory_space<vmem>>, vector<256x128xf32>
    tpu.vector_store %arg5[%swap3A, %swap3A_25], %add3A_24 {strides = array<i32>} : memref<256x128xf32, #tpu.memory_space<vmem>>, vector<256x128xf32>,
    return
  }
}

module attributes {stable_mosaic.version = 14 : i64} {
  func.func @body(%arg0: i32, %arg1: memref<1000x128xf32, #tpu.memory_space<vmem>>, %arg2: memref<1000x128xf32, #tpu.memory_space<vmem>>, %arg3: memref<1000x128xf32, #tpu.memory_space<vmem>>, %arg4: memref<1000x128xf32, #tpu.memory_space<vmem>>, %arg5: memref<128x256xf32, #tpu.memory_space<vmem>>, %arg6: memref<256x512xf32, #tpu.memory_space<vmem>>, %arg7: memref<1x512xf32, #tpu.memory_space<vmem>>, %arg8: memref<512x256xf32, #tpu.memory_space<vmem>>, %arg9: memref<1x256xf32, #tpu.memory_space<vmem>>, %arg10: memref<2x1000x128xf32, #tpu.memory_space<vmem>>, %arg11: memref<2x256xf32, #tpu.memory_space<vmem>>) attributes {dimension_semantics = [#tpu.dimension_semantics<arbitrary>], iteration_bounds = array<i64: 10>, scalar_prefetch = 0 : i64, scratch_operands = 0 : i64, tpu.core_type = #tpu.core_type<tc>, window_params = [{transform_indices = @transform_0, window_bounds = array<i64: 1000, 128>}, {transform_indices = @transform_1, window_bounds = array<i64: 1000, 128>}, {transform_indices = @transform_2, window_bounds = array<i64: 1000, 128>}, {transform_indices = @transform_3, window_bounds = array<i64: 1000, 128>}, {pipeline_mode = #tpu.pipeline_mode<synchronous>, transform_indices = @transform_4, window_bounds = array<i64: 128, 256>}, {pipeline_mode = #tpu.pipeline_mode<synchronous>, transform_indices = @transform_5, window_bounds = array<i64: 256, 512>}, {pipeline_mode = #tpu.pipeline_mode<synchronous>, transform_indices = @transform_6, window_bounds = array<i64: 1, 512>}, {pipeline_mode = #tpu.pipeline_mode<synchronous>, transform_indices = @transform_7, window_bounds = array<i64: 512, 256>}, {pipeline_mode = #tpu.pipeline_mode<synchronous>, transform_indices = @transform_8, window_bounds = array<i64: 1, 256>}, {transform_indices = @transform_9, window_bounds = array<i64: 2, 1000, 128>}, {pipeline_mode = #tpu.pipeline_mode<synchronous>, transform_indices = @transform_10, window_bounds = array<i64: 2, 256>}]} {
    %get3A = arith.constant 0 : index
    %get3A_0 = arith.constant 0 : index
    %get3A_1 = vector.load %arg1[%get3A, %get3A_0] : memref<1000x128xf32, #tpu.memory_space<vmem>>, vector<1000x128xf32>
    %get3A_2 = arith.constant 0 : index
    %get3A_3 = arith.constant 0 : index
    %get3A_4 = vector.load %arg2[%get3A_2, %get3A_3] : memref<1000x128xf32, #tpu.memory_space<vmem>>, vector<1000x128xf32>
    %concatenate3A = tpu.concatenate %get3A_1, %get3A_4 in 1 : vector<1000x128xf32>, vector<1000x128xf32> -> vector<1000x256xf32>
    %get3A_5 = arith.constant 0 : index
    %get3A_6 = arith.constant 0 : index
    %get3A_7 = vector.load %arg3[%get3A_5, %get3A_6] : memref<1000x128xf32, #tpu.memory_space<vmem>>, vector<1000x128xf32>
    %get3A_8 = arith.constant 0 : index
    %get3A_9 = arith.constant 0 : index
    %get3A_10 = vector.load %arg4[%get3A_8, %get3A_9] : memref<1000x128xf32, #tpu.memory_space<vmem>>, vector<1000x128xf32>
    %add3A = arith.addf %get3A_7, %get3A_10 : vector<1000x128xf32>
    %get3A_11 = arith.constant 0 : index
    %get3A_12 = arith.constant 0 : index
    %get3A_13 = vector.load %arg5[%get3A_11, %get3A_12] : memref<128x256xf32, #tpu.memory_space<vmem>>, vector<128x256xf32>
    %dot_general3A = arith.constant dense<0.000000e+00> : vector<1000x256xf32>
    %dot_general3A_14 = tpu.matmul %add3A, %get3A_13, %dot_general3A {dimension_numbers = #tpu.dot_dimension_numbers<[1], [0], [0], [1], [0, 0, 1, 1], [], []>, precision = #tpu.contract_precision<fp32>, transpose_lhs_hint = false} : vector<1000x128xf32>, vector<128x256xf32>, vector<1000x256xf32> -> vector<1000x256xf32>
    %add3A_15 = arith.addf %concatenate3A, %dot_general3A_14 : vector<1000x256xf32>
    %get3A_16 = arith.constant 0 : index
    %get3A_17 = arith.constant 0 : index
    %get3A_18 = vector.load %arg6[%get3A_16, %get3A_17] : memref<256x512xf32, #tpu.memory_space<vmem>>, vector<256x512xf32>
    %convert_element_type3A = arith.truncf %add3A_15 : vector<1000x256xf32> to vector<1000x256xbf16>
    %convert_element_type3A_19 = arith.truncf %get3A_18 : vector<256x512xf32> to vector<256x512xbf16>
    %dot_general3A_20 = arith.constant dense<0.000000e+00> : vector<1000x512xf32>
    %dot_general3A_21 = tpu.matmul %convert_element_type3A, %convert_element_type3A_19, %dot_general3A_20 {dimension_numbers = #tpu.dot_dimension_numbers<[1], [0], [0], [1], [0, 0, 1, 1], [], []>, transpose_lhs_hint = false} : vector<1000x256xbf16>, vector<256x512xbf16>, vector<1000x512xf32> -> vector<1000x512xf32>
    %get3A_22 = arith.constant 0 : index
    %get3A_23 = arith.constant 0 : index
    %get3A_24 = vector.load %arg7[%get3A_22, %get3A_23] : memref<1x512xf32, #tpu.memory_space<vmem>>, vector<1x512xf32>
    %add3A_25 = vector.broadcast %get3A_24 : vector<1x512xf32> to vector<1000x512xf32>
    %add3A_26 = arith.addf %dot_general3A_21, %add3A_25 : vector<1000x512xf32>
    %max3A = arith.constant 0.000000e+00 : f32
    %max3A_27 = vector.broadcast %max3A : f32 to vector<1000x512xf32>
    %max3A_28 = arith.maximumf %add3A_26, %max3A_27 : vector<1000x512xf32>
    %get3A_29 = arith.constant 0 : index
    %get3A_30 = arith.constant 0 : index
    %get3A_31 = vector.load %arg8[%get3A_29, %get3A_30] : memref<512x256xf32, #tpu.memory_space<vmem>>, vector<512x256xf32>
    %convert_element_type3A_32 = arith.truncf %max3A_28 : vector<1000x512xf32> to vector<1000x512xbf16>
    %convert_element_type3A_33 = arith.truncf %get3A_31 : vector<512x256xf32> to vector<512x256xbf16>
    %dot_general3A_34 = arith.constant dense<0.000000e+00> : vector<1000x256xf32>
    %dot_general3A_35 = tpu.matmul %convert_element_type3A_32, %convert_element_type3A_33, %dot_general3A_34 {dimension_numbers = #tpu.dot_dimension_numbers<[1], [0], [0], [1], [0, 0, 1, 1], [], []>, transpose_lhs_hint = false} : vector<1000x512xbf16>, vector<512x256xbf16>, vector<1000x256xf32> -> vector<1000x256xf32>
    %get3A_36 = arith.constant 0 : index
    %get3A_37 = arith.constant 0 : index
    %get3A_38 = vector.load %arg9[%get3A_36, %get3A_37] : memref<1x256xf32, #tpu.memory_space<vmem>>, vector<1x256xf32>
    %add3A_39 = vector.broadcast %get3A_38 : vector<1x256xf32> to vector<1000x256xf32>
    %add3A_40 = arith.addf %dot_general3A_35, %add3A_39 : vector<1000x256xf32>
    %slice3A = vector.extract_strided_slice %add3A_40 {offsets = [0, 0], sizes = [1000, 128], strides = [1, 1]} : vector<1000x256xf32> to vector<1000x128xf32>
    %swap3A = arith.constant 0 : index
    %swap3A_41 = arith.constant 0 : index
    %swap3A_42 = arith.constant 0 : index
    %swap3A_43 = vector.load %arg10[%swap3A, %swap3A_41, %swap3A_42] : memref<2x1000x128xf32, #tpu.memory_space<vmem>>, vector<1x1000x128xf32>
    %swap3A_44 = vector.shape_cast %swap3A_43 : vector<1x1000x128xf32> to vector<1000x128xf32>
    %swap3A_45 = vector.shape_cast %slice3A : vector<1000x128xf32> to vector<1x1000x128xf32>
    tpu.vector_store %arg10[%swap3A, %swap3A_41, %swap3A_42], %swap3A_45 {strides = array<i32>} : memref<2x1000x128xf32, #tpu.memory_space<vmem>>, vector<1x1000x128xf32>,
    %slice3A_46 = vector.extract_strided_slice %add3A_40 {offsets = [0, 128], sizes = [1000, 128], strides = [1, 1]} : vector<1000x256xf32> to vector<1000x128xf32>
    %swap3A_47 = arith.constant 1 : index
    %swap3A_48 = arith.constant 0 : index
    %swap3A_49 = arith.constant 0 : index
    %swap3A_50 = vector.load %arg10[%swap3A_47, %swap3A_48, %swap3A_49] : memref<2x1000x128xf32, #tpu.memory_space<vmem>>, vector<1x1000x128xf32>
    %swap3A_51 = vector.shape_cast %swap3A_50 : vector<1x1000x128xf32> to vector<1000x128xf32>
    %swap3A_52 = vector.shape_cast %slice3A_46 : vector<1000x128xf32> to vector<1x1000x128xf32>
    tpu.vector_store %arg10[%swap3A_47, %swap3A_48, %swap3A_49], %swap3A_52 {strides = array<i32>} : memref<2x1000x128xf32, #tpu.memory_space<vmem>>, vector<1x1000x128xf32>,
    %eq3A = arith.constant 0 : i32
    %eq3A_53 = arith.cmpi eq, %arg0, %eq3A : i32
    %convert_element_type3A_54 = arith.extui %eq3A_53 : i1 to i32
    %cond3A = arith.constant 0 : i32
    %cond3A_55 = arith.cmpi ne, %convert_element_type3A_54, %cond3A : i32
    scf.if %cond3A_55 {
      %broadcast_in_dim3A = arith.constant 0.000000e+00 : f32
      %broadcast_in_dim3A_79 = vector.broadcast %broadcast_in_dim3A : f32 to vector<2x256xf32>
      %swap3A_80 = arith.constant 0 : index
      %swap3A_81 = arith.constant 0 : index
      %swap3A_82 = vector.load %arg11[%swap3A_80, %swap3A_81] : memref<2x256xf32, #tpu.memory_space<vmem>>, vector<2x256xf32>
      tpu.vector_store %arg11[%swap3A_80, %swap3A_81], %broadcast_in_dim3A_79 {strides = array<i32>} : memref<2x256xf32, #tpu.memory_space<vmem>>, vector<2x256xf32>,
    } else {
    }
    %get3A_56 = arith.constant 0 : index
    %get3A_57 = arith.constant 0 : index
    %get3A_58 = vector.load %arg11[%get3A_56, %get3A_57] : memref<2x256xf32, #tpu.memory_space<vmem>>, vector<1x256xf32>
    %get3A_59 = vector.shape_cast %get3A_58 : vector<1x256xf32> to vector<256xf32>
    %reduce_sum3A = arith.constant dense<0.000000e+00> : vector<256xf32>
    %reduce_sum3A_60 = vector.multi_reduction <add>, %add3A_40, %reduce_sum3A [0] : vector<1000x256xf32> to vector<256xf32>
    %add3A_61 = arith.addf %get3A_59, %reduce_sum3A_60 : vector<256xf32>
    %swap3A_62 = arith.constant 0 : index
    %swap3A_63 = arith.constant 0 : index
    %swap3A_64 = vector.load %arg11[%swap3A_62, %swap3A_63] : memref<2x256xf32, #tpu.memory_space<vmem>>, vector<1x256xf32>
    %swap3A_65 = vector.shape_cast %swap3A_64 : vector<1x256xf32> to vector<256xf32>
    %swap3A_66 = vector.shape_cast %add3A_61 : vector<256xf32> to vector<1x256xf32>
    tpu.vector_store %arg11[%swap3A_62, %swap3A_63], %swap3A_66 {strides = array<i32>} : memref<2x256xf32, #tpu.memory_space<vmem>>, vector<1x256xf32>,
    %get3A_67 = arith.constant 1 : index
    %get3A_68 = arith.constant 0 : index
    %get3A_69 = vector.load %arg11[%get3A_67, %get3A_68] : memref<2x256xf32, #tpu.memory_space<vmem>>, vector<1x256xf32>
    %get3A_70 = vector.shape_cast %get3A_69 : vector<1x256xf32> to vector<256xf32>
    %mul3A = arith.mulf %add3A_40, %add3A_40 : vector<1000x256xf32>
    %reduce_sum3A_71 = arith.constant dense<0.000000e+00> : vector<256xf32>
    %reduce_sum3A_72 = vector.multi_reduction <add>, %mul3A, %reduce_sum3A_71 [0] : vector<1000x256xf32> to vector<256xf32>
    %add3A_73 = arith.addf %get3A_70, %reduce_sum3A_72 : vector<256xf32>
    %swap3A_74 = arith.constant 1 : index
    %swap3A_75 = arith.constant 0 : index
    %swap3A_76 = vector.load %arg11[%swap3A_74, %swap3A_75] : memref<2x256xf32, #tpu.memory_space<vmem>>, vector<1x256xf32>
    %swap3A_77 = vector.shape_cast %swap3A_76 : vector<1x256xf32> to vector<256xf32>
    %swap3A_78 = vector.shape_cast %add3A_73 : vector<256xf32> to vector<1x256xf32>
    tpu.vector_store %arg11[%swap3A_74, %swap3A_75], %swap3A_78 {strides = array<i32>} : memref<2x256xf32, #tpu.memory_space<vmem>>, vector<1x256xf32>,
    return
  }
  func.func @transform_0(%arg0: i32) -> (i32, i32) {
    %c0_i32 = arith.constant 0 : i32
    %c0_i32_0 = arith.constant 0 : i32
    return %arg0, %c0_i32 : i32, i32
  }
  func.func @transform_1(%arg0: i32) -> (i32, i32) {
    %add3A = arith.constant 10 : i32
    %add3A_0 = arith.addi %add3A, %arg0 : i32
    %c0_i32 = arith.constant 0 : i32
    %c0_i32_1 = arith.constant 0 : i32
    return %add3A_0, %c0_i32 : i32, i32
  }
  func.func @transform_2(%arg0: i32) -> (i32, i32) {
    %c0_i32 = arith.constant 0 : i32
    %c0_i32_0 = arith.constant 0 : i32
    return %arg0, %c0_i32 : i32, i32
  }
  func.func @transform_3(%arg0: i32) -> (i32, i32) {
    %add3A = arith.constant 10 : i32
    %add3A_0 = arith.addi %add3A, %arg0 : i32
    %c0_i32 = arith.constant 0 : i32
    %c0_i32_1 = arith.constant 0 : i32
    return %add3A_0, %c0_i32 : i32, i32
  }
  func.func @transform_4(%arg0: i32) -> (i32, i32) {
    %c0_i32 = arith.constant 0 : i32
    %c0_i32_0 = arith.constant 0 : i32
    %c0_i32_1 = arith.constant 0 : i32
    return %c0_i32, %c0_i32_0 : i32, i32
  }
  func.func @transform_5(%arg0: i32) -> (i32, i32) {
    %c0_i32 = arith.constant 0 : i32
    %c0_i32_0 = arith.constant 0 : i32
    %c0_i32_1 = arith.constant 0 : i32
    return %c0_i32, %c0_i32_0 : i32, i32
  }
  func.func @transform_6(%arg0: i32) -> (i32, i32) {
    %c0_i32 = arith.constant 0 : i32
    %c0_i32_0 = arith.constant 0 : i32
    %c0_i32_1 = arith.constant 0 : i32
    return %c0_i32, %c0_i32_0 : i32, i32
  }
  func.func @transform_7(%arg0: i32) -> (i32, i32) {
    %c0_i32 = arith.constant 0 : i32
    %c0_i32_0 = arith.constant 0 : i32
    %c0_i32_1 = arith.constant 0 : i32
    return %c0_i32, %c0_i32_0 : i32, i32
  }
  func.func @transform_8(%arg0: i32) -> (i32, i32) {
    %c0_i32 = arith.constant 0 : i32
    %c0_i32_0 = arith.constant 0 : i32
    %c0_i32_1 = arith.constant 0 : i32
    return %c0_i32, %c0_i32_0 : i32, i32
  }
  func.func @transform_9(%arg0: i32) -> (i32, i32, i32) {
    %c0_i32 = arith.constant 0 : i32
    %c0_i32_0 = arith.constant 0 : i32
    %c0_i32_1 = arith.constant 0 : i32
    return %c0_i32, %arg0, %c0_i32_0 : i32, i32, i32
  }
  func.func @transform_10(%arg0: i32) -> (i32, i32) {
    %c0_i32 = arith.constant 0 : i32
    %c0_i32_0 = arith.constant 0 : i32
    %c0_i32_1 = arith.constant 0 : i32
    return %c0_i32, %c0_i32_0 : i32, i32
  }
}

module attributes {stable_mosaic.version = 14 : i64} {
  func.func @body(%arg0: i32, %arg1: memref<2x1000x128xf32, #tpu.memory_space<vmem>>, %arg2: memref<1x1x1000xi32, #tpu.memory_space<vmem>>, %arg3: memref<1x256xf32, #tpu.memory_space<vmem>>, %arg4: memref<1x256xf32, #tpu.memory_space<vmem>>, %arg5: memref<256x256xf32, #tpu.memory_space<vmem>>, %arg6: memref<1x256xf32, #tpu.memory_space<vmem>>, %arg7: memref<256x128xf32, #tpu.memory_space<vmem>>, %arg8: memref<1x128xf32, #tpu.memory_space<vmem>>, %arg9: memref<256x128xf32, #tpu.memory_space<vmem>>, %arg10: memref<256x256xf32, #tpu.memory_space<vmem>>, %arg11: memref<256x1xf32, #tpu.memory_space<vmem>>) attributes {dimension_semantics = [#tpu.dimension_semantics<arbitrary>], iteration_bounds = array<i64: 10>, scalar_prefetch = 0 : i64, scratch_operands = 2 : i64, tpu.core_type = #tpu.core_type<tc>, window_params = [{transform_indices = @transform_0, window_bounds = array<i64: 2, 1000, 128>}, {transform_indices = @transform_1, window_bounds = array<i64: 1, 1, 1000>}, {pipeline_mode = #tpu.pipeline_mode<synchronous>, transform_indices = @transform_2, window_bounds = array<i64: 1, 256>}, {pipeline_mode = #tpu.pipeline_mode<synchronous>, transform_indices = @transform_3, window_bounds = array<i64: 1, 256>}, {pipeline_mode = #tpu.pipeline_mode<synchronous>, transform_indices = @transform_4, window_bounds = array<i64: 256, 256>}, {pipeline_mode = #tpu.pipeline_mode<synchronous>, transform_indices = @transform_5, window_bounds = array<i64: 1, 256>}, {pipeline_mode = #tpu.pipeline_mode<synchronous>, transform_indices = @transform_6, window_bounds = array<i64: 256, 128>}, {pipeline_mode = #tpu.pipeline_mode<synchronous>, transform_indices = @transform_7, window_bounds = array<i64: 1, 128>}, {pipeline_mode = #tpu.pipeline_mode<synchronous>, transform_indices = @transform_8, window_bounds = array<i64: 256, 128>}]} {
    %eq3A = arith.constant 0 : i32
    %eq3A_0 = arith.cmpi eq, %arg0, %eq3A : i32
    %convert_element_type3A = arith.extui %eq3A_0 : i1 to i32
    %cond3A = arith.constant 0 : i32
    %cond3A_1 = arith.cmpi ne, %convert_element_type3A, %cond3A : i32
    scf.if %cond3A_1 {
      %broadcast_in_dim3A_48 = arith.constant 0.000000e+00 : f32
      %broadcast_in_dim3A_49 = vector.broadcast %broadcast_in_dim3A_48 : f32 to vector<256x256xf32>
      %swap3A_50 = arith.constant 0 : index
      %swap3A_51 = arith.constant 0 : index
      %swap3A_52 = vector.load %arg10[%swap3A_50, %swap3A_51] : memref<256x256xf32, #tpu.memory_space<vmem>>, vector<256x256xf32>
      tpu.vector_store %arg10[%swap3A_50, %swap3A_51], %broadcast_in_dim3A_49 {strides = array<i32>} : memref<256x256xf32, #tpu.memory_space<vmem>>, vector<256x256xf32>,
      %broadcast_in_dim3A_53 = arith.constant 0.000000e+00 : f32
      %broadcast_in_dim3A_54 = vector.broadcast %broadcast_in_dim3A_53 : f32 to vector<256x1xf32>
      %swap3A_55 = arith.constant 0 : index
      %swap3A_56 = arith.constant 0 : index
      %swap3A_57 = vector.load %arg11[%swap3A_55, %swap3A_56] : memref<256x1xf32, #tpu.memory_space<vmem>>, vector<256x1xf32>
      tpu.vector_store %arg11[%swap3A_55, %swap3A_56], %broadcast_in_dim3A_54 {strides = array<i32>} : memref<256x1xf32, #tpu.memory_space<vmem>>, vector<256x1xf32>,
    } else {
    }
    %get3A = arith.constant 0 : index
    %get3A_2 = arith.constant 0 : index
    %get3A_3 = arith.constant 0 : index
    %get3A_4 = vector.load %arg1[%get3A, %get3A_2, %get3A_3] : memref<2x1000x128xf32, #tpu.memory_space<vmem>>, vector<1x1000x128xf32>
    %get3A_5 = vector.shape_cast %get3A_4 : vector<1x1000x128xf32> to vector<1000x128xf32>
    %get3A_6 = arith.constant 1 : index
    %get3A_7 = arith.constant 0 : index
    %get3A_8 = arith.constant 0 : index
    %get3A_9 = vector.load %arg1[%get3A_6, %get3A_7, %get3A_8] : memref<2x1000x128xf32, #tpu.memory_space<vmem>>, vector<1x1000x128xf32>
    %get3A_10 = vector.shape_cast %get3A_9 : vector<1x1000x128xf32> to vector<1000x128xf32>
    %concatenate3A = tpu.concatenate %get3A_5, %get3A_10 in 1 : vector<1000x128xf32>, vector<1000x128xf32> -> vector<1000x256xf32>
    %get3A_11 = arith.constant 0 : index
    %get3A_12 = arith.constant 0 : index
    %get3A_13 = vector.load %arg3[%get3A_11, %get3A_12] : memref<1x256xf32, #tpu.memory_space<vmem>>, vector<1x256xf32>
    %mul3A = vector.broadcast %get3A_13 : vector<1x256xf32> to vector<1000x256xf32>
    %mul3A_14 = arith.mulf %concatenate3A, %mul3A : vector<1000x256xf32>
    %get3A_15 = arith.constant 0 : index
    %get3A_16 = arith.constant 0 : index
    %get3A_17 = vector.load %arg4[%get3A_15, %get3A_16] : memref<1x256xf32, #tpu.memory_space<vmem>>, vector<1x256xf32>
    %add3A = vector.broadcast %get3A_17 : vector<1x256xf32> to vector<1000x256xf32>
    %add3A_18 = arith.addf %mul3A_14, %add3A : vector<1000x256xf32>
    %iota3A = tpu.iota {dimensions = array<i32: 0>} : vector<256x1000xi32>
    %get3A_19 = arith.constant 0 : index
    %get3A_20 = arith.constant 0 : index
    %get3A_21 = arith.constant 0 : index
    %get3A_22 = vector.load %arg2[%get3A_19, %get3A_20, %get3A_21] : memref<1x1x1000xi32, #tpu.memory_space<vmem>>, vector<1x1x1000xi32>
    %get3A_23 = vector.shape_cast %get3A_22 : vector<1x1x1000xi32> to vector<1x1000xi32>
    %eq3A_24 = vector.broadcast %get3A_23 : vector<1x1000xi32> to vector<256x1000xi32>
    %eq3A_25 = arith.cmpi eq, %iota3A, %eq3A_24 : vector<256x1000xi32>
    %convert_element_type3A_26 = arith.extui %eq3A_25 : vector<256x1000xi1> to vector<256x1000xi32>
    %convert_element_type3A_27 = arith.sitofp %convert_element_type3A_26 : vector<256x1000xi32> to vector<256x1000xf32>
    %get3A_28 = arith.constant 0 : index
    %get3A_29 = arith.constant 0 : index
    %get3A_30 = vector.load %arg10[%get3A_28, %get3A_29] : memref<256x256xf32, #tpu.memory_space<vmem>>, vector<256x256xf32>
    %dot_general3A = arith.constant dense<0.000000e+00> : vector<256x256xf32>
    %dot_general3A_31 = tpu.matmul %convert_element_type3A_27, %add3A_18, %dot_general3A {dimension_numbers = #tpu.dot_dimension_numbers<[1], [0], [0], [1], [0, 0, 1, 1], [], []>, precision = #tpu.contract_precision<fp32>, transpose_lhs_hint = false} : vector<256x1000xf32>, vector<1000x256xf32>, vector<256x256xf32> -> vector<256x256xf32>
    %add3A_32 = arith.addf %get3A_30, %dot_general3A_31 : vector<256x256xf32>
    %swap3A = arith.constant 0 : index
    %swap3A_33 = arith.constant 0 : index
    %swap3A_34 = vector.load %arg10[%swap3A, %swap3A_33] : memref<256x256xf32, #tpu.memory_space<vmem>>, vector<256x256xf32>
    tpu.vector_store %arg10[%swap3A, %swap3A_33], %add3A_32 {strides = array<i32>} : memref<256x256xf32, #tpu.memory_space<vmem>>, vector<256x256xf32>,
    %get3A_35 = arith.constant 0 : index
    %get3A_36 = arith.constant 0 : index
    %get3A_37 = vector.load %arg11[%get3A_35, %get3A_36] : memref<256x1xf32, #tpu.memory_space<vmem>>, vector<256x1xf32>
    %reduce_sum3A = arith.constant dense<0.000000e+00> : vector<256xf32>
    %reduce_sum3A_38 = vector.multi_reduction <add>, %convert_element_type3A_27, %reduce_sum3A [1] : vector<256x1000xf32> to vector<256xf32>
    %broadcast_in_dim3A = vector.shape_cast %reduce_sum3A_38 : vector<256xf32> to vector<256x1xf32>
    %add3A_39 = arith.addf %get3A_37, %broadcast_in_dim3A : vector<256x1xf32>
    %swap3A_40 = arith.constant 0 : index
    %swap3A_41 = arith.constant 0 : index
    %swap3A_42 = vector.load %arg11[%swap3A_40, %swap3A_41] : memref<256x1xf32, #tpu.memory_space<vmem>>, vector<256x1xf32>
    tpu.vector_store %arg11[%swap3A_40, %swap3A_41], %add3A_39 {strides = array<i32>} : memref<256x1xf32, #tpu.memory_space<vmem>>, vector<256x1xf32>,
    %eq3A_43 = arith.constant 9 : i32
    %eq3A_44 = arith.cmpi eq, %arg0, %eq3A_43 : i32
    %convert_element_type3A_45 = arith.extui %eq3A_44 : i1 to i32
    %cond3A_46 = arith.constant 0 : i32
    %cond3A_47 = arith.cmpi ne, %convert_element_type3A_45, %cond3A_46 : i32
    scf.if %cond3A_47 {
      %get3A_48 = arith.constant 0 : index
      %get3A_49 = arith.constant 0 : index
      %get3A_50 = vector.load %arg10[%get3A_48, %get3A_49] : memref<256x256xf32, #tpu.memory_space<vmem>>, vector<256x256xf32>
      %get3A_51 = arith.constant 0 : index
      %get3A_52 = arith.constant 0 : index
      %get3A_53 = vector.load %arg11[%get3A_51, %get3A_52] : memref<256x1xf32, #tpu.memory_space<vmem>>, vector<256x1xf32>
      %max3A = arith.constant 1.000000e+00 : f32
      %max3A_54 = vector.broadcast %max3A : f32 to vector<256x1xf32>
      %max3A_55 = arith.maximumf %get3A_53, %max3A_54 : vector<256x1xf32>
      %div3A = vector.broadcast %max3A_55 : vector<256x1xf32> to vector<256x256xf32>
      %div3A_56 = arith.divf %get3A_50, %div3A : vector<256x256xf32>
      %get3A_57 = arith.constant 0 : index
      %get3A_58 = arith.constant 0 : index
      %get3A_59 = vector.load %arg5[%get3A_57, %get3A_58] : memref<256x256xf32, #tpu.memory_space<vmem>>, vector<256x256xf32>
      %convert_element_type3A_60 = arith.truncf %div3A_56 : vector<256x256xf32> to vector<256x256xbf16>
      %convert_element_type3A_61 = arith.truncf %get3A_59 : vector<256x256xf32> to vector<256x256xbf16>
      %dot_general3A_62 = arith.constant dense<0.000000e+00> : vector<256x256xf32>
      %dot_general3A_63 = tpu.matmul %convert_element_type3A_60, %convert_element_type3A_61, %dot_general3A_62 {dimension_numbers = #tpu.dot_dimension_numbers<[1], [0], [0], [1], [0, 0, 1, 1], [], []>, transpose_lhs_hint = false} : vector<256x256xbf16>, vector<256x256xbf16>, vector<256x256xf32> -> vector<256x256xf32>
      %get3A_64 = arith.constant 0 : index
      %get3A_65 = arith.constant 0 : index
      %get3A_66 = vector.load %arg6[%get3A_64, %get3A_65] : memref<1x256xf32, #tpu.memory_space<vmem>>, vector<1x256xf32>
      %add3A_67 = vector.broadcast %get3A_66 : vector<1x256xf32> to vector<256x256xf32>
      %add3A_68 = arith.addf %dot_general3A_63, %add3A_67 : vector<256x256xf32>
      %get3A_69 = arith.constant 0 : index
      %get3A_70 = arith.constant 0 : index
      %get3A_71 = vector.load %arg7[%get3A_69, %get3A_70] : memref<256x128xf32, #tpu.memory_space<vmem>>, vector<256x128xf32>
      %convert_element_type3A_72 = arith.truncf %add3A_68 : vector<256x256xf32> to vector<256x256xbf16>
      %convert_element_type3A_73 = arith.truncf %get3A_71 : vector<256x128xf32> to vector<256x128xbf16>
      %dot_general3A_74 = arith.constant dense<0.000000e+00> : vector<256x128xf32>
      %dot_general3A_75 = tpu.matmul %convert_element_type3A_72, %convert_element_type3A_73, %dot_general3A_74 {dimension_numbers = #tpu.dot_dimension_numbers<[1], [0], [0], [1], [0, 0, 1, 1], [], []>, transpose_lhs_hint = false} : vector<256x256xbf16>, vector<256x128xbf16>, vector<256x128xf32> -> vector<256x128xf32>
      %get3A_76 = arith.constant 0 : index
      %get3A_77 = arith.constant 0 : index
      %get3A_78 = vector.load %arg8[%get3A_76, %get3A_77] : memref<1x128xf32, #tpu.memory_space<vmem>>, vector<1x128xf32>
      %add3A_79 = vector.broadcast %get3A_78 : vector<1x128xf32> to vector<256x128xf32>
      %add3A_80 = arith.addf %dot_general3A_75, %add3A_79 : vector<256x128xf32>
      %swap3A_81 = arith.constant 0 : index
      %swap3A_82 = arith.constant 0 : index
      %swap3A_83 = vector.load %arg9[%swap3A_81, %swap3A_82] : memref<256x128xf32, #tpu.memory_space<vmem>>, vector<256x128xf32>
      tpu.vector_store %arg9[%swap3A_81, %swap3A_82], %add3A_80 {strides = array<i32>} : memref<256x128xf32, #tpu.memory_space<vmem>>, vector<256x128xf32>,
    } else {
    }
    return
  }
  func.func @transform_0(%arg0: i32) -> (i32, i32, i32) {
    %c0_i32 = arith.constant 0 : i32
    %c0_i32_0 = arith.constant 0 : i32
    %c0_i32_1 = arith.constant 0 : i32
    return %c0_i32, %arg0, %c0_i32_0 : i32, i32, i32
  }
  func.func @transform_1(%arg0: i32) -> (i32, i32, i32) {
    %c0_i32 = arith.constant 0 : i32
    %c0_i32_0 = arith.constant 0 : i32
    %c0_i32_1 = arith.constant 0 : i32
    return %arg0, %c0_i32, %c0_i32_0 : i32, i32, i32
  }
  func.func @transform_2(%arg0: i32) -> (i32, i32) {
    %c0_i32 = arith.constant 0 : i32
    %c0_i32_0 = arith.constant 0 : i32
    %c0_i32_1 = arith.constant 0 : i32
    return %c0_i32, %c0_i32_0 : i32, i32
  }
  func.func @transform_3(%arg0: i32) -> (i32, i32) {
    %c0_i32 = arith.constant 0 : i32
    %c0_i32_0 = arith.constant 0 : i32
    %c0_i32_1 = arith.constant 0 : i32
    return %c0_i32, %c0_i32_0 : i32, i32
  }
  func.func @transform_4(%arg0: i32) -> (i32, i32) {
    %c0_i32 = arith.constant 0 : i32
    %c0_i32_0 = arith.constant 0 : i32
    %c0_i32_1 = arith.constant 0 : i32
    return %c0_i32, %c0_i32_0 : i32, i32
  }
  func.func @transform_5(%arg0: i32) -> (i32, i32) {
    %c0_i32 = arith.constant 0 : i32
    %c0_i32_0 = arith.constant 0 : i32
    %c0_i32_1 = arith.constant 0 : i32
    return %c0_i32, %c0_i32_0 : i32, i32
  }
  func.func @transform_6(%arg0: i32) -> (i32, i32) {
    %c0_i32 = arith.constant 0 : i32
    %c0_i32_0 = arith.constant 0 : i32
    %c0_i32_1 = arith.constant 0 : i32
    return %c0_i32, %c0_i32_0 : i32, i32
  }
  func.func @transform_7(%arg0: i32) -> (i32, i32) {
    %c0_i32 = arith.constant 0 : i32
    %c0_i32_0 = arith.constant 0 : i32
    %c0_i32_1 = arith.constant 0 : i32
    return %c0_i32, %c0_i32_0 : i32, i32
  }
  func.func @transform_8(%arg0: i32) -> (i32, i32) {
    %c0_i32 = arith.constant 0 : i32
    %c0_i32_0 = arith.constant 0 : i32
    %c0_i32_1 = arith.constant 0 : i32
    return %c0_i32, %c0_i32_0 : i32, i32
  }
}

</mosaic_0001>

<sc_bundles>
// kernel: kernel.16.cloned.1.call-start
scs
__scs_entry_jumppad:
0x0: {  	(pc) =	sbr.rel $0x88, $3  }
0x1: {  	(tag) =	ssettag $0x0;
	lr =	simm.s32 $0x1  }
0x2: {  	[smem:$0x3F89] =	sst lr;
	_ =	strace $0xD0000000  }
0x3: {  	_ = 	snop  }
0x4: {  	_ = 	snop  }
0x5: {  	_ = 	snop  }
0x6: {  	_ = 	snop  }
0x7: {  	_ = 	snop  }
__scs_overlays_trampoline_lowered:
0x8: {  	[smem:$0x3F98] =	sst s0  }
0x9: {  	[smem:$0x3F99] =	sst s1  }
0xa: {  	[smem:$0x3F9A] =	sst s2  }
0xb: {  	[smem:$0x3F9B] =	sst s3  }
0xc: {  	[smem:$0x3F9C] =	sst s4  }
0xd: {  	[smem:$0x3F9D] =	sst s5  }
0xe: {  	[smem:$0x3F9E] =	sst s6  }
0xf: {  	[smem:$0x3F9F] =	sst s7  }
0x10: {  	[smem:$0x3FA0] =	sst s8  }
0x11: {  	[smem:$0x3FA1] =	sst s9;
	s0 =	simm.s32 @!p0 $0x0  }
0x12: {  	s1 =	sld [smem:$0x3F87];
	s0 =	simm.s32 @p0 $0x1  }
0x13: {  	[smem:$0x3FA2] =	sst s0;
	s0 =	simm.s32 @!p1 $0x0  }
0x14: {  	s2 =	sld [smem:$0x3F86];
	s0 =	simm.s32 @p1 $0x1  }
0x15: {  	[smem:$0x3FA3] =	sst s0;
	s0 =	simm.s32 @!p2 $0x0  }
0x16: {  	s3 =	sld [smem:$0x3FDB];
	s0 =	simm.s32 @p2 $0x1  }
0x17: {  	s4 =	simm.s32 $0x1BF5;
	[smem:$0x3FA5] =	sst s0  }
0x18: {  	s0 =	sld [smem:$0x3F88];
	_ =	swait.ge [sflag:s4], $0x0  }
0x19: {  	s7 =	sld [smem:$0x3F89]  }
0x1a: {  	s8 =	sadd.s32 $0xFFFFE003, lr  }
0x1b: {  	s9 =	sadd.s32 $0xFFFFFEF7, lr;
	s5 =	simm.s32 $0xFFFFFFFF;
	p2 =	slt.u32 s8, $0xFFFFF086  }
0x1c: {  	p1 =	slt.u32 s9, $0xF7A;
	s5 =	simm.s32 @!p2 $0x0  }
0x1d: {  	s5 =	simm.s32 @p1 $0x1;
	p0 =	seq.s32 s7, s2  }
0x1e: {  	s7 =	smul.u32 @!p0 $0xF7A, s2;
	p2 =	seq.s32 @!p0 s5, $0x0  }
0x1f: {  	s9 =	smul.u32 $0xF7A, s1;
	s8 =	simm.s32 @!p0 $0x1BF5;
	p2 =	por !p2, p0  }
0x20: {  	[sflag:s8] =	ssyncset.s32 @!p0 $0xFFFFF086;
	s6 =	sadd.s32 @!p0 s3, s7;
	s7 =	simm.s32 @!p0 $0x108  }
0x21: {  	s3 =	sadd.s32 s3, s9;
	s6 =	sadd.s32 @!p0 $0x88, s6;
	s7 =	simm.s32 @p2 $0x1082  }
0x22: {  	[simem:s7], [sflag:s8] =	dma.local @!p0 [hbm:s6], $0xF7A  }
0x23: {  	s9 =	sor.u32 $0xD0000000, s2;
	s6 =	simm.s32 $0x108;
	_ =	swait.ge @!p0 [sflag:s8], $0x0  }
0x24: {  	s3 =	sadd.s32 $0x88, s3;
	s6 =	simm.s32 @!p1 $0x1082;
	[sflag:s4] =	ssyncset.s32 $0xFFFFF086  }
0x25: {  	[simem:s6], [sflag:s4] =	dma.local [hbm:s3], $0xF7A  }
0x26: {  	[smem:$0x3F89] =	sst s1;
	(tag) =	ssettag s2;
	_ =	strace s9  }
0x27: {  	s1 =	sld [smem:$0x3F99]  }
0x28: {  	s2 =	sld [smem:$0x3F9A]  }
0x29: {  	s4 =	sld [smem:$0x3F9C]  }
0x2a: {  	p0 =	seq.s32 s5, $0x0;
	s5 =	sld [smem:$0x3F9D]  }
0x2b: {  	s6 =	sld [smem:$0x3F9E]  }
0x2c: {  	s7 =	sld [smem:$0x3F9F]  }
0x2d: {  	s3 =	simm.s32 $0x108;
	s8 =	sld [smem:$0x3FA0]  }
0x2e: {  	s3 =	simm.s32 @!p0 $0x1082;
	s9 =	sld [smem:$0x3FA1]  }
0x2f: {  	lr =	sadd.s32 s0, s3;
	s0 =	sld [smem:$0x3F98]  }
0x30: {  	s3 =	sld [smem:$0x3F9B]  }
0x31: {  	[smem:$0x3FA4] =	sst s10  }
0x32: {  	s10 =	sld [smem:$0x3FA2];
	_ =	sdelay $0x3  }
0x33: {  	p0 =	seq.s32 s10, $0x1;
	s10 =	sld [smem:$0x3FA4];
	_ =	sdelay $0x3  }
0x34: {  	[smem:$0x3FA4] =	sst s10  }
0x35: {  	s10 =	sld [smem:$0x3FA3];
	_ =	sdelay $0x3  }
0x36: {  	p1 =	seq.s32 s10, $0x1;
	s10 =	sld [smem:$0x3FA4];
	_ =	sdelay $0x3  }
0x37: {  	[smem:$0x3FA4] =	sst s10  }
0x38: {  	s10 =	sld [smem:$0x3FA5]  }
0x39: {  	_ = 	snop;
	(pc) =	sbr.ind lr, $3  }
0x3a: {  	_ = 	snop  }
0x3b: {  	_ = 	snop  }
0x3c: {  	p2 =	seq.s32 s10, $0x1;
	s10 =	sld [smem:$0x3FA4]  }
0x3d: {  	_ =	shalt  }
0x3e: {  	_ =	shalt  }
0x3f: {  	_ =	shalt  }
0x40: {  	_ =	shalt  }
0x41: {  	_ =	shalt  }
0x42: {  	_ =	shalt  }
0x43: {  	_ =	shalt  }
0x44: {  	_ =	shalt  }
0x45: {  	_ =	shalt  }
0x46: {  	_ =	shalt  }
0x47: {  	_ =	shalt  }
0x48: {  	_ =	shalt  }
0x49: {  	_ =	shalt  }
0x4a: {  	_ =	shalt  }
0x4b: {  	_ =	shalt  }
0x4c: {  	_ =	shalt  }
0x4d: {  	_ =	shalt  }
0x4e: {  	_ =	shalt  }
0x4f: {  	_ =	shalt  }
0x50: {  	_ =	shalt  }
0x51: {  	_ =	shalt  }
0x52: {  	_ =	shalt  }
0x53: {  	_ =	shalt  }
0x54: {  	_ =	shalt  }
0x55: {  	_ =	shalt  }
0x56: {  	_ =	shalt  }
0x57: {  	_ =	shalt  }
0x58: {  	_ =	shalt  }
0x59: {  	_ =	shalt  }
0x5a: {  	_ =	shalt  }
0x5b: {  	_ =	shalt  }
0x5c: {  	_ =	shalt  }
0x5d: {  	_ =	shalt  }
0x5e: {  	_ =	shalt  }
0x5f: {  	_ =	shalt  }
0x60: {  	_ =	shalt  }
0x61: {  	_ =	shalt  }
0x62: {  	_ =	shalt  }
0x63: {  	_ =	shalt  }
0x64: {  	_ =	shalt  }
0x65: {  	_ =	shalt  }
0x66: {  	_ =	shalt  }
0x67: {  	_ =	shalt  }
0x68: {  	_ =	shalt  }
0x69: {  	_ =	shalt  }
0x6a: {  	_ =	shalt  }
0x6b: {  	_ =	shalt  }
0x6c: {  	_ =	shalt  }
0x6d: {  	_ =	shalt  }
0x6e: {  	_ =	shalt  }
0x6f: {  	_ =	shalt  }
0x70: {  	_ =	shalt  }
0x71: {  	_ =	shalt  }
0x72: {  	_ =	shalt  }
0x73: {  	_ =	shalt  }
0x74: {  	_ =	shalt  }
0x75: {  	_ =	shalt  }
0x76: {  	_ =	shalt  }
0x77: {  	_ =	shalt  }
0x78: {  	_ =	shalt  }
0x79: {  	_ =	shalt  }
0x7a: {  	_ =	shalt  }
0x7b: {  	_ =	shalt  }
0x7c: {  	_ =	shalt  }
0x7d: {  	_ =	shalt  }
0x7e: {  	_ =	shalt  }
0x7f: {  	_ =	shalt  }
0x80: {  	_ =	shalt  }
0x81: {  	_ =	shalt  }
0x82: {  	_ =	shalt  }
0x83: {  	_ =	shalt  }
0x84: {  	_ =	shalt  }
0x85: {  	_ =	shalt  }
0x86: {  	_ =	shalt  }
0x87: {  	_ =	shalt  }
.Lfunc_end0:
.L_simem_size_0:
called_computation_lowered:
.L_overlay_start_0:
0x88: {  	s2 =	sld [smem:$0x3FD9]  }
0x89: {  	s3 =	sld [smem:$0x3FFE];
	_ =	sdelay $0x1  }
0x8a: {  	s1 =	srdreg.scid  }
0x8b: {  	s0 =	sand.u32 $0x1, s1  }
0x8c: {  	s15 =	sshll.u32 s0, $0xA;
	s2 =	sadd.s32 s3, s2  }
0x8d: {  	s2 =	sadd.s32 s2, s15  }
0x8e: {  	[smem:$0x3FB0] =	sst s2  }
0x8f: {  	_ = 	snop  }
0x90: {  	s2 =	sld [smem:$0x3FD0];
	_ =	sdelay $0x2  }
0x91: {  	s16 =	simm.s32 $0xB;
	s4 =	simm.s32 $0x10  }
0x92: {  	[smem:s4], [sflag:s16] =	dma.local [hbm:s2], $0x1  }
0x93: {  	_ =	swait.eq [sflag:s16], $0x1  }
0x94: {  	[sflag:s16] =	ssyncset.done $0x0  }
0x95: {  	[sflag:s16] =	ssyncadd.s32 $0xFFFFFFFF  }
0x96: {  	s17 =	sld [smem:$0x11];
	(tm) =	ssettm $0x1  }
0x97: {  	s18 =	sld [smem:$0x3FFB];
	_ =	sdelay $0x3  }
0x98: {  	_ =	strace s18  }
0x99: {  	s2 =	sld [smem:$0x3FFC];
	_ =	sdelay $0x3  }
0x9a: {  	_ =	strace s2  }
0x9b: {  	s2 =	sld [smem:$0x3FFD];
	_ =	sdelay $0x3  }
0x9c: {  	_ =	strace s2  }
0x9d: {  	_ =	strace $0x8FFFFFFF  }
0x9e: {  	s19 =	sld [smem:$0x3FDB];
	_ =	sdelay $0x1  }
0x9f: {  	s20 =	simm.s32 $_scs_section_size  }
0xa0: {  	s5 =	simm.s32 $_size__tile_overlayer_lowered;
	s6 =	simm.s32 $_tile_overlayer_lowered  }
0xa1: {  	s7 =	simm.s32 $0x1BFF;
	s21 =	sshll.u32 s6, $0x1;
	s4 =	sadd.s32 s20, s19  }
0xa2: {  	s22 =	simm.s32 $0x0;
	s5 =	sshll.u32 s5, $0x1;
	s6 =	sadd.s32 s21, s4  }
0xa3: {  	[timem:s22], [sflag:s7] =	dma.local [hbm:s6], s5  }
0xa4: {  	_ =	swait.ge [sflag:s7], s5  }
0xa5: {  	s5 =	ssub.s32 $0x0, s5;
	[sflag:s7] =	ssyncset.done $0x0  }
0xa6: {  	[sflag:s7] =	ssyncadd.s32 s5;
	_ =	sdelay $0x1  }
0xa7: {  	s23 =	simm.s32 $0x1B8B  }
0xa8: {  	_ =	swait.ge [sflag:s23], $0x1  }
0xa9: {  	[sflag:s23] =	ssyncset.done $0x0  }
0xaa: {  	[sflag:s23] =	ssyncadd.s32 $0xFFFFFFFF  }
0xab: {  	s5 =	sld [smem:$0x0]  }
0xac: {  	s6 =	sand.u32 $0xFFFFFFFE, s1  }
0xad: {  	p0 =	sne.s32 s1, s6  }
0xae: {  	s6 =	sshll.u32 @p0 s6, $0xE  }
0xaf: {  	s6 =	sadd.s32 @p0 $0x11B8D, s6;
	s7 =	sshll.u32 @p0 s5, $0x11  }
0xb0: {  	s6 =	sor.u32 @p0 s7, s6  }
0xb1: {  	[sflag:s6] =	ssyncadd.remote.s32 @p0 $0x1;
	_ =	sdelay $0x1  }
0xb2: {  	s6 =	simm.s32 @p0 $0x1B8D  }
0xb3: {  	_ =	swait.eq @p0 [sflag:s6], $0x1  }
0xb4: {  	[sflag:s6] =	ssyncadd.s32 @p0 $0xFFFFFFFF  }
0xb5: {  	s7 =	sshll.u32 @!p0 s1, $0xE  }
0xb6: {  	s7 =	sor.u32 @!p0 $0x4000, s7;
	s6 =	simm.s32 @!p0 $0x1B8D  }
0xb7: {  	s5 =	sshll.u32 @!p0 s5, $0x11;
	s7 =	sadd.s32 @!p0 $0x11B8D, s7;
	_ =	swait.eq @!p0 [sflag:s6], $0x1  }
0xb8: {  	s5 =	sor.u32 @!p0 s5, s7;
	[sflag:s6] =	ssyncadd.s32 @!p0 $0xFFFFFFFF  }
0xb9: {  	s25 =	simm.s32 $0x1B8E;
	s24 =	sld [smem:$0x3FFE];
	[sflag:s5] =	ssyncadd.remote.s32 @!p0 $0x1  }
0xba: {  	s26 =	simm.s32 $execute0_lowered;
	[smem:$0x3FD2] =	sst s25  }
0xbb: {  	s6 =	sshll.u32 s26, $0x1;
	_ =	strace $0x80000049;
	[dreg:$0x1] =	wrdreg $0xFFFFFFFF  }
0xbc: {  	s28 =	simm.s32 $_size_execute0_lowered;
	s4 =	sadd.s32 s4, s6;
	[dreg:$0x0] =	wrdreg $0x0  }
0xbd: {  	s6 =	sshll.u32 s28, $0x1;
	[dreg:$0x2] =	wrdreg s4  }
0xbe: {  	[dreg:$0x3] =	wrdreg s6  }
0xbf: {  	[dreg:$0x4] =	wrdreg $0xC0  }
0xc0: {  	_ =	task [dreg:s22], $0x5FFFF  }
0xc1: {  	[dreg:$0x1] =	wrdreg $0xFFFFFFFF  }
0xc2: {  	[dreg:$0x0] =	wrdreg $0x60  }
0xc3: {  	[dreg:$0x2] =	wrdreg s17  }
0xc4: {  	[dreg:$0x3] =	wrdreg s24  }
0xc5: {  	[dreg:$0x4] =	wrdreg $0x68000  }
0xc6: {  	[dreg:$0x5] =	wrdreg $0x9  }
0xc7: {  	_ =	task.clear_ibuf [dreg:s22], $0x6FFFF;
	_ =	strace $0x90000049  }
0xc8: {  	s29 =	simm.s32 $0x9;
	_ =	strace $0x8000004B  }
0xc9: {  	_ =	swait.ge [sflag:s29], $0x1  }
0xca: {  	[sflag:s29] =	ssyncadd.s32 $0xFFFFFFFF  }
0xcb: {  	_ =	strace $0x9000004B  }
0xcc: {  	_ =	sfence  }
0xcd: {  	s30 =	sld [smem:$0x0];
	_ =	sdelay $0x2  }
0xce: {  	s31 =	sshll.u32 s1, $0xD;
	s1 =	sshrl.u32 s1, $0x2  }
0xcf: {  	s4 =	sand.u32 $0x4000, s31;
	s1 =	sadd.s32 s1, s30  }
0xd0: {  	s0 =	sor.u32 s4, s0;
	s1 =	sshll.u32 s1, $0x11  }
0xd1: {  	s0 =	sor.u32 s1, s0  }
0xd2: {  	s0 =	sadd.s32 $0x8F2B, s0  }
0xd3: {  	[sflag:s0] =	ssyncadd.remote.s32 $0x1  }
0xd4: {  	_ =	sfence.sel $0xFFFF  }
0xd5: {  	[dreg:$0x0] =	wrdreg $0xFFFFFFFF;
	(pc) =	sbr.abs _section_cstart, $3  }
0xd6: {  	[dreg:$0x1] =	wrdreg $0xFFFFFFFF  }
0xd7: {  	_ =	task.clear_ibuf [dreg:s22], $0x2FFFF;
	_ =	strace $0x9FFFFFFF  }
0xd8: {  	(tm) =	ssettm $0x7FFFFFFF  }
0xd9: {  	_ =	shalt  }
tec
execute0_lowered:
.L_overlay_start_1:
0x0: {  	(tag) =	ssettag $0x1  }
0x1: {  	s0 =	rddreg [dreg:$0x0]  }
0x2: {  	s6 =	rddreg [dreg:$0x1]  }
0x3: {  	s1 =	srdreg.scid;
	s3 =	rddreg [dreg:$0x2]  }
0x4: {  	s2 =	stileid.u32;
	s4 =	simm.s32 $0x0;
	s16 =	simm.s32 $0x2800  }
0x5: {  	s17 =	simm.s32 $0x1;
	s7 =	sand.u32 $0x1, s1;
	s1 =	rddreg [dreg:$0x3]  }
0x6: {  	s20 =	simm.s32 $0x0;
	[smem:$0x7FF] =	sst s4;
	s10 =	smul.u32 $0x4F000, s2  }
0x7: {  	s12 =	smul.u32 $0x4E000, s2;
	s13 =	sadd.s32 $0xB3400, s6;
	s30 =	sshll.u32 s2, $0x6  }
0x8: {  	s14 =	smul.u32 $0x2700, s2;
	s19 =	sadd.s32 $0x138000, s3;
	p0 =	sne.s32 s2, $0xF  }
0x9: {  	s5 =	sshll.u32 s7, $0x4;
	_ =	strace $0x8000004A;
	s28 =	smul.u32 $0x27100, s7  }
0xa: {  	s9 =	ssub.s32 $0x2, s7;
	s31 =	smul.u32 $0x138800, s7;
	s19 =	sshrl.u32 @!p0 s19, $0x3  }
0xb: {  	s5 =	sor.u32 s2, s5;
	s11 =	sshrl.u32 s9, $0x1;
	s29 =	sshrl.u32 s10, $0x2  }
0xc: {  	s12 =	sshrl.u32 s12, $0x2;
	s5 =	smul.u32 $0x280, s5;
	s11 =	ssub.s32 s9, s11  }
0xd: {  	s15 =	sadd.s32 s29, s3;
	s18 =	sadd.s32 s12, s3;
	s9 =	sadd.s32 s14, s28  }
0xe: {  	s10 =	sshrl.u32 s31, $0x3;
	s14 =	simm.s32 $0x1400;
	s9 =	sadd.s32 s13, s9  }
0xf: {  	s10 =	sadd.s32 s13, s10;
	s11 =	smax.u32 s11, $0x1;
	s12 =	sshrl.u32 s15, $0x3  }
0x10: {  	s13 =	simm.s32 $0x2;
	s15 =	simm.s32 $0x80;
	s18 =	sshrl.u32 s18, $0x3  }
0x11: {  	s8 =	sadd.s32 s5, s6;
	s5 =	sadd.s32 $0x5DA00, s6;
	s6 =	sor.u32 $0x1C02, s30  }
0x12: {  	s10 =	sadd.s32 $0x27000, s10;
	s7 =	sadd.s32 $0xAE400, s8;
	s8 =	sadd.s32 $0x5800, s8  }
.LBB2_1:
0x13: {  	[spmem:s12], [sflag:s6] =	dma.local [hbm:s5], $0x2780  }
0x14: {  	_ =	swait.ge [sflag:s13], $0x2780  }
0x15: {  	[sflag:s13] =	ssyncset.done $0x0  }
0x16: {  	[sflag:s13] =	ssyncadd.s32 $0xFFFFD880  }
0x17: {  	[bflag:$0x0] =	sbarrier.arrive $0xFFFF  }
0x18: {  	[tilespmem:s4], [sflag:$0x2] =	stream.linear.gather [hbm4b:s7+s4], $0x1400, $0x38;
	[tilespmem:$0x1A400] =	vst v63  }
0x19: {  	_ =	swait.ge [sflag:s13], $0x1400  }
0x1a: {  	[sflag:s13] =	ssyncset.done $0x0  }
0x1b: {  	[sflag:s13] =	ssyncadd.s32 $0xFFFFEC00  }
0x1c: {  	[tilespmem:s14], [sflag:$0x2] =	stream.linear.gather [hbm4b:s8+s4], $0x1400, $0x38;
	[tilespmem:$0x1A400] =	vst v63  }
0x1d: {  	_ =	swait.ge [sflag:s13], $0x1400  }
0x1e: {  	[sflag:s13] =	ssyncset.done $0x0  }
0x1f: {  	s21 =	simm.s32 $0x0;
	[sflag:s13] =	ssyncadd.s32 $0xFFFFEC00  }
0x20: {  	[tilespmem:s16], [sflag:$0x1] =	stream.indirect.gather [hbm4b:s0+s15], $0x80, s21, s15, $0xb8;
	[tilespmem:$0x1A400] =	vst v63  }
0x21: {  	_ =	swait.ge [sflag:s17], $0x4000  }
0x22: {  	[sflag:s17] =	ssyncset.done $0x0  }
0x23: {  	s31 =	simm.s32 $0x1400;
	[sflag:s17] =	ssyncadd.s32 $0xFFFFC000  }
0x24: {  	[spmem:s3] =	stream.indirect.scatter.add.f32 [tilespmem:s16], [sflag:$0x2], $0x80, s31, s15, $0xb8;
	[tilespmem:$0x1A400] =	vst v63  }
0x25: {  	_ =	swait.ge [sflag:s13], $0x4000  }
0x26: {  	s22 =	simm.s32 $0x400;
	s21 =	simm.s32 $0x200;
	[sflag:s13] =	ssyncset.done $0x0  }
.LBB2_2:
0x27: {  	s23 =	sshra.s32 s21, $0x2  }
0x28: {  	[sflag:s13] =	ssyncadd.s32 $0xFFFFC000;
	s21 =	smov.u32 s22;
	s24 =	sadd.s32 $0x200, s22  }
0x29: {  	[tilespmem:s16], [sflag:$0x1] =	stream.indirect.gather [hbm4b:s0+s15], $0x80, s23, s15, $0xb8;
	[tilespmem:$0x1A400] =	vst v63  }
0x2a: {  	p1 =	sne.s32 s22, $0x4E00;
	_ =	swait.ge [sflag:s17], $0x4000  }
.Ltmp0:
0x2b: {  	[sflag:s17] =	ssyncset.done $0x0;
	(pc) =	sbr.rel @p1 .LBB2_2-.Ltmp0, $4  }
0x2c: {  	s22 =	sadd.s32 $0x1400, s23;
	[sflag:s17] =	ssyncadd.s32 $0xFFFFC000  }
0x2d: {  	[spmem:s3] =	stream.indirect.scatter.add.f32 [tilespmem:s16], [sflag:$0x2], $0x80, s22, s15, $0xb8;
	[tilespmem:$0x1A400] =	vst v63  }
0x2e: {  	_ =	swait.ge [sflag:s13], $0x4000  }
0x2f: {  	s22 =	smov.u32 s24;
	[sflag:s13] =	ssyncset.done $0x0  }
0x30: {  	s21 =	sshra.s32 s21, $0x2;
	[sflag:s13] =	ssyncadd.s32 $0xFFFFC000  }
0x31: {  	[tilespmem:s16], [sflag:$0x1] =	stream.indirect.gather [hbm4b:s0+s15], $0x80, s21, s15, $0xb8;
	[tilespmem:$0x1A400] =	vst v63  }
0x32: {  	_ =	swait.ge [sflag:s17], $0x4000  }
0x33: {  	[sflag:s17] =	ssyncset.done $0x0  }
0x34: {  	s21 =	sadd.s32 $0x1400, s21;
	[sflag:s17] =	ssyncadd.s32 $0xFFFFC000  }
0x35: {  	[spmem:s3] =	stream.indirect.scatter.add.f32 [tilespmem:s16], [sflag:$0x2], $0x80, s21, s15, $0xb8;
	[tilespmem:$0x1A400] =	vst v63  }
0x36: {  	_ =	swait.ge [sflag:s13], $0x4000  }
0x37: {  	[sflag:s13] =	ssyncset.done $0x0  }
0x38: {  	[sflag:s13] =	ssyncadd.s32 $0xFFFFC000  }
0x39: {  	[bflag:$0x0] =	sbarrier.arrive $0xFFFF  }
0x3a: {  	[hbm:s9], [sflag:s6] =	dma.local [spmem:s18], $0x2700  }
0x3b: {  	s20 =	sadd.s32 $0x1, s20;
	_ =	swait.ge [sflag:s13], $0x2700  }
0x3c: {  	p1 =	sne.s32 s20, s11;
	[sflag:s13] =	ssyncset.done $0x0  }
.Ltmp1:
0x3d: {  	s21 =	simm.s32 @!p0 $0x2;
	[sflag:s13] =	ssyncadd.s32 $0xFFFFD900;
	(pc) =	sbr.rel @p1 .LBB2_1-.Ltmp1, $4  }
0x3e: {  	[hbm:s10], [sflag:s6] =	dma.local @!p0 [spmem:s19], $0x100  }
0x3f: {  	_ =	swait.ge @!p0 [sflag:s21], $0x100  }
0x40: {  	[sflag:s21] =	ssyncset.done @!p0 $0x0  }
0x41: {  	[sflag:s21] =	ssyncadd.s32 @!p0 $0xFFFFFF00  }
0x42: {  	_ =	sfence.sel $0x180000  }
0x43: {  	[bflag:$0x0] =	sbarrier.arrive $0xFFFF  }
0x44: {  	p0 =	sne.s32 s2, $0x0;
	_ =	strace $0x9000004A  }
0x45: {  	s0 =	sadd.s32 @!p0 $0x100000, s1;
	[bflag:$0x2] =	sbarrier.arrive $0xFFFF  }
0x46: {  	[sflag:s0] =	ssyncadd.tile.s32 @!p0 $0x1;
	_ =	shalt  }
.Lfunc_end2:
_tile_overlayer_lowered:
.L_overlay_start_2:
0x47: {  	(tag) =	ssettag $0x2  }
0x48: {  	s0 =	rddreg [dreg:$0x0];
	s2 =	stileid.u32  }
0x49: {  	s1 =	rddreg [dreg:$0x1];
	p0 =	sne.s32 s2, $0x0  }
0x4a: {  	s3 =	rddreg [dreg:$0x2];
	[bflag:$0x3] =	sbarrier.arrive $0xFFFF;
	s2 =	simm.s32 @!p0 $0x1C02  }
0x4b: {  	[timem:s3], [sflag:s2] =	dma.local @!p0 [hbm:s0], s1  }
0x4c: {  	s0 =	simm.s32 @!p0 $0x2  }
0x4d: {  	_ =	swait.ge @!p0 [sflag:s0], s1  }
0x4e: {  	s1 =	ssub.s32 @!p0 $0x0, s1;
	[sflag:s0] =	ssyncset.done @!p0 $0x0  }
0x4f: {  	[sflag:s0] =	ssyncadd.s32 @!p0 s1  }
0x50: {  	[bflag:$0x3] =	sbarrier.arrive $0xFFFF  }
0x51: {  	_ =	shalt  }

// kernel: kernel.19.cloned.1.call-start
scs
__scs_entry_jumppad:
0x0: {  	(pc) =	sbr.rel $0x88, $3  }
0x1: {  	(tag) =	ssettag $0x0;
	lr =	simm.s32 $0x1  }
0x2: {  	[smem:$0x3F89] =	sst lr;
	_ =	strace $0xD0000000  }
0x3: {  	_ = 	snop  }
0x4: {  	_ = 	snop  }
0x5: {  	_ = 	snop  }
0x6: {  	_ = 	snop  }
0x7: {  	_ = 	snop  }
__scs_overlays_trampoline_lowered:
0x8: {  	[smem:$0x3F98] =	sst s0  }
0x9: {  	[smem:$0x3F99] =	sst s1  }
0xa: {  	[smem:$0x3F9A] =	sst s2  }
0xb: {  	[smem:$0x3F9B] =	sst s3  }
0xc: {  	[smem:$0x3F9C] =	sst s4  }
0xd: {  	[smem:$0x3F9D] =	sst s5  }
0xe: {  	[smem:$0x3F9E] =	sst s6  }
0xf: {  	[smem:$0x3F9F] =	sst s7  }
0x10: {  	[smem:$0x3FA0] =	sst s8  }
0x11: {  	[smem:$0x3FA1] =	sst s9;
	s0 =	simm.s32 @!p0 $0x0  }
0x12: {  	s1 =	sld [smem:$0x3F87];
	s0 =	simm.s32 @p0 $0x1  }
0x13: {  	[smem:$0x3FA2] =	sst s0;
	s0 =	simm.s32 @!p1 $0x0  }
0x14: {  	s2 =	sld [smem:$0x3F86];
	s0 =	simm.s32 @p1 $0x1  }
0x15: {  	[smem:$0x3FA3] =	sst s0;
	s0 =	simm.s32 @!p2 $0x0  }
0x16: {  	s3 =	sld [smem:$0x3FDB];
	s0 =	simm.s32 @p2 $0x1  }
0x17: {  	s4 =	simm.s32 $0x1BF5;
	[smem:$0x3FA5] =	sst s0  }
0x18: {  	s0 =	sld [smem:$0x3F88];
	_ =	swait.ge [sflag:s4], $0x0  }
0x19: {  	s7 =	sld [smem:$0x3F89]  }
0x1a: {  	s8 =	sadd.s32 $0xFFFFE003, lr  }
0x1b: {  	s9 =	sadd.s32 $0xFFFFFEF7, lr;
	s5 =	simm.s32 $0xFFFFFFFF;
	p2 =	slt.u32 s8, $0xFFFFF086  }
0x1c: {  	p1 =	slt.u32 s9, $0xF7A;
	s5 =	simm.s32 @!p2 $0x0  }
0x1d: {  	s5 =	simm.s32 @p1 $0x1;
	p0 =	seq.s32 s7, s2  }
0x1e: {  	s7 =	smul.u32 @!p0 $0xF7A, s2;
	p2 =	seq.s32 @!p0 s5, $0x0  }
0x1f: {  	s9 =	smul.u32 $0xF7A, s1;
	s8 =	simm.s32 @!p0 $0x1BF5;
	p2 =	por !p2, p0  }
0x20: {  	[sflag:s8] =	ssyncset.s32 @!p0 $0xFFFFF086;
	s6 =	sadd.s32 @!p0 s3, s7;
	s7 =	simm.s32 @!p0 $0x108  }
0x21: {  	s3 =	sadd.s32 s3, s9;
	s6 =	sadd.s32 @!p0 $0x88, s6;
	s7 =	simm.s32 @p2 $0x1082  }
0x22: {  	[simem:s7], [sflag:s8] =	dma.local @!p0 [hbm:s6], $0xF7A  }
0x23: {  	s9 =	sor.u32 $0xD0000000, s2;
	s6 =	simm.s32 $0x108;
	_ =	swait.ge @!p0 [sflag:s8], $0x0  }
0x24: {  	s3 =	sadd.s32 $0x88, s3;
	s6 =	simm.s32 @!p1 $0x1082;
	[sflag:s4] =	ssyncset.s32 $0xFFFFF086  }
0x25: {  	[simem:s6], [sflag:s4] =	dma.local [hbm:s3], $0xF7A  }
0x26: {  	[smem:$0x3F89] =	sst s1;
	(tag) =	ssettag s2;
	_ =	strace s9  }
0x27: {  	s1 =	sld [smem:$0x3F99]  }
0x28: {  	s2 =	sld [smem:$0x3F9A]  }
0x29: {  	s4 =	sld [smem:$0x3F9C]  }
0x2a: {  	p0 =	seq.s32 s5, $0x0;
	s5 =	sld [smem:$0x3F9D]  }
0x2b: {  	s6 =	sld [smem:$0x3F9E]  }
0x2c: {  	s7 =	sld [smem:$0x3F9F]  }
0x2d: {  	s3 =	simm.s32 $0x108;
	s8 =	sld [smem:$0x3FA0]  }
0x2e: {  	s3 =	simm.s32 @!p0 $0x1082;
	s9 =	sld [smem:$0x3FA1]  }
0x2f: {  	lr =	sadd.s32 s0, s3;
	s0 =	sld [smem:$0x3F98]  }
0x30: {  	s3 =	sld [smem:$0x3F9B]  }
0x31: {  	[smem:$0x3FA4] =	sst s10  }
0x32: {  	s10 =	sld [smem:$0x3FA2];
	_ =	sdelay $0x3  }
0x33: {  	p0 =	seq.s32 s10, $0x1;
	s10 =	sld [smem:$0x3FA4];
	_ =	sdelay $0x3  }
0x34: {  	[smem:$0x3FA4] =	sst s10  }
0x35: {  	s10 =	sld [smem:$0x3FA3];
	_ =	sdelay $0x3  }
0x36: {  	p1 =	seq.s32 s10, $0x1;
	s10 =	sld [smem:$0x3FA4];
	_ =	sdelay $0x3  }
0x37: {  	[smem:$0x3FA4] =	sst s10  }
0x38: {  	s10 =	sld [smem:$0x3FA5]  }
0x39: {  	_ = 	snop;
	(pc) =	sbr.ind lr, $3  }
0x3a: {  	_ = 	snop  }
0x3b: {  	_ = 	snop  }
0x3c: {  	p2 =	seq.s32 s10, $0x1;
	s10 =	sld [smem:$0x3FA4]  }
0x3d: {  	_ =	shalt  }
0x3e: {  	_ =	shalt  }
0x3f: {  	_ =	shalt  }
0x40: {  	_ =	shalt  }
0x41: {  	_ =	shalt  }
0x42: {  	_ =	shalt  }
0x43: {  	_ =	shalt  }
0x44: {  	_ =	shalt  }
0x45: {  	_ =	shalt  }
0x46: {  	_ =	shalt  }
0x47: {  	_ =	shalt  }
0x48: {  	_ =	shalt  }
0x49: {  	_ =	shalt  }
0x4a: {  	_ =	shalt  }
0x4b: {  	_ =	shalt  }
0x4c: {  	_ =	shalt  }
0x4d: {  	_ =	shalt  }
0x4e: {  	_ =	shalt  }
0x4f: {  	_ =	shalt  }
0x50: {  	_ =	shalt  }
0x51: {  	_ =	shalt  }
0x52: {  	_ =	shalt  }
0x53: {  	_ =	shalt  }
0x54: {  	_ =	shalt  }
0x55: {  	_ =	shalt  }
0x56: {  	_ =	shalt  }
0x57: {  	_ =	shalt  }
0x58: {  	_ =	shalt  }
0x59: {  	_ =	shalt  }
0x5a: {  	_ =	shalt  }
0x5b: {  	_ =	shalt  }
0x5c: {  	_ =	shalt  }
0x5d: {  	_ =	shalt  }
0x5e: {  	_ =	shalt  }
0x5f: {  	_ =	shalt  }
0x60: {  	_ =	shalt  }
0x61: {  	_ =	shalt  }
0x62: {  	_ =	shalt  }
0x63: {  	_ =	shalt  }
0x64: {  	_ =	shalt  }
0x65: {  	_ =	shalt  }
0x66: {  	_ =	shalt  }
0x67: {  	_ =	shalt  }
0x68: {  	_ =	shalt  }
0x69: {  	_ =	shalt  }
0x6a: {  	_ =	shalt  }
0x6b: {  	_ =	shalt  }
0x6c: {  	_ =	shalt  }
0x6d: {  	_ =	shalt  }
0x6e: {  	_ =	shalt  }
0x6f: {  	_ =	shalt  }
0x70: {  	_ =	shalt  }
0x71: {  	_ =	shalt  }
0x72: {  	_ =	shalt  }
0x73: {  	_ =	shalt  }
0x74: {  	_ =	shalt  }
0x75: {  	_ =	shalt  }
0x76: {  	_ =	shalt  }
0x77: {  	_ =	shalt  }
0x78: {  	_ =	shalt  }
0x79: {  	_ =	shalt  }
0x7a: {  	_ =	shalt  }
0x7b: {  	_ =	shalt  }
0x7c: {  	_ =	shalt  }
0x7d: {  	_ =	shalt  }
0x7e: {  	_ =	shalt  }
0x7f: {  	_ =	shalt  }
0x80: {  	_ =	shalt  }
0x81: {  	_ =	shalt  }
0x82: {  	_ =	shalt  }
0x83: {  	_ =	shalt  }
0x84: {  	_ =	shalt  }
0x85: {  	_ =	shalt  }
0x86: {  	_ =	shalt  }
0x87: {  	_ =	shalt  }
.Lfunc_end0:
.L_simem_size_0:
called_computation.1_lowered:
.L_overlay_start_0:
0x88: {  	s2 =	sld [smem:$0x3FD9]  }
0x89: {  	s3 =	sld [smem:$0x3FFE];
	_ =	sdelay $0x1  }
0x8a: {  	s1 =	srdreg.scid  }
0x8b: {  	s0 =	sand.u32 $0x1, s1  }
0x8c: {  	s16 =	sshll.u32 s0, $0xA;
	s2 =	sadd.s32 s3, s2  }
0x8d: {  	s2 =	sadd.s32 s2, s16  }
0x8e: {  	[smem:$0x3FB0] =	sst s2  }
0x8f: {  	_ = 	snop  }
0x90: {  	(tm) =	ssettm $0x1  }
0x91: {  	s17 =	sld [smem:$0x3FFB];
	_ =	sdelay $0x3  }
0x92: {  	_ =	strace s17  }
0x93: {  	s2 =	sld [smem:$0x3FFC];
	_ =	sdelay $0x3  }
0x94: {  	_ =	strace s2  }
0x95: {  	s2 =	sld [smem:$0x3FFD];
	_ =	sdelay $0x3  }
0x96: {  	_ =	strace s2  }
0x97: {  	_ =	strace $0x8FFFFFFF  }
0x98: {  	s18 =	sld [smem:$0x3FDB];
	_ =	sdelay $0x1  }
0x99: {  	s19 =	simm.s32 $_scs_section_size  }
0x9a: {  	s4 =	simm.s32 $_size__tile_overlayer_lowered;
	s5 =	simm.s32 $_tile_overlayer_lowered  }
0x9b: {  	s22 =	simm.s32 $0x1BFF;
	s21 =	sshll.u32 s5, $0x1;
	s2 =	sadd.s32 s19, s18  }
0x9c: {  	s6 =	simm.s32 $0x0;
	s20 =	sshll.u32 s4, $0x1;
	s4 =	sadd.s32 s21, s2  }
0x9d: {  	[timem:s6], [sflag:s22] =	dma.local [hbm:s4], s20  }
0x9e: {  	_ =	swait.ge [sflag:s22], s20  }
0x9f: {  	s3 =	ssub.s32 $0x0, s20;
	[sflag:s22] =	ssyncset.done $0x0  }
0xa0: {  	[sflag:s22] =	ssyncadd.s32 s3;
	_ =	sdelay $0x1  }
0xa1: {  	s23 =	simm.s32 $0x1B8B  }
0xa2: {  	_ =	swait.ge [sflag:s23], $0x1  }
0xa3: {  	[sflag:s23] =	ssyncset.done $0x0  }
0xa4: {  	s25 =	simm.s32 $0x1B8E;
	s24 =	sld [smem:$0x3FFE];
	[sflag:s23] =	ssyncadd.s32 $0xFFFFFFFF  }
0xa5: {  	s26 =	simm.s32 $execute0_lowered;
	[smem:$0x3FD2] =	sst s25  }
0xa6: {  	s4 =	sshll.u32 s26, $0x1;
	_ =	strace $0x80000046;
	[dreg:$0x1] =	wrdreg $0xFFFFFFFF  }
0xa7: {  	s28 =	simm.s32 $_size_execute0_lowered;
	s2 =	sadd.s32 s2, s4;
	[dreg:$0x0] =	wrdreg $0x0  }
0xa8: {  	s4 =	sshll.u32 s28, $0x1;
	[dreg:$0x2] =	wrdreg s2  }
0xa9: {  	[dreg:$0x3] =	wrdreg s4  }
0xaa: {  	[dreg:$0x4] =	wrdreg $0xC0  }
0xab: {  	_ =	task [dreg:s6], $0x5FFFF  }
0xac: {  	[dreg:$0x1] =	wrdreg $0xFFFFFFFF  }
0xad: {  	[dreg:$0x0] =	wrdreg $0x60  }
0xae: {  	[dreg:$0x2] =	wrdreg s24  }
0xaf: {  	[dreg:$0x3] =	wrdreg $0x90000  }
0xb0: {  	[dreg:$0x4] =	wrdreg $0xA  }
0xb1: {  	_ =	task.clear_ibuf [dreg:s6], $0x5FFFF;
	_ =	strace $0x90000046  }
0xb2: {  	s29 =	simm.s32 $0xA;
	_ =	strace $0x80000048  }
0xb3: {  	_ =	swait.ge [sflag:s29], $0x1  }
0xb4: {  	[sflag:s29] =	ssyncadd.s32 $0xFFFFFFFF  }
0xb5: {  	_ =	strace $0x90000048  }
0xb6: {  	_ =	sfence  }
0xb7: {  	s30 =	sld [smem:$0x0];
	_ =	sdelay $0x2  }
0xb8: {  	s31 =	sshll.u32 s1, $0xD;
	s1 =	sshrl.u32 s1, $0x2  }
0xb9: {  	s3 =	sand.u32 $0x4000, s31;
	s1 =	sadd.s32 s1, s30  }
0xba: {  	s0 =	sor.u32 s3, s0;
	s1 =	sshll.u32 s1, $0x11  }
0xbb: {  	s0 =	sor.u32 s1, s0  }
0xbc: {  	s0 =	sadd.s32 $0x8F2B, s0  }
0xbd: {  	[sflag:s0] =	ssyncadd.remote.s32 $0x1  }
0xbe: {  	_ =	sfence.sel $0xFFFF  }
0xbf: {  	[dreg:$0x0] =	wrdreg $0xFFFFFFFF;
	(pc) =	sbr.abs _section_cstart, $3  }
0xc0: {  	[dreg:$0x1] =	wrdreg $0xFFFFFFFF  }
0xc1: {  	_ =	task.clear_ibuf [dreg:s6], $0x2FFFF;
	_ =	strace $0x9FFFFFFF  }
0xc2: {  	(tm) =	ssettm $0x7FFFFFFF  }
0xc3: {  	_ =	shalt  }
tec
execute0_lowered:
.L_overlay_start_1:
0x0: {  	(tag) =	ssettag $0x1  }
0x1: {  	s6 =	rddreg [dreg:$0x0]  }
0x2: {  	s2 =	rddreg [dreg:$0x1]  }
0x3: {  	s0 =	rddreg [dreg:$0x2]  }
0x4: {  	s3 =	simm.s32 $0x0;
	s1 =	stileid.u32;
	s7 =	srdreg.scid  }
0x5: {  	s15 =	simm.s32 $0x80;
	s16 =	simm.s32 $0x5000;
	s5 =	smul.u32 $0x500, s1  }
0x6: {  	s17 =	simm.s32 $0x1;
	[smem:$0x7FF] =	sst s3;
	s10 =	smul.u32 $0x4F000, s1  }
0x7: {  	s4 =	sadd.s32 $0xF800, s6;
	s9 =	sand.u32 $0x1, s7;
	s26 =	smul.u32 $0x4E000, s1  }
0x8: {  	s11 =	sadd.s32 $0x60200, s6;
	s28 =	sshll.u32 s1, $0x6;
	s14 =	smul.u32 $0x270, s1  }
0x9: {  	s20 =	sadd.s32 $0x138000, s2;
	p0 =	sne.s32 s1, $0xF;
	s18 =	smul.u32 $0x2710, s9  }
0xa: {  	_ =	strace $0x80000047;
	s7 =	ssub.s32 $0x2, s9;
	s9 =	smul.u32 $0x138800, s9  }
0xb: {  	s8 =	sadd.s32 s5, s6;
	s5 =	sadd.s32 $0x5DA00, s6;
	s24 =	sshrl.u32 s7, $0x1  }
0xc: {  	s25 =	sshrl.u32 s10, $0x2;
	s6 =	sor.u32 $0x1C02, s28;
	s10 =	sshrl.u32 s26, $0x2  }
0xd: {  	s12 =	ssub.s32 s7, s24;
	s13 =	sadd.s32 s25, s2;
	s7 =	sadd.s32 $0xA800, s8  }
0xe: {  	s8 =	sadd.s32 $0x5800, s8;
	s14 =	sadd.s32 s14, s18;
	s30 =	sshrl.u32 s9, $0x3  }
0xf: {  	s19 =	sadd.s32 s10, s2;
	s29 =	sshll.u32 s14, $0x4;
	s31 =	sadd.s32 s11, s30  }
0x10: {  	v0 =	vmov s18;
	s14 =	simm.s32 $0x2800;
	s18 =	sshrl.u32 s19, $0x3;
	s19 =	sshrl.u32 @!p0 s20, $0x3  }
0x11: {  	s20 =	simm.s32 $0x0;
	s9 =	sadd.s32 s11, s29;
	s10 =	sadd.s32 $0x27000, s31  }
0x12: {  	s11 =	smax.u32 s12, $0x1;
	s12 =	sshrl.u32 s13, $0x3;
	s13 =	simm.s32 $0x2  }
.LBB2_1:
0x13: {  	[spmem:s12], [sflag:s6] =	dma.local [hbm:s5], $0x2780  }
0x14: {  	_ =	swait.ge [sflag:s13], $0x2780  }
0x15: {  	[sflag:s13] =	ssyncset.done $0x0  }
0x16: {  	[sflag:s13] =	ssyncadd.s32 $0xFFFFD880  }
0x17: {  	[bflag:$0x0] =	sbarrier.arrive $0xFFFF  }
0x18: {  	[tilespmem:s3], [sflag:$0x2] =	stream.linear.gather [hbm4b:s7+s3], $0x2800, $0x38;
	[tilespmem:$0x1CC00] =	vst v63  }
0x19: {  	_ =	swait.ge [sflag:s13], $0x2800  }
0x1a: {  	[sflag:s13] =	ssyncset.done $0x0  }
0x1b: {  	[sflag:s13] =	ssyncadd.s32 $0xFFFFD800  }
0x1c: {  	[tilespmem:s14], [sflag:$0x2] =	stream.linear.gather [hbm4b:s8+s3], $0x2800, $0x38;
	[tilespmem:$0x1CC00] =	vst v63  }
0x1d: {  	_ =	swait.ge [sflag:s13], $0x2800  }
0x1e: {  	[sflag:s13] =	ssyncset.done $0x0  }
0x1f: {  	s21 =	simm.s32 $0x0;
	[sflag:s13] =	ssyncadd.s32 $0xFFFFD800  }
0x20: {  	v3 =	vld [tilespmem:s21+$0x0]  }
0x21: {  	v5 =	vld [tilespmem:s21+$0x10]  }
0x22: {  	v4 =	vld [tilespmem:s21+$0x20]  }
0x23: {  	v2 =	vld [tilespmem:s21+$0x30]  }
0x24: {  	v1 =	vld [tilespmem:s21+$0x40]  }
0x25: {  	v6 =	vadd.s32 v0, v3;
	v3 =	vld [tilespmem:s21+$0x50]  }
0x26: {  	s22 =	simm.s32 $0x200;
	[tilespmem:s21+$0x0] =	vst v6;
	v6 =	vadd.s32 v0, v5;
	v5 =	vld [tilespmem:s21+$0x60]  }
.LBB2_2:
0x27: {  	s23 =	sshra.s32 s22, $0x2;
	p1 =	sne.s32 s22, $0x9E00;
	[tilespmem:s21+$0x10] =	vst v6;
	v4 =	vadd.s32 v0, v4;
	v6 =	vld [tilespmem:s21+$0x70]  }
0x28: {  	v7 =	vld [tilespmem:s23+$0x0];
	[tilespmem:s21+$0x20] =	vst v4;
	v2 =	vadd.s32 v0, v2  }
0x29: {  	v8 =	vld [tilespmem:s23+$0x10];
	[tilespmem:s21+$0x30] =	vst v2;
	v1 =	vadd.s32 v0, v1  }
.Ltmp0:
0x2a: {  	v4 =	vld [tilespmem:s23+$0x20];
	[tilespmem:s21+$0x40] =	vst v1;
	v1 =	vadd.s32 v0, v3;
	(pc) =	sbr.rel @p1 .LBB2_2-.Ltmp0, $4  }
0x2b: {  	v2 =	vld [tilespmem:s23+$0x30];
	[tilespmem:s21+$0x50] =	vst v1;
	v3 =	vadd.s32 v0, v5  }
0x2c: {  	v1 =	vld [tilespmem:s23+$0x40];
	[tilespmem:s21+$0x60] =	vst v3;
	v5 =	vadd.s32 v0, v6  }
0x2d: {  	v6 =	vadd.s32 v0, v7;
	v3 =	vld [tilespmem:s23+$0x50];
	[tilespmem:s21+$0x70] =	vst v5;
	s21 =	smov.u32 s23  }
0x2e: {  	s22 =	sadd.s32 $0x200, s22;
	[tilespmem:s21+$0x0] =	vst v6;
	v6 =	vadd.s32 v0, v8;
	v5 =	vld [tilespmem:s21+$0x60]  }
0x2f: {  	[tilespmem:s21+$0x10] =	vst v6;
	v4 =	vadd.s32 v0, v4;
	v63 =	vld [tilespmem:s21+$0x70]  }
0x30: {  	[tilespmem:s21+$0x20] =	vst v4;
	v2 =	vadd.s32 v0, v2  }
0x31: {  	[tilespmem:s21+$0x30] =	vst v2;
	v1 =	vadd.s32 v0, v1  }
0x32: {  	[tilespmem:s21+$0x40] =	vst v1;
	v1 =	vadd.s32 v0, v3  }
0x33: {  	[tilespmem:s21+$0x50] =	vst v1;
	v1 =	vadd.s32 v0, v5  }
0x34: {  	[tilespmem:s21+$0x60] =	vst v1;
	v1 =	vadd.s32 v0, v63  }
0x35: {  	s30 =	simm.s32 $0x0;
	[tilespmem:s21+$0x70] =	vst v1  }
0x36: {  	[tilespmem:s16], [sflag:$0x1] =	stream.indirect.gather [hbm4b:s4+s15], $0x80, s30, s15, $0xb8;
	[tilespmem:$0x1CC00] =	vst v63  }
0x37: {  	_ =	swait.ge [sflag:s17], $0x4000  }
0x38: {  	[sflag:s17] =	ssyncset.done $0x0  }
0x39: {  	s31 =	simm.s32 $0x2800;
	[sflag:s17] =	ssyncadd.s32 $0xFFFFC000  }
0x3a: {  	[spmem:s2] =	stream.indirect.scatter.add.f32 [tilespmem:s16], [sflag:$0x2], $0x80, s31, s15, $0xb8;
	[tilespmem:$0x1CC00] =	vst v63  }
0x3b: {  	_ =	swait.ge [sflag:s13], $0x4000  }
0x3c: {  	s22 =	simm.s32 $0x400;
	s21 =	simm.s32 $0x200;
	[sflag:s13] =	ssyncset.done $0x0  }
.LBB2_4:
0x3d: {  	s23 =	sshra.s32 s21, $0x2  }
0x3e: {  	[sflag:s13] =	ssyncadd.s32 $0xFFFFC000;
	s21 =	smov.u32 s22;
	s24 =	sadd.s32 $0x200, s22  }
0x3f: {  	[tilespmem:s16], [sflag:$0x1] =	stream.indirect.gather [hbm4b:s4+s15], $0x80, s23, s15, $0xb8;
	[tilespmem:$0x1CC00] =	vst v63  }
0x40: {  	p1 =	sne.s32 s22, $0x9E00;
	_ =	swait.ge [sflag:s17], $0x4000  }
.Ltmp1:
0x41: {  	[sflag:s17] =	ssyncset.done $0x0;
	(pc) =	sbr.rel @p1 .LBB2_4-.Ltmp1, $4  }
0x42: {  	s22 =	sadd.s32 $0x2800, s23;
	[sflag:s17] =	ssyncadd.s32 $0xFFFFC000  }
0x43: {  	[spmem:s2] =	stream.indirect.scatter.add.f32 [tilespmem:s16], [sflag:$0x2], $0x80, s22, s15, $0xb8;
	[tilespmem:$0x1CC00] =	vst v63  }
0x44: {  	_ =	swait.ge [sflag:s13], $0x4000  }
0x45: {  	s22 =	smov.u32 s24;
	[sflag:s13] =	ssyncset.done $0x0  }
0x46: {  	s21 =	sshra.s32 s21, $0x2;
	[sflag:s13] =	ssyncadd.s32 $0xFFFFC000  }
0x47: {  	[tilespmem:s16], [sflag:$0x1] =	stream.indirect.gather [hbm4b:s4+s15], $0x80, s21, s15, $0xb8;
	[tilespmem:$0x1CC00] =	vst v63  }
0x48: {  	_ =	swait.ge [sflag:s17], $0x4000  }
0x49: {  	[sflag:s17] =	ssyncset.done $0x0  }
0x4a: {  	s21 =	sadd.s32 $0x2800, s21;
	[sflag:s17] =	ssyncadd.s32 $0xFFFFC000  }
0x4b: {  	[spmem:s2] =	stream.indirect.scatter.add.f32 [tilespmem:s16], [sflag:$0x2], $0x80, s21, s15, $0xb8;
	[tilespmem:$0x1CC00] =	vst v63  }
0x4c: {  	_ =	swait.ge [sflag:s13], $0x4000  }
0x4d: {  	[sflag:s13] =	ssyncset.done $0x0  }
0x4e: {  	[sflag:s13] =	ssyncadd.s32 $0xFFFFC000  }
0x4f: {  	[bflag:$0x0] =	sbarrier.arrive $0xFFFF  }
0x50: {  	[hbm:s9], [sflag:s6] =	dma.local [spmem:s18], $0x2700  }
0x51: {  	s20 =	sadd.s32 $0x1, s20;
	_ =	swait.ge [sflag:s13], $0x2700  }
0x52: {  	p1 =	sne.s32 s20, s11;
	[sflag:s13] =	ssyncset.done $0x0  }
.Ltmp2:
0x53: {  	s21 =	simm.s32 @!p0 $0x2;
	[sflag:s13] =	ssyncadd.s32 $0xFFFFD900;
	(pc) =	sbr.rel @p1 .LBB2_1-.Ltmp2, $4  }
0x54: {  	[hbm:s10], [sflag:s6] =	dma.local @!p0 [spmem:s19], $0x100  }
0x55: {  	_ =	swait.ge @!p0 [sflag:s21], $0x100  }
0x56: {  	[sflag:s21] =	ssyncset.done @!p0 $0x0  }
0x57: {  	[sflag:s21] =	ssyncadd.s32 @!p0 $0xFFFFFF00  }
0x58: {  	_ =	sfence.sel $0x180000  }
0x59: {  	[bflag:$0x0] =	sbarrier.arrive $0xFFFF  }
0x5a: {  	p0 =	sne.s32 s1, $0x0;
	_ =	strace $0x90000047  }
0x5b: {  	s0 =	sadd.s32 @!p0 $0x100000, s0;
	[bflag:$0x2] =	sbarrier.arrive $0xFFFF  }
0x5c: {  	[sflag:s0] =	ssyncadd.tile.s32 @!p0 $0x1;
	_ =	shalt  }
.Lfunc_end2:
_tile_overlayer_lowered:
.L_overlay_start_2:
0x5d: {  	(tag) =	ssettag $0x2  }
0x5e: {  	s0 =	rddreg [dreg:$0x0];
	s2 =	stileid.u32  }
0x5f: {  	s1 =	rddreg [dreg:$0x1];
	p0 =	sne.s32 s2, $0x0  }
0x60: {  	s3 =	rddreg [dreg:$0x2];
	[bflag:$0x3] =	sbarrier.arrive $0xFFFF;
	s2 =	simm.s32 @!p0 $0x1C02  }
0x61: {  	[timem:s3], [sflag:s2] =	dma.local @!p0 [hbm:s0], s1  }
0x62: {  	s0 =	simm.s32 @!p0 $0x2  }
0x63: {  	_ =	swait.ge @!p0 [sflag:s0], s1  }
0x64: {  	s1 =	ssub.s32 @!p0 $0x0, s1;
	[sflag:s0] =	ssyncset.done @!p0 $0x0  }
0x65: {  	[sflag:s0] =	ssyncadd.s32 @!p0 s1  }
0x66: {  	[bflag:$0x3] =	sbarrier.arrive $0xFFFF  }
0x67: {  	_ =	shalt  }

// kernel: kernel.22.cloned.1.call-start
scs
__scs_entry_jumppad:
0x0: {  	(pc) =	sbr.rel $0x88, $3  }
0x1: {  	(tag) =	ssettag $0x0;
	lr =	simm.s32 $0x1  }
0x2: {  	[smem:$0x3F89] =	sst lr;
	_ =	strace $0xD0000000  }
0x3: {  	_ = 	snop  }
0x4: {  	_ = 	snop  }
0x5: {  	_ = 	snop  }
0x6: {  	_ = 	snop  }
0x7: {  	_ = 	snop  }
__scs_overlays_trampoline_lowered:
0x8: {  	[smem:$0x3F98] =	sst s0  }
0x9: {  	[smem:$0x3F99] =	sst s1  }
0xa: {  	[smem:$0x3F9A] =	sst s2  }
0xb: {  	[smem:$0x3F9B] =	sst s3  }
0xc: {  	[smem:$0x3F9C] =	sst s4  }
0xd: {  	[smem:$0x3F9D] =	sst s5  }
0xe: {  	[smem:$0x3F9E] =	sst s6  }
0xf: {  	[smem:$0x3F9F] =	sst s7  }
0x10: {  	[smem:$0x3FA0] =	sst s8  }
0x11: {  	[smem:$0x3FA1] =	sst s9;
	s0 =	simm.s32 @!p0 $0x0  }
0x12: {  	s1 =	sld [smem:$0x3F87];
	s0 =	simm.s32 @p0 $0x1  }
0x13: {  	[smem:$0x3FA2] =	sst s0;
	s0 =	simm.s32 @!p1 $0x0  }
0x14: {  	s2 =	sld [smem:$0x3F86];
	s0 =	simm.s32 @p1 $0x1  }
0x15: {  	[smem:$0x3FA3] =	sst s0;
	s0 =	simm.s32 @!p2 $0x0  }
0x16: {  	s3 =	sld [smem:$0x3FDB];
	s0 =	simm.s32 @p2 $0x1  }
0x17: {  	s4 =	simm.s32 $0x1BF5;
	[smem:$0x3FA5] =	sst s0  }
0x18: {  	s0 =	sld [smem:$0x3F88];
	_ =	swait.ge [sflag:s4], $0x0  }
0x19: {  	s7 =	sld [smem:$0x3F89]  }
0x1a: {  	s8 =	sadd.s32 $0xFFFFE003, lr  }
0x1b: {  	s9 =	sadd.s32 $0xFFFFFEF7, lr;
	s5 =	simm.s32 $0xFFFFFFFF;
	p2 =	slt.u32 s8, $0xFFFFF086  }
0x1c: {  	p1 =	slt.u32 s9, $0xF7A;
	s5 =	simm.s32 @!p2 $0x0  }
0x1d: {  	s5 =	simm.s32 @p1 $0x1;
	p0 =	seq.s32 s7, s2  }
0x1e: {  	s7 =	smul.u32 @!p0 $0xF7A, s2;
	p2 =	seq.s32 @!p0 s5, $0x0  }
0x1f: {  	s9 =	smul.u32 $0xF7A, s1;
	s8 =	simm.s32 @!p0 $0x1BF5;
	p2 =	por !p2, p0  }
0x20: {  	[sflag:s8] =	ssyncset.s32 @!p0 $0xFFFFF086;
	s6 =	sadd.s32 @!p0 s3, s7;
	s7 =	simm.s32 @!p0 $0x108  }
0x21: {  	s3 =	sadd.s32 s3, s9;
	s6 =	sadd.s32 @!p0 $0x88, s6;
	s7 =	simm.s32 @p2 $0x1082  }
0x22: {  	[simem:s7], [sflag:s8] =	dma.local @!p0 [hbm:s6], $0xF7A  }
0x23: {  	s9 =	sor.u32 $0xD0000000, s2;
	s6 =	simm.s32 $0x108;
	_ =	swait.ge @!p0 [sflag:s8], $0x0  }
0x24: {  	s3 =	sadd.s32 $0x88, s3;
	s6 =	simm.s32 @!p1 $0x1082;
	[sflag:s4] =	ssyncset.s32 $0xFFFFF086  }
0x25: {  	[simem:s6], [sflag:s4] =	dma.local [hbm:s3], $0xF7A  }
0x26: {  	[smem:$0x3F89] =	sst s1;
	(tag) =	ssettag s2;
	_ =	strace s9  }
0x27: {  	s1 =	sld [smem:$0x3F99]  }
0x28: {  	s2 =	sld [smem:$0x3F9A]  }
0x29: {  	s4 =	sld [smem:$0x3F9C]  }
0x2a: {  	p0 =	seq.s32 s5, $0x0;
	s5 =	sld [smem:$0x3F9D]  }
0x2b: {  	s6 =	sld [smem:$0x3F9E]  }
0x2c: {  	s7 =	sld [smem:$0x3F9F]  }
0x2d: {  	s3 =	simm.s32 $0x108;
	s8 =	sld [smem:$0x3FA0]  }
0x2e: {  	s3 =	simm.s32 @!p0 $0x1082;
	s9 =	sld [smem:$0x3FA1]  }
0x2f: {  	lr =	sadd.s32 s0, s3;
	s0 =	sld [smem:$0x3F98]  }
0x30: {  	s3 =	sld [smem:$0x3F9B]  }
0x31: {  	[smem:$0x3FA4] =	sst s10  }
0x32: {  	s10 =	sld [smem:$0x3FA2];
	_ =	sdelay $0x3  }
0x33: {  	p0 =	seq.s32 s10, $0x1;
	s10 =	sld [smem:$0x3FA4];
	_ =	sdelay $0x3  }
0x34: {  	[smem:$0x3FA4] =	sst s10  }
0x35: {  	s10 =	sld [smem:$0x3FA3];
	_ =	sdelay $0x3  }
0x36: {  	p1 =	seq.s32 s10, $0x1;
	s10 =	sld [smem:$0x3FA4];
	_ =	sdelay $0x3  }
0x37: {  	[smem:$0x3FA4] =	sst s10  }
0x38: {  	s10 =	sld [smem:$0x3FA5]  }
0x39: {  	_ = 	snop;
	(pc) =	sbr.ind lr, $3  }
0x3a: {  	_ = 	snop  }
0x3b: {  	_ = 	snop  }
0x3c: {  	p2 =	seq.s32 s10, $0x1;
	s10 =	sld [smem:$0x3FA4]  }
0x3d: {  	_ =	shalt  }
0x3e: {  	_ =	shalt  }
0x3f: {  	_ =	shalt  }
0x40: {  	_ =	shalt  }
0x41: {  	_ =	shalt  }
0x42: {  	_ =	shalt  }
0x43: {  	_ =	shalt  }
0x44: {  	_ =	shalt  }
0x45: {  	_ =	shalt  }
0x46: {  	_ =	shalt  }
0x47: {  	_ =	shalt  }
0x48: {  	_ =	shalt  }
0x49: {  	_ =	shalt  }
0x4a: {  	_ =	shalt  }
0x4b: {  	_ =	shalt  }
0x4c: {  	_ =	shalt  }
0x4d: {  	_ =	shalt  }
0x4e: {  	_ =	shalt  }
0x4f: {  	_ =	shalt  }
0x50: {  	_ =	shalt  }
0x51: {  	_ =	shalt  }
0x52: {  	_ =	shalt  }
0x53: {  	_ =	shalt  }
0x54: {  	_ =	shalt  }
0x55: {  	_ =	shalt  }
0x56: {  	_ =	shalt  }
0x57: {  	_ =	shalt  }
0x58: {  	_ =	shalt  }
0x59: {  	_ =	shalt  }
0x5a: {  	_ =	shalt  }
0x5b: {  	_ =	shalt  }
0x5c: {  	_ =	shalt  }
0x5d: {  	_ =	shalt  }
0x5e: {  	_ =	shalt  }
0x5f: {  	_ =	shalt  }
0x60: {  	_ =	shalt  }
0x61: {  	_ =	shalt  }
0x62: {  	_ =	shalt  }
0x63: {  	_ =	shalt  }
0x64: {  	_ =	shalt  }
0x65: {  	_ =	shalt  }
0x66: {  	_ =	shalt  }
0x67: {  	_ =	shalt  }
0x68: {  	_ =	shalt  }
0x69: {  	_ =	shalt  }
0x6a: {  	_ =	shalt  }
0x6b: {  	_ =	shalt  }
0x6c: {  	_ =	shalt  }
0x6d: {  	_ =	shalt  }
0x6e: {  	_ =	shalt  }
0x6f: {  	_ =	shalt  }
0x70: {  	_ =	shalt  }
0x71: {  	_ =	shalt  }
0x72: {  	_ =	shalt  }
0x73: {  	_ =	shalt  }
0x74: {  	_ =	shalt  }
0x75: {  	_ =	shalt  }
0x76: {  	_ =	shalt  }
0x77: {  	_ =	shalt  }
0x78: {  	_ =	shalt  }
0x79: {  	_ =	shalt  }
0x7a: {  	_ =	shalt  }
0x7b: {  	_ =	shalt  }
0x7c: {  	_ =	shalt  }
0x7d: {  	_ =	shalt  }
0x7e: {  	_ =	shalt  }
0x7f: {  	_ =	shalt  }
0x80: {  	_ =	shalt  }
0x81: {  	_ =	shalt  }
0x82: {  	_ =	shalt  }
0x83: {  	_ =	shalt  }
0x84: {  	_ =	shalt  }
0x85: {  	_ =	shalt  }
0x86: {  	_ =	shalt  }
0x87: {  	_ =	shalt  }
.Lfunc_end0:
.L_simem_size_0:
called_computation.2_lowered:
.L_overlay_start_0:
0x88: {  	s2 =	sld [smem:$0x3FD9]  }
0x89: {  	s3 =	sld [smem:$0x3FFE];
	_ =	sdelay $0x1  }
0x8a: {  	s1 =	srdreg.scid  }
0x8b: {  	s0 =	sand.u32 $0x1, s1  }
0x8c: {  	s16 =	sshll.u32 s0, $0xA;
	s2 =	sadd.s32 s3, s2  }
0x8d: {  	s2 =	sadd.s32 s2, s16  }
0x8e: {  	[smem:$0x3FB0] =	sst s2  }
0x8f: {  	_ = 	snop  }
0x90: {  	(tm) =	ssettm $0x1  }
0x91: {  	s17 =	sld [smem:$0x3FFB];
	_ =	sdelay $0x3  }
0x92: {  	_ =	strace s17  }
0x93: {  	s2 =	sld [smem:$0x3FFC];
	_ =	sdelay $0x3  }
0x94: {  	_ =	strace s2  }
0x95: {  	s2 =	sld [smem:$0x3FFD];
	_ =	sdelay $0x3  }
0x96: {  	_ =	strace s2  }
0x97: {  	_ =	strace $0x8FFFFFFF  }
0x98: {  	s18 =	sld [smem:$0x3FDB];
	_ =	sdelay $0x1  }
0x99: {  	s19 =	simm.s32 $_scs_section_size  }
0x9a: {  	s4 =	simm.s32 $_size__tile_overlayer_lowered;
	s5 =	simm.s32 $_tile_overlayer_lowered  }
0x9b: {  	s22 =	simm.s32 $0x1BFF;
	s21 =	sshll.u32 s5, $0x1;
	s2 =	sadd.s32 s19, s18  }
0x9c: {  	s6 =	simm.s32 $0x0;
	s20 =	sshll.u32 s4, $0x1;
	s4 =	sadd.s32 s21, s2  }
0x9d: {  	[timem:s6], [sflag:s22] =	dma.local [hbm:s4], s20  }
0x9e: {  	_ =	swait.ge [sflag:s22], s20  }
0x9f: {  	s3 =	ssub.s32 $0x0, s20;
	[sflag:s22] =	ssyncset.done $0x0  }
0xa0: {  	[sflag:s22] =	ssyncadd.s32 s3;
	_ =	sdelay $0x1  }
0xa1: {  	s23 =	simm.s32 $0x1B8B  }
0xa2: {  	_ =	swait.ge [sflag:s23], $0x1  }
0xa3: {  	[sflag:s23] =	ssyncset.done $0x0  }
0xa4: {  	s25 =	simm.s32 $0x1B8E;
	s24 =	sld [smem:$0x3FFE];
	[sflag:s23] =	ssyncadd.s32 $0xFFFFFFFF  }
0xa5: {  	s26 =	simm.s32 $execute0_lowered;
	[smem:$0x3FD2] =	sst s25  }
0xa6: {  	s4 =	sshll.u32 s26, $0x1;
	_ =	strace $0x8000004C;
	[dreg:$0x1] =	wrdreg $0xFFFFFFFF  }
0xa7: {  	s28 =	simm.s32 $_size_execute0_lowered;
	s2 =	sadd.s32 s2, s4;
	[dreg:$0x0] =	wrdreg $0x0  }
0xa8: {  	s4 =	sshll.u32 s28, $0x1;
	[dreg:$0x2] =	wrdreg s2  }
0xa9: {  	[dreg:$0x3] =	wrdreg s4  }
0xaa: {  	[dreg:$0x4] =	wrdreg $0xC0  }
0xab: {  	_ =	task [dreg:s6], $0x5FFFF  }
0xac: {  	[dreg:$0x1] =	wrdreg $0xFFFFFFFF  }
0xad: {  	[dreg:$0x0] =	wrdreg $0x60  }
0xae: {  	[dreg:$0x2] =	wrdreg s24  }
0xaf: {  	[dreg:$0x3] =	wrdreg $0x90000  }
0xb0: {  	[dreg:$0x4] =	wrdreg $0x9  }
0xb1: {  	_ =	task.clear_ibuf [dreg:s6], $0x5FFFF;
	_ =	strace $0x9000004C  }
0xb2: {  	s29 =	simm.s32 $0x9;
	_ =	strace $0x8000004E  }
0xb3: {  	_ =	swait.ge [sflag:s29], $0x1  }
0xb4: {  	[sflag:s29] =	ssyncadd.s32 $0xFFFFFFFF  }
0xb5: {  	_ =	strace $0x9000004E  }
0xb6: {  	_ =	sfence  }
0xb7: {  	s30 =	sld [smem:$0x0];
	_ =	sdelay $0x2  }
0xb8: {  	s31 =	sshll.u32 s1, $0xD;
	s1 =	sshrl.u32 s1, $0x2  }
0xb9: {  	s3 =	sand.u32 $0x4000, s31;
	s1 =	sadd.s32 s1, s30  }
0xba: {  	s0 =	sor.u32 s3, s0;
	s1 =	sshll.u32 s1, $0x11  }
0xbb: {  	s0 =	sor.u32 s1, s0  }
0xbc: {  	s0 =	sadd.s32 $0x8F2B, s0  }
0xbd: {  	[sflag:s0] =	ssyncadd.remote.s32 $0x1  }
0xbe: {  	_ =	sfence.sel $0xFFFF  }
0xbf: {  	[dreg:$0x0] =	wrdreg $0xFFFFFFFF;
	(pc) =	sbr.abs _section_cstart, $3  }
0xc0: {  	[dreg:$0x1] =	wrdreg $0xFFFFFFFF  }
0xc1: {  	_ =	task.clear_ibuf [dreg:s6], $0x2FFFF;
	_ =	strace $0x9FFFFFFF  }
0xc2: {  	(tm) =	ssettm $0x7FFFFFFF  }
0xc3: {  	_ =	shalt  }
tec
execute0_lowered:
.L_overlay_start_1:
0x0: {  	(tag) =	ssettag $0x1  }
0x1: {  	s6 =	rddreg [dreg:$0x0]  }
0x2: {  	s2 =	rddreg [dreg:$0x1]  }
0x3: {  	s0 =	rddreg [dreg:$0x2]  }
0x4: {  	s3 =	simm.s32 $0x0;
	s1 =	stileid.u32;
	s7 =	srdreg.scid  }
0x5: {  	s15 =	simm.s32 $0x80;
	s16 =	simm.s32 $0x5000;
	s5 =	smul.u32 $0x500, s1  }
0x6: {  	s17 =	simm.s32 $0x1;
	[smem:$0x7FF] =	sst s3;
	s10 =	smul.u32 $0x4F000, s1  }
0x7: {  	s4 =	sadd.s32 $0xF800, s6;
	s9 =	sand.u32 $0x1, s7;
	s26 =	smul.u32 $0x4E000, s1  }
0x8: {  	s11 =	sadd.s32 $0x60200, s6;
	s28 =	sshll.u32 s1, $0x6;
	s14 =	smul.u32 $0x270, s1  }
0x9: {  	s20 =	sadd.s32 $0x138000, s2;
	p0 =	sne.s32 s1, $0xF;
	s18 =	smul.u32 $0x2710, s9  }
0xa: {  	_ =	strace $0x8000004D;
	s7 =	ssub.s32 $0x2, s9;
	s9 =	smul.u32 $0x138800, s9  }
0xb: {  	s8 =	sadd.s32 s5, s6;
	s5 =	sadd.s32 $0x5DA00, s6;
	s24 =	sshrl.u32 s7, $0x1  }
0xc: {  	s25 =	sshrl.u32 s10, $0x2;
	s6 =	sor.u32 $0x1C02, s28;
	s10 =	sshrl.u32 s26, $0x2  }
0xd: {  	s12 =	ssub.s32 s7, s24;
	s13 =	sadd.s32 s25, s2;
	s7 =	sadd.s32 $0xA800, s8  }
0xe: {  	s8 =	sadd.s32 $0x5800, s8;
	s14 =	sadd.s32 s14, s18;
	s30 =	sshrl.u32 s9, $0x3  }
0xf: {  	s19 =	sadd.s32 s10, s2;
	s29 =	sshll.u32 s14, $0x4;
	s31 =	sadd.s32 s11, s30  }
0x10: {  	v0 =	vmov s18;
	s14 =	simm.s32 $0x2800;
	s18 =	sshrl.u32 s19, $0x3;
	s19 =	sshrl.u32 @!p0 s20, $0x3  }
0x11: {  	s20 =	simm.s32 $0x0;
	s9 =	sadd.s32 s11, s29;
	s10 =	sadd.s32 $0x27000, s31  }
0x12: {  	s11 =	smax.u32 s12, $0x1;
	s12 =	sshrl.u32 s13, $0x3;
	s13 =	simm.s32 $0x2  }
.LBB2_1:
0x13: {  	[spmem:s12], [sflag:s6] =	dma.local [hbm:s5], $0x2780  }
0x14: {  	_ =	swait.ge [sflag:s13], $0x2780  }
0x15: {  	[sflag:s13] =	ssyncset.done $0x0  }
0x16: {  	[sflag:s13] =	ssyncadd.s32 $0xFFFFD880  }
0x17: {  	[bflag:$0x0] =	sbarrier.arrive $0xFFFF  }
0x18: {  	[tilespmem:s3], [sflag:$0x2] =	stream.linear.gather [hbm4b:s7+s3], $0x2800, $0x38;
	[tilespmem:$0x1CC00] =	vst v63  }
0x19: {  	_ =	swait.ge [sflag:s13], $0x2800  }
0x1a: {  	[sflag:s13] =	ssyncset.done $0x0  }
0x1b: {  	[sflag:s13] =	ssyncadd.s32 $0xFFFFD800  }
0x1c: {  	[tilespmem:s14], [sflag:$0x2] =	stream.linear.gather [hbm4b:s8+s3], $0x2800, $0x38;
	[tilespmem:$0x1CC00] =	vst v63  }
0x1d: {  	_ =	swait.ge [sflag:s13], $0x2800  }
0x1e: {  	[sflag:s13] =	ssyncset.done $0x0  }
0x1f: {  	s21 =	simm.s32 $0x0;
	[sflag:s13] =	ssyncadd.s32 $0xFFFFD800  }
0x20: {  	v3 =	vld [tilespmem:s21+$0x0]  }
0x21: {  	v5 =	vld [tilespmem:s21+$0x10]  }
0x22: {  	v4 =	vld [tilespmem:s21+$0x20]  }
0x23: {  	v2 =	vld [tilespmem:s21+$0x30]  }
0x24: {  	v1 =	vld [tilespmem:s21+$0x40]  }
0x25: {  	v6 =	vadd.s32 v0, v3;
	v3 =	vld [tilespmem:s21+$0x50]  }
0x26: {  	s22 =	simm.s32 $0x200;
	[tilespmem:s21+$0x0] =	vst v6;
	v6 =	vadd.s32 v0, v5;
	v5 =	vld [tilespmem:s21+$0x60]  }
.LBB2_2:
0x27: {  	s23 =	sshra.s32 s22, $0x2;
	p1 =	sne.s32 s22, $0x9E00;
	[tilespmem:s21+$0x10] =	vst v6;
	v4 =	vadd.s32 v0, v4;
	v6 =	vld [tilespmem:s21+$0x70]  }
0x28: {  	v7 =	vld [tilespmem:s23+$0x0];
	[tilespmem:s21+$0x20] =	vst v4;
	v2 =	vadd.s32 v0, v2  }
0x29: {  	v8 =	vld [tilespmem:s23+$0x10];
	[tilespmem:s21+$0x30] =	vst v2;
	v1 =	vadd.s32 v0, v1  }
.Ltmp0:
0x2a: {  	v4 =	vld [tilespmem:s23+$0x20];
	[tilespmem:s21+$0x40] =	vst v1;
	v1 =	vadd.s32 v0, v3;
	(pc) =	sbr.rel @p1 .LBB2_2-.Ltmp0, $4  }
0x2b: {  	v2 =	vld [tilespmem:s23+$0x30];
	[tilespmem:s21+$0x50] =	vst v1;
	v3 =	vadd.s32 v0, v5  }
0x2c: {  	v1 =	vld [tilespmem:s23+$0x40];
	[tilespmem:s21+$0x60] =	vst v3;
	v5 =	vadd.s32 v0, v6  }
0x2d: {  	v6 =	vadd.s32 v0, v7;
	v3 =	vld [tilespmem:s23+$0x50];
	[tilespmem:s21+$0x70] =	vst v5;
	s21 =	smov.u32 s23  }
0x2e: {  	s22 =	sadd.s32 $0x200, s22;
	[tilespmem:s21+$0x0] =	vst v6;
	v6 =	vadd.s32 v0, v8;
	v5 =	vld [tilespmem:s21+$0x60]  }
0x2f: {  	[tilespmem:s21+$0x10] =	vst v6;
	v4 =	vadd.s32 v0, v4;
	v63 =	vld [tilespmem:s21+$0x70]  }
0x30: {  	[tilespmem:s21+$0x20] =	vst v4;
	v2 =	vadd.s32 v0, v2  }
0x31: {  	[tilespmem:s21+$0x30] =	vst v2;
	v1 =	vadd.s32 v0, v1  }
0x32: {  	[tilespmem:s21+$0x40] =	vst v1;
	v1 =	vadd.s32 v0, v3  }
0x33: {  	[tilespmem:s21+$0x50] =	vst v1;
	v1 =	vadd.s32 v0, v5  }
0x34: {  	[tilespmem:s21+$0x60] =	vst v1;
	v1 =	vadd.s32 v0, v63  }
0x35: {  	s30 =	simm.s32 $0x0;
	[tilespmem:s21+$0x70] =	vst v1  }
0x36: {  	[tilespmem:s16], [sflag:$0x1] =	stream.indirect.gather [hbm4b:s4+s15], $0x80, s30, s15, $0xb8;
	[tilespmem:$0x1CC00] =	vst v63  }
0x37: {  	_ =	swait.ge [sflag:s17], $0x4000  }
0x38: {  	[sflag:s17] =	ssyncset.done $0x0  }
0x39: {  	s31 =	simm.s32 $0x2800;
	[sflag:s17] =	ssyncadd.s32 $0xFFFFC000  }
0x3a: {  	[spmem:s2] =	stream.indirect.scatter.add.f32 [tilespmem:s16], [sflag:$0x2], $0x80, s31, s15, $0xb8;
	[tilespmem:$0x1CC00] =	vst v63  }
0x3b: {  	_ =	swait.ge [sflag:s13], $0x4000  }
0x3c: {  	s22 =	simm.s32 $0x400;
	s21 =	simm.s32 $0x200;
	[sflag:s13] =	ssyncset.done $0x0  }
.LBB2_4:
0x3d: {  	s23 =	sshra.s32 s21, $0x2  }
0x3e: {  	[sflag:s13] =	ssyncadd.s32 $0xFFFFC000;
	s21 =	smov.u32 s22;
	s24 =	sadd.s32 $0x200, s22  }
0x3f: {  	[tilespmem:s16], [sflag:$0x1] =	stream.indirect.gather [hbm4b:s4+s15], $0x80, s23, s15, $0xb8;
	[tilespmem:$0x1CC00] =	vst v63  }
0x40: {  	p1 =	sne.s32 s22, $0x9E00;
	_ =	swait.ge [sflag:s17], $0x4000  }
.Ltmp1:
0x41: {  	[sflag:s17] =	ssyncset.done $0x0;
	(pc) =	sbr.rel @p1 .LBB2_4-.Ltmp1, $4  }
0x42: {  	s22 =	sadd.s32 $0x2800, s23;
	[sflag:s17] =	ssyncadd.s32 $0xFFFFC000  }
0x43: {  	[spmem:s2] =	stream.indirect.scatter.add.f32 [tilespmem:s16], [sflag:$0x2], $0x80, s22, s15, $0xb8;
	[tilespmem:$0x1CC00] =	vst v63  }
0x44: {  	_ =	swait.ge [sflag:s13], $0x4000  }
0x45: {  	s22 =	smov.u32 s24;
	[sflag:s13] =	ssyncset.done $0x0  }
0x46: {  	s21 =	sshra.s32 s21, $0x2;
	[sflag:s13] =	ssyncadd.s32 $0xFFFFC000  }
0x47: {  	[tilespmem:s16], [sflag:$0x1] =	stream.indirect.gather [hbm4b:s4+s15], $0x80, s21, s15, $0xb8;
	[tilespmem:$0x1CC00] =	vst v63  }
0x48: {  	_ =	swait.ge [sflag:s17], $0x4000  }
0x49: {  	[sflag:s17] =	ssyncset.done $0x0  }
0x4a: {  	s21 =	sadd.s32 $0x2800, s21;
	[sflag:s17] =	ssyncadd.s32 $0xFFFFC000  }
0x4b: {  	[spmem:s2] =	stream.indirect.scatter.add.f32 [tilespmem:s16], [sflag:$0x2], $0x80, s21, s15, $0xb8;
	[tilespmem:$0x1CC00] =	vst v63  }
0x4c: {  	_ =	swait.ge [sflag:s13], $0x4000  }
0x4d: {  	[sflag:s13] =	ssyncset.done $0x0  }
0x4e: {  	[sflag:s13] =	ssyncadd.s32 $0xFFFFC000  }
0x4f: {  	[bflag:$0x0] =	sbarrier.arrive $0xFFFF  }
0x50: {  	[hbm:s9], [sflag:s6] =	dma.local [spmem:s18], $0x2700  }
0x51: {  	s20 =	sadd.s32 $0x1, s20;
	_ =	swait.ge [sflag:s13], $0x2700  }
0x52: {  	p1 =	sne.s32 s20, s11;
	[sflag:s13] =	ssyncset.done $0x0  }
.Ltmp2:
0x53: {  	s21 =	simm.s32 @!p0 $0x2;
	[sflag:s13] =	ssyncadd.s32 $0xFFFFD900;
	(pc) =	sbr.rel @p1 .LBB2_1-.Ltmp2, $4  }
0x54: {  	[hbm:s10], [sflag:s6] =	dma.local @!p0 [spmem:s19], $0x100  }
0x55: {  	_ =	swait.ge @!p0 [sflag:s21], $0x100  }
0x56: {  	[sflag:s21] =	ssyncset.done @!p0 $0x0  }
0x57: {  	[sflag:s21] =	ssyncadd.s32 @!p0 $0xFFFFFF00  }
0x58: {  	_ =	sfence.sel $0x180000  }
0x59: {  	[bflag:$0x0] =	sbarrier.arrive $0xFFFF  }
0x5a: {  	p0 =	sne.s32 s1, $0x0;
	_ =	strace $0x9000004D  }
0x5b: {  	s0 =	sadd.s32 @!p0 $0x100000, s0;
	[bflag:$0x2] =	sbarrier.arrive $0xFFFF  }
0x5c: {  	[sflag:s0] =	ssyncadd.tile.s32 @!p0 $0x1;
	_ =	shalt  }
.Lfunc_end2:
_tile_overlayer_lowered:
.L_overlay_start_2:
0x5d: {  	(tag) =	ssettag $0x2  }
0x5e: {  	s0 =	rddreg [dreg:$0x0];
	s2 =	stileid.u32  }
0x5f: {  	s1 =	rddreg [dreg:$0x1];
	p0 =	sne.s32 s2, $0x0  }
0x60: {  	s3 =	rddreg [dreg:$0x2];
	[bflag:$0x3] =	sbarrier.arrive $0xFFFF;
	s2 =	simm.s32 @!p0 $0x1C02  }
0x61: {  	[timem:s3], [sflag:s2] =	dma.local @!p0 [hbm:s0], s1  }
0x62: {  	s0 =	simm.s32 @!p0 $0x2  }
0x63: {  	_ =	swait.ge @!p0 [sflag:s0], s1  }
0x64: {  	s1 =	ssub.s32 @!p0 $0x0, s1;
	[sflag:s0] =	ssyncset.done @!p0 $0x0  }
0x65: {  	[sflag:s0] =	ssyncadd.s32 @!p0 s1  }
0x66: {  	[bflag:$0x3] =	sbarrier.arrive $0xFFFF  }
0x67: {  	_ =	shalt  }

// kernel: kernel.25.cloned.1.call-start
scs
__scs_entry_jumppad:
0x0: {  	(pc) =	sbr.rel $0x88, $3  }
0x1: {  	(tag) =	ssettag $0x0;
	lr =	simm.s32 $0x1  }
0x2: {  	[smem:$0x3F89] =	sst lr;
	_ =	strace $0xD0000000  }
0x3: {  	_ = 	snop  }
0x4: {  	_ = 	snop  }
0x5: {  	_ = 	snop  }
0x6: {  	_ = 	snop  }
0x7: {  	_ = 	snop  }
__scs_overlays_trampoline_lowered:
0x8: {  	[smem:$0x3F98] =	sst s0  }
0x9: {  	[smem:$0x3F99] =	sst s1  }
0xa: {  	[smem:$0x3F9A] =	sst s2  }
0xb: {  	[smem:$0x3F9B] =	sst s3  }
0xc: {  	[smem:$0x3F9C] =	sst s4  }
0xd: {  	[smem:$0x3F9D] =	sst s5  }
0xe: {  	[smem:$0x3F9E] =	sst s6  }
0xf: {  	[smem:$0x3F9F] =	sst s7  }
0x10: {  	[smem:$0x3FA0] =	sst s8  }
0x11: {  	[smem:$0x3FA1] =	sst s9;
	s0 =	simm.s32 @!p0 $0x0  }
0x12: {  	s1 =	sld [smem:$0x3F87];
	s0 =	simm.s32 @p0 $0x1  }
0x13: {  	[smem:$0x3FA2] =	sst s0;
	s0 =	simm.s32 @!p1 $0x0  }
0x14: {  	s2 =	sld [smem:$0x3F86];
	s0 =	simm.s32 @p1 $0x1  }
0x15: {  	[smem:$0x3FA3] =	sst s0;
	s0 =	simm.s32 @!p2 $0x0  }
0x16: {  	s3 =	sld [smem:$0x3FDB];
	s0 =	simm.s32 @p2 $0x1  }
0x17: {  	s4 =	simm.s32 $0x1BF5;
	[smem:$0x3FA5] =	sst s0  }
0x18: {  	s0 =	sld [smem:$0x3F88];
	_ =	swait.ge [sflag:s4], $0x0  }
0x19: {  	s7 =	sld [smem:$0x3F89]  }
0x1a: {  	s8 =	sadd.s32 $0xFFFFE003, lr  }
0x1b: {  	s9 =	sadd.s32 $0xFFFFFEF7, lr;
	s5 =	simm.s32 $0xFFFFFFFF;
	p2 =	slt.u32 s8, $0xFFFFF086  }
0x1c: {  	p1 =	slt.u32 s9, $0xF7A;
	s5 =	simm.s32 @!p2 $0x0  }
0x1d: {  	s5 =	simm.s32 @p1 $0x1;
	p0 =	seq.s32 s7, s2  }
0x1e: {  	s7 =	smul.u32 @!p0 $0xF7A, s2;
	p2 =	seq.s32 @!p0 s5, $0x0  }
0x1f: {  	s9 =	smul.u32 $0xF7A, s1;
	s8 =	simm.s32 @!p0 $0x1BF5;
	p2 =	por !p2, p0  }
0x20: {  	[sflag:s8] =	ssyncset.s32 @!p0 $0xFFFFF086;
	s6 =	sadd.s32 @!p0 s3, s7;
	s7 =	simm.s32 @!p0 $0x108  }
0x21: {  	s3 =	sadd.s32 s3, s9;
	s6 =	sadd.s32 @!p0 $0x88, s6;
	s7 =	simm.s32 @p2 $0x1082  }
0x22: {  	[simem:s7], [sflag:s8] =	dma.local @!p0 [hbm:s6], $0xF7A  }
0x23: {  	s9 =	sor.u32 $0xD0000000, s2;
	s6 =	simm.s32 $0x108;
	_ =	swait.ge @!p0 [sflag:s8], $0x0  }
0x24: {  	s3 =	sadd.s32 $0x88, s3;
	s6 =	simm.s32 @!p1 $0x1082;
	[sflag:s4] =	ssyncset.s32 $0xFFFFF086  }
0x25: {  	[simem:s6], [sflag:s4] =	dma.local [hbm:s3], $0xF7A  }
0x26: {  	[smem:$0x3F89] =	sst s1;
	(tag) =	ssettag s2;
	_ =	strace s9  }
0x27: {  	s1 =	sld [smem:$0x3F99]  }
0x28: {  	s2 =	sld [smem:$0x3F9A]  }
0x29: {  	s4 =	sld [smem:$0x3F9C]  }
0x2a: {  	p0 =	seq.s32 s5, $0x0;
	s5 =	sld [smem:$0x3F9D]  }
0x2b: {  	s6 =	sld [smem:$0x3F9E]  }
0x2c: {  	s7 =	sld [smem:$0x3F9F]  }
0x2d: {  	s3 =	simm.s32 $0x108;
	s8 =	sld [smem:$0x3FA0]  }
0x2e: {  	s3 =	simm.s32 @!p0 $0x1082;
	s9 =	sld [smem:$0x3FA1]  }
0x2f: {  	lr =	sadd.s32 s0, s3;
	s0 =	sld [smem:$0x3F98]  }
0x30: {  	s3 =	sld [smem:$0x3F9B]  }
0x31: {  	[smem:$0x3FA4] =	sst s10  }
0x32: {  	s10 =	sld [smem:$0x3FA2];
	_ =	sdelay $0x3  }
0x33: {  	p0 =	seq.s32 s10, $0x1;
	s10 =	sld [smem:$0x3FA4];
	_ =	sdelay $0x3  }
0x34: {  	[smem:$0x3FA4] =	sst s10  }
0x35: {  	s10 =	sld [smem:$0x3FA3];
	_ =	sdelay $0x3  }
0x36: {  	p1 =	seq.s32 s10, $0x1;
	s10 =	sld [smem:$0x3FA4];
	_ =	sdelay $0x3  }
0x37: {  	[smem:$0x3FA4] =	sst s10  }
0x38: {  	s10 =	sld [smem:$0x3FA5]  }
0x39: {  	_ = 	snop;
	(pc) =	sbr.ind lr, $3  }
0x3a: {  	_ = 	snop  }
0x3b: {  	_ = 	snop  }
0x3c: {  	p2 =	seq.s32 s10, $0x1;
	s10 =	sld [smem:$0x3FA4]  }
0x3d: {  	_ =	shalt  }
0x3e: {  	_ =	shalt  }
0x3f: {  	_ =	shalt  }
0x40: {  	_ =	shalt  }
0x41: {  	_ =	shalt  }
0x42: {  	_ =	shalt  }
0x43: {  	_ =	shalt  }
0x44: {  	_ =	shalt  }
0x45: {  	_ =	shalt  }
0x46: {  	_ =	shalt  }
0x47: {  	_ =	shalt  }
0x48: {  	_ =	shalt  }
0x49: {  	_ =	shalt  }
0x4a: {  	_ =	shalt  }
0x4b: {  	_ =	shalt  }
0x4c: {  	_ =	shalt  }
0x4d: {  	_ =	shalt  }
0x4e: {  	_ =	shalt  }
0x4f: {  	_ =	shalt  }
0x50: {  	_ =	shalt  }
0x51: {  	_ =	shalt  }
0x52: {  	_ =	shalt  }
0x53: {  	_ =	shalt  }
0x54: {  	_ =	shalt  }
0x55: {  	_ =	shalt  }
0x56: {  	_ =	shalt  }
0x57: {  	_ =	shalt  }
0x58: {  	_ =	shalt  }
0x59: {  	_ =	shalt  }
0x5a: {  	_ =	shalt  }
0x5b: {  	_ =	shalt  }
0x5c: {  	_ =	shalt  }
0x5d: {  	_ =	shalt  }
0x5e: {  	_ =	shalt  }
0x5f: {  	_ =	shalt  }
0x60: {  	_ =	shalt  }
0x61: {  	_ =	shalt  }
0x62: {  	_ =	shalt  }
0x63: {  	_ =	shalt  }
0x64: {  	_ =	shalt  }
0x65: {  	_ =	shalt  }
0x66: {  	_ =	shalt  }
0x67: {  	_ =	shalt  }
0x68: {  	_ =	shalt  }
0x69: {  	_ =	shalt  }
0x6a: {  	_ =	shalt  }
0x6b: {  	_ =	shalt  }
0x6c: {  	_ =	shalt  }
0x6d: {  	_ =	shalt  }
0x6e: {  	_ =	shalt  }
0x6f: {  	_ =	shalt  }
0x70: {  	_ =	shalt  }
0x71: {  	_ =	shalt  }
0x72: {  	_ =	shalt  }
0x73: {  	_ =	shalt  }
0x74: {  	_ =	shalt  }
0x75: {  	_ =	shalt  }
0x76: {  	_ =	shalt  }
0x77: {  	_ =	shalt  }
0x78: {  	_ =	shalt  }
0x79: {  	_ =	shalt  }
0x7a: {  	_ =	shalt  }
0x7b: {  	_ =	shalt  }
0x7c: {  	_ =	shalt  }
0x7d: {  	_ =	shalt  }
0x7e: {  	_ =	shalt  }
0x7f: {  	_ =	shalt  }
0x80: {  	_ =	shalt  }
0x81: {  	_ =	shalt  }
0x82: {  	_ =	shalt  }
0x83: {  	_ =	shalt  }
0x84: {  	_ =	shalt  }
0x85: {  	_ =	shalt  }
0x86: {  	_ =	shalt  }
0x87: {  	_ =	shalt  }
.Lfunc_end0:
.L_simem_size_0:
called_computation.3_lowered:
.L_overlay_start_0:
0x88: {  	s2 =	sld [smem:$0x3FD9]  }
0x89: {  	s3 =	sld [smem:$0x3FFE];
	_ =	sdelay $0x1  }
0x8a: {  	s1 =	srdreg.scid  }
0x8b: {  	s0 =	sand.u32 $0x1, s1  }
0x8c: {  	s16 =	sshll.u32 s0, $0xA;
	s2 =	sadd.s32 s3, s2  }
0x8d: {  	s2 =	sadd.s32 s2, s16  }
0x8e: {  	[smem:$0x3FB0] =	sst s2  }
0x8f: {  	_ = 	snop  }
0x90: {  	(tm) =	ssettm $0x1  }
0x91: {  	s17 =	sld [smem:$0x3FFB];
	_ =	sdelay $0x3  }
0x92: {  	_ =	strace s17  }
0x93: {  	s2 =	sld [smem:$0x3FFC];
	_ =	sdelay $0x3  }
0x94: {  	_ =	strace s2  }
0x95: {  	s2 =	sld [smem:$0x3FFD];
	_ =	sdelay $0x3  }
0x96: {  	_ =	strace s2  }
0x97: {  	_ =	strace $0x8FFFFFFF  }
0x98: {  	s18 =	sld [smem:$0x3FDB];
	_ =	sdelay $0x1  }
0x99: {  	s19 =	simm.s32 $_scs_section_size  }
0x9a: {  	s4 =	simm.s32 $_size__tile_overlayer_lowered;
	s5 =	simm.s32 $_tile_overlayer_lowered  }
0x9b: {  	s22 =	simm.s32 $0x1BFF;
	s21 =	sshll.u32 s5, $0x1;
	s2 =	sadd.s32 s19, s18  }
0x9c: {  	s6 =	simm.s32 $0x0;
	s20 =	sshll.u32 s4, $0x1;
	s4 =	sadd.s32 s21, s2  }
0x9d: {  	[timem:s6], [sflag:s22] =	dma.local [hbm:s4], s20  }
0x9e: {  	_ =	swait.ge [sflag:s22], s20  }
0x9f: {  	s3 =	ssub.s32 $0x0, s20;
	[sflag:s22] =	ssyncset.done $0x0  }
0xa0: {  	[sflag:s22] =	ssyncadd.s32 s3;
	_ =	sdelay $0x1  }
0xa1: {  	s23 =	simm.s32 $0x1B8B  }
0xa2: {  	_ =	swait.ge [sflag:s23], $0x1  }
0xa3: {  	[sflag:s23] =	ssyncset.done $0x0  }
0xa4: {  	s25 =	simm.s32 $0x1B8E;
	s24 =	sld [smem:$0x3FFE];
	[sflag:s23] =	ssyncadd.s32 $0xFFFFFFFF  }
0xa5: {  	s26 =	simm.s32 $execute0_lowered;
	[smem:$0x3FD2] =	sst s25  }
0xa6: {  	s4 =	sshll.u32 s26, $0x1;
	_ =	strace $0x8000004F;
	[dreg:$0x1] =	wrdreg $0xFFFFFFFF  }
0xa7: {  	s28 =	simm.s32 $_size_execute0_lowered;
	s2 =	sadd.s32 s2, s4;
	[dreg:$0x0] =	wrdreg $0x0  }
0xa8: {  	s4 =	sshll.u32 s28, $0x1;
	[dreg:$0x2] =	wrdreg s2  }
0xa9: {  	[dreg:$0x3] =	wrdreg s4  }
0xaa: {  	[dreg:$0x4] =	wrdreg $0xC0  }
0xab: {  	_ =	task [dreg:s6], $0x5FFFF  }
0xac: {  	[dreg:$0x1] =	wrdreg $0xFFFFFFFF  }
0xad: {  	[dreg:$0x0] =	wrdreg $0x60  }
0xae: {  	[dreg:$0x2] =	wrdreg s24  }
0xaf: {  	[dreg:$0x3] =	wrdreg $0x90000  }
0xb0: {  	[dreg:$0x4] =	wrdreg $0x9  }
0xb1: {  	_ =	task.clear_ibuf [dreg:s6], $0x5FFFF;
	_ =	strace $0x9000004F  }
0xb2: {  	s29 =	simm.s32 $0x9;
	_ =	strace $0x80000051  }
0xb3: {  	_ =	swait.ge [sflag:s29], $0x1  }
0xb4: {  	[sflag:s29] =	ssyncadd.s32 $0xFFFFFFFF  }
0xb5: {  	_ =	strace $0x90000051  }
0xb6: {  	_ =	sfence  }
0xb7: {  	s30 =	sld [smem:$0x0];
	_ =	sdelay $0x2  }
0xb8: {  	s31 =	sshll.u32 s1, $0xD;
	s1 =	sshrl.u32 s1, $0x2  }
0xb9: {  	s3 =	sand.u32 $0x4000, s31;
	s1 =	sadd.s32 s1, s30  }
0xba: {  	s0 =	sor.u32 s3, s0;
	s1 =	sshll.u32 s1, $0x11  }
0xbb: {  	s0 =	sor.u32 s1, s0  }
0xbc: {  	s0 =	sadd.s32 $0x8F2B, s0  }
0xbd: {  	[sflag:s0] =	ssyncadd.remote.s32 $0x1  }
0xbe: {  	_ =	sfence.sel $0xFFFF  }
0xbf: {  	[dreg:$0x0] =	wrdreg $0xFFFFFFFF;
	(pc) =	sbr.abs _section_cstart, $3  }
0xc0: {  	[dreg:$0x1] =	wrdreg $0xFFFFFFFF  }
0xc1: {  	_ =	task.clear_ibuf [dreg:s6], $0x2FFFF;
	_ =	strace $0x9FFFFFFF  }
0xc2: {  	(tm) =	ssettm $0x7FFFFFFF  }
0xc3: {  	_ =	shalt  }
tec
execute0_lowered:
.L_overlay_start_1:
0x0: {  	(tag) =	ssettag $0x1  }
0x1: {  	s6 =	rddreg [dreg:$0x0]  }
0x2: {  	s2 =	rddreg [dreg:$0x1]  }
0x3: {  	s0 =	rddreg [dreg:$0x2]  }
0x4: {  	s3 =	simm.s32 $0x0;
	s1 =	stileid.u32;
	s7 =	srdreg.scid  }
0x5: {  	s15 =	simm.s32 $0x80;
	s16 =	simm.s32 $0x5000;
	s5 =	smul.u32 $0x500, s1  }
0x6: {  	s17 =	simm.s32 $0x1;
	[smem:$0x7FF] =	sst s3;
	s10 =	smul.u32 $0x4F000, s1  }
0x7: {  	s4 =	sadd.s32 $0xF800, s6;
	s9 =	sand.u32 $0x1, s7;
	s26 =	smul.u32 $0x4E000, s1  }
0x8: {  	s11 =	sadd.s32 $0x60200, s6;
	s28 =	sshll.u32 s1, $0x6;
	s14 =	smul.u32 $0x270, s1  }
0x9: {  	s20 =	sadd.s32 $0x138000, s2;
	p0 =	sne.s32 s1, $0xF;
	s18 =	smul.u32 $0x2710, s9  }
0xa: {  	_ =	strace $0x80000050;
	s7 =	ssub.s32 $0x2, s9;
	s9 =	smul.u32 $0x138800, s9  }
0xb: {  	s8 =	sadd.s32 s5, s6;
	s5 =	sadd.s32 $0x5DA00, s6;
	s24 =	sshrl.u32 s7, $0x1  }
0xc: {  	s25 =	sshrl.u32 s10, $0x2;
	s6 =	sor.u32 $0x1C02, s28;
	s10 =	sshrl.u32 s26, $0x2  }
0xd: {  	s12 =	ssub.s32 s7, s24;
	s13 =	sadd.s32 s25, s2;
	s7 =	sadd.s32 $0xA800, s8  }
0xe: {  	s8 =	sadd.s32 $0x5800, s8;
	s14 =	sadd.s32 s14, s18;
	s30 =	sshrl.u32 s9, $0x3  }
0xf: {  	s19 =	sadd.s32 s10, s2;
	s29 =	sshll.u32 s14, $0x4;
	s31 =	sadd.s32 s11, s30  }
0x10: {  	v0 =	vmov s18;
	s14 =	simm.s32 $0x2800;
	s18 =	sshrl.u32 s19, $0x3;
	s19 =	sshrl.u32 @!p0 s20, $0x3  }
0x11: {  	s20 =	simm.s32 $0x0;
	s9 =	sadd.s32 s11, s29;
	s10 =	sadd.s32 $0x27000, s31  }
0x12: {  	s11 =	smax.u32 s12, $0x1;
	s12 =	sshrl.u32 s13, $0x3;
	s13 =	simm.s32 $0x2  }
.LBB2_1:
0x13: {  	[spmem:s12], [sflag:s6] =	dma.local [hbm:s5], $0x2780  }
0x14: {  	_ =	swait.ge [sflag:s13], $0x2780  }
0x15: {  	[sflag:s13] =	ssyncset.done $0x0  }
0x16: {  	[sflag:s13] =	ssyncadd.s32 $0xFFFFD880  }
0x17: {  	[bflag:$0x0] =	sbarrier.arrive $0xFFFF  }
0x18: {  	[tilespmem:s3], [sflag:$0x2] =	stream.linear.gather [hbm4b:s7+s3], $0x2800, $0x38;
	[tilespmem:$0x1CC00] =	vst v63  }
0x19: {  	_ =	swait.ge [sflag:s13], $0x2800  }
0x1a: {  	[sflag:s13] =	ssyncset.done $0x0  }
0x1b: {  	[sflag:s13] =	ssyncadd.s32 $0xFFFFD800  }
0x1c: {  	[tilespmem:s14], [sflag:$0x2] =	stream.linear.gather [hbm4b:s8+s3], $0x2800, $0x38;
	[tilespmem:$0x1CC00] =	vst v63  }
0x1d: {  	_ =	swait.ge [sflag:s13], $0x2800  }
0x1e: {  	[sflag:s13] =	ssyncset.done $0x0  }
0x1f: {  	s21 =	simm.s32 $0x0;
	[sflag:s13] =	ssyncadd.s32 $0xFFFFD800  }
0x20: {  	v3 =	vld [tilespmem:s21+$0x0]  }
0x21: {  	v5 =	vld [tilespmem:s21+$0x10]  }
0x22: {  	v4 =	vld [tilespmem:s21+$0x20]  }
0x23: {  	v2 =	vld [tilespmem:s21+$0x30]  }
0x24: {  	v1 =	vld [tilespmem:s21+$0x40]  }
0x25: {  	v6 =	vadd.s32 v0, v3;
	v3 =	vld [tilespmem:s21+$0x50]  }
0x26: {  	s22 =	simm.s32 $0x200;
	[tilespmem:s21+$0x0] =	vst v6;
	v6 =	vadd.s32 v0, v5;
	v5 =	vld [tilespmem:s21+$0x60]  }
.LBB2_2:
0x27: {  	s23 =	sshra.s32 s22, $0x2;
	p1 =	sne.s32 s22, $0x9E00;
	[tilespmem:s21+$0x10] =	vst v6;
	v4 =	vadd.s32 v0, v4;
	v6 =	vld [tilespmem:s21+$0x70]  }
0x28: {  	v7 =	vld [tilespmem:s23+$0x0];
	[tilespmem:s21+$0x20] =	vst v4;
	v2 =	vadd.s32 v0, v2  }
0x29: {  	v8 =	vld [tilespmem:s23+$0x10];
	[tilespmem:s21+$0x30] =	vst v2;
	v1 =	vadd.s32 v0, v1  }
.Ltmp0:
0x2a: {  	v4 =	vld [tilespmem:s23+$0x20];
	[tilespmem:s21+$0x40] =	vst v1;
	v1 =	vadd.s32 v0, v3;
	(pc) =	sbr.rel @p1 .LBB2_2-.Ltmp0, $4  }
0x2b: {  	v2 =	vld [tilespmem:s23+$0x30];
	[tilespmem:s21+$0x50] =	vst v1;
	v3 =	vadd.s32 v0, v5  }
0x2c: {  	v1 =	vld [tilespmem:s23+$0x40];
	[tilespmem:s21+$0x60] =	vst v3;
	v5 =	vadd.s32 v0, v6  }
0x2d: {  	v6 =	vadd.s32 v0, v7;
	v3 =	vld [tilespmem:s23+$0x50];
	[tilespmem:s21+$0x70] =	vst v5;
	s21 =	smov.u32 s23  }
0x2e: {  	s22 =	sadd.s32 $0x200, s22;
	[tilespmem:s21+$0x0] =	vst v6;
	v6 =	vadd.s32 v0, v8;
	v5 =	vld [tilespmem:s21+$0x60]  }
0x2f: {  	[tilespmem:s21+$0x10] =	vst v6;
	v4 =	vadd.s32 v0, v4;
	v63 =	vld [tilespmem:s21+$0x70]  }
0x30: {  	[tilespmem:s21+$0x20] =	vst v4;
	v2 =	vadd.s32 v0, v2  }
0x31: {  	[tilespmem:s21+$0x30] =	vst v2;
	v1 =	vadd.s32 v0, v1  }
0x32: {  	[tilespmem:s21+$0x40] =	vst v1;
	v1 =	vadd.s32 v0, v3  }
0x33: {  	[tilespmem:s21+$0x50] =	vst v1;
	v1 =	vadd.s32 v0, v5  }
0x34: {  	[tilespmem:s21+$0x60] =	vst v1;
	v1 =	vadd.s32 v0, v63  }
0x35: {  	s30 =	simm.s32 $0x0;
	[tilespmem:s21+$0x70] =	vst v1  }
0x36: {  	[tilespmem:s16], [sflag:$0x1] =	stream.indirect.gather [hbm4b:s4+s15], $0x80, s30, s15, $0xb8;
	[tilespmem:$0x1CC00] =	vst v63  }
0x37: {  	_ =	swait.ge [sflag:s17], $0x4000  }
0x38: {  	[sflag:s17] =	ssyncset.done $0x0  }
0x39: {  	s31 =	simm.s32 $0x2800;
	[sflag:s17] =	ssyncadd.s32 $0xFFFFC000  }
0x3a: {  	[spmem:s2] =	stream.indirect.scatter.add.f32 [tilespmem:s16], [sflag:$0x2], $0x80, s31, s15, $0xb8;
	[tilespmem:$0x1CC00] =	vst v63  }
0x3b: {  	_ =	swait.ge [sflag:s13], $0x4000  }
0x3c: {  	s22 =	simm.s32 $0x400;
	s21 =	simm.s32 $0x200;
	[sflag:s13] =	ssyncset.done $0x0  }
.LBB2_4:
0x3d: {  	s23 =	sshra.s32 s21, $0x2  }
0x3e: {  	[sflag:s13] =	ssyncadd.s32 $0xFFFFC000;
	s21 =	smov.u32 s22;
	s24 =	sadd.s32 $0x200, s22  }
0x3f: {  	[tilespmem:s16], [sflag:$0x1] =	stream.indirect.gather [hbm4b:s4+s15], $0x80, s23, s15, $0xb8;
	[tilespmem:$0x1CC00] =	vst v63  }
0x40: {  	p1 =	sne.s32 s22, $0x9E00;
	_ =	swait.ge [sflag:s17], $0x4000  }
.Ltmp1:
0x41: {  	[sflag:s17] =	ssyncset.done $0x0;
	(pc) =	sbr.rel @p1 .LBB2_4-.Ltmp1, $4  }
0x42: {  	s22 =	sadd.s32 $0x2800, s23;
	[sflag:s17] =	ssyncadd.s32 $0xFFFFC000  }
0x43: {  	[spmem:s2] =	stream.indirect.scatter.add.f32 [tilespmem:s16], [sflag:$0x2], $0x80, s22, s15, $0xb8;
	[tilespmem:$0x1CC00] =	vst v63  }
0x44: {  	_ =	swait.ge [sflag:s13], $0x4000  }
0x45: {  	s22 =	smov.u32 s24;
	[sflag:s13] =	ssyncset.done $0x0  }
0x46: {  	s21 =	sshra.s32 s21, $0x2;
	[sflag:s13] =	ssyncadd.s32 $0xFFFFC000  }
0x47: {  	[tilespmem:s16], [sflag:$0x1] =	stream.indirect.gather [hbm4b:s4+s15], $0x80, s21, s15, $0xb8;
	[tilespmem:$0x1CC00] =	vst v63  }
0x48: {  	_ =	swait.ge [sflag:s17], $0x4000  }
0x49: {  	[sflag:s17] =	ssyncset.done $0x0  }
0x4a: {  	s21 =	sadd.s32 $0x2800, s21;
	[sflag:s17] =	ssyncadd.s32 $0xFFFFC000  }
0x4b: {  	[spmem:s2] =	stream.indirect.scatter.add.f32 [tilespmem:s16], [sflag:$0x2], $0x80, s21, s15, $0xb8;
	[tilespmem:$0x1CC00] =	vst v63  }
0x4c: {  	_ =	swait.ge [sflag:s13], $0x4000  }
0x4d: {  	[sflag:s13] =	ssyncset.done $0x0  }
0x4e: {  	[sflag:s13] =	ssyncadd.s32 $0xFFFFC000  }
0x4f: {  	[bflag:$0x0] =	sbarrier.arrive $0xFFFF  }
0x50: {  	[hbm:s9], [sflag:s6] =	dma.local [spmem:s18], $0x2700  }
0x51: {  	s20 =	sadd.s32 $0x1, s20;
	_ =	swait.ge [sflag:s13], $0x2700  }
0x52: {  	p1 =	sne.s32 s20, s11;
	[sflag:s13] =	ssyncset.done $0x0  }
.Ltmp2:
0x53: {  	s21 =	simm.s32 @!p0 $0x2;
	[sflag:s13] =	ssyncadd.s32 $0xFFFFD900;
	(pc) =	sbr.rel @p1 .LBB2_1-.Ltmp2, $4  }
0x54: {  	[hbm:s10], [sflag:s6] =	dma.local @!p0 [spmem:s19], $0x100  }
0x55: {  	_ =	swait.ge @!p0 [sflag:s21], $0x100  }
0x56: {  	[sflag:s21] =	ssyncset.done @!p0 $0x0  }
0x57: {  	[sflag:s21] =	ssyncadd.s32 @!p0 $0xFFFFFF00  }
0x58: {  	_ =	sfence.sel $0x180000  }
0x59: {  	[bflag:$0x0] =	sbarrier.arrive $0xFFFF  }
0x5a: {  	p0 =	sne.s32 s1, $0x0;
	_ =	strace $0x90000050  }
0x5b: {  	s0 =	sadd.s32 @!p0 $0x100000, s0;
	[bflag:$0x2] =	sbarrier.arrive $0xFFFF  }
0x5c: {  	[sflag:s0] =	ssyncadd.tile.s32 @!p0 $0x1;
	_ =	shalt  }
.Lfunc_end2:
_tile_overlayer_lowered:
.L_overlay_start_2:
0x5d: {  	(tag) =	ssettag $0x2  }
0x5e: {  	s0 =	rddreg [dreg:$0x0];
	s2 =	stileid.u32  }
0x5f: {  	s1 =	rddreg [dreg:$0x1];
	p0 =	sne.s32 s2, $0x0  }
0x60: {  	s3 =	rddreg [dreg:$0x2];
	[bflag:$0x3] =	sbarrier.arrive $0xFFFF;
	s2 =	simm.s32 @!p0 $0x1C02  }
0x61: {  	[timem:s3], [sflag:s2] =	dma.local @!p0 [hbm:s0], s1  }
0x62: {  	s0 =	simm.s32 @!p0 $0x2  }
0x63: {  	_ =	swait.ge @!p0 [sflag:s0], s1  }
0x64: {  	s1 =	ssub.s32 @!p0 $0x0, s1;
	[sflag:s0] =	ssyncset.done @!p0 $0x0  }
0x65: {  	[sflag:s0] =	ssyncadd.s32 @!p0 s1  }
0x66: {  	[bflag:$0x3] =	sbarrier.arrive $0xFFFF  }
0x67: {  	_ =	shalt  }

// kernel: kernel.28.cloned.1.call-start
scs
__scs_entry_jumppad:
0x0: {  	(pc) =	sbr.rel $0x88, $3  }
0x1: {  	(tag) =	ssettag $0x0;
	lr =	simm.s32 $0x1  }
0x2: {  	[smem:$0x3F89] =	sst lr;
	_ =	strace $0xD0000000  }
0x3: {  	_ = 	snop  }
0x4: {  	_ = 	snop  }
0x5: {  	_ = 	snop  }
0x6: {  	_ = 	snop  }
0x7: {  	_ = 	snop  }
__scs_overlays_trampoline_lowered:
0x8: {  	[smem:$0x3F98] =	sst s0  }
0x9: {  	[smem:$0x3F99] =	sst s1  }
0xa: {  	[smem:$0x3F9A] =	sst s2  }
0xb: {  	[smem:$0x3F9B] =	sst s3  }
0xc: {  	[smem:$0x3F9C] =	sst s4  }
0xd: {  	[smem:$0x3F9D] =	sst s5  }
0xe: {  	[smem:$0x3F9E] =	sst s6  }
0xf: {  	[smem:$0x3F9F] =	sst s7  }
0x10: {  	[smem:$0x3FA0] =	sst s8  }
0x11: {  	[smem:$0x3FA1] =	sst s9;
	s0 =	simm.s32 @!p0 $0x0  }
0x12: {  	s1 =	sld [smem:$0x3F87];
	s0 =	simm.s32 @p0 $0x1  }
0x13: {  	[smem:$0x3FA2] =	sst s0;
	s0 =	simm.s32 @!p1 $0x0  }
0x14: {  	s2 =	sld [smem:$0x3F86];
	s0 =	simm.s32 @p1 $0x1  }
0x15: {  	[smem:$0x3FA3] =	sst s0;
	s0 =	simm.s32 @!p2 $0x0  }
0x16: {  	s3 =	sld [smem:$0x3FDB];
	s0 =	simm.s32 @p2 $0x1  }
0x17: {  	s4 =	simm.s32 $0x1BF5;
	[smem:$0x3FA5] =	sst s0  }
0x18: {  	s0 =	sld [smem:$0x3F88];
	_ =	swait.ge [sflag:s4], $0x0  }
0x19: {  	s7 =	sld [smem:$0x3F89]  }
0x1a: {  	s8 =	sadd.s32 $0xFFFFE003, lr  }
0x1b: {  	s9 =	sadd.s32 $0xFFFFFEF7, lr;
	s5 =	simm.s32 $0xFFFFFFFF;
	p2 =	slt.u32 s8, $0xFFFFF086  }
0x1c: {  	p1 =	slt.u32 s9, $0xF7A;
	s5 =	simm.s32 @!p2 $0x0  }
0x1d: {  	s5 =	simm.s32 @p1 $0x1;
	p0 =	seq.s32 s7, s2  }
0x1e: {  	s7 =	smul.u32 @!p0 $0xF7A, s2;
	p2 =	seq.s32 @!p0 s5, $0x0  }
0x1f: {  	s9 =	smul.u32 $0xF7A, s1;
	s8 =	simm.s32 @!p0 $0x1BF5;
	p2 =	por !p2, p0  }
0x20: {  	[sflag:s8] =	ssyncset.s32 @!p0 $0xFFFFF086;
	s6 =	sadd.s32 @!p0 s3, s7;
	s7 =	simm.s32 @!p0 $0x108  }
0x21: {  	s3 =	sadd.s32 s3, s9;
	s6 =	sadd.s32 @!p0 $0x88, s6;
	s7 =	simm.s32 @p2 $0x1082  }
0x22: {  	[simem:s7], [sflag:s8] =	dma.local @!p0 [hbm:s6], $0xF7A  }
0x23: {  	s9 =	sor.u32 $0xD0000000, s2;
	s6 =	simm.s32 $0x108;
	_ =	swait.ge @!p0 [sflag:s8], $0x0  }
0x24: {  	s3 =	sadd.s32 $0x88, s3;
	s6 =	simm.s32 @!p1 $0x1082;
	[sflag:s4] =	ssyncset.s32 $0xFFFFF086  }
0x25: {  	[simem:s6], [sflag:s4] =	dma.local [hbm:s3], $0xF7A  }
0x26: {  	[smem:$0x3F89] =	sst s1;
	(tag) =	ssettag s2;
	_ =	strace s9  }
0x27: {  	s1 =	sld [smem:$0x3F99]  }
0x28: {  	s2 =	sld [smem:$0x3F9A]  }
0x29: {  	s4 =	sld [smem:$0x3F9C]  }
0x2a: {  	p0 =	seq.s32 s5, $0x0;
	s5 =	sld [smem:$0x3F9D]  }
0x2b: {  	s6 =	sld [smem:$0x3F9E]  }
0x2c: {  	s7 =	sld [smem:$0x3F9F]  }
0x2d: {  	s3 =	simm.s32 $0x108;
	s8 =	sld [smem:$0x3FA0]  }
0x2e: {  	s3 =	simm.s32 @!p0 $0x1082;
	s9 =	sld [smem:$0x3FA1]  }
0x2f: {  	lr =	sadd.s32 s0, s3;
	s0 =	sld [smem:$0x3F98]  }
0x30: {  	s3 =	sld [smem:$0x3F9B]  }
0x31: {  	[smem:$0x3FA4] =	sst s10  }
0x32: {  	s10 =	sld [smem:$0x3FA2];
	_ =	sdelay $0x3  }
0x33: {  	p0 =	seq.s32 s10, $0x1;
	s10 =	sld [smem:$0x3FA4];
	_ =	sdelay $0x3  }
0x34: {  	[smem:$0x3FA4] =	sst s10  }
0x35: {  	s10 =	sld [smem:$0x3FA3];
	_ =	sdelay $0x3  }
0x36: {  	p1 =	seq.s32 s10, $0x1;
	s10 =	sld [smem:$0x3FA4];
	_ =	sdelay $0x3  }
0x37: {  	[smem:$0x3FA4] =	sst s10  }
0x38: {  	s10 =	sld [smem:$0x3FA5]  }
0x39: {  	_ = 	snop;
	(pc) =	sbr.ind lr, $3  }
0x3a: {  	_ = 	snop  }
0x3b: {  	_ = 	snop  }
0x3c: {  	p2 =	seq.s32 s10, $0x1;
	s10 =	sld [smem:$0x3FA4]  }
0x3d: {  	_ =	shalt  }
0x3e: {  	_ =	shalt  }
0x3f: {  	_ =	shalt  }
0x40: {  	_ =	shalt  }
0x41: {  	_ =	shalt  }
0x42: {  	_ =	shalt  }
0x43: {  	_ =	shalt  }
0x44: {  	_ =	shalt  }
0x45: {  	_ =	shalt  }
0x46: {  	_ =	shalt  }
0x47: {  	_ =	shalt  }
0x48: {  	_ =	shalt  }
0x49: {  	_ =	shalt  }
0x4a: {  	_ =	shalt  }
0x4b: {  	_ =	shalt  }
0x4c: {  	_ =	shalt  }
0x4d: {  	_ =	shalt  }
0x4e: {  	_ =	shalt  }
0x4f: {  	_ =	shalt  }
0x50: {  	_ =	shalt  }
0x51: {  	_ =	shalt  }
0x52: {  	_ =	shalt  }
0x53: {  	_ =	shalt  }
0x54: {  	_ =	shalt  }
0x55: {  	_ =	shalt  }
0x56: {  	_ =	shalt  }
0x57: {  	_ =	shalt  }
0x58: {  	_ =	shalt  }
0x59: {  	_ =	shalt  }
0x5a: {  	_ =	shalt  }
0x5b: {  	_ =	shalt  }
0x5c: {  	_ =	shalt  }
0x5d: {  	_ =	shalt  }
0x5e: {  	_ =	shalt  }
0x5f: {  	_ =	shalt  }
0x60: {  	_ =	shalt  }
0x61: {  	_ =	shalt  }
0x62: {  	_ =	shalt  }
0x63: {  	_ =	shalt  }
0x64: {  	_ =	shalt  }
0x65: {  	_ =	shalt  }
0x66: {  	_ =	shalt  }
0x67: {  	_ =	shalt  }
0x68: {  	_ =	shalt  }
0x69: {  	_ =	shalt  }
0x6a: {  	_ =	shalt  }
0x6b: {  	_ =	shalt  }
0x6c: {  	_ =	shalt  }
0x6d: {  	_ =	shalt  }
0x6e: {  	_ =	shalt  }
0x6f: {  	_ =	shalt  }
0x70: {  	_ =	shalt  }
0x71: {  	_ =	shalt  }
0x72: {  	_ =	shalt  }
0x73: {  	_ =	shalt  }
0x74: {  	_ =	shalt  }
0x75: {  	_ =	shalt  }
0x76: {  	_ =	shalt  }
0x77: {  	_ =	shalt  }
0x78: {  	_ =	shalt  }
0x79: {  	_ =	shalt  }
0x7a: {  	_ =	shalt  }
0x7b: {  	_ =	shalt  }
0x7c: {  	_ =	shalt  }
0x7d: {  	_ =	shalt  }
0x7e: {  	_ =	shalt  }
0x7f: {  	_ =	shalt  }
0x80: {  	_ =	shalt  }
0x81: {  	_ =	shalt  }
0x82: {  	_ =	shalt  }
0x83: {  	_ =	shalt  }
0x84: {  	_ =	shalt  }
0x85: {  	_ =	shalt  }
0x86: {  	_ =	shalt  }
0x87: {  	_ =	shalt  }
.Lfunc_end0:
.L_simem_size_0:
called_computation.4_lowered:
.L_overlay_start_0:
0x88: {  	s2 =	sld [smem:$0x3FD9]  }
0x89: {  	s3 =	sld [smem:$0x3FFE];
	_ =	sdelay $0x1  }
0x8a: {  	s1 =	srdreg.scid  }
0x8b: {  	s0 =	sand.u32 $0x1, s1  }
0x8c: {  	s16 =	sshll.u32 s0, $0xA;
	s2 =	sadd.s32 s3, s2  }
0x8d: {  	s2 =	sadd.s32 s2, s16  }
0x8e: {  	[smem:$0x3FB0] =	sst s2  }
0x8f: {  	_ = 	snop  }
0x90: {  	(tm) =	ssettm $0x1  }
0x91: {  	s17 =	sld [smem:$0x3FFB];
	_ =	sdelay $0x3  }
0x92: {  	_ =	strace s17  }
0x93: {  	s2 =	sld [smem:$0x3FFC];
	_ =	sdelay $0x3  }
0x94: {  	_ =	strace s2  }
0x95: {  	s2 =	sld [smem:$0x3FFD];
	_ =	sdelay $0x3  }
0x96: {  	_ =	strace s2  }
0x97: {  	_ =	strace $0x8FFFFFFF  }
0x98: {  	s18 =	sld [smem:$0x3FDB];
	_ =	sdelay $0x1  }
0x99: {  	s19 =	simm.s32 $_scs_section_size  }
0x9a: {  	s4 =	simm.s32 $_size__tile_overlayer_lowered;
	s5 =	simm.s32 $_tile_overlayer_lowered  }
0x9b: {  	s22 =	simm.s32 $0x1BFF;
	s21 =	sshll.u32 s5, $0x1;
	s2 =	sadd.s32 s19, s18  }
0x9c: {  	s6 =	simm.s32 $0x0;
	s20 =	sshll.u32 s4, $0x1;
	s4 =	sadd.s32 s21, s2  }
0x9d: {  	[timem:s6], [sflag:s22] =	dma.local [hbm:s4], s20  }
0x9e: {  	_ =	swait.ge [sflag:s22], s20  }
0x9f: {  	s3 =	ssub.s32 $0x0, s20;
	[sflag:s22] =	ssyncset.done $0x0  }
0xa0: {  	[sflag:s22] =	ssyncadd.s32 s3;
	_ =	sdelay $0x1  }
0xa1: {  	s23 =	simm.s32 $0x1B8B  }
0xa2: {  	_ =	swait.ge [sflag:s23], $0x1  }
0xa3: {  	[sflag:s23] =	ssyncset.done $0x0  }
0xa4: {  	s25 =	simm.s32 $0x1B8E;
	s24 =	sld [smem:$0x3FFE];
	[sflag:s23] =	ssyncadd.s32 $0xFFFFFFFF  }
0xa5: {  	s26 =	simm.s32 $execute0_lowered;
	[smem:$0x3FD2] =	sst s25  }
0xa6: {  	s4 =	sshll.u32 s26, $0x1;
	_ =	strace $0x80000052;
	[dreg:$0x1] =	wrdreg $0xFFFFFFFF  }
0xa7: {  	s28 =	simm.s32 $_size_execute0_lowered;
	s2 =	sadd.s32 s2, s4;
	[dreg:$0x0] =	wrdreg $0x0  }
0xa8: {  	s4 =	sshll.u32 s28, $0x1;
	[dreg:$0x2] =	wrdreg s2  }
0xa9: {  	[dreg:$0x3] =	wrdreg s4  }
0xaa: {  	[dreg:$0x4] =	wrdreg $0xC0  }
0xab: {  	_ =	task [dreg:s6], $0x5FFFF  }
0xac: {  	[dreg:$0x1] =	wrdreg $0xFFFFFFFF  }
0xad: {  	[dreg:$0x0] =	wrdreg $0x60  }
0xae: {  	[dreg:$0x2] =	wrdreg s24  }
0xaf: {  	[dreg:$0x3] =	wrdreg $0x90000  }
0xb0: {  	[dreg:$0x4] =	wrdreg $0x9  }
0xb1: {  	_ =	task.clear_ibuf [dreg:s6], $0x5FFFF;
	_ =	strace $0x90000052  }
0xb2: {  	s29 =	simm.s32 $0x9;
	_ =	strace $0x80000054  }
0xb3: {  	_ =	swait.ge [sflag:s29], $0x1  }
0xb4: {  	[sflag:s29] =	ssyncadd.s32 $0xFFFFFFFF  }
0xb5: {  	_ =	strace $0x90000054  }
0xb6: {  	_ =	sfence  }
0xb7: {  	s30 =	sld [smem:$0x0];
	_ =	sdelay $0x2  }
0xb8: {  	s31 =	sshll.u32 s1, $0xD;
	s1 =	sshrl.u32 s1, $0x2  }
0xb9: {  	s3 =	sand.u32 $0x4000, s31;
	s1 =	sadd.s32 s1, s30  }
0xba: {  	s0 =	sor.u32 s3, s0;
	s1 =	sshll.u32 s1, $0x11  }
0xbb: {  	s0 =	sor.u32 s1, s0  }
0xbc: {  	s0 =	sadd.s32 $0x8F2B, s0  }
0xbd: {  	[sflag:s0] =	ssyncadd.remote.s32 $0x1  }
0xbe: {  	_ =	sfence.sel $0xFFFF  }
0xbf: {  	[dreg:$0x0] =	wrdreg $0xFFFFFFFF;
	(pc) =	sbr.abs _section_cstart, $3  }
0xc0: {  	[dreg:$0x1] =	wrdreg $0xFFFFFFFF  }
0xc1: {  	_ =	task.clear_ibuf [dreg:s6], $0x2FFFF;
	_ =	strace $0x9FFFFFFF  }
0xc2: {  	(tm) =	ssettm $0x7FFFFFFF  }
0xc3: {  	_ =	shalt  }
tec
execute0_lowered:
.L_overlay_start_1:
0x0: {  	(tag) =	ssettag $0x1  }
0x1: {  	s6 =	rddreg [dreg:$0x0]  }
0x2: {  	s2 =	rddreg [dreg:$0x1]  }
0x3: {  	s0 =	rddreg [dreg:$0x2]  }
0x4: {  	s3 =	simm.s32 $0x0;
	s1 =	stileid.u32;
	s7 =	srdreg.scid  }
0x5: {  	s15 =	simm.s32 $0x80;
	s16 =	simm.s32 $0x5000;
	s5 =	smul.u32 $0x500, s1  }
0x6: {  	s17 =	simm.s32 $0x1;
	[smem:$0x7FF] =	sst s3;
	s10 =	smul.u32 $0x4F000, s1  }
0x7: {  	s4 =	sadd.s32 $0xF800, s6;
	s9 =	sand.u32 $0x1, s7;
	s26 =	smul.u32 $0x4E000, s1  }
0x8: {  	s11 =	sadd.s32 $0x60200, s6;
	s28 =	sshll.u32 s1, $0x6;
	s14 =	smul.u32 $0x270, s1  }
0x9: {  	s20 =	sadd.s32 $0x138000, s2;
	p0 =	sne.s32 s1, $0xF;
	s18 =	smul.u32 $0x2710, s9  }
0xa: {  	_ =	strace $0x80000053;
	s7 =	ssub.s32 $0x2, s9;
	s9 =	smul.u32 $0x138800, s9  }
0xb: {  	s8 =	sadd.s32 s5, s6;
	s5 =	sadd.s32 $0x5DA00, s6;
	s24 =	sshrl.u32 s7, $0x1  }
0xc: {  	s25 =	sshrl.u32 s10, $0x2;
	s6 =	sor.u32 $0x1C02, s28;
	s10 =	sshrl.u32 s26, $0x2  }
0xd: {  	s12 =	ssub.s32 s7, s24;
	s13 =	sadd.s32 s25, s2;
	s7 =	sadd.s32 $0xA800, s8  }
0xe: {  	s8 =	sadd.s32 $0x5800, s8;
	s14 =	sadd.s32 s14, s18;
	s30 =	sshrl.u32 s9, $0x3  }
0xf: {  	s19 =	sadd.s32 s10, s2;
	s29 =	sshll.u32 s14, $0x4;
	s31 =	sadd.s32 s11, s30  }
0x10: {  	v0 =	vmov s18;
	s14 =	simm.s32 $0x2800;
	s18 =	sshrl.u32 s19, $0x3;
	s19 =	sshrl.u32 @!p0 s20, $0x3  }
0x11: {  	s20 =	simm.s32 $0x0;
	s9 =	sadd.s32 s11, s29;
	s10 =	sadd.s32 $0x27000, s31  }
0x12: {  	s11 =	smax.u32 s12, $0x1;
	s12 =	sshrl.u32 s13, $0x3;
	s13 =	simm.s32 $0x2  }
.LBB2_1:
0x13: {  	[spmem:s12], [sflag:s6] =	dma.local [hbm:s5], $0x2780  }
0x14: {  	_ =	swait.ge [sflag:s13], $0x2780  }
0x15: {  	[sflag:s13] =	ssyncset.done $0x0  }
0x16: {  	[sflag:s13] =	ssyncadd.s32 $0xFFFFD880  }
0x17: {  	[bflag:$0x0] =	sbarrier.arrive $0xFFFF  }
0x18: {  	[tilespmem:s3], [sflag:$0x2] =	stream.linear.gather [hbm4b:s7+s3], $0x2800, $0x38;
	[tilespmem:$0x1CC00] =	vst v63  }
0x19: {  	_ =	swait.ge [sflag:s13], $0x2800  }
0x1a: {  	[sflag:s13] =	ssyncset.done $0x0  }
0x1b: {  	[sflag:s13] =	ssyncadd.s32 $0xFFFFD800  }
0x1c: {  	[tilespmem:s14], [sflag:$0x2] =	stream.linear.gather [hbm4b:s8+s3], $0x2800, $0x38;
	[tilespmem:$0x1CC00] =	vst v63  }
0x1d: {  	_ =	swait.ge [sflag:s13], $0x2800  }
0x1e: {  	[sflag:s13] =	ssyncset.done $0x0  }
0x1f: {  	s21 =	simm.s32 $0x0;
	[sflag:s13] =	ssyncadd.s32 $0xFFFFD800  }
0x20: {  	v3 =	vld [tilespmem:s21+$0x0]  }
0x21: {  	v5 =	vld [tilespmem:s21+$0x10]  }
0x22: {  	v4 =	vld [tilespmem:s21+$0x20]  }
0x23: {  	v2 =	vld [tilespmem:s21+$0x30]  }
0x24: {  	v1 =	vld [tilespmem:s21+$0x40]  }
0x25: {  	v6 =	vadd.s32 v0, v3;
	v3 =	vld [tilespmem:s21+$0x50]  }
0x26: {  	s22 =	simm.s32 $0x200;
	[tilespmem:s21+$0x0] =	vst v6;
	v6 =	vadd.s32 v0, v5;
	v5 =	vld [tilespmem:s21+$0x60]  }
.LBB2_2:
0x27: {  	s23 =	sshra.s32 s22, $0x2;
	p1 =	sne.s32 s22, $0x9E00;
	[tilespmem:s21+$0x10] =	vst v6;
	v4 =	vadd.s32 v0, v4;
	v6 =	vld [tilespmem:s21+$0x70]  }
0x28: {  	v7 =	vld [tilespmem:s23+$0x0];
	[tilespmem:s21+$0x20] =	vst v4;
	v2 =	vadd.s32 v0, v2  }
0x29: {  	v8 =	vld [tilespmem:s23+$0x10];
	[tilespmem:s21+$0x30] =	vst v2;
	v1 =	vadd.s32 v0, v1  }
.Ltmp0:
0x2a: {  	v4 =	vld [tilespmem:s23+$0x20];
	[tilespmem:s21+$0x40] =	vst v1;
	v1 =	vadd.s32 v0, v3;
	(pc) =	sbr.rel @p1 .LBB2_2-.Ltmp0, $4  }
0x2b: {  	v2 =	vld [tilespmem:s23+$0x30];
	[tilespmem:s21+$0x50] =	vst v1;
	v3 =	vadd.s32 v0, v5  }
0x2c: {  	v1 =	vld [tilespmem:s23+$0x40];
	[tilespmem:s21+$0x60] =	vst v3;
	v5 =	vadd.s32 v0, v6  }
0x2d: {  	v6 =	vadd.s32 v0, v7;
	v3 =	vld [tilespmem:s23+$0x50];
	[tilespmem:s21+$0x70] =	vst v5;
	s21 =	smov.u32 s23  }
0x2e: {  	s22 =	sadd.s32 $0x200, s22;
	[tilespmem:s21+$0x0] =	vst v6;
	v6 =	vadd.s32 v0, v8;
	v5 =	vld [tilespmem:s21+$0x60]  }
0x2f: {  	[tilespmem:s21+$0x10] =	vst v6;
	v4 =	vadd.s32 v0, v4;
	v63 =	vld [tilespmem:s21+$0x70]  }
0x30: {  	[tilespmem:s21+$0x20] =	vst v4;
	v2 =	vadd.s32 v0, v2  }
0x31: {  	[tilespmem:s21+$0x30] =	vst v2;
	v1 =	vadd.s32 v0, v1  }
0x32: {  	[tilespmem:s21+$0x40] =	vst v1;
	v1 =	vadd.s32 v0, v3  }
0x33: {  	[tilespmem:s21+$0x50] =	vst v1;
	v1 =	vadd.s32 v0, v5  }
0x34: {  	[tilespmem:s21+$0x60] =	vst v1;
	v1 =	vadd.s32 v0, v63  }
0x35: {  	s30 =	simm.s32 $0x0;
	[tilespmem:s21+$0x70] =	vst v1  }
0x36: {  	[tilespmem:s16], [sflag:$0x1] =	stream.indirect.gather [hbm4b:s4+s15], $0x80, s30, s15, $0xb8;
	[tilespmem:$0x1CC00] =	vst v63  }
0x37: {  	_ =	swait.ge [sflag:s17], $0x4000  }
0x38: {  	[sflag:s17] =	ssyncset.done $0x0  }
0x39: {  	s31 =	simm.s32 $0x2800;
	[sflag:s17] =	ssyncadd.s32 $0xFFFFC000  }
0x3a: {  	[spmem:s2] =	stream.indirect.scatter.add.f32 [tilespmem:s16], [sflag:$0x2], $0x80, s31, s15, $0xb8;
	[tilespmem:$0x1CC00] =	vst v63  }
0x3b: {  	_ =	swait.ge [sflag:s13], $0x4000  }
0x3c: {  	s22 =	simm.s32 $0x400;
	s21 =	simm.s32 $0x200;
	[sflag:s13] =	ssyncset.done $0x0  }
.LBB2_4:
0x3d: {  	s23 =	sshra.s32 s21, $0x2  }
0x3e: {  	[sflag:s13] =	ssyncadd.s32 $0xFFFFC000;
	s21 =	smov.u32 s22;
	s24 =	sadd.s32 $0x200, s22  }
0x3f: {  	[tilespmem:s16], [sflag:$0x1] =	stream.indirect.gather [hbm4b:s4+s15], $0x80, s23, s15, $0xb8;
	[tilespmem:$0x1CC00] =	vst v63  }
0x40: {  	p1 =	sne.s32 s22, $0x9E00;
	_ =	swait.ge [sflag:s17], $0x4000  }
.Ltmp1:
0x41: {  	[sflag:s17] =	ssyncset.done $0x0;
	(pc) =	sbr.rel @p1 .LBB2_4-.Ltmp1, $4  }
0x42: {  	s22 =	sadd.s32 $0x2800, s23;
	[sflag:s17] =	ssyncadd.s32 $0xFFFFC000  }
0x43: {  	[spmem:s2] =	stream.indirect.scatter.add.f32 [tilespmem:s16], [sflag:$0x2], $0x80, s22, s15, $0xb8;
	[tilespmem:$0x1CC00] =	vst v63  }
0x44: {  	_ =	swait.ge [sflag:s13], $0x4000  }
0x45: {  	s22 =	smov.u32 s24;
	[sflag:s13] =	ssyncset.done $0x0  }
0x46: {  	s21 =	sshra.s32 s21, $0x2;
	[sflag:s13] =	ssyncadd.s32 $0xFFFFC000  }
0x47: {  	[tilespmem:s16], [sflag:$0x1] =	stream.indirect.gather [hbm4b:s4+s15], $0x80, s21, s15, $0xb8;
	[tilespmem:$0x1CC00] =	vst v63  }
0x48: {  	_ =	swait.ge [sflag:s17], $0x4000  }
0x49: {  	[sflag:s17] =	ssyncset.done $0x0  }
0x4a: {  	s21 =	sadd.s32 $0x2800, s21;
	[sflag:s17] =	ssyncadd.s32 $0xFFFFC000  }
0x4b: {  	[spmem:s2] =	stream.indirect.scatter.add.f32 [tilespmem:s16], [sflag:$0x2], $0x80, s21, s15, $0xb8;
	[tilespmem:$0x1CC00] =	vst v63  }
0x4c: {  	_ =	swait.ge [sflag:s13], $0x4000  }
0x4d: {  	[sflag:s13] =	ssyncset.done $0x0  }
0x4e: {  	[sflag:s13] =	ssyncadd.s32 $0xFFFFC000  }
0x4f: {  	[bflag:$0x0] =	sbarrier.arrive $0xFFFF  }
0x50: {  	[hbm:s9], [sflag:s6] =	dma.local [spmem:s18], $0x2700  }
0x51: {  	s20 =	sadd.s32 $0x1, s20;
	_ =	swait.ge [sflag:s13], $0x2700  }
0x52: {  	p1 =	sne.s32 s20, s11;
	[sflag:s13] =	ssyncset.done $0x0  }
.Ltmp2:
0x53: {  	s21 =	simm.s32 @!p0 $0x2;
	[sflag:s13] =	ssyncadd.s32 $0xFFFFD900;
	(pc) =	sbr.rel @p1 .LBB2_1-.Ltmp2, $4  }
0x54: {  	[hbm:s10], [sflag:s6] =	dma.local @!p0 [spmem:s19], $0x100  }
0x55: {  	_ =	swait.ge @!p0 [sflag:s21], $0x100  }
0x56: {  	[sflag:s21] =	ssyncset.done @!p0 $0x0  }
0x57: {  	[sflag:s21] =	ssyncadd.s32 @!p0 $0xFFFFFF00  }
0x58: {  	_ =	sfence.sel $0x180000  }
0x59: {  	[bflag:$0x0] =	sbarrier.arrive $0xFFFF  }
0x5a: {  	p0 =	sne.s32 s1, $0x0;
	_ =	strace $0x90000053  }
0x5b: {  	s0 =	sadd.s32 @!p0 $0x100000, s0;
	[bflag:$0x2] =	sbarrier.arrive $0xFFFF  }
0x5c: {  	[sflag:s0] =	ssyncadd.tile.s32 @!p0 $0x1;
	_ =	shalt  }
.Lfunc_end2:
_tile_overlayer_lowered:
.L_overlay_start_2:
0x5d: {  	(tag) =	ssettag $0x2  }
0x5e: {  	s0 =	rddreg [dreg:$0x0];
	s2 =	stileid.u32  }
0x5f: {  	s1 =	rddreg [dreg:$0x1];
	p0 =	sne.s32 s2, $0x0  }
0x60: {  	s3 =	rddreg [dreg:$0x2];
	[bflag:$0x3] =	sbarrier.arrive $0xFFFF;
	s2 =	simm.s32 @!p0 $0x1C02  }
0x61: {  	[timem:s3], [sflag:s2] =	dma.local @!p0 [hbm:s0], s1  }
0x62: {  	s0 =	simm.s32 @!p0 $0x2  }
0x63: {  	_ =	swait.ge @!p0 [sflag:s0], s1  }
0x64: {  	s1 =	ssub.s32 @!p0 $0x0, s1;
	[sflag:s0] =	ssyncset.done @!p0 $0x0  }
0x65: {  	[sflag:s0] =	ssyncadd.s32 @!p0 s1  }
0x66: {  	[bflag:$0x3] =	sbarrier.arrive $0xFFFF  }
0x67: {  	_ =	shalt  }

// kernel: kernel.31.cloned.1.call-start
scs
__scs_entry_jumppad:
0x0: {  	(pc) =	sbr.rel $0x88, $3  }
0x1: {  	(tag) =	ssettag $0x0;
	lr =	simm.s32 $0x1  }
0x2: {  	[smem:$0x3F89] =	sst lr;
	_ =	strace $0xD0000000  }
0x3: {  	_ = 	snop  }
0x4: {  	_ = 	snop  }
0x5: {  	_ = 	snop  }
0x6: {  	_ = 	snop  }
0x7: {  	_ = 	snop  }
__scs_overlays_trampoline_lowered:
0x8: {  	[smem:$0x3F98] =	sst s0  }
0x9: {  	[smem:$0x3F99] =	sst s1  }
0xa: {  	[smem:$0x3F9A] =	sst s2  }
0xb: {  	[smem:$0x3F9B] =	sst s3  }
0xc: {  	[smem:$0x3F9C] =	sst s4  }
0xd: {  	[smem:$0x3F9D] =	sst s5  }
0xe: {  	[smem:$0x3F9E] =	sst s6  }
0xf: {  	[smem:$0x3F9F] =	sst s7  }
0x10: {  	[smem:$0x3FA0] =	sst s8  }
0x11: {  	[smem:$0x3FA1] =	sst s9;
	s0 =	simm.s32 @!p0 $0x0  }
0x12: {  	s1 =	sld [smem:$0x3F87];
	s0 =	simm.s32 @p0 $0x1  }
0x13: {  	[smem:$0x3FA2] =	sst s0;
	s0 =	simm.s32 @!p1 $0x0  }
0x14: {  	s2 =	sld [smem:$0x3F86];
	s0 =	simm.s32 @p1 $0x1  }
0x15: {  	[smem:$0x3FA3] =	sst s0;
	s0 =	simm.s32 @!p2 $0x0  }
0x16: {  	s3 =	sld [smem:$0x3FDB];
	s0 =	simm.s32 @p2 $0x1  }
0x17: {  	s4 =	simm.s32 $0x1BF5;
	[smem:$0x3FA5] =	sst s0  }
0x18: {  	s0 =	sld [smem:$0x3F88];
	_ =	swait.ge [sflag:s4], $0x0  }
0x19: {  	s7 =	sld [smem:$0x3F89]  }
0x1a: {  	s8 =	sadd.s32 $0xFFFFE003, lr  }
0x1b: {  	s9 =	sadd.s32 $0xFFFFFEF7, lr;
	s5 =	simm.s32 $0xFFFFFFFF;
	p2 =	slt.u32 s8, $0xFFFFF086  }
0x1c: {  	p1 =	slt.u32 s9, $0xF7A;
	s5 =	simm.s32 @!p2 $0x0  }
0x1d: {  	s5 =	simm.s32 @p1 $0x1;
	p0 =	seq.s32 s7, s2  }
0x1e: {  	s7 =	smul.u32 @!p0 $0xF7A, s2;
	p2 =	seq.s32 @!p0 s5, $0x0  }
0x1f: {  	s9 =	smul.u32 $0xF7A, s1;
	s8 =	simm.s32 @!p0 $0x1BF5;
	p2 =	por !p2, p0  }
0x20: {  	[sflag:s8] =	ssyncset.s32 @!p0 $0xFFFFF086;
	s6 =	sadd.s32 @!p0 s3, s7;
	s7 =	simm.s32 @!p0 $0x108  }
0x21: {  	s3 =	sadd.s32 s3, s9;
	s6 =	sadd.s32 @!p0 $0x88, s6;
	s7 =	simm.s32 @p2 $0x1082  }
0x22: {  	[simem:s7], [sflag:s8] =	dma.local @!p0 [hbm:s6], $0xF7A  }
0x23: {  	s9 =	sor.u32 $0xD0000000, s2;
	s6 =	simm.s32 $0x108;
	_ =	swait.ge @!p0 [sflag:s8], $0x0  }
0x24: {  	s3 =	sadd.s32 $0x88, s3;
	s6 =	simm.s32 @!p1 $0x1082;
	[sflag:s4] =	ssyncset.s32 $0xFFFFF086  }
0x25: {  	[simem:s6], [sflag:s4] =	dma.local [hbm:s3], $0xF7A  }
0x26: {  	[smem:$0x3F89] =	sst s1;
	(tag) =	ssettag s2;
	_ =	strace s9  }
0x27: {  	s1 =	sld [smem:$0x3F99]  }
0x28: {  	s2 =	sld [smem:$0x3F9A]  }
0x29: {  	s4 =	sld [smem:$0x3F9C]  }
0x2a: {  	p0 =	seq.s32 s5, $0x0;
	s5 =	sld [smem:$0x3F9D]  }
0x2b: {  	s6 =	sld [smem:$0x3F9E]  }
0x2c: {  	s7 =	sld [smem:$0x3F9F]  }
0x2d: {  	s3 =	simm.s32 $0x108;
	s8 =	sld [smem:$0x3FA0]  }
0x2e: {  	s3 =	simm.s32 @!p0 $0x1082;
	s9 =	sld [smem:$0x3FA1]  }
0x2f: {  	lr =	sadd.s32 s0, s3;
	s0 =	sld [smem:$0x3F98]  }
0x30: {  	s3 =	sld [smem:$0x3F9B]  }
0x31: {  	[smem:$0x3FA4] =	sst s10  }
0x32: {  	s10 =	sld [smem:$0x3FA2];
	_ =	sdelay $0x3  }
0x33: {  	p0 =	seq.s32 s10, $0x1;
	s10 =	sld [smem:$0x3FA4];
	_ =	sdelay $0x3  }
0x34: {  	[smem:$0x3FA4] =	sst s10  }
0x35: {  	s10 =	sld [smem:$0x3FA3];
	_ =	sdelay $0x3  }
0x36: {  	p1 =	seq.s32 s10, $0x1;
	s10 =	sld [smem:$0x3FA4];
	_ =	sdelay $0x3  }
0x37: {  	[smem:$0x3FA4] =	sst s10  }
0x38: {  	s10 =	sld [smem:$0x3FA5]  }
0x39: {  	_ = 	snop;
	(pc) =	sbr.ind lr, $3  }
0x3a: {  	_ = 	snop  }
0x3b: {  	_ = 	snop  }
0x3c: {  	p2 =	seq.s32 s10, $0x1;
	s10 =	sld [smem:$0x3FA4]  }
0x3d: {  	_ =	shalt  }
0x3e: {  	_ =	shalt  }
0x3f: {  	_ =	shalt  }
0x40: {  	_ =	shalt  }
0x41: {  	_ =	shalt  }
0x42: {  	_ =	shalt  }
0x43: {  	_ =	shalt  }
0x44: {  	_ =	shalt  }
0x45: {  	_ =	shalt  }
0x46: {  	_ =	shalt  }
0x47: {  	_ =	shalt  }
0x48: {  	_ =	shalt  }
0x49: {  	_ =	shalt  }
0x4a: {  	_ =	shalt  }
0x4b: {  	_ =	shalt  }
0x4c: {  	_ =	shalt  }
0x4d: {  	_ =	shalt  }
0x4e: {  	_ =	shalt  }
0x4f: {  	_ =	shalt  }
0x50: {  	_ =	shalt  }
0x51: {  	_ =	shalt  }
0x52: {  	_ =	shalt  }
0x53: {  	_ =	shalt  }
0x54: {  	_ =	shalt  }
0x55: {  	_ =	shalt  }
0x56: {  	_ =	shalt  }
0x57: {  	_ =	shalt  }
0x58: {  	_ =	shalt  }
0x59: {  	_ =	shalt  }
0x5a: {  	_ =	shalt  }
0x5b: {  	_ =	shalt  }
0x5c: {  	_ =	shalt  }
0x5d: {  	_ =	shalt  }
0x5e: {  	_ =	shalt  }
0x5f: {  	_ =	shalt  }
0x60: {  	_ =	shalt  }
0x61: {  	_ =	shalt  }
0x62: {  	_ =	shalt  }
0x63: {  	_ =	shalt  }
0x64: {  	_ =	shalt  }
0x65: {  	_ =	shalt  }
0x66: {  	_ =	shalt  }
0x67: {  	_ =	shalt  }
0x68: {  	_ =	shalt  }
0x69: {  	_ =	shalt  }
0x6a: {  	_ =	shalt  }
0x6b: {  	_ =	shalt  }
0x6c: {  	_ =	shalt  }
0x6d: {  	_ =	shalt  }
0x6e: {  	_ =	shalt  }
0x6f: {  	_ =	shalt  }
0x70: {  	_ =	shalt  }
0x71: {  	_ =	shalt  }
0x72: {  	_ =	shalt  }
0x73: {  	_ =	shalt  }
0x74: {  	_ =	shalt  }
0x75: {  	_ =	shalt  }
0x76: {  	_ =	shalt  }
0x77: {  	_ =	shalt  }
0x78: {  	_ =	shalt  }
0x79: {  	_ =	shalt  }
0x7a: {  	_ =	shalt  }
0x7b: {  	_ =	shalt  }
0x7c: {  	_ =	shalt  }
0x7d: {  	_ =	shalt  }
0x7e: {  	_ =	shalt  }
0x7f: {  	_ =	shalt  }
0x80: {  	_ =	shalt  }
0x81: {  	_ =	shalt  }
0x82: {  	_ =	shalt  }
0x83: {  	_ =	shalt  }
0x84: {  	_ =	shalt  }
0x85: {  	_ =	shalt  }
0x86: {  	_ =	shalt  }
0x87: {  	_ =	shalt  }
.Lfunc_end0:
.L_simem_size_0:
called_computation.5_lowered:
.L_overlay_start_0:
0x88: {  	s2 =	sld [smem:$0x3FD9]  }
0x89: {  	s3 =	sld [smem:$0x3FFE];
	_ =	sdelay $0x1  }
0x8a: {  	s1 =	srdreg.scid  }
0x8b: {  	s0 =	sand.u32 $0x1, s1  }
0x8c: {  	s16 =	sshll.u32 s0, $0xA;
	s2 =	sadd.s32 s3, s2  }
0x8d: {  	s2 =	sadd.s32 s2, s16  }
0x8e: {  	[smem:$0x3FB0] =	sst s2  }
0x8f: {  	_ = 	snop  }
0x90: {  	(tm) =	ssettm $0x1  }
0x91: {  	s17 =	sld [smem:$0x3FFB];
	_ =	sdelay $0x3  }
0x92: {  	_ =	strace s17  }
0x93: {  	s2 =	sld [smem:$0x3FFC];
	_ =	sdelay $0x3  }
0x94: {  	_ =	strace s2  }
0x95: {  	s2 =	sld [smem:$0x3FFD];
	_ =	sdelay $0x3  }
0x96: {  	_ =	strace s2  }
0x97: {  	_ =	strace $0x8FFFFFFF  }
0x98: {  	s18 =	sld [smem:$0x3FDB];
	_ =	sdelay $0x1  }
0x99: {  	s19 =	simm.s32 $_scs_section_size  }
0x9a: {  	s4 =	simm.s32 $_size__tile_overlayer_lowered;
	s5 =	simm.s32 $_tile_overlayer_lowered  }
0x9b: {  	s22 =	simm.s32 $0x1BFF;
	s21 =	sshll.u32 s5, $0x1;
	s2 =	sadd.s32 s19, s18  }
0x9c: {  	s6 =	simm.s32 $0x0;
	s20 =	sshll.u32 s4, $0x1;
	s4 =	sadd.s32 s21, s2  }
0x9d: {  	[timem:s6], [sflag:s22] =	dma.local [hbm:s4], s20  }
0x9e: {  	_ =	swait.ge [sflag:s22], s20  }
0x9f: {  	s3 =	ssub.s32 $0x0, s20;
	[sflag:s22] =	ssyncset.done $0x0  }
0xa0: {  	[sflag:s22] =	ssyncadd.s32 s3;
	_ =	sdelay $0x1  }
0xa1: {  	s23 =	simm.s32 $0x1B8B  }
0xa2: {  	_ =	swait.ge [sflag:s23], $0x1  }
0xa3: {  	[sflag:s23] =	ssyncset.done $0x0  }
0xa4: {  	s25 =	simm.s32 $0x1B8E;
	s24 =	sld [smem:$0x3FFE];
	[sflag:s23] =	ssyncadd.s32 $0xFFFFFFFF  }
0xa5: {  	s26 =	simm.s32 $execute0_lowered;
	[smem:$0x3FD2] =	sst s25  }
0xa6: {  	s4 =	sshll.u32 s26, $0x1;
	_ =	strace $0x80000055;
	[dreg:$0x1] =	wrdreg $0xFFFFFFFF  }
0xa7: {  	s28 =	simm.s32 $_size_execute0_lowered;
	s2 =	sadd.s32 s2, s4;
	[dreg:$0x0] =	wrdreg $0x0  }
0xa8: {  	s4 =	sshll.u32 s28, $0x1;
	[dreg:$0x2] =	wrdreg s2  }
0xa9: {  	[dreg:$0x3] =	wrdreg s4  }
0xaa: {  	[dreg:$0x4] =	wrdreg $0xC0  }
0xab: {  	_ =	task [dreg:s6], $0x5FFFF  }
0xac: {  	[dreg:$0x1] =	wrdreg $0xFFFFFFFF  }
0xad: {  	[dreg:$0x0] =	wrdreg $0x60  }
0xae: {  	[dreg:$0x2] =	wrdreg s24  }
0xaf: {  	[dreg:$0x3] =	wrdreg $0x90000  }
0xb0: {  	[dreg:$0x4] =	wrdreg $0x9  }
0xb1: {  	_ =	task.clear_ibuf [dreg:s6], $0x5FFFF;
	_ =	strace $0x90000055  }
0xb2: {  	s29 =	simm.s32 $0x9;
	_ =	strace $0x80000057  }
0xb3: {  	_ =	swait.ge [sflag:s29], $0x1  }
0xb4: {  	[sflag:s29] =	ssyncadd.s32 $0xFFFFFFFF  }
0xb5: {  	_ =	strace $0x90000057  }
0xb6: {  	_ =	sfence  }
0xb7: {  	s30 =	sld [smem:$0x0];
	_ =	sdelay $0x2  }
0xb8: {  	s31 =	sshll.u32 s1, $0xD;
	s1 =	sshrl.u32 s1, $0x2  }
0xb9: {  	s3 =	sand.u32 $0x4000, s31;
	s1 =	sadd.s32 s1, s30  }
0xba: {  	s0 =	sor.u32 s3, s0;
	s1 =	sshll.u32 s1, $0x11  }
0xbb: {  	s0 =	sor.u32 s1, s0  }
0xbc: {  	s0 =	sadd.s32 $0x8F2B, s0  }
0xbd: {  	[sflag:s0] =	ssyncadd.remote.s32 $0x1  }
0xbe: {  	_ =	sfence.sel $0xFFFF  }
0xbf: {  	[dreg:$0x0] =	wrdreg $0xFFFFFFFF;
	(pc) =	sbr.abs _section_cstart, $3  }
0xc0: {  	[dreg:$0x1] =	wrdreg $0xFFFFFFFF  }
0xc1: {  	_ =	task.clear_ibuf [dreg:s6], $0x2FFFF;
	_ =	strace $0x9FFFFFFF  }
0xc2: {  	(tm) =	ssettm $0x7FFFFFFF  }
0xc3: {  	_ =	shalt  }
tec
execute0_lowered:
.L_overlay_start_1:
0x0: {  	(tag) =	ssettag $0x1  }
0x1: {  	s6 =	rddreg [dreg:$0x0]  }
0x2: {  	s2 =	rddreg [dreg:$0x1]  }
0x3: {  	s0 =	rddreg [dreg:$0x2]  }
0x4: {  	s3 =	simm.s32 $0x0;
	s1 =	stileid.u32;
	s7 =	srdreg.scid  }
0x5: {  	s15 =	simm.s32 $0x80;
	s16 =	simm.s32 $0x5000;
	s5 =	smul.u32 $0x500, s1  }
0x6: {  	s17 =	simm.s32 $0x1;
	[smem:$0x7FF] =	sst s3;
	s10 =	smul.u32 $0x4F000, s1  }
0x7: {  	s4 =	sadd.s32 $0xF800, s6;
	s9 =	sand.u32 $0x1, s7;
	s26 =	smul.u32 $0x4E000, s1  }
0x8: {  	s11 =	sadd.s32 $0x60200, s6;
	s28 =	sshll.u32 s1, $0x6;
	s14 =	smul.u32 $0x270, s1  }
0x9: {  	s20 =	sadd.s32 $0x138000, s2;
	p0 =	sne.s32 s1, $0xF;
	s18 =	smul.u32 $0x2710, s9  }
0xa: {  	_ =	strace $0x80000056;
	s7 =	ssub.s32 $0x2, s9;
	s9 =	smul.u32 $0x138800, s9  }
0xb: {  	s8 =	sadd.s32 s5, s6;
	s5 =	sadd.s32 $0x5DA00, s6;
	s24 =	sshrl.u32 s7, $0x1  }
0xc: {  	s25 =	sshrl.u32 s10, $0x2;
	s6 =	sor.u32 $0x1C02, s28;
	s10 =	sshrl.u32 s26, $0x2  }
0xd: {  	s12 =	ssub.s32 s7, s24;
	s13 =	sadd.s32 s25, s2;
	s7 =	sadd.s32 $0xA800, s8  }
0xe: {  	s8 =	sadd.s32 $0x5800, s8;
	s14 =	sadd.s32 s14, s18;
	s30 =	sshrl.u32 s9, $0x3  }
0xf: {  	s19 =	sadd.s32 s10, s2;
	s29 =	sshll.u32 s14, $0x4;
	s31 =	sadd.s32 s11, s30  }
0x10: {  	v0 =	vmov s18;
	s14 =	simm.s32 $0x2800;
	s18 =	sshrl.u32 s19, $0x3;
	s19 =	sshrl.u32 @!p0 s20, $0x3  }
0x11: {  	s20 =	simm.s32 $0x0;
	s9 =	sadd.s32 s11, s29;
	s10 =	sadd.s32 $0x27000, s31  }
0x12: {  	s11 =	smax.u32 s12, $0x1;
	s12 =	sshrl.u32 s13, $0x3;
	s13 =	simm.s32 $0x2  }
.LBB2_1:
0x13: {  	[spmem:s12], [sflag:s6] =	dma.local [hbm:s5], $0x2780  }
0x14: {  	_ =	swait.ge [sflag:s13], $0x2780  }
0x15: {  	[sflag:s13] =	ssyncset.done $0x0  }
0x16: {  	[sflag:s13] =	ssyncadd.s32 $0xFFFFD880  }
0x17: {  	[bflag:$0x0] =	sbarrier.arrive $0xFFFF  }
0x18: {  	[tilespmem:s3], [sflag:$0x2] =	stream.linear.gather [hbm4b:s7+s3], $0x2800, $0x38;
	[tilespmem:$0x1CC00] =	vst v63  }
0x19: {  	_ =	swait.ge [sflag:s13], $0x2800  }
0x1a: {  	[sflag:s13] =	ssyncset.done $0x0  }
0x1b: {  	[sflag:s13] =	ssyncadd.s32 $0xFFFFD800  }
0x1c: {  	[tilespmem:s14], [sflag:$0x2] =	stream.linear.gather [hbm4b:s8+s3], $0x2800, $0x38;
	[tilespmem:$0x1CC00] =	vst v63  }
0x1d: {  	_ =	swait.ge [sflag:s13], $0x2800  }
0x1e: {  	[sflag:s13] =	ssyncset.done $0x0  }
0x1f: {  	s21 =	simm.s32 $0x0;
	[sflag:s13] =	ssyncadd.s32 $0xFFFFD800  }
0x20: {  	v3 =	vld [tilespmem:s21+$0x0]  }
0x21: {  	v5 =	vld [tilespmem:s21+$0x10]  }
0x22: {  	v4 =	vld [tilespmem:s21+$0x20]  }
0x23: {  	v2 =	vld [tilespmem:s21+$0x30]  }
0x24: {  	v1 =	vld [tilespmem:s21+$0x40]  }
0x25: {  	v6 =	vadd.s32 v0, v3;
	v3 =	vld [tilespmem:s21+$0x50]  }
0x26: {  	s22 =	simm.s32 $0x200;
	[tilespmem:s21+$0x0] =	vst v6;
	v6 =	vadd.s32 v0, v5;
	v5 =	vld [tilespmem:s21+$0x60]  }
.LBB2_2:
0x27: {  	s23 =	sshra.s32 s22, $0x2;
	p1 =	sne.s32 s22, $0x9E00;
	[tilespmem:s21+$0x10] =	vst v6;
	v4 =	vadd.s32 v0, v4;
	v6 =	vld [tilespmem:s21+$0x70]  }
0x28: {  	v7 =	vld [tilespmem:s23+$0x0];
	[tilespmem:s21+$0x20] =	vst v4;
	v2 =	vadd.s32 v0, v2  }
0x29: {  	v8 =	vld [tilespmem:s23+$0x10];
	[tilespmem:s21+$0x30] =	vst v2;
	v1 =	vadd.s32 v0, v1  }
.Ltmp0:
0x2a: {  	v4 =	vld [tilespmem:s23+$0x20];
	[tilespmem:s21+$0x40] =	vst v1;
	v1 =	vadd.s32 v0, v3;
	(pc) =	sbr.rel @p1 .LBB2_2-.Ltmp0, $4  }
0x2b: {  	v2 =	vld [tilespmem:s23+$0x30];
	[tilespmem:s21+$0x50] =	vst v1;
	v3 =	vadd.s32 v0, v5  }
0x2c: {  	v1 =	vld [tilespmem:s23+$0x40];
	[tilespmem:s21+$0x60] =	vst v3;
	v5 =	vadd.s32 v0, v6  }
0x2d: {  	v6 =	vadd.s32 v0, v7;
	v3 =	vld [tilespmem:s23+$0x50];
	[tilespmem:s21+$0x70] =	vst v5;
	s21 =	smov.u32 s23  }
0x2e: {  	s22 =	sadd.s32 $0x200, s22;
	[tilespmem:s21+$0x0] =	vst v6;
	v6 =	vadd.s32 v0, v8;
	v5 =	vld [tilespmem:s21+$0x60]  }
0x2f: {  	[tilespmem:s21+$0x10] =	vst v6;
	v4 =	vadd.s32 v0, v4;
	v63 =	vld [tilespmem:s21+$0x70]  }
0x30: {  	[tilespmem:s21+$0x20] =	vst v4;
	v2 =	vadd.s32 v0, v2  }
0x31: {  	[tilespmem:s21+$0x30] =	vst v2;
	v1 =	vadd.s32 v0, v1  }
0x32: {  	[tilespmem:s21+$0x40] =	vst v1;
	v1 =	vadd.s32 v0, v3  }
0x33: {  	[tilespmem:s21+$0x50] =	vst v1;
	v1 =	vadd.s32 v0, v5  }
0x34: {  	[tilespmem:s21+$0x60] =	vst v1;
	v1 =	vadd.s32 v0, v63  }
0x35: {  	s30 =	simm.s32 $0x0;
	[tilespmem:s21+$0x70] =	vst v1  }
0x36: {  	[tilespmem:s16], [sflag:$0x1] =	stream.indirect.gather [hbm4b:s4+s15], $0x80, s30, s15, $0xb8;
	[tilespmem:$0x1CC00] =	vst v63  }
0x37: {  	_ =	swait.ge [sflag:s17], $0x4000  }
0x38: {  	[sflag:s17] =	ssyncset.done $0x0  }
0x39: {  	s31 =	simm.s32 $0x2800;
	[sflag:s17] =	ssyncadd.s32 $0xFFFFC000  }
0x3a: {  	[spmem:s2] =	stream.indirect.scatter.add.f32 [tilespmem:s16], [sflag:$0x2], $0x80, s31, s15, $0xb8;
	[tilespmem:$0x1CC00] =	vst v63  }
0x3b: {  	_ =	swait.ge [sflag:s13], $0x4000  }
0x3c: {  	s22 =	simm.s32 $0x400;
	s21 =	simm.s32 $0x200;
	[sflag:s13] =	ssyncset.done $0x0  }
.LBB2_4:
0x3d: {  	s23 =	sshra.s32 s21, $0x2  }
0x3e: {  	[sflag:s13] =	ssyncadd.s32 $0xFFFFC000;
	s21 =	smov.u32 s22;
	s24 =	sadd.s32 $0x200, s22  }
0x3f: {  	[tilespmem:s16], [sflag:$0x1] =	stream.indirect.gather [hbm4b:s4+s15], $0x80, s23, s15, $0xb8;
	[tilespmem:$0x1CC00] =	vst v63  }
0x40: {  	p1 =	sne.s32 s22, $0x9E00;
	_ =	swait.ge [sflag:s17], $0x4000  }
.Ltmp1:
0x41: {  	[sflag:s17] =	ssyncset.done $0x0;
	(pc) =	sbr.rel @p1 .LBB2_4-.Ltmp1, $4  }
0x42: {  	s22 =	sadd.s32 $0x2800, s23;
	[sflag:s17] =	ssyncadd.s32 $0xFFFFC000  }
0x43: {  	[spmem:s2] =	stream.indirect.scatter.add.f32 [tilespmem:s16], [sflag:$0x2], $0x80, s22, s15, $0xb8;
	[tilespmem:$0x1CC00] =	vst v63  }
0x44: {  	_ =	swait.ge [sflag:s13], $0x4000  }
0x45: {  	s22 =	smov.u32 s24;
	[sflag:s13] =	ssyncset.done $0x0  }
0x46: {  	s21 =	sshra.s32 s21, $0x2;
	[sflag:s13] =	ssyncadd.s32 $0xFFFFC000  }
0x47: {  	[tilespmem:s16], [sflag:$0x1] =	stream.indirect.gather [hbm4b:s4+s15], $0x80, s21, s15, $0xb8;
	[tilespmem:$0x1CC00] =	vst v63  }
0x48: {  	_ =	swait.ge [sflag:s17], $0x4000  }
0x49: {  	[sflag:s17] =	ssyncset.done $0x0  }
0x4a: {  	s21 =	sadd.s32 $0x2800, s21;
	[sflag:s17] =	ssyncadd.s32 $0xFFFFC000  }
0x4b: {  	[spmem:s2] =	stream.indirect.scatter.add.f32 [tilespmem:s16], [sflag:$0x2], $0x80, s21, s15, $0xb8;
	[tilespmem:$0x1CC00] =	vst v63  }
0x4c: {  	_ =	swait.ge [sflag:s13], $0x4000  }
0x4d: {  	[sflag:s13] =	ssyncset.done $0x0  }
0x4e: {  	[sflag:s13] =	ssyncadd.s32 $0xFFFFC000  }
0x4f: {  	[bflag:$0x0] =	sbarrier.arrive $0xFFFF  }
0x50: {  	[hbm:s9], [sflag:s6] =	dma.local [spmem:s18], $0x2700  }
0x51: {  	s20 =	sadd.s32 $0x1, s20;
	_ =	swait.ge [sflag:s13], $0x2700  }
0x52: {  	p1 =	sne.s32 s20, s11;
	[sflag:s13] =	ssyncset.done $0x0  }
.Ltmp2:
0x53: {  	s21 =	simm.s32 @!p0 $0x2;
	[sflag:s13] =	ssyncadd.s32 $0xFFFFD900;
	(pc) =	sbr.rel @p1 .LBB2_1-.Ltmp2, $4  }
0x54: {  	[hbm:s10], [sflag:s6] =	dma.local @!p0 [spmem:s19], $0x100  }
0x55: {  	_ =	swait.ge @!p0 [sflag:s21], $0x100  }
0x56: {  	[sflag:s21] =	ssyncset.done @!p0 $0x0  }
0x57: {  	[sflag:s21] =	ssyncadd.s32 @!p0 $0xFFFFFF00  }
0x58: {  	_ =	sfence.sel $0x180000  }
0x59: {  	[bflag:$0x0] =	sbarrier.arrive $0xFFFF  }
0x5a: {  	p0 =	sne.s32 s1, $0x0;
	_ =	strace $0x90000056  }
0x5b: {  	s0 =	sadd.s32 @!p0 $0x100000, s0;
	[bflag:$0x2] =	sbarrier.arrive $0xFFFF  }
0x5c: {  	[sflag:s0] =	ssyncadd.tile.s32 @!p0 $0x1;
	_ =	shalt  }
.Lfunc_end2:
_tile_overlayer_lowered:
.L_overlay_start_2:
0x5d: {  	(tag) =	ssettag $0x2  }
0x5e: {  	s0 =	rddreg [dreg:$0x0];
	s2 =	stileid.u32  }
0x5f: {  	s1 =	rddreg [dreg:$0x1];
	p0 =	sne.s32 s2, $0x0  }
0x60: {  	s3 =	rddreg [dreg:$0x2];
	[bflag:$0x3] =	sbarrier.arrive $0xFFFF;
	s2 =	simm.s32 @!p0 $0x1C02  }
0x61: {  	[timem:s3], [sflag:s2] =	dma.local @!p0 [hbm:s0], s1  }
0x62: {  	s0 =	simm.s32 @!p0 $0x2  }
0x63: {  	_ =	swait.ge @!p0 [sflag:s0], s1  }
0x64: {  	s1 =	ssub.s32 @!p0 $0x0, s1;
	[sflag:s0] =	ssyncset.done @!p0 $0x0  }
0x65: {  	[sflag:s0] =	ssyncadd.s32 @!p0 s1  }
0x66: {  	[bflag:$0x3] =	sbarrier.arrive $0xFFFF  }
0x67: {  	_ =	shalt  }

</sc_bundles>
